<compile_context>
chip_gen: v7x
topology: tpu7x:2x2x1
jax: 0.10.2.dev20260603
libtpu: 0.0.44.dev20260713+nightly
codegen_flags: <defaults>
</compile_context>

<pallas_src>
import functools

import jax
import jax.numpy as jnp
from jax import lax
from jax.experimental import pallas as pl
from jax.experimental.pallas import tpu as pltpu
from jax.experimental.pallas import tpu_sc as plsc

N_NODES = 10000
N_EDGES = 320000
IN_DIM = 128
HID = 64
OUT_DIM = 32

NC = 2
NS = 16
NW = NC * NS
LANES = 16
BLK = 128
BLKS_PER_W = 81
EDGES_PER_W = BLK * BLKS_PER_W
E_PAD = EDGES_PER_W * NW
ROW_STRIDE = 624
ROW_SPAN = 640

_mesh = plsc.VectorSubcoreMesh(core_axis_name="c", subcore_axis_name="s")
_sc_params = pltpu.CompilerParams(needs_layout_passes=False,
                                  use_tc_tiling_on_sc=False)


def _zero_rows(rows_v, width):
    def zb(i, _):
        for q in range(width // LANES):
            rows_v[i, pl.ds(q * LANES, LANES)] = jnp.zeros((LANES,), jnp.float32)
        return 0
    lax.fori_loop(0, BLK, zb, 0)


def _zero_spmem_slice(rows_v, acc_s, sid):
    row0 = pl.multiple_of(sid * ROW_STRIDE, 8)
    for j in range(ROW_SPAN // BLK):
        pltpu.sync_copy(rows_v, acc_s.at[pl.ds(row0 + j * BLK, BLK)])


def _scale_rows(rows_v, g_v, goff, width):
    @plsc.parallel_loop(0, BLK, step=1, unroll=4)
    def sb(i):
        gb = plsc.load_gather(
            g_v, [jnp.broadcast_to(goff + i, (LANES,)).astype(jnp.int32)])
        for q in range(width // LANES):
            sl = pl.ds(q * LANES, LANES)
            rows_v[i, sl] = rows_v[i, sl] * gb


def _drain_acc(acc_s, acc_hbm, cid, sid):
    sl = pl.ds(pl.multiple_of(sid * ROW_STRIDE, 8), ROW_SPAN)
    pltpu.sync_copy(acc_s.at[sl], acc_hbm.at[cid].at[sl])


NBUF = 3


def _gather_scale_scatter(table_hbm, src2d_v, dst2d_v, g_v, rows, gsems, ssems,
                          acc_s, width, extra=None):
    n_outer = BLKS_PER_W // NBUF
    if extra is not None:
        for j in range(NBUF - 1):
            extra(j)
    for j in range(NBUF - 1):
        pltpu.async_copy(table_hbm.at[src2d_v.at[j]], rows[j], gsems[j])

    def outer(o, _):
        for k in range(NBUF):
            b = o * NBUF + k
            kp = (k + NBUF - 1) % NBUF
            pltpu.make_async_copy(table_hbm.at[src2d_v.at[b]],
                                  rows[k], gsems[k]).wait()
            _scale_rows(rows[k], g_v, b * BLK, width)
            pltpu.async_copy(rows[k], acc_s.at[dst2d_v.at[b]],
                             ssems[k], add=True)

            def tail():
                if extra is not None:
                    extra(b + NBUF - 1)
                @pl.when((k > 0) | (o >= 1))
                def _():
                    pltpu.make_async_copy(rows[kp], acc_s.at[dst2d_v.at[b]],
                                          ssems[kp]).wait()
                pltpu.async_copy(table_hbm.at[src2d_v.at[b + NBUF - 1]],
                                 rows[kp], gsems[kp])
            if k == 0:
                tail()
            else:
                pl.when(o < n_outer - 1)(tail)
        return 0

    lax.fori_loop(0, n_outer, outer, 0)

    for k in range(NBUF):
        pltpu.make_async_copy(rows[k], acc_s.at[dst2d_v.at[0]],
                              ssems[k]).wait()


@functools.partial(
    pl.kernel,
    out_type=[
        jax.ShapeDtypeStruct((E_PAD,), jnp.float32),
        jax.ShapeDtypeStruct((NW * N_NODES,), jnp.float32),
        jax.ShapeDtypeStruct((NC, N_NODES, HID), jnp.float32),
    ],
    mesh=_mesh,
    compiler_params=_sc_params,
    scratch_types=[
        pltpu.VMEM((N_NODES,), jnp.float32),
        pltpu.VMEM((N_NODES,), jnp.float32),
        pltpu.VMEM((N_NODES,), jnp.float32),
        pltpu.VMEM((BLKS_PER_W, BLK), jnp.int32),
        pltpu.VMEM((BLKS_PER_W, BLK), jnp.int32),
        pltpu.VMEM((EDGES_PER_W,), jnp.float32),
        [pltpu.VMEM((BLK, HID), jnp.float32)] * 3,
        pltpu.VMEM_SHARED((N_NODES, HID), jnp.float32),
        [pltpu.SemaphoreType.DMA] * 3,
        [pltpu.SemaphoreType.DMA] * 3,
    ],
)
def _sc_pass1(src_hbm, dst_hbm, asrc_hbm, adst_hbm, xs1_hbm,
              g_hbm, denom_hbm, acc_hbm,
              asrc_v, adst_v, denom_v, src2d_v, dst2d_v, g_v,
              rows, acc_s, gsems, ssems):
    cid = lax.axis_index("c")
    sid = lax.axis_index("s")
    wid = sid * NC + cid
    base = wid * EDGES_PER_W
    brow = pl.multiple_of(wid * BLKS_PER_W, 8)

    cps = [pltpu.async_copy(asrc_hbm, asrc_v, gsems[0]),
           pltpu.async_copy(adst_hbm, adst_v, gsems[1]),
           pltpu.async_copy(src_hbm.at[pl.ds(brow, BLKS_PER_W)], src2d_v,
                            ssems[0]),
           pltpu.async_copy(dst_hbm.at[pl.ds(brow, BLKS_PER_W)], dst2d_v,
                            ssems[1])]

    @plsc.parallel_loop(0, N_NODES // LANES, step=1, unroll=4)
    def zd(i):
        denom_v[pl.ds(pl.multiple_of(i * LANES, LANES), LANES)] = (
            jnp.zeros((LANES,), jnp.float32))
    for cp in cps:
        cp.wait()

    _zero_rows(rows[0], HID)
    _zero_spmem_slice(rows[0], acc_s, sid)
    plsc.subcore_barrier()

    @plsc.parallel_loop(0, BLKS_PER_W, step=1)
    def p1(b):
        for q in range(BLK // LANES):
            s16 = src2d_v[b, pl.ds(q * LANES, LANES)]
            d16 = dst2d_v[b, pl.ds(q * LANES, LANES)]
            x = (plsc.load_gather(asrc_v, [s16])
                 + plsc.load_gather(adst_v, [d16]))
            g = jnp.exp(1.0 / (1.0 + jnp.exp(-x)))
            eid = base + b * BLK + q * LANES + lax.iota(jnp.int32, LANES)
            g = jnp.where(eid < N_EDGES, g, 0.0)
            g_v[pl.ds(pl.multiple_of(b * BLK + q * LANES, LANES), LANES)] = g
            plsc.addupdate_scatter(denom_v, [d16], g)

    _gather_scale_scatter(xs1_hbm, src2d_v, dst2d_v, g_v,
                          rows, gsems, ssems, acc_s, HID)

    g_cp = pltpu.async_copy(
        g_v, g_hbm.at[pl.ds(pl.multiple_of(base, 8), EDGES_PER_W)], gsems[0])
    pltpu.sync_copy(
        denom_v,
        denom_hbm.at[pl.ds(pl.multiple_of(wid * N_NODES, 8), N_NODES)])
    plsc.subcore_barrier()
    _drain_acc(acc_s, acc_hbm, cid, sid)
    g_cp.wait()


@functools.partial(
    pl.kernel,
    out_type=[
        jax.ShapeDtypeStruct((NC, N_NODES, OUT_DIM), jnp.float32),
    ],
    mesh=_mesh,
    compiler_params=_sc_params,
    scratch_types=[
        pltpu.VMEM((BLKS_PER_W, BLK), jnp.int32),
        pltpu.VMEM((BLKS_PER_W, BLK), jnp.int32),
        pltpu.VMEM((EDGES_PER_W,), jnp.float32),
        [pltpu.VMEM((BLK, OUT_DIM), jnp.float32)] * 3,
        pltpu.VMEM_SHARED((N_NODES, OUT_DIM), jnp.float32),
        [pltpu.SemaphoreType.DMA] * 3,
        [pltpu.SemaphoreType.DMA] * 3,
    ],
)
def _sc_pass2(src_hbm, dst_hbm, g_hbm, h2_hbm,
              acc_hbm,
              src2d_v, dst2d_v, g_v, rows, acc_s, gsems, ssems):
    cid = lax.axis_index("c")
    sid = lax.axis_index("s")
    wid = sid * NC + cid
    base = wid * EDGES_PER_W
    brow = pl.multiple_of(wid * BLKS_PER_W, 8)

    cps = [pltpu.async_copy(src_hbm.at[pl.ds(brow, BLKS_PER_W)], src2d_v,
                            gsems[0]),
           pltpu.async_copy(dst_hbm.at[pl.ds(brow, BLKS_PER_W)], dst2d_v,
                            gsems[1]),
           pltpu.async_copy(g_hbm.at[pl.ds(pl.multiple_of(base, 8),
                                           EDGES_PER_W)], g_v, ssems[0])]
    for cp in cps:
        cp.wait()

    _zero_rows(rows[0], OUT_DIM)
    _zero_spmem_slice(rows[0], acc_s, sid)
    plsc.subcore_barrier()

    _gather_scale_scatter(h2_hbm, src2d_v, dst2d_v, g_v,
                          rows, gsems, ssems, acc_s, OUT_DIM)

    plsc.subcore_barrier()
    _drain_acc(acc_s, acc_hbm, cid, sid)


def _tc_a_body(feat, w1s, w1d, atts, attd, ei, w2s,
               xs1_o, asrc_o, adst_o, srcp_o, dstp_o, w2st_o, w1st_o):
    f = feat[...]
    xs1 = jnp.dot(f, w1s[...], preferred_element_type=jnp.float32)
    xs1_o[...] = xs1
    asrc_o[...] = jnp.sum(xs1 * atts[...], axis=1, keepdims=True)
    xd1 = jnp.dot(f, w1d[...], preferred_element_type=jnp.float32)
    adst_o[...] = jnp.sum(xd1 * attd[...], axis=1, keepdims=True)
    pad = (jnp.arange(E_PAD - N_EDGES, dtype=jnp.int32) % N_NODES)
    e = ei[...]
    srcp_o[...] = jnp.concatenate([e[0], pad]).reshape(NW * BLKS_PER_W, BLK)
    dstp_o[...] = jnp.concatenate([e[1], pad]).reshape(NW * BLKS_PER_W, BLK)
    w2st_o[...] = w2s[...].T
    w1st_o[...] = w1s[...].T


def _tc_b_body(acc, den, w2s, h2_o, rinv_o):
    a = acc[...]
    a = a[0] + a[1]
    d = jnp.sum(den[...], axis=0)
    rinv = 1.0 / (d + 1e-16)
    h1 = a * rinv[:, None]
    h1 = jnp.where(h1 > 0, h1, jnp.exp(h1) - 1.0)
    h2_o[...] = jnp.dot(h1, w2s[...], preferred_element_type=jnp.float32)
    rinv_o[...] = rinv[:, None]


def _tc_c_body(acc3, rinv, w2st, w1st, h4_o):
    a = acc3[...]
    x = jnp.dot(a[0] + a[1], w2st[...], preferred_element_type=jnp.float32)
    h3 = x * rinv[...]
    h3 = jnp.where(h3 > 0, h3, jnp.exp(h3) - 1.0)
    h4_o[...] = jnp.dot(h3, w1st[...], preferred_element_type=jnp.float32)


def kernel(features, edge_index, W1_s, W1_d, att1_s, att1_d, W2_s, W2_d):
    xs1, asrc, adst, srcp, dstp, w2st, w1st = pl.pallas_call(
        _tc_a_body,
        out_shape=[
            jax.ShapeDtypeStruct((N_NODES, HID), jnp.float32),
            jax.ShapeDtypeStruct((N_NODES, 1), jnp.float32),
            jax.ShapeDtypeStruct((N_NODES, 1), jnp.float32),
            jax.ShapeDtypeStruct((NW * BLKS_PER_W, BLK), jnp.int32),
            jax.ShapeDtypeStruct((NW * BLKS_PER_W, BLK), jnp.int32),
            jax.ShapeDtypeStruct((OUT_DIM, HID), jnp.float32),
            jax.ShapeDtypeStruct((HID, IN_DIM), jnp.float32),
        ],
    )(features, W1_s, W1_d, att1_s.reshape(1, HID), att1_d.reshape(1, HID),
      edge_index, W2_s)

    g, denom, acc1 = _sc_pass1(srcp, dstp, asrc.reshape(-1), adst.reshape(-1),
                               xs1)
    denom = denom.reshape(NW, N_NODES)

    h2, rinv = pl.pallas_call(
        _tc_b_body,
        out_shape=[
            jax.ShapeDtypeStruct((N_NODES, OUT_DIM), jnp.float32),
            jax.ShapeDtypeStruct((N_NODES, 1), jnp.float32),
        ],
    )(acc1, denom, W2_s)

    (acc3,) = _sc_pass2(srcp, dstp, g, h2)

    h4 = pl.pallas_call(
        _tc_c_body,
        out_shape=jax.ShapeDtypeStruct((N_NODES, IN_DIM), jnp.float32),
    )(acc3, rinv, w2st, w1st)

    return h2, h4

# --- scband reference (transcript-rebuilt; emitter-appended) ---
"""Pipeline reference for scband-stagate2-16372415332908 (READ-ONLY COPY).

The authoritative reference and input builder live on the scoring server;
editing this copy changes nothing except your own understanding.
"""

import jax, jax.numpy as jnp
import numpy as np

N = 10000
E = 320000
IN_DIM = 128
HID = 64
OUT = 32


def _segment_softmax(alpha, dst, num_segments):
    # softmax over incoming edges of each destination node
    amax = jax.ops.segment_max(alpha, dst, num_segments=num_segments)
    amax = jnp.where(jnp.isfinite(amax), amax, 0.0)
    e = jnp.exp(alpha - amax[dst])
    denom = jax.ops.segment_sum(e, dst, num_segments=num_segments)
    return e / (denom[dst] + 1e-16)


def setup_inputs(seed: int = 0):
    key = jax.random.key(seed)
    ks = jax.random.split(key, 8)
    features = jax.random.normal(ks[0], (N, IN_DIM), dtype=jnp.float32)
    edge_index = jax.random.randint(ks[1], (2, E), 0, N, dtype=jnp.int32)

    def p(k, shp, fan):
        return jax.random.normal(k, shp, dtype=jnp.float32) / np.sqrt(fan)

    W1_s = p(ks[2], (IN_DIM, HID), IN_DIM)
    W1_d = p(ks[3], (IN_DIM, HID), IN_DIM)
    att1_s = p(ks[4], (HID,), HID)
    att1_d = p(ks[5], (HID,), HID)
    W2_s = p(ks[6], (HID, OUT), HID)
    W2_d = p(ks[7], (HID, OUT), HID)
    return {"features": features, "edge_index": edge_index,
            "W1_s": W1_s, "W1_d": W1_d, "att1_s": att1_s, "att1_d": att1_d,
            "W2_s": W2_s, "W2_d": W2_d}


def reference(features, edge_index, W1_s, W1_d, att1_s, att1_d, W2_s, W2_d):
    src = edge_index[0]
    dst = edge_index[1]

    # conv1: edGATConv(in_dim -> num_hidden), heads=1, concat=False, no bias, no self loops
    xs1 = features @ W1_s          # lin_s
    xd1 = features @ W1_d          # lin_d
    a_src = (xs1 * att1_s).sum(-1)
    a_dst = (xd1 * att1_d).sum(-1)
    alpha1 = jax.nn.sigmoid(a_src[src] + a_dst[dst])   # per-edge attention logits (tie_alpha)
    w1 = _segment_softmax(alpha1, dst, N)
    h1 = jax.ops.segment_sum(xs1[src] * w1[:, None], dst, num_segments=N)
    h1 = jax.nn.elu(h1)

    # conv2: aslinear=True -> behaves as plain linear layer via lin_s
    h2 = h1 @ W2_s

    # conv3: weights tied to conv2^T (Linear semantics -> h2 @ W2_s.T), attention tied to conv1
    xs3 = h2 @ W2_s.T
    w3 = _segment_softmax(alpha1, dst, N)
    h3 = jax.ops.segment_sum(xs3[src] * w3[:, None], dst, num_segments=N)
    h3 = jax.nn.elu(h3)

    # conv4: aslinear, weight tied to conv1.lin_s^T
    h4 = h3 @ W1_s.T
    return h2, h4

if __name__ == "__main__":
    import jax
    _d = setup_inputs()
    print(jax.jit(kernel)(*tuple(_d.values())))

</pallas_src>

<mosaic_0001>
#map = affine_map<(d0, d1) -> (0, 0)>
#map1 = affine_map<(d0, d1) -> (0)>
#map2 = affine_map<(d0, d1) -> (0, 0, 0)>
module attributes {stable_mosaic.version = 14 : i64} {
  func.func @_sc_pass1(%arg0: i32, %arg1: i32, %arg2: memref<2592x128xi32, #tpu.memory_space<hbm>>, %arg3: memref<2592x128xi32, #tpu.memory_space<hbm>>, %arg4: memref<10000xf32, #tpu.memory_space<hbm>>, %arg5: memref<10000xf32, #tpu.memory_space<hbm>>, %arg6: memref<10000x64xf32, #tpu.memory_space<hbm>>, %arg7: memref<331776xf32, #tpu.memory_space<hbm>>, %arg8: memref<320000xf32, #tpu.memory_space<hbm>>, %arg9: memref<2x10000x64xf32, #tpu.memory_space<hbm>>, %arg10: memref<10000xf32, #tpu.memory_space<vmem>>, %arg11: memref<10000xf32, #tpu.memory_space<vmem>>, %arg12: memref<10000xf32, #tpu.memory_space<vmem>>, %arg13: memref<81x128xi32, #tpu.memory_space<vmem>>, %arg14: memref<81x128xi32, #tpu.memory_space<vmem>>, %arg15: memref<10368xf32, #tpu.memory_space<vmem>>, %arg16: memref<128x64xf32, #tpu.memory_space<vmem>>, %arg17: memref<128x64xf32, #tpu.memory_space<vmem>>, %arg18: memref<128x64xf32, #tpu.memory_space<vmem>>, %arg19: memref<10000x64xf32, #tpu.memory_space<vmem_shared>>, %arg20: memref<!tpu.dma_semaphore, #tpu.memory_space<semaphore_mem>>, %arg21: memref<!tpu.dma_semaphore, #tpu.memory_space<semaphore_mem>>, %arg22: memref<!tpu.dma_semaphore, #tpu.memory_space<semaphore_mem>>, %arg23: memref<!tpu.dma_semaphore, #tpu.memory_space<semaphore_mem>>, %arg24: memref<!tpu.dma_semaphore, #tpu.memory_space<semaphore_mem>>, %arg25: memref<!tpu.dma_semaphore, #tpu.memory_space<semaphore_mem>>) attributes {dimension_semantics = [#tpu.dimension_semantics<core_parallel>, #tpu.dimension_semantics<subcore_parallel>], iteration_bounds = array<i64: 2, 16>, scalar_prefetch = 0 : i64, scratch_operands = 16 : i64, tpu.core_type = #tpu.core_type<sc_vector_subcore>, window_params = [{transform_indices = #map}, {transform_indices = #map}, {transform_indices = #map1}, {transform_indices = #map1}, {transform_indices = #map}, {transform_indices = #map1}, {transform_indices = #map1}, {transform_indices = #map2}]} {
    %mul3A = arith.constant 2 : i32
    %mul3A_0 = arith.muli %arg1, %mul3A : i32
    %add3A = arith.addi %mul3A_0, %arg0 : i32
    %mul3A_1 = arith.constant 10368 : i32
    %mul3A_2 = arith.muli %add3A, %mul3A_1 : i32
    %mul3A_3 = arith.constant 81 : i32
    %mul3A_4 = arith.muli %add3A, %mul3A_3 : i32
    %multiple_of3A = tpu.assume_multiple %mul3A_4, 8 : i32
    tpu.enqueue_dma source(%arg4 : memref<10000xf32, #tpu.memory_space<hbm>>) target(%arg10 : memref<10000xf32, #tpu.memory_space<vmem>>) target_semaphore(%arg20 : memref<!tpu.dma_semaphore, #tpu.memory_space<semaphore_mem>>)
    tpu.enqueue_dma source(%arg5 : memref<10000xf32, #tpu.memory_space<hbm>>) target(%arg11 : memref<10000xf32, #tpu.memory_space<vmem>>) target_semaphore(%arg21 : memref<!tpu.dma_semaphore, #tpu.memory_space<semaphore_mem>>)
    %dma_start3A = arith.constant 0 : i32
    %dma_start3A_5 = tpu.memref_slice %arg2[%multiple_of3A, %dma_start3A] : memref<2592x128xi32, #tpu.memory_space<hbm>> -> memref<81x128xi32, #tpu.memory_space<hbm>>
    %dma_start3A_6 = arith.constant 0 : i32
    %dma_start3A_7 = tpu.memref_slice %arg2[%multiple_of3A, %dma_start3A_6] : memref<2592x128xi32, #tpu.memory_space<hbm>> -> memref<81x128xi32, #tpu.memory_space<hbm>>
    tpu.enqueue_dma source(%dma_start3A_7 : memref<81x128xi32, #tpu.memory_space<hbm>>) target(%arg13 : memref<81x128xi32, #tpu.memory_space<vmem>>) target_semaphore(%arg23 : memref<!tpu.dma_semaphore, #tpu.memory_space<semaphore_mem>>)
    %dma_start3A_8 = arith.constant 0 : i32
    %dma_start3A_9 = tpu.memref_slice %arg3[%multiple_of3A, %dma_start3A_8] : memref<2592x128xi32, #tpu.memory_space<hbm>> -> memref<81x128xi32, #tpu.memory_space<hbm>>
    %dma_start3A_10 = arith.constant 0 : i32
    %dma_start3A_11 = tpu.memref_slice %arg3[%multiple_of3A, %dma_start3A_10] : memref<2592x128xi32, #tpu.memory_space<hbm>> -> memref<81x128xi32, #tpu.memory_space<hbm>>
    tpu.enqueue_dma source(%dma_start3A_11 : memref<81x128xi32, #tpu.memory_space<hbm>>) target(%arg14 : memref<81x128xi32, #tpu.memory_space<vmem>>) target_semaphore(%arg24 : memref<!tpu.dma_semaphore, #tpu.memory_space<semaphore_mem>>)
    %parallel_loop3A = arith.constant 0 : i32
    %parallel_loop3A_12 = arith.constant 625 : i32
    %parallel_loop3A_13 = arith.constant 1 : i32
    scf.for %parallel_loop3A_97 = %parallel_loop3A to %parallel_loop3A_12 step %parallel_loop3A_13  : i32 {
      %parallel_loop3A_98 = arith.constant 0.000000e+00 : f32
      %parallel_loop3A_99 = vector.broadcast %parallel_loop3A_98 : f32 to vector<16xf32>
      %parallel_loop3A_100 = arith.constant 16 : i32
      %parallel_loop3A_101 = arith.muli %parallel_loop3A_97, %parallel_loop3A_100 : i32
      %parallel_loop3A_102 = tpu.assume_multiple %parallel_loop3A_101, 16 : i32
      %parallel_loop3A_103 = arith.index_cast %parallel_loop3A_102 : i32 to index
      %parallel_loop3A_104 = tpu.vector_load %arg12[%parallel_loop3A_103] {strides = array<i32>} : memref<10000xf32, #tpu.memory_space<vmem>>, vector<16xf32>,
      tpu.vector_store %arg12[%parallel_loop3A_103], %parallel_loop3A_99 {strides = array<i32>} : memref<10000xf32, #tpu.memory_space<vmem>>, vector<16xf32>,
    } {sc.loop_unroll_factor = 4 : i64, sc.parallel_access}
    tpu.wait_dma2 semaphore(%arg20 : memref<!tpu.dma_semaphore, #tpu.memory_space<semaphore_mem>>) src(%arg4 : memref<10000xf32, #tpu.memory_space<hbm>>) dst(%arg10 : memref<10000xf32, #tpu.memory_space<vmem>>)
    tpu.wait_dma2 semaphore(%arg21 : memref<!tpu.dma_semaphore, #tpu.memory_space<semaphore_mem>>) src(%arg5 : memref<10000xf32, #tpu.memory_space<hbm>>) dst(%arg11 : memref<10000xf32, #tpu.memory_space<vmem>>)
    %dma_wait3A = arith.constant 0 : i32
    %dma_wait3A_14 = tpu.memref_slice %arg2[%multiple_of3A, %dma_wait3A] : memref<2592x128xi32, #tpu.memory_space<hbm>> -> memref<81x128xi32, #tpu.memory_space<hbm>>
    %dma_wait3A_15 = arith.constant 0 : i32
    %dma_wait3A_16 = tpu.memref_slice %arg2[%multiple_of3A, %dma_wait3A_15] : memref<2592x128xi32, #tpu.memory_space<hbm>> -> memref<81x128xi32, #tpu.memory_space<hbm>>
    tpu.wait_dma2 semaphore(%arg23 : memref<!tpu.dma_semaphore, #tpu.memory_space<semaphore_mem>>) src(%dma_wait3A_16 : memref<81x128xi32, #tpu.memory_space<hbm>>) dst(%arg13 : memref<81x128xi32, #tpu.memory_space<vmem>>)
    %dma_wait3A_17 = arith.constant 0 : i32
    %dma_wait3A_18 = tpu.memref_slice %arg3[%multiple_of3A, %dma_wait3A_17] : memref<2592x128xi32, #tpu.memory_space<hbm>> -> memref<81x128xi32, #tpu.memory_space<hbm>>
    %dma_wait3A_19 = arith.constant 0 : i32
    %dma_wait3A_20 = tpu.memref_slice %arg3[%multiple_of3A, %dma_wait3A_19] : memref<2592x128xi32, #tpu.memory_space<hbm>> -> memref<81x128xi32, #tpu.memory_space<hbm>>
    tpu.wait_dma2 semaphore(%arg24 : memref<!tpu.dma_semaphore, #tpu.memory_space<semaphore_mem>>) src(%dma_wait3A_20 : memref<81x128xi32, #tpu.memory_space<hbm>>) dst(%arg14 : memref<81x128xi32, #tpu.memory_space<vmem>>)
    %scan3A = arith.constant 0 : i32
    %scan3A_21 = arith.constant 0 : i32
    %scan3A_22 = arith.constant 128 : i32
    %scan3A_23 = arith.addi %scan3A_21, %scan3A_22 : i32
    %scan3A_24 = arith.constant 1 : i32
    %scan3A_25 = scf.for %scan3A_97 = %scan3A_21 to %scan3A_23 step %scan3A_24 iter_args(%scan3A_98 = %scan3A) -> (i32)  : i32 {
      %broadcast_in_dim3A = arith.constant 0.000000e+00 : f32
      %broadcast_in_dim3A_99 = vector.broadcast %broadcast_in_dim3A : f32 to vector<16xf32>
      %swap3A = arith.index_cast %scan3A_97 : i32 to index
      %swap3A_100 = arith.constant 0 : index
      %swap3A_101 = tpu.vector_load %arg16[%swap3A, %swap3A_100] {strides = array<i32>} : memref<128x64xf32, #tpu.memory_space<vmem>>, vector<16xf32>,
      tpu.vector_store %arg16[%swap3A, %swap3A_100], %broadcast_in_dim3A_99 {strides = array<i32>} : memref<128x64xf32, #tpu.memory_space<vmem>>, vector<16xf32>,
      %broadcast_in_dim3A_102 = arith.constant 0.000000e+00 : f32
      %broadcast_in_dim3A_103 = vector.broadcast %broadcast_in_dim3A_102 : f32 to vector<16xf32>
      %swap3A_104 = arith.index_cast %scan3A_97 : i32 to index
      %swap3A_105 = arith.constant 16 : index
      %swap3A_106 = tpu.vector_load %arg16[%swap3A_104, %swap3A_105] {strides = array<i32>} : memref<128x64xf32, #tpu.memory_space<vmem>>, vector<16xf32>,
      tpu.vector_store %arg16[%swap3A_104, %swap3A_105], %broadcast_in_dim3A_103 {strides = array<i32>} : memref<128x64xf32, #tpu.memory_space<vmem>>, vector<16xf32>,
      %broadcast_in_dim3A_107 = arith.constant 0.000000e+00 : f32
      %broadcast_in_dim3A_108 = vector.broadcast %broadcast_in_dim3A_107 : f32 to vector<16xf32>
      %swap3A_109 = arith.index_cast %scan3A_97 : i32 to index
      %swap3A_110 = arith.constant 32 : index
      %swap3A_111 = tpu.vector_load %arg16[%swap3A_109, %swap3A_110] {strides = array<i32>} : memref<128x64xf32, #tpu.memory_space<vmem>>, vector<16xf32>,
      tpu.vector_store %arg16[%swap3A_109, %swap3A_110], %broadcast_in_dim3A_108 {strides = array<i32>} : memref<128x64xf32, #tpu.memory_space<vmem>>, vector<16xf32>,
      %broadcast_in_dim3A_112 = arith.constant 0.000000e+00 : f32
      %broadcast_in_dim3A_113 = vector.broadcast %broadcast_in_dim3A_112 : f32 to vector<16xf32>
      %swap3A_114 = arith.index_cast %scan3A_97 : i32 to index
      %swap3A_115 = arith.constant 48 : index
      %swap3A_116 = tpu.vector_load %arg16[%swap3A_114, %swap3A_115] {strides = array<i32>} : memref<128x64xf32, #tpu.memory_space<vmem>>, vector<16xf32>,
      tpu.vector_store %arg16[%swap3A_114, %swap3A_115], %broadcast_in_dim3A_113 {strides = array<i32>} : memref<128x64xf32, #tpu.memory_space<vmem>>, vector<16xf32>,
      %scan3A_117 = arith.constant 0 : i32
      scf.yield %scan3A_117 : i32
    }
    %scan3A_26 = arith.constant 128 : i32
    %mul3A_27 = arith.constant 624 : i32
    %mul3A_28 = arith.muli %arg1, %mul3A_27 : i32
    %multiple_of3A_29 = tpu.assume_multiple %mul3A_28, 8 : i32
    %add3A_30 = arith.constant 0 : i32
    %add3A_31 = arith.addi %multiple_of3A_29, %add3A_30 : i32
    "tpu.region"() ({
      %run_scoped3A = tpu.sem_alloc : memref<!tpu.dma_semaphore, #tpu.memory_space<semaphore_mem>>
      %dma_start3A_97 = arith.constant 0 : i32
      %dma_start3A_98 = tpu.memref_slice %arg19[%add3A_31, %dma_start3A_97] : memref<10000x64xf32, #tpu.memory_space<vmem_shared>> -> memref<128x64xf32, #tpu.memory_space<vmem_shared>>
      %dma_start3A_99 = arith.constant 0 : i32
      %dma_start3A_100 = tpu.memref_slice %arg19[%add3A_31, %dma_start3A_99] : memref<10000x64xf32, #tpu.memory_space<vmem_shared>> -> memref<128x64xf32, #tpu.memory_space<vmem_shared>>
      tpu.enqueue_dma source(%arg16 : memref<128x64xf32, #tpu.memory_space<vmem>>) target(%dma_start3A_100 : memref<128x64xf32, #tpu.memory_space<vmem_shared>>) target_semaphore(%run_scoped3A : memref<!tpu.dma_semaphore, #tpu.memory_space<semaphore_mem>>)
      %dma_wait3A_101 = arith.constant 0 : i32
      %dma_wait3A_102 = tpu.memref_slice %arg19[%add3A_31, %dma_wait3A_101] : memref<10000x64xf32, #tpu.memory_space<vmem_shared>> -> memref<128x64xf32, #tpu.memory_space<vmem_shared>>
      %dma_wait3A_103 = arith.constant 0 : i32
      %dma_wait3A_104 = tpu.memref_slice %arg19[%add3A_31, %dma_wait3A_103] : memref<10000x64xf32, #tpu.memory_space<vmem_shared>> -> memref<128x64xf32, #tpu.memory_space<vmem_shared>>
      tpu.wait_dma2 semaphore(%run_scoped3A : memref<!tpu.dma_semaphore, #tpu.memory_space<semaphore_mem>>) src(%arg16 : memref<128x64xf32, #tpu.memory_space<vmem>>) dst(%dma_wait3A_104 : memref<128x64xf32, #tpu.memory_space<vmem_shared>>)
      tpu.yield
    }) : () -> ()
    %add3A_32 = arith.constant 128 : i32
    %add3A_33 = arith.addi %multiple_of3A_29, %add3A_32 : i32
    "tpu.region"() ({
      %run_scoped3A = tpu.sem_alloc : memref<!tpu.dma_semaphore, #tpu.memory_space<semaphore_mem>>
      %dma_start3A_97 = arith.constant 0 : i32
      %dma_start3A_98 = tpu.memref_slice %arg19[%add3A_33, %dma_start3A_97] : memref<10000x64xf32, #tpu.memory_space<vmem_shared>> -> memref<128x64xf32, #tpu.memory_space<vmem_shared>>
      %dma_start3A_99 = arith.constant 0 : i32
      %dma_start3A_100 = tpu.memref_slice %arg19[%add3A_33, %dma_start3A_99] : memref<10000x64xf32, #tpu.memory_space<vmem_shared>> -> memref<128x64xf32, #tpu.memory_space<vmem_shared>>
      tpu.enqueue_dma source(%arg16 : memref<128x64xf32, #tpu.memory_space<vmem>>) target(%dma_start3A_100 : memref<128x64xf32, #tpu.memory_space<vmem_shared>>) target_semaphore(%run_scoped3A : memref<!tpu.dma_semaphore, #tpu.memory_space<semaphore_mem>>)
      %dma_wait3A_101 = arith.constant 0 : i32
      %dma_wait3A_102 = tpu.memref_slice %arg19[%add3A_33, %dma_wait3A_101] : memref<10000x64xf32, #tpu.memory_space<vmem_shared>> -> memref<128x64xf32, #tpu.memory_space<vmem_shared>>
      %dma_wait3A_103 = arith.constant 0 : i32
      %dma_wait3A_104 = tpu.memref_slice %arg19[%add3A_33, %dma_wait3A_103] : memref<10000x64xf32, #tpu.memory_space<vmem_shared>> -> memref<128x64xf32, #tpu.memory_space<vmem_shared>>
      tpu.wait_dma2 semaphore(%run_scoped3A : memref<!tpu.dma_semaphore, #tpu.memory_space<semaphore_mem>>) src(%arg16 : memref<128x64xf32, #tpu.memory_space<vmem>>) dst(%dma_wait3A_104 : memref<128x64xf32, #tpu.memory_space<vmem_shared>>)
      tpu.yield
    }) : () -> ()
    %add3A_34 = arith.constant 256 : i32
    %add3A_35 = arith.addi %multiple_of3A_29, %add3A_34 : i32
    "tpu.region"() ({
      %run_scoped3A = tpu.sem_alloc : memref<!tpu.dma_semaphore, #tpu.memory_space<semaphore_mem>>
      %dma_start3A_97 = arith.constant 0 : i32
      %dma_start3A_98 = tpu.memref_slice %arg19[%add3A_35, %dma_start3A_97] : memref<10000x64xf32, #tpu.memory_space<vmem_shared>> -> memref<128x64xf32, #tpu.memory_space<vmem_shared>>
      %dma_start3A_99 = arith.constant 0 : i32
      %dma_start3A_100 = tpu.memref_slice %arg19[%add3A_35, %dma_start3A_99] : memref<10000x64xf32, #tpu.memory_space<vmem_shared>> -> memref<128x64xf32, #tpu.memory_space<vmem_shared>>
      tpu.enqueue_dma source(%arg16 : memref<128x64xf32, #tpu.memory_space<vmem>>) target(%dma_start3A_100 : memref<128x64xf32, #tpu.memory_space<vmem_shared>>) target_semaphore(%run_scoped3A : memref<!tpu.dma_semaphore, #tpu.memory_space<semaphore_mem>>)
      %dma_wait3A_101 = arith.constant 0 : i32
      %dma_wait3A_102 = tpu.memref_slice %arg19[%add3A_35, %dma_wait3A_101] : memref<10000x64xf32, #tpu.memory_space<vmem_shared>> -> memref<128x64xf32, #tpu.memory_space<vmem_shared>>
      %dma_wait3A_103 = arith.constant 0 : i32
      %dma_wait3A_104 = tpu.memref_slice %arg19[%add3A_35, %dma_wait3A_103] : memref<10000x64xf32, #tpu.memory_space<vmem_shared>> -> memref<128x64xf32, #tpu.memory_space<vmem_shared>>
      tpu.wait_dma2 semaphore(%run_scoped3A : memref<!tpu.dma_semaphore, #tpu.memory_space<semaphore_mem>>) src(%arg16 : memref<128x64xf32, #tpu.memory_space<vmem>>) dst(%dma_wait3A_104 : memref<128x64xf32, #tpu.memory_space<vmem_shared>>)
      tpu.yield
    }) : () -> ()
    %add3A_36 = arith.constant 384 : i32
    %add3A_37 = arith.addi %multiple_of3A_29, %add3A_36 : i32
    "tpu.region"() ({
      %run_scoped3A = tpu.sem_alloc : memref<!tpu.dma_semaphore, #tpu.memory_space<semaphore_mem>>
      %dma_start3A_97 = arith.constant 0 : i32
      %dma_start3A_98 = tpu.memref_slice %arg19[%add3A_37, %dma_start3A_97] : memref<10000x64xf32, #tpu.memory_space<vmem_shared>> -> memref<128x64xf32, #tpu.memory_space<vmem_shared>>
      %dma_start3A_99 = arith.constant 0 : i32
      %dma_start3A_100 = tpu.memref_slice %arg19[%add3A_37, %dma_start3A_99] : memref<10000x64xf32, #tpu.memory_space<vmem_shared>> -> memref<128x64xf32, #tpu.memory_space<vmem_shared>>
      tpu.enqueue_dma source(%arg16 : memref<128x64xf32, #tpu.memory_space<vmem>>) target(%dma_start3A_100 : memref<128x64xf32, #tpu.memory_space<vmem_shared>>) target_semaphore(%run_scoped3A : memref<!tpu.dma_semaphore, #tpu.memory_space<semaphore_mem>>)
      %dma_wait3A_101 = arith.constant 0 : i32
      %dma_wait3A_102 = tpu.memref_slice %arg19[%add3A_37, %dma_wait3A_101] : memref<10000x64xf32, #tpu.memory_space<vmem_shared>> -> memref<128x64xf32, #tpu.memory_space<vmem_shared>>
      %dma_wait3A_103 = arith.constant 0 : i32
      %dma_wait3A_104 = tpu.memref_slice %arg19[%add3A_37, %dma_wait3A_103] : memref<10000x64xf32, #tpu.memory_space<vmem_shared>> -> memref<128x64xf32, #tpu.memory_space<vmem_shared>>
      tpu.wait_dma2 semaphore(%run_scoped3A : memref<!tpu.dma_semaphore, #tpu.memory_space<semaphore_mem>>) src(%arg16 : memref<128x64xf32, #tpu.memory_space<vmem>>) dst(%dma_wait3A_104 : memref<128x64xf32, #tpu.memory_space<vmem_shared>>)
      tpu.yield
    }) : () -> ()
    %add3A_38 = arith.constant 512 : i32
    %add3A_39 = arith.addi %multiple_of3A_29, %add3A_38 : i32
    "tpu.region"() ({
      %run_scoped3A = tpu.sem_alloc : memref<!tpu.dma_semaphore, #tpu.memory_space<semaphore_mem>>
      %dma_start3A_97 = arith.constant 0 : i32
      %dma_start3A_98 = tpu.memref_slice %arg19[%add3A_39, %dma_start3A_97] : memref<10000x64xf32, #tpu.memory_space<vmem_shared>> -> memref<128x64xf32, #tpu.memory_space<vmem_shared>>
      %dma_start3A_99 = arith.constant 0 : i32
      %dma_start3A_100 = tpu.memref_slice %arg19[%add3A_39, %dma_start3A_99] : memref<10000x64xf32, #tpu.memory_space<vmem_shared>> -> memref<128x64xf32, #tpu.memory_space<vmem_shared>>
      tpu.enqueue_dma source(%arg16 : memref<128x64xf32, #tpu.memory_space<vmem>>) target(%dma_start3A_100 : memref<128x64xf32, #tpu.memory_space<vmem_shared>>) target_semaphore(%run_scoped3A : memref<!tpu.dma_semaphore, #tpu.memory_space<semaphore_mem>>)
      %dma_wait3A_101 = arith.constant 0 : i32
      %dma_wait3A_102 = tpu.memref_slice %arg19[%add3A_39, %dma_wait3A_101] : memref<10000x64xf32, #tpu.memory_space<vmem_shared>> -> memref<128x64xf32, #tpu.memory_space<vmem_shared>>
      %dma_wait3A_103 = arith.constant 0 : i32
      %dma_wait3A_104 = tpu.memref_slice %arg19[%add3A_39, %dma_wait3A_103] : memref<10000x64xf32, #tpu.memory_space<vmem_shared>> -> memref<128x64xf32, #tpu.memory_space<vmem_shared>>
      tpu.wait_dma2 semaphore(%run_scoped3A : memref<!tpu.dma_semaphore, #tpu.memory_space<semaphore_mem>>) src(%arg16 : memref<128x64xf32, #tpu.memory_space<vmem>>) dst(%dma_wait3A_104 : memref<128x64xf32, #tpu.memory_space<vmem_shared>>)
      tpu.yield
    }) : () -> ()
    %barrier3A = arith.constant 0 : index
    tpu.barrier barrier_id(%barrier3A)
    %parallel_loop3A_40 = arith.constant 0 : i32
    %parallel_loop3A_41 = arith.constant 81 : i32
    %parallel_loop3A_42 = arith.constant 1 : i32
    scf.for %parallel_loop3A_97 = %parallel_loop3A_40 to %parallel_loop3A_41 step %parallel_loop3A_42  : i32 {
      %parallel_loop3A_98 = arith.index_cast %parallel_loop3A_97 : i32 to index
      %parallel_loop3A_99 = arith.constant 0 : index
      %parallel_loop3A_100 = tpu.vector_load %arg13[%parallel_loop3A_98, %parallel_loop3A_99] {strides = array<i32>} : memref<81x128xi32, #tpu.memory_space<vmem>>, vector<16xi32>,
      %parallel_loop3A_101 = arith.index_cast %parallel_loop3A_97 : i32 to index
      %parallel_loop3A_102 = arith.constant 0 : index
      %parallel_loop3A_103 = tpu.vector_load %arg14[%parallel_loop3A_101, %parallel_loop3A_102] {strides = array<i32>} : memref<81x128xi32, #tpu.memory_space<vmem>>, vector<16xi32>,
      %parallel_loop3A_104 = tpu.vector_load_idx %arg10[%parallel_loop3A_100] : memref<10000xf32, #tpu.memory_space<vmem>>[vector<16xi32>], vector<16xf32>,
      %parallel_loop3A_105 = tpu.vector_load_idx %arg11[%parallel_loop3A_103] : memref<10000xf32, #tpu.memory_space<vmem>>[vector<16xi32>], vector<16xf32>,
      %parallel_loop3A_106 = arith.addf %parallel_loop3A_104, %parallel_loop3A_105 : vector<16xf32>
      %parallel_loop3A_107 = arith.constant 0.000000e+00 : f32
      %parallel_loop3A_108 = vector.broadcast %parallel_loop3A_107 : f32 to vector<16xf32>
      %parallel_loop3A_109 = arith.subf %parallel_loop3A_108, %parallel_loop3A_106 : vector<16xf32>
      %parallel_loop3A_110 = math.exp %parallel_loop3A_109 : vector<16xf32>
      %parallel_loop3A_111 = arith.constant 1.000000e+00 : f32
      %parallel_loop3A_112 = vector.broadcast %parallel_loop3A_111 : f32 to vector<16xf32>
      %parallel_loop3A_113 = arith.addf %parallel_loop3A_112, %parallel_loop3A_110 : vector<16xf32>
      %parallel_loop3A_114 = arith.constant 1.000000e+00 : f32
      %parallel_loop3A_115 = vector.broadcast %parallel_loop3A_114 : f32 to vector<16xf32>
      %parallel_loop3A_116 = arith.divf %parallel_loop3A_115, %parallel_loop3A_113 : vector<16xf32>
      %parallel_loop3A_117 = math.exp %parallel_loop3A_116 : vector<16xf32>
      %parallel_loop3A_118 = arith.constant 128 : i32
      %parallel_loop3A_119 = arith.muli %parallel_loop3A_97, %parallel_loop3A_118 : i32
      %parallel_loop3A_120 = arith.addi %mul3A_2, %parallel_loop3A_119 : i32
      %parallel_loop3A_121 = arith.constant 0 : i32
      %parallel_loop3A_122 = arith.addi %parallel_loop3A_120, %parallel_loop3A_121 : i32
      %parallel_loop3A_123 = tpu.iota {dimensions = array<i32: 0>} : vector<16xi32>
      %parallel_loop3A_124 = vector.broadcast %parallel_loop3A_122 : i32 to vector<16xi32>
      %parallel_loop3A_125 = arith.addi %parallel_loop3A_124, %parallel_loop3A_123 : vector<16xi32>
      %parallel_loop3A_126 = arith.constant 320000 : i32
      %parallel_loop3A_127 = vector.broadcast %parallel_loop3A_126 : i32 to vector<16xi32>
      %parallel_loop3A_128 = arith.cmpi slt, %parallel_loop3A_125, %parallel_loop3A_127 : vector<16xi32>
      %parallel_loop3A_129 = arith.constant 0.000000e+00 : f32
      %parallel_loop3A_130 = vector.broadcast %parallel_loop3A_129 : f32 to vector<16xf32>
      %parallel_loop3A_131 = arith.select %parallel_loop3A_128, %parallel_loop3A_117, %parallel_loop3A_130 : vector<16xi1>, vector<16xf32>
      %parallel_loop3A_132 = arith.constant 128 : i32
      %parallel_loop3A_133 = arith.muli %parallel_loop3A_97, %parallel_loop3A_132 : i32
      %parallel_loop3A_134 = arith.constant 0 : i32
      %parallel_loop3A_135 = arith.addi %parallel_loop3A_133, %parallel_loop3A_134 : i32
      %parallel_loop3A_136 = tpu.assume_multiple %parallel_loop3A_135, 16 : i32
      %parallel_loop3A_137 = arith.index_cast %parallel_loop3A_136 : i32 to index
      %parallel_loop3A_138 = tpu.vector_load %arg15[%parallel_loop3A_137] {strides = array<i32>} : memref<10368xf32, #tpu.memory_space<vmem>>, vector<16xf32>,
      tpu.vector_store %arg15[%parallel_loop3A_137], %parallel_loop3A_131 {strides = array<i32>} : memref<10368xf32, #tpu.memory_space<vmem>>, vector<16xf32>,
      tpu.vector_store_idx %arg12[%parallel_loop3A_103], %parallel_loop3A_131 {add = true} : memref<10000xf32, #tpu.memory_space<vmem>>[vector<16xi32>], vector<16xf32>,
      %parallel_loop3A_139 = arith.index_cast %parallel_loop3A_97 : i32 to index
      %parallel_loop3A_140 = arith.constant 16 : index
      %parallel_loop3A_141 = tpu.vector_load %arg13[%parallel_loop3A_139, %parallel_loop3A_140] {strides = array<i32>} : memref<81x128xi32, #tpu.memory_space<vmem>>, vector<16xi32>,
      %parallel_loop3A_142 = arith.index_cast %parallel_loop3A_97 : i32 to index
      %parallel_loop3A_143 = arith.constant 16 : index
      %parallel_loop3A_144 = tpu.vector_load %arg14[%parallel_loop3A_142, %parallel_loop3A_143] {strides = array<i32>} : memref<81x128xi32, #tpu.memory_space<vmem>>, vector<16xi32>,
      %parallel_loop3A_145 = tpu.vector_load_idx %arg10[%parallel_loop3A_141] : memref<10000xf32, #tpu.memory_space<vmem>>[vector<16xi32>], vector<16xf32>,
      %parallel_loop3A_146 = tpu.vector_load_idx %arg11[%parallel_loop3A_144] : memref<10000xf32, #tpu.memory_space<vmem>>[vector<16xi32>], vector<16xf32>,
      %parallel_loop3A_147 = arith.addf %parallel_loop3A_145, %parallel_loop3A_146 : vector<16xf32>
      %parallel_loop3A_148 = arith.constant 0.000000e+00 : f32
      %parallel_loop3A_149 = vector.broadcast %parallel_loop3A_148 : f32 to vector<16xf32>
      %parallel_loop3A_150 = arith.subf %parallel_loop3A_149, %parallel_loop3A_147 : vector<16xf32>
      %parallel_loop3A_151 = math.exp %parallel_loop3A_150 : vector<16xf32>
      %parallel_loop3A_152 = arith.constant 1.000000e+00 : f32
      %parallel_loop3A_153 = vector.broadcast %parallel_loop3A_152 : f32 to vector<16xf32>
      %parallel_loop3A_154 = arith.addf %parallel_loop3A_153, %parallel_loop3A_151 : vector<16xf32>
      %parallel_loop3A_155 = arith.constant 1.000000e+00 : f32
      %parallel_loop3A_156 = vector.broadcast %parallel_loop3A_155 : f32 to vector<16xf32>
      %parallel_loop3A_157 = arith.divf %parallel_loop3A_156, %parallel_loop3A_154 : vector<16xf32>
      %parallel_loop3A_158 = math.exp %parallel_loop3A_157 : vector<16xf32>
      %parallel_loop3A_159 = arith.constant 128 : i32
      %parallel_loop3A_160 = arith.muli %parallel_loop3A_97, %parallel_loop3A_159 : i32
      %parallel_loop3A_161 = arith.addi %mul3A_2, %parallel_loop3A_160 : i32
      %parallel_loop3A_162 = arith.constant 16 : i32
      %parallel_loop3A_163 = arith.addi %parallel_loop3A_161, %parallel_loop3A_162 : i32
      %parallel_loop3A_164 = tpu.iota {dimensions = array<i32: 0>} : vector<16xi32>
      %parallel_loop3A_165 = vector.broadcast %parallel_loop3A_163 : i32 to vector<16xi32>
      %parallel_loop3A_166 = arith.addi %parallel_loop3A_165, %parallel_loop3A_164 : vector<16xi32>
      %parallel_loop3A_167 = arith.constant 320000 : i32
      %parallel_loop3A_168 = vector.broadcast %parallel_loop3A_167 : i32 to vector<16xi32>
      %parallel_loop3A_169 = arith.cmpi slt, %parallel_loop3A_166, %parallel_loop3A_168 : vector<16xi32>
      %parallel_loop3A_170 = arith.constant 0.000000e+00 : f32
      %parallel_loop3A_171 = vector.broadcast %parallel_loop3A_170 : f32 to vector<16xf32>
      %parallel_loop3A_172 = arith.select %parallel_loop3A_169, %parallel_loop3A_158, %parallel_loop3A_171 : vector<16xi1>, vector<16xf32>
      %parallel_loop3A_173 = arith.constant 128 : i32
      %parallel_loop3A_174 = arith.muli %parallel_loop3A_97, %parallel_loop3A_173 : i32
      %parallel_loop3A_175 = arith.constant 16 : i32
      %parallel_loop3A_176 = arith.addi %parallel_loop3A_174, %parallel_loop3A_175 : i32
      %parallel_loop3A_177 = tpu.assume_multiple %parallel_loop3A_176, 16 : i32
      %parallel_loop3A_178 = arith.index_cast %parallel_loop3A_177 : i32 to index
      %parallel_loop3A_179 = tpu.vector_load %arg15[%parallel_loop3A_178] {strides = array<i32>} : memref<10368xf32, #tpu.memory_space<vmem>>, vector<16xf32>,
      tpu.vector_store %arg15[%parallel_loop3A_178], %parallel_loop3A_172 {strides = array<i32>} : memref<10368xf32, #tpu.memory_space<vmem>>, vector<16xf32>,
      tpu.vector_store_idx %arg12[%parallel_loop3A_144], %parallel_loop3A_172 {add = true} : memref<10000xf32, #tpu.memory_space<vmem>>[vector<16xi32>], vector<16xf32>,
      %parallel_loop3A_180 = arith.index_cast %parallel_loop3A_97 : i32 to index
      %parallel_loop3A_181 = arith.constant 32 : index
      %parallel_loop3A_182 = tpu.vector_load %arg13[%parallel_loop3A_180, %parallel_loop3A_181] {strides = array<i32>} : memref<81x128xi32, #tpu.memory_space<vmem>>, vector<16xi32>,
      %parallel_loop3A_183 = arith.index_cast %parallel_loop3A_97 : i32 to index
      %parallel_loop3A_184 = arith.constant 32 : index
      %parallel_loop3A_185 = tpu.vector_load %arg14[%parallel_loop3A_183, %parallel_loop3A_184] {strides = array<i32>} : memref<81x128xi32, #tpu.memory_space<vmem>>, vector<16xi32>,
      %parallel_loop3A_186 = tpu.vector_load_idx %arg10[%parallel_loop3A_182] : memref<10000xf32, #tpu.memory_space<vmem>>[vector<16xi32>], vector<16xf32>,
      %parallel_loop3A_187 = tpu.vector_load_idx %arg11[%parallel_loop3A_185] : memref<10000xf32, #tpu.memory_space<vmem>>[vector<16xi32>], vector<16xf32>,
      %parallel_loop3A_188 = arith.addf %parallel_loop3A_186, %parallel_loop3A_187 : vector<16xf32>
      %parallel_loop3A_189 = arith.constant 0.000000e+00 : f32
      %parallel_loop3A_190 = vector.broadcast %parallel_loop3A_189 : f32 to vector<16xf32>
      %parallel_loop3A_191 = arith.subf %parallel_loop3A_190, %parallel_loop3A_188 : vector<16xf32>
      %parallel_loop3A_192 = math.exp %parallel_loop3A_191 : vector<16xf32>
      %parallel_loop3A_193 = arith.constant 1.000000e+00 : f32
      %parallel_loop3A_194 = vector.broadcast %parallel_loop3A_193 : f32 to vector<16xf32>
      %parallel_loop3A_195 = arith.addf %parallel_loop3A_194, %parallel_loop3A_192 : vector<16xf32>
      %parallel_loop3A_196 = arith.constant 1.000000e+00 : f32
      %parallel_loop3A_197 = vector.broadcast %parallel_loop3A_196 : f32 to vector<16xf32>
      %parallel_loop3A_198 = arith.divf %parallel_loop3A_197, %parallel_loop3A_195 : vector<16xf32>
      %parallel_loop3A_199 = math.exp %parallel_loop3A_198 : vector<16xf32>
      %parallel_loop3A_200 = arith.constant 128 : i32
      %parallel_loop3A_201 = arith.muli %parallel_loop3A_97, %parallel_loop3A_200 : i32
      %parallel_loop3A_202 = arith.addi %mul3A_2, %parallel_loop3A_201 : i32
      %parallel_loop3A_203 = arith.constant 32 : i32
      %parallel_loop3A_204 = arith.addi %parallel_loop3A_202, %parallel_loop3A_203 : i32
      %parallel_loop3A_205 = tpu.iota {dimensions = array<i32: 0>} : vector<16xi32>
      %parallel_loop3A_206 = vector.broadcast %parallel_loop3A_204 : i32 to vector<16xi32>
      %parallel_loop3A_207 = arith.addi %parallel_loop3A_206, %parallel_loop3A_205 : vector<16xi32>
      %parallel_loop3A_208 = arith.constant 320000 : i32
      %parallel_loop3A_209 = vector.broadcast %parallel_loop3A_208 : i32 to vector<16xi32>
      %parallel_loop3A_210 = arith.cmpi slt, %parallel_loop3A_207, %parallel_loop3A_209 : vector<16xi32>
      %parallel_loop3A_211 = arith.constant 0.000000e+00 : f32
      %parallel_loop3A_212 = vector.broadcast %parallel_loop3A_211 : f32 to vector<16xf32>
      %parallel_loop3A_213 = arith.select %parallel_loop3A_210, %parallel_loop3A_199, %parallel_loop3A_212 : vector<16xi1>, vector<16xf32>
      %parallel_loop3A_214 = arith.constant 128 : i32
      %parallel_loop3A_215 = arith.muli %parallel_loop3A_97, %parallel_loop3A_214 : i32
      %parallel_loop3A_216 = arith.constant 32 : i32
      %parallel_loop3A_217 = arith.addi %parallel_loop3A_215, %parallel_loop3A_216 : i32
      %parallel_loop3A_218 = tpu.assume_multiple %parallel_loop3A_217, 16 : i32
      %parallel_loop3A_219 = arith.index_cast %parallel_loop3A_218 : i32 to index
      %parallel_loop3A_220 = tpu.vector_load %arg15[%parallel_loop3A_219] {strides = array<i32>} : memref<10368xf32, #tpu.memory_space<vmem>>, vector<16xf32>,
      tpu.vector_store %arg15[%parallel_loop3A_219], %parallel_loop3A_213 {strides = array<i32>} : memref<10368xf32, #tpu.memory_space<vmem>>, vector<16xf32>,
      tpu.vector_store_idx %arg12[%parallel_loop3A_185], %parallel_loop3A_213 {add = true} : memref<10000xf32, #tpu.memory_space<vmem>>[vector<16xi32>], vector<16xf32>,
      %parallel_loop3A_221 = arith.index_cast %parallel_loop3A_97 : i32 to index
      %parallel_loop3A_222 = arith.constant 48 : index
      %parallel_loop3A_223 = tpu.vector_load %arg13[%parallel_loop3A_221, %parallel_loop3A_222] {strides = array<i32>} : memref<81x128xi32, #tpu.memory_space<vmem>>, vector<16xi32>,
      %parallel_loop3A_224 = arith.index_cast %parallel_loop3A_97 : i32 to index
      %parallel_loop3A_225 = arith.constant 48 : index
      %parallel_loop3A_226 = tpu.vector_load %arg14[%parallel_loop3A_224, %parallel_loop3A_225] {strides = array<i32>} : memref<81x128xi32, #tpu.memory_space<vmem>>, vector<16xi32>,
      %parallel_loop3A_227 = tpu.vector_load_idx %arg10[%parallel_loop3A_223] : memref<10000xf32, #tpu.memory_space<vmem>>[vector<16xi32>], vector<16xf32>,
      %parallel_loop3A_228 = tpu.vector_load_idx %arg11[%parallel_loop3A_226] : memref<10000xf32, #tpu.memory_space<vmem>>[vector<16xi32>], vector<16xf32>,
      %parallel_loop3A_229 = arith.addf %parallel_loop3A_227, %parallel_loop3A_228 : vector<16xf32>
      %parallel_loop3A_230 = arith.constant 0.000000e+00 : f32
      %parallel_loop3A_231 = vector.broadcast %parallel_loop3A_230 : f32 to vector<16xf32>
      %parallel_loop3A_232 = arith.subf %parallel_loop3A_231, %parallel_loop3A_229 : vector<16xf32>
      %parallel_loop3A_233 = math.exp %parallel_loop3A_232 : vector<16xf32>
      %parallel_loop3A_234 = arith.constant 1.000000e+00 : f32
      %parallel_loop3A_235 = vector.broadcast %parallel_loop3A_234 : f32 to vector<16xf32>
      %parallel_loop3A_236 = arith.addf %parallel_loop3A_235, %parallel_loop3A_233 : vector<16xf32>
      %parallel_loop3A_237 = arith.constant 1.000000e+00 : f32
      %parallel_loop3A_238 = vector.broadcast %parallel_loop3A_237 : f32 to vector<16xf32>
      %parallel_loop3A_239 = arith.divf %parallel_loop3A_238, %parallel_loop3A_236 : vector<16xf32>
      %parallel_loop3A_240 = math.exp %parallel_loop3A_239 : vector<16xf32>
      %parallel_loop3A_241 = arith.constant 128 : i32
      %parallel_loop3A_242 = arith.muli %parallel_loop3A_97, %parallel_loop3A_241 : i32
      %parallel_loop3A_243 = arith.addi %mul3A_2, %parallel_loop3A_242 : i32
      %parallel_loop3A_244 = arith.constant 48 : i32
      %parallel_loop3A_245 = arith.addi %parallel_loop3A_243, %parallel_loop3A_244 : i32
      %parallel_loop3A_246 = tpu.iota {dimensions = array<i32: 0>} : vector<16xi32>
      %parallel_loop3A_247 = vector.broadcast %parallel_loop3A_245 : i32 to vector<16xi32>
      %parallel_loop3A_248 = arith.addi %parallel_loop3A_247, %parallel_loop3A_246 : vector<16xi32>
      %parallel_loop3A_249 = arith.constant 320000 : i32
      %parallel_loop3A_250 = vector.broadcast %parallel_loop3A_249 : i32 to vector<16xi32>
      %parallel_loop3A_251 = arith.cmpi slt, %parallel_loop3A_248, %parallel_loop3A_250 : vector<16xi32>
      %parallel_loop3A_252 = arith.constant 0.000000e+00 : f32
      %parallel_loop3A_253 = vector.broadcast %parallel_loop3A_252 : f32 to vector<16xf32>
      %parallel_loop3A_254 = arith.select %parallel_loop3A_251, %parallel_loop3A_240, %parallel_loop3A_253 : vector<16xi1>, vector<16xf32>
      %parallel_loop3A_255 = arith.constant 128 : i32
      %parallel_loop3A_256 = arith.muli %parallel_loop3A_97, %parallel_loop3A_255 : i32
      %parallel_loop3A_257 = arith.constant 48 : i32
      %parallel_loop3A_258 = arith.addi %parallel_loop3A_256, %parallel_loop3A_257 : i32
      %parallel_loop3A_259 = tpu.assume_multiple %parallel_loop3A_258, 16 : i32
      %parallel_loop3A_260 = arith.index_cast %parallel_loop3A_259 : i32 to index
      %parallel_loop3A_261 = tpu.vector_load %arg15[%parallel_loop3A_260] {strides = array<i32>} : memref<10368xf32, #tpu.memory_space<vmem>>, vector<16xf32>,
      tpu.vector_store %arg15[%parallel_loop3A_260], %parallel_loop3A_254 {strides = array<i32>} : memref<10368xf32, #tpu.memory_space<vmem>>, vector<16xf32>,
      tpu.vector_store_idx %arg12[%parallel_loop3A_226], %parallel_loop3A_254 {add = true} : memref<10000xf32, #tpu.memory_space<vmem>>[vector<16xi32>], vector<16xf32>,
      %parallel_loop3A_262 = arith.index_cast %parallel_loop3A_97 : i32 to index
      %parallel_loop3A_263 = arith.constant 64 : index
      %parallel_loop3A_264 = tpu.vector_load %arg13[%parallel_loop3A_262, %parallel_loop3A_263] {strides = array<i32>} : memref<81x128xi32, #tpu.memory_space<vmem>>, vector<16xi32>,
      %parallel_loop3A_265 = arith.index_cast %parallel_loop3A_97 : i32 to index
      %parallel_loop3A_266 = arith.constant 64 : index
      %parallel_loop3A_267 = tpu.vector_load %arg14[%parallel_loop3A_265, %parallel_loop3A_266] {strides = array<i32>} : memref<81x128xi32, #tpu.memory_space<vmem>>, vector<16xi32>,
      %parallel_loop3A_268 = tpu.vector_load_idx %arg10[%parallel_loop3A_264] : memref<10000xf32, #tpu.memory_space<vmem>>[vector<16xi32>], vector<16xf32>,
      %parallel_loop3A_269 = tpu.vector_load_idx %arg11[%parallel_loop3A_267] : memref<10000xf32, #tpu.memory_space<vmem>>[vector<16xi32>], vector<16xf32>,
      %parallel_loop3A_270 = arith.addf %parallel_loop3A_268, %parallel_loop3A_269 : vector<16xf32>
      %parallel_loop3A_271 = arith.constant 0.000000e+00 : f32
      %parallel_loop3A_272 = vector.broadcast %parallel_loop3A_271 : f32 to vector<16xf32>
      %parallel_loop3A_273 = arith.subf %parallel_loop3A_272, %parallel_loop3A_270 : vector<16xf32>
      %parallel_loop3A_274 = math.exp %parallel_loop3A_273 : vector<16xf32>
      %parallel_loop3A_275 = arith.constant 1.000000e+00 : f32
      %parallel_loop3A_276 = vector.broadcast %parallel_loop3A_275 : f32 to vector<16xf32>
      %parallel_loop3A_277 = arith.addf %parallel_loop3A_276, %parallel_loop3A_274 : vector<16xf32>
      %parallel_loop3A_278 = arith.constant 1.000000e+00 : f32
      %parallel_loop3A_279 = vector.broadcast %parallel_loop3A_278 : f32 to vector<16xf32>
      %parallel_loop3A_280 = arith.divf %parallel_loop3A_279, %parallel_loop3A_277 : vector<16xf32>
      %parallel_loop3A_281 = math.exp %parallel_loop3A_280 : vector<16xf32>
      %parallel_loop3A_282 = arith.constant 128 : i32
      %parallel_loop3A_283 = arith.muli %parallel_loop3A_97, %parallel_loop3A_282 : i32
      %parallel_loop3A_284 = arith.addi %mul3A_2, %parallel_loop3A_283 : i32
      %parallel_loop3A_285 = arith.constant 64 : i32
      %parallel_loop3A_286 = arith.addi %parallel_loop3A_284, %parallel_loop3A_285 : i32
      %parallel_loop3A_287 = tpu.iota {dimensions = array<i32: 0>} : vector<16xi32>
      %parallel_loop3A_288 = vector.broadcast %parallel_loop3A_286 : i32 to vector<16xi32>
      %parallel_loop3A_289 = arith.addi %parallel_loop3A_288, %parallel_loop3A_287 : vector<16xi32>
      %parallel_loop3A_290 = arith.constant 320000 : i32
      %parallel_loop3A_291 = vector.broadcast %parallel_loop3A_290 : i32 to vector<16xi32>
      %parallel_loop3A_292 = arith.cmpi slt, %parallel_loop3A_289, %parallel_loop3A_291 : vector<16xi32>
      %parallel_loop3A_293 = arith.constant 0.000000e+00 : f32
      %parallel_loop3A_294 = vector.broadcast %parallel_loop3A_293 : f32 to vector<16xf32>
      %parallel_loop3A_295 = arith.select %parallel_loop3A_292, %parallel_loop3A_281, %parallel_loop3A_294 : vector<16xi1>, vector<16xf32>
      %parallel_loop3A_296 = arith.constant 128 : i32
      %parallel_loop3A_297 = arith.muli %parallel_loop3A_97, %parallel_loop3A_296 : i32
      %parallel_loop3A_298 = arith.constant 64 : i32
      %parallel_loop3A_299 = arith.addi %parallel_loop3A_297, %parallel_loop3A_298 : i32
      %parallel_loop3A_300 = tpu.assume_multiple %parallel_loop3A_299, 16 : i32
      %parallel_loop3A_301 = arith.index_cast %parallel_loop3A_300 : i32 to index
      %parallel_loop3A_302 = tpu.vector_load %arg15[%parallel_loop3A_301] {strides = array<i32>} : memref<10368xf32, #tpu.memory_space<vmem>>, vector<16xf32>,
      tpu.vector_store %arg15[%parallel_loop3A_301], %parallel_loop3A_295 {strides = array<i32>} : memref<10368xf32, #tpu.memory_space<vmem>>, vector<16xf32>,
      tpu.vector_store_idx %arg12[%parallel_loop3A_267], %parallel_loop3A_295 {add = true} : memref<10000xf32, #tpu.memory_space<vmem>>[vector<16xi32>], vector<16xf32>,
      %parallel_loop3A_303 = arith.index_cast %parallel_loop3A_97 : i32 to index
      %parallel_loop3A_304 = arith.constant 80 : index
      %parallel_loop3A_305 = tpu.vector_load %arg13[%parallel_loop3A_303, %parallel_loop3A_304] {strides = array<i32>} : memref<81x128xi32, #tpu.memory_space<vmem>>, vector<16xi32>,
      %parallel_loop3A_306 = arith.index_cast %parallel_loop3A_97 : i32 to index
      %parallel_loop3A_307 = arith.constant 80 : index
      %parallel_loop3A_308 = tpu.vector_load %arg14[%parallel_loop3A_306, %parallel_loop3A_307] {strides = array<i32>} : memref<81x128xi32, #tpu.memory_space<vmem>>, vector<16xi32>,
      %parallel_loop3A_309 = tpu.vector_load_idx %arg10[%parallel_loop3A_305] : memref<10000xf32, #tpu.memory_space<vmem>>[vector<16xi32>], vector<16xf32>,
      %parallel_loop3A_310 = tpu.vector_load_idx %arg11[%parallel_loop3A_308] : memref<10000xf32, #tpu.memory_space<vmem>>[vector<16xi32>], vector<16xf32>,
      %parallel_loop3A_311 = arith.addf %parallel_loop3A_309, %parallel_loop3A_310 : vector<16xf32>
      %parallel_loop3A_312 = arith.constant 0.000000e+00 : f32
      %parallel_loop3A_313 = vector.broadcast %parallel_loop3A_312 : f32 to vector<16xf32>
      %parallel_loop3A_314 = arith.subf %parallel_loop3A_313, %parallel_loop3A_311 : vector<16xf32>
      %parallel_loop3A_315 = math.exp %parallel_loop3A_314 : vector<16xf32>
      %parallel_loop3A_316 = arith.constant 1.000000e+00 : f32
      %parallel_loop3A_317 = vector.broadcast %parallel_loop3A_316 : f32 to vector<16xf32>
      %parallel_loop3A_318 = arith.addf %parallel_loop3A_317, %parallel_loop3A_315 : vector<16xf32>
      %parallel_loop3A_319 = arith.constant 1.000000e+00 : f32
      %parallel_loop3A_320 = vector.broadcast %parallel_loop3A_319 : f32 to vector<16xf32>
      %parallel_loop3A_321 = arith.divf %parallel_loop3A_320, %parallel_loop3A_318 : vector<16xf32>
      %parallel_loop3A_322 = math.exp %parallel_loop3A_321 : vector<16xf32>
      %parallel_loop3A_323 = arith.constant 128 : i32
      %parallel_loop3A_324 = arith.muli %parallel_loop3A_97, %parallel_loop3A_323 : i32
      %parallel_loop3A_325 = arith.addi %mul3A_2, %parallel_loop3A_324 : i32
      %parallel_loop3A_326 = arith.constant 80 : i32
      %parallel_loop3A_327 = arith.addi %parallel_loop3A_325, %parallel_loop3A_326 : i32
      %parallel_loop3A_328 = tpu.iota {dimensions = array<i32: 0>} : vector<16xi32>
      %parallel_loop3A_329 = vector.broadcast %parallel_loop3A_327 : i32 to vector<16xi32>
      %parallel_loop3A_330 = arith.addi %parallel_loop3A_329, %parallel_loop3A_328 : vector<16xi32>
      %parallel_loop3A_331 = arith.constant 320000 : i32
      %parallel_loop3A_332 = vector.broadcast %parallel_loop3A_331 : i32 to vector<16xi32>
      %parallel_loop3A_333 = arith.cmpi slt, %parallel_loop3A_330, %parallel_loop3A_332 : vector<16xi32>
      %parallel_loop3A_334 = arith.constant 0.000000e+00 : f32
      %parallel_loop3A_335 = vector.broadcast %parallel_loop3A_334 : f32 to vector<16xf32>
      %parallel_loop3A_336 = arith.select %parallel_loop3A_333, %parallel_loop3A_322, %parallel_loop3A_335 : vector<16xi1>, vector<16xf32>
      %parallel_loop3A_337 = arith.constant 128 : i32
      %parallel_loop3A_338 = arith.muli %parallel_loop3A_97, %parallel_loop3A_337 : i32
      %parallel_loop3A_339 = arith.constant 80 : i32
      %parallel_loop3A_340 = arith.addi %parallel_loop3A_338, %parallel_loop3A_339 : i32
      %parallel_loop3A_341 = tpu.assume_multiple %parallel_loop3A_340, 16 : i32
      %parallel_loop3A_342 = arith.index_cast %parallel_loop3A_341 : i32 to index
      %parallel_loop3A_343 = tpu.vector_load %arg15[%parallel_loop3A_342] {strides = array<i32>} : memref<10368xf32, #tpu.memory_space<vmem>>, vector<16xf32>,
      tpu.vector_store %arg15[%parallel_loop3A_342], %parallel_loop3A_336 {strides = array<i32>} : memref<10368xf32, #tpu.memory_space<vmem>>, vector<16xf32>,
      tpu.vector_store_idx %arg12[%parallel_loop3A_308], %parallel_loop3A_336 {add = true} : memref<10000xf32, #tpu.memory_space<vmem>>[vector<16xi32>], vector<16xf32>,
      %parallel_loop3A_344 = arith.index_cast %parallel_loop3A_97 : i32 to index
      %parallel_loop3A_345 = arith.constant 96 : index
      %parallel_loop3A_346 = tpu.vector_load %arg13[%parallel_loop3A_344, %parallel_loop3A_345] {strides = array<i32>} : memref<81x128xi32, #tpu.memory_space<vmem>>, vector<16xi32>,
      %parallel_loop3A_347 = arith.index_cast %parallel_loop3A_97 : i32 to index
      %parallel_loop3A_348 = arith.constant 96 : index
      %parallel_loop3A_349 = tpu.vector_load %arg14[%parallel_loop3A_347, %parallel_loop3A_348] {strides = array<i32>} : memref<81x128xi32, #tpu.memory_space<vmem>>, vector<16xi32>,
      %parallel_loop3A_350 = tpu.vector_load_idx %arg10[%parallel_loop3A_346] : memref<10000xf32, #tpu.memory_space<vmem>>[vector<16xi32>], vector<16xf32>,
      %parallel_loop3A_351 = tpu.vector_load_idx %arg11[%parallel_loop3A_349] : memref<10000xf32, #tpu.memory_space<vmem>>[vector<16xi32>], vector<16xf32>,
      %parallel_loop3A_352 = arith.addf %parallel_loop3A_350, %parallel_loop3A_351 : vector<16xf32>
      %parallel_loop3A_353 = arith.constant 0.000000e+00 : f32
      %parallel_loop3A_354 = vector.broadcast %parallel_loop3A_353 : f32 to vector<16xf32>
      %parallel_loop3A_355 = arith.subf %parallel_loop3A_354, %parallel_loop3A_352 : vector<16xf32>
      %parallel_loop3A_356 = math.exp %parallel_loop3A_355 : vector<16xf32>
      %parallel_loop3A_357 = arith.constant 1.000000e+00 : f32
      %parallel_loop3A_358 = vector.broadcast %parallel_loop3A_357 : f32 to vector<16xf32>
      %parallel_loop3A_359 = arith.addf %parallel_loop3A_358, %parallel_loop3A_356 : vector<16xf32>
      %parallel_loop3A_360 = arith.constant 1.000000e+00 : f32
      %parallel_loop3A_361 = vector.broadcast %parallel_loop3A_360 : f32 to vector<16xf32>
      %parallel_loop3A_362 = arith.divf %parallel_loop3A_361, %parallel_loop3A_359 : vector<16xf32>
      %parallel_loop3A_363 = math.exp %parallel_loop3A_362 : vector<16xf32>
      %parallel_loop3A_364 = arith.constant 128 : i32
      %parallel_loop3A_365 = arith.muli %parallel_loop3A_97, %parallel_loop3A_364 : i32
      %parallel_loop3A_366 = arith.addi %mul3A_2, %parallel_loop3A_365 : i32
      %parallel_loop3A_367 = arith.constant 96 : i32
      %parallel_loop3A_368 = arith.addi %parallel_loop3A_366, %parallel_loop3A_367 : i32
      %parallel_loop3A_369 = tpu.iota {dimensions = array<i32: 0>} : vector<16xi32>
      %parallel_loop3A_370 = vector.broadcast %parallel_loop3A_368 : i32 to vector<16xi32>
      %parallel_loop3A_371 = arith.addi %parallel_loop3A_370, %parallel_loop3A_369 : vector<16xi32>
      %parallel_loop3A_372 = arith.constant 320000 : i32
      %parallel_loop3A_373 = vector.broadcast %parallel_loop3A_372 : i32 to vector<16xi32>
      %parallel_loop3A_374 = arith.cmpi slt, %parallel_loop3A_371, %parallel_loop3A_373 : vector<16xi32>
      %parallel_loop3A_375 = arith.constant 0.000000e+00 : f32
      %parallel_loop3A_376 = vector.broadcast %parallel_loop3A_375 : f32 to vector<16xf32>
      %parallel_loop3A_377 = arith.select %parallel_loop3A_374, %parallel_loop3A_363, %parallel_loop3A_376 : vector<16xi1>, vector<16xf32>
      %parallel_loop3A_378 = arith.constant 128 : i32
      %parallel_loop3A_379 = arith.muli %parallel_loop3A_97, %parallel_loop3A_378 : i32
      %parallel_loop3A_380 = arith.constant 96 : i32
      %parallel_loop3A_381 = arith.addi %parallel_loop3A_379, %parallel_loop3A_380 : i32
      %parallel_loop3A_382 = tpu.assume_multiple %parallel_loop3A_381, 16 : i32
      %parallel_loop3A_383 = arith.index_cast %parallel_loop3A_382 : i32 to index
      %parallel_loop3A_384 = tpu.vector_load %arg15[%parallel_loop3A_383] {strides = array<i32>} : memref<10368xf32, #tpu.memory_space<vmem>>, vector<16xf32>,
      tpu.vector_store %arg15[%parallel_loop3A_383], %parallel_loop3A_377 {strides = array<i32>} : memref<10368xf32, #tpu.memory_space<vmem>>, vector<16xf32>,
      tpu.vector_store_idx %arg12[%parallel_loop3A_349], %parallel_loop3A_377 {add = true} : memref<10000xf32, #tpu.memory_space<vmem>>[vector<16xi32>], vector<16xf32>,
      %parallel_loop3A_385 = arith.index_cast %parallel_loop3A_97 : i32 to index
      %parallel_loop3A_386 = arith.constant 112 : index
      %parallel_loop3A_387 = tpu.vector_load %arg13[%parallel_loop3A_385, %parallel_loop3A_386] {strides = array<i32>} : memref<81x128xi32, #tpu.memory_space<vmem>>, vector<16xi32>,
      %parallel_loop3A_388 = arith.index_cast %parallel_loop3A_97 : i32 to index
      %parallel_loop3A_389 = arith.constant 112 : index
      %parallel_loop3A_390 = tpu.vector_load %arg14[%parallel_loop3A_388, %parallel_loop3A_389] {strides = array<i32>} : memref<81x128xi32, #tpu.memory_space<vmem>>, vector<16xi32>,
      %parallel_loop3A_391 = tpu.vector_load_idx %arg10[%parallel_loop3A_387] : memref<10000xf32, #tpu.memory_space<vmem>>[vector<16xi32>], vector<16xf32>,
      %parallel_loop3A_392 = tpu.vector_load_idx %arg11[%parallel_loop3A_390] : memref<10000xf32, #tpu.memory_space<vmem>>[vector<16xi32>], vector<16xf32>,
      %parallel_loop3A_393 = arith.addf %parallel_loop3A_391, %parallel_loop3A_392 : vector<16xf32>
      %parallel_loop3A_394 = arith.constant 0.000000e+00 : f32
      %parallel_loop3A_395 = vector.broadcast %parallel_loop3A_394 : f32 to vector<16xf32>
      %parallel_loop3A_396 = arith.subf %parallel_loop3A_395, %parallel_loop3A_393 : vector<16xf32>
      %parallel_loop3A_397 = math.exp %parallel_loop3A_396 : vector<16xf32>
      %parallel_loop3A_398 = arith.constant 1.000000e+00 : f32
      %parallel_loop3A_399 = vector.broadcast %parallel_loop3A_398 : f32 to vector<16xf32>
      %parallel_loop3A_400 = arith.addf %parallel_loop3A_399, %parallel_loop3A_397 : vector<16xf32>
      %parallel_loop3A_401 = arith.constant 1.000000e+00 : f32
      %parallel_loop3A_402 = vector.broadcast %parallel_loop3A_401 : f32 to vector<16xf32>
      %parallel_loop3A_403 = arith.divf %parallel_loop3A_402, %parallel_loop3A_400 : vector<16xf32>
      %parallel_loop3A_404 = math.exp %parallel_loop3A_403 : vector<16xf32>
      %parallel_loop3A_405 = arith.constant 128 : i32
      %parallel_loop3A_406 = arith.muli %parallel_loop3A_97, %parallel_loop3A_405 : i32
      %parallel_loop3A_407 = arith.addi %mul3A_2, %parallel_loop3A_406 : i32
      %parallel_loop3A_408 = arith.constant 112 : i32
      %parallel_loop3A_409 = arith.addi %parallel_loop3A_407, %parallel_loop3A_408 : i32
      %parallel_loop3A_410 = tpu.iota {dimensions = array<i32: 0>} : vector<16xi32>
      %parallel_loop3A_411 = vector.broadcast %parallel_loop3A_409 : i32 to vector<16xi32>
      %parallel_loop3A_412 = arith.addi %parallel_loop3A_411, %parallel_loop3A_410 : vector<16xi32>
      %parallel_loop3A_413 = arith.constant 320000 : i32
      %parallel_loop3A_414 = vector.broadcast %parallel_loop3A_413 : i32 to vector<16xi32>
      %parallel_loop3A_415 = arith.cmpi slt, %parallel_loop3A_412, %parallel_loop3A_414 : vector<16xi32>
      %parallel_loop3A_416 = arith.constant 0.000000e+00 : f32
      %parallel_loop3A_417 = vector.broadcast %parallel_loop3A_416 : f32 to vector<16xf32>
      %parallel_loop3A_418 = arith.select %parallel_loop3A_415, %parallel_loop3A_404, %parallel_loop3A_417 : vector<16xi1>, vector<16xf32>
      %parallel_loop3A_419 = arith.constant 128 : i32
      %parallel_loop3A_420 = arith.muli %parallel_loop3A_97, %parallel_loop3A_419 : i32
      %parallel_loop3A_421 = arith.constant 112 : i32
      %parallel_loop3A_422 = arith.addi %parallel_loop3A_420, %parallel_loop3A_421 : i32
      %parallel_loop3A_423 = tpu.assume_multiple %parallel_loop3A_422, 16 : i32
      %parallel_loop3A_424 = arith.index_cast %parallel_loop3A_423 : i32 to index
      %parallel_loop3A_425 = tpu.vector_load %arg15[%parallel_loop3A_424] {strides = array<i32>} : memref<10368xf32, #tpu.memory_space<vmem>>, vector<16xf32>,
      tpu.vector_store %arg15[%parallel_loop3A_424], %parallel_loop3A_418 {strides = array<i32>} : memref<10368xf32, #tpu.memory_space<vmem>>, vector<16xf32>,
      tpu.vector_store_idx %arg12[%parallel_loop3A_390], %parallel_loop3A_418 {add = true} : memref<10000xf32, #tpu.memory_space<vmem>>[vector<16xi32>], vector<16xf32>,
    } {sc.loop_unroll_factor = 1 : i64, sc.parallel_access}
    %dma_start3A_43 = arith.constant 0 : i32
    %dma_start3A_44 = arith.constant 0 : i32
    %dma_start3A_45 = tpu.memref_slice %arg13[%dma_start3A_43, %dma_start3A_44] : memref<81x128xi32, #tpu.memory_space<vmem>> -> memref<1x128xi32, #tpu.memory_space<vmem>>
    %dma_start3A_46 = tpu.memref_squeeze %dma_start3A_45 : memref<1x128xi32, #tpu.memory_space<vmem>> -> memref<128xi32, #tpu.memory_space<vmem>>
    %dma_start3A_47 = arith.constant 0 : i32
    %dma_start3A_48 = arith.constant 0 : i32
    %dma_start3A_49 = tpu.memref_slice %arg6[%dma_start3A_47, %dma_start3A_48] : memref<10000x64xf32, #tpu.memory_space<hbm>> -> memref<10000x64xf32, #tpu.memory_space<hbm>>
    tpu.enqueue_indirect_dma source(%dma_start3A_49 : memref<10000x64xf32, #tpu.memory_space<hbm>>) target(%arg16 : memref<128x64xf32, #tpu.memory_space<vmem>>) offsets(%dma_start3A_46 : memref<128xi32, #tpu.memory_space<vmem>>) semaphore(%arg20 : memref<!tpu.dma_semaphore, #tpu.memory_space<semaphore_mem>>)
    %dma_start3A_50 = arith.constant 1 : i32
    %dma_start3A_51 = arith.constant 0 : i32
    %dma_start3A_52 = tpu.memref_slice %arg13[%dma_start3A_50, %dma_start3A_51] : memref<81x128xi32, #tpu.memory_space<vmem>> -> memref<1x128xi32, #tpu.memory_space<vmem>>
    %dma_start3A_53 = tpu.memref_squeeze %dma_start3A_52 : memref<1x128xi32, #tpu.memory_space<vmem>> -> memref<128xi32, #tpu.memory_space<vmem>>
    %dma_start3A_54 = arith.constant 0 : i32
    %dma_start3A_55 = arith.constant 0 : i32
    %dma_start3A_56 = tpu.memref_slice %arg6[%dma_start3A_54, %dma_start3A_55] : memref<10000x64xf32, #tpu.memory_space<hbm>> -> memref<10000x64xf32, #tpu.memory_space<hbm>>
    tpu.enqueue_indirect_dma source(%dma_start3A_56 : memref<10000x64xf32, #tpu.memory_space<hbm>>) target(%arg17 : memref<128x64xf32, #tpu.memory_space<vmem>>) offsets(%dma_start3A_53 : memref<128xi32, #tpu.memory_space<vmem>>) semaphore(%arg21 : memref<!tpu.dma_semaphore, #tpu.memory_space<semaphore_mem>>)
    %scan3A_57 = arith.constant 0 : i32
    %scan3A_58 = arith.constant 0 : i32
    %scan3A_59 = arith.constant 27 : i32
    %scan3A_60 = arith.addi %scan3A_58, %scan3A_59 : i32
    %scan3A_61 = arith.constant 1 : i32
    %scan3A_62 = scf.for %scan3A_97 = %scan3A_58 to %scan3A_60 step %scan3A_61 iter_args(%scan3A_98 = %scan3A_57) -> (i32)  : i32 {
      %mul3A_99 = arith.constant 3 : i32
      %mul3A_100 = arith.muli %scan3A_97, %mul3A_99 : i32
      %add3A_101 = arith.constant 0 : i32
      %add3A_102 = arith.addi %mul3A_100, %add3A_101 : i32
      %dma_wait3A_103 = arith.constant 0 : i32
      %dma_wait3A_104 = tpu.memref_slice %arg13[%add3A_102, %dma_wait3A_103] : memref<81x128xi32, #tpu.memory_space<vmem>> -> memref<1x128xi32, #tpu.memory_space<vmem>>
      %dma_wait3A_105 = tpu.memref_squeeze %dma_wait3A_104 : memref<1x128xi32, #tpu.memory_space<vmem>> -> memref<128xi32, #tpu.memory_space<vmem>>
      %dma_wait3A_106 = arith.constant 0 : i32
      %dma_wait3A_107 = arith.constant 0 : i32
      %dma_wait3A_108 = tpu.memref_slice %arg6[%dma_wait3A_106, %dma_wait3A_107] : memref<10000x64xf32, #tpu.memory_space<hbm>> -> memref<10000x64xf32, #tpu.memory_space<hbm>>
      tpu.wait_indirect_dma semaphore(%arg20 : memref<!tpu.dma_semaphore, #tpu.memory_space<semaphore_mem>>) src(%dma_wait3A_108 : memref<10000x64xf32, #tpu.memory_space<hbm>>) dst(%arg16 : memref<128x64xf32, #tpu.memory_space<vmem>>)
      %mul3A_109 = arith.constant 128 : i32
      %mul3A_110 = arith.muli %add3A_102, %mul3A_109 : i32
      %parallel_loop3A_111 = arith.constant 0 : i32
      %parallel_loop3A_112 = arith.constant 128 : i32
      %parallel_loop3A_113 = arith.constant 1 : i32
      scf.for %parallel_loop3A_184 = %parallel_loop3A_111 to %parallel_loop3A_112 step %parallel_loop3A_113  : i32 {
        %parallel_loop3A_185 = arith.addi %mul3A_110, %parallel_loop3A_184 : i32
        %parallel_loop3A_186 = vector.broadcast %parallel_loop3A_185 : i32 to vector<16xi32>
        %parallel_loop3A_187 = tpu.vector_load_idx %arg15[%parallel_loop3A_186] : memref<10368xf32, #tpu.memory_space<vmem>>[vector<16xi32>], vector<16xf32>,
        %parallel_loop3A_188 = arith.index_cast %parallel_loop3A_184 : i32 to index
        %parallel_loop3A_189 = arith.constant 0 : index
        %parallel_loop3A_190 = tpu.vector_load %arg16[%parallel_loop3A_188, %parallel_loop3A_189] {strides = array<i32>} : memref<128x64xf32, #tpu.memory_space<vmem>>, vector<16xf32>,
        %parallel_loop3A_191 = arith.mulf %parallel_loop3A_190, %parallel_loop3A_187 : vector<16xf32>
        %parallel_loop3A_192 = arith.index_cast %parallel_loop3A_184 : i32 to index
        %parallel_loop3A_193 = arith.constant 0 : index
        %parallel_loop3A_194 = tpu.vector_load %arg16[%parallel_loop3A_192, %parallel_loop3A_193] {strides = array<i32>} : memref<128x64xf32, #tpu.memory_space<vmem>>, vector<16xf32>,
        tpu.vector_store %arg16[%parallel_loop3A_192, %parallel_loop3A_193], %parallel_loop3A_191 {strides = array<i32>} : memref<128x64xf32, #tpu.memory_space<vmem>>, vector<16xf32>,
        %parallel_loop3A_195 = arith.index_cast %parallel_loop3A_184 : i32 to index
        %parallel_loop3A_196 = arith.constant 16 : index
        %parallel_loop3A_197 = tpu.vector_load %arg16[%parallel_loop3A_195, %parallel_loop3A_196] {strides = array<i32>} : memref<128x64xf32, #tpu.memory_space<vmem>>, vector<16xf32>,
        %parallel_loop3A_198 = arith.mulf %parallel_loop3A_197, %parallel_loop3A_187 : vector<16xf32>
        %parallel_loop3A_199 = arith.index_cast %parallel_loop3A_184 : i32 to index
        %parallel_loop3A_200 = arith.constant 16 : index
        %parallel_loop3A_201 = tpu.vector_load %arg16[%parallel_loop3A_199, %parallel_loop3A_200] {strides = array<i32>} : memref<128x64xf32, #tpu.memory_space<vmem>>, vector<16xf32>,
        tpu.vector_store %arg16[%parallel_loop3A_199, %parallel_loop3A_200], %parallel_loop3A_198 {strides = array<i32>} : memref<128x64xf32, #tpu.memory_space<vmem>>, vector<16xf32>,
        %parallel_loop3A_202 = arith.index_cast %parallel_loop3A_184 : i32 to index
        %parallel_loop3A_203 = arith.constant 32 : index
        %parallel_loop3A_204 = tpu.vector_load %arg16[%parallel_loop3A_202, %parallel_loop3A_203] {strides = array<i32>} : memref<128x64xf32, #tpu.memory_space<vmem>>, vector<16xf32>,
        %parallel_loop3A_205 = arith.mulf %parallel_loop3A_204, %parallel_loop3A_187 : vector<16xf32>
        %parallel_loop3A_206 = arith.index_cast %parallel_loop3A_184 : i32 to index
        %parallel_loop3A_207 = arith.constant 32 : index
        %parallel_loop3A_208 = tpu.vector_load %arg16[%parallel_loop3A_206, %parallel_loop3A_207] {strides = array<i32>} : memref<128x64xf32, #tpu.memory_space<vmem>>, vector<16xf32>,
        tpu.vector_store %arg16[%parallel_loop3A_206, %parallel_loop3A_207], %parallel_loop3A_205 {strides = array<i32>} : memref<128x64xf32, #tpu.memory_space<vmem>>, vector<16xf32>,
        %parallel_loop3A_209 = arith.index_cast %parallel_loop3A_184 : i32 to index
        %parallel_loop3A_210 = arith.constant 48 : index
        %parallel_loop3A_211 = tpu.vector_load %arg16[%parallel_loop3A_209, %parallel_loop3A_210] {strides = array<i32>} : memref<128x64xf32, #tpu.memory_space<vmem>>, vector<16xf32>,
        %parallel_loop3A_212 = arith.mulf %parallel_loop3A_211, %parallel_loop3A_187 : vector<16xf32>
        %parallel_loop3A_213 = arith.index_cast %parallel_loop3A_184 : i32 to index
        %parallel_loop3A_214 = arith.constant 48 : index
        %parallel_loop3A_215 = tpu.vector_load %arg16[%parallel_loop3A_213, %parallel_loop3A_214] {strides = array<i32>} : memref<128x64xf32, #tpu.memory_space<vmem>>, vector<16xf32>,
        tpu.vector_store %arg16[%parallel_loop3A_213, %parallel_loop3A_214], %parallel_loop3A_212 {strides = array<i32>} : memref<128x64xf32, #tpu.memory_space<vmem>>, vector<16xf32>,
      } {sc.loop_unroll_factor = 4 : i64, sc.parallel_access}
      %dma_start3A_114 = arith.constant 0 : i32
      %dma_start3A_115 = tpu.memref_slice %arg14[%add3A_102, %dma_start3A_114] : memref<81x128xi32, #tpu.memory_space<vmem>> -> memref<1x128xi32, #tpu.memory_space<vmem>>
      %dma_start3A_116 = tpu.memref_squeeze %dma_start3A_115 : memref<1x128xi32, #tpu.memory_space<vmem>> -> memref<128xi32, #tpu.memory_space<vmem>>
      %dma_start3A_117 = arith.constant 0 : i32
      %dma_start3A_118 = arith.constant 0 : i32
      %dma_start3A_119 = tpu.memref_slice %arg19[%dma_start3A_117, %dma_start3A_118] : memref<10000x64xf32, #tpu.memory_space<vmem_shared>> -> memref<10000x64xf32, #tpu.memory_space<vmem_shared>>
      tpu.enqueue_indirect_dma source(%arg16 : memref<128x64xf32, #tpu.memory_space<vmem>>) target(%dma_start3A_119 : memref<10000x64xf32, #tpu.memory_space<vmem_shared>>) offsets(%dma_start3A_116 : memref<128xi32, #tpu.memory_space<vmem>>) semaphore(%arg23 : memref<!tpu.dma_semaphore, #tpu.memory_space<semaphore_mem>>) {add = true}
      %ge3A = arith.constant 1 : i32
      %ge3A_120 = arith.cmpi sge, %scan3A_97, %ge3A : i32
      %or3A = arith.constant false
      %or3A_121 = arith.ori %or3A, %ge3A_120 : i1
      %convert_element_type3A = arith.extui %or3A_121 : i1 to i32
      %cond3A = arith.constant 0 : i32
      %cond3A_122 = arith.cmpi ne, %convert_element_type3A, %cond3A : i32
      scf.if %cond3A_122 {
        %dma_wait3A_184 = arith.constant 0 : i32
        %dma_wait3A_185 = tpu.memref_slice %arg14[%add3A_102, %dma_wait3A_184] : memref<81x128xi32, #tpu.memory_space<vmem>> -> memref<1x128xi32, #tpu.memory_space<vmem>>
        %dma_wait3A_186 = tpu.memref_squeeze %dma_wait3A_185 : memref<1x128xi32, #tpu.memory_space<vmem>> -> memref<128xi32, #tpu.memory_space<vmem>>
        %dma_wait3A_187 = arith.constant 0 : i32
        %dma_wait3A_188 = arith.constant 0 : i32
        %dma_wait3A_189 = tpu.memref_slice %arg19[%dma_wait3A_187, %dma_wait3A_188] : memref<10000x64xf32, #tpu.memory_space<vmem_shared>> -> memref<10000x64xf32, #tpu.memory_space<vmem_shared>>
        tpu.wait_indirect_dma semaphore(%arg25 : memref<!tpu.dma_semaphore, #tpu.memory_space<semaphore_mem>>) src(%arg18 : memref<128x64xf32, #tpu.memory_space<vmem>>) dst(%dma_wait3A_189 : memref<10000x64xf32, #tpu.memory_space<vmem_shared>>)
      } else {
      }
      %add3A_123 = arith.constant 3 : i32
      %add3A_124 = arith.addi %add3A_102, %add3A_123 : i32
      %sub3A = arith.constant 1 : i32
      %sub3A_125 = arith.subi %add3A_124, %sub3A : i32
      %dma_start3A_126 = arith.constant 0 : i32
      %dma_start3A_127 = tpu.memref_slice %arg13[%sub3A_125, %dma_start3A_126] : memref<81x128xi32, #tpu.memory_space<vmem>> -> memref<1x128xi32, #tpu.memory_space<vmem>>
      %dma_start3A_128 = tpu.memref_squeeze %dma_start3A_127 : memref<1x128xi32, #tpu.memory_space<vmem>> -> memref<128xi32, #tpu.memory_space<vmem>>
      %dma_start3A_129 = arith.constant 0 : i32
      %dma_start3A_130 = arith.constant 0 : i32
      %dma_start3A_131 = tpu.memref_slice %arg6[%dma_start3A_129, %dma_start3A_130] : memref<10000x64xf32, #tpu.memory_space<hbm>> -> memref<10000x64xf32, #tpu.memory_space<hbm>>
      tpu.enqueue_indirect_dma source(%dma_start3A_131 : memref<10000x64xf32, #tpu.memory_space<hbm>>) target(%arg18 : memref<128x64xf32, #tpu.memory_space<vmem>>) offsets(%dma_start3A_128 : memref<128xi32, #tpu.memory_space<vmem>>) semaphore(%arg22 : memref<!tpu.dma_semaphore, #tpu.memory_space<semaphore_mem>>)
      %mul3A_132 = arith.constant 3 : i32
      %mul3A_133 = arith.muli %scan3A_97, %mul3A_132 : i32
      %add3A_134 = arith.constant 1 : i32
      %add3A_135 = arith.addi %mul3A_133, %add3A_134 : i32
      %dma_wait3A_136 = arith.constant 0 : i32
      %dma_wait3A_137 = tpu.memref_slice %arg13[%add3A_135, %dma_wait3A_136] : memref<81x128xi32, #tpu.memory_space<vmem>> -> memref<1x128xi32, #tpu.memory_space<vmem>>
      %dma_wait3A_138 = tpu.memref_squeeze %dma_wait3A_137 : memref<1x128xi32, #tpu.memory_space<vmem>> -> memref<128xi32, #tpu.memory_space<vmem>>
      %dma_wait3A_139 = arith.constant 0 : i32
      %dma_wait3A_140 = arith.constant 0 : i32
      %dma_wait3A_141 = tpu.memref_slice %arg6[%dma_wait3A_139, %dma_wait3A_140] : memref<10000x64xf32, #tpu.memory_space<hbm>> -> memref<10000x64xf32, #tpu.memory_space<hbm>>
      tpu.wait_indirect_dma semaphore(%arg21 : memref<!tpu.dma_semaphore, #tpu.memory_space<semaphore_mem>>) src(%dma_wait3A_141 : memref<10000x64xf32, #tpu.memory_space<hbm>>) dst(%arg17 : memref<128x64xf32, #tpu.memory_space<vmem>>)
      %mul3A_142 = arith.constant 128 : i32
      %mul3A_143 = arith.muli %add3A_135, %mul3A_142 : i32
      %parallel_loop3A_144 = arith.constant 0 : i32
      %parallel_loop3A_145 = arith.constant 128 : i32
      %parallel_loop3A_146 = arith.constant 1 : i32
      scf.for %parallel_loop3A_184 = %parallel_loop3A_144 to %parallel_loop3A_145 step %parallel_loop3A_146  : i32 {
        %parallel_loop3A_185 = arith.addi %mul3A_143, %parallel_loop3A_184 : i32
        %parallel_loop3A_186 = vector.broadcast %parallel_loop3A_185 : i32 to vector<16xi32>
        %parallel_loop3A_187 = tpu.vector_load_idx %arg15[%parallel_loop3A_186] : memref<10368xf32, #tpu.memory_space<vmem>>[vector<16xi32>], vector<16xf32>,
        %parallel_loop3A_188 = arith.index_cast %parallel_loop3A_184 : i32 to index
        %parallel_loop3A_189 = arith.constant 0 : index
        %parallel_loop3A_190 = tpu.vector_load %arg17[%parallel_loop3A_188, %parallel_loop3A_189] {strides = array<i32>} : memref<128x64xf32, #tpu.memory_space<vmem>>, vector<16xf32>,
        %parallel_loop3A_191 = arith.mulf %parallel_loop3A_190, %parallel_loop3A_187 : vector<16xf32>
        %parallel_loop3A_192 = arith.index_cast %parallel_loop3A_184 : i32 to index
        %parallel_loop3A_193 = arith.constant 0 : index
        %parallel_loop3A_194 = tpu.vector_load %arg17[%parallel_loop3A_192, %parallel_loop3A_193] {strides = array<i32>} : memref<128x64xf32, #tpu.memory_space<vmem>>, vector<16xf32>,
        tpu.vector_store %arg17[%parallel_loop3A_192, %parallel_loop3A_193], %parallel_loop3A_191 {strides = array<i32>} : memref<128x64xf32, #tpu.memory_space<vmem>>, vector<16xf32>,
        %parallel_loop3A_195 = arith.index_cast %parallel_loop3A_184 : i32 to index
        %parallel_loop3A_196 = arith.constant 16 : index
        %parallel_loop3A_197 = tpu.vector_load %arg17[%parallel_loop3A_195, %parallel_loop3A_196] {strides = array<i32>} : memref<128x64xf32, #tpu.memory_space<vmem>>, vector<16xf32>,
        %parallel_loop3A_198 = arith.mulf %parallel_loop3A_197, %parallel_loop3A_187 : vector<16xf32>
        %parallel_loop3A_199 = arith.index_cast %parallel_loop3A_184 : i32 to index
        %parallel_loop3A_200 = arith.constant 16 : index
        %parallel_loop3A_201 = tpu.vector_load %arg17[%parallel_loop3A_199, %parallel_loop3A_200] {strides = array<i32>} : memref<128x64xf32, #tpu.memory_space<vmem>>, vector<16xf32>,
        tpu.vector_store %arg17[%parallel_loop3A_199, %parallel_loop3A_200], %parallel_loop3A_198 {strides = array<i32>} : memref<128x64xf32, #tpu.memory_space<vmem>>, vector<16xf32>,
        %parallel_loop3A_202 = arith.index_cast %parallel_loop3A_184 : i32 to index
        %parallel_loop3A_203 = arith.constant 32 : index
        %parallel_loop3A_204 = tpu.vector_load %arg17[%parallel_loop3A_202, %parallel_loop3A_203] {strides = array<i32>} : memref<128x64xf32, #tpu.memory_space<vmem>>, vector<16xf32>,
        %parallel_loop3A_205 = arith.mulf %parallel_loop3A_204, %parallel_loop3A_187 : vector<16xf32>
        %parallel_loop3A_206 = arith.index_cast %parallel_loop3A_184 : i32 to index
        %parallel_loop3A_207 = arith.constant 32 : index
        %parallel_loop3A_208 = tpu.vector_load %arg17[%parallel_loop3A_206, %parallel_loop3A_207] {strides = array<i32>} : memref<128x64xf32, #tpu.memory_space<vmem>>, vector<16xf32>,
        tpu.vector_store %arg17[%parallel_loop3A_206, %parallel_loop3A_207], %parallel_loop3A_205 {strides = array<i32>} : memref<128x64xf32, #tpu.memory_space<vmem>>, vector<16xf32>,
        %parallel_loop3A_209 = arith.index_cast %parallel_loop3A_184 : i32 to index
        %parallel_loop3A_210 = arith.constant 48 : index
        %parallel_loop3A_211 = tpu.vector_load %arg17[%parallel_loop3A_209, %parallel_loop3A_210] {strides = array<i32>} : memref<128x64xf32, #tpu.memory_space<vmem>>, vector<16xf32>,
        %parallel_loop3A_212 = arith.mulf %parallel_loop3A_211, %parallel_loop3A_187 : vector<16xf32>
        %parallel_loop3A_213 = arith.index_cast %parallel_loop3A_184 : i32 to index
        %parallel_loop3A_214 = arith.constant 48 : index
        %parallel_loop3A_215 = tpu.vector_load %arg17[%parallel_loop3A_213, %parallel_loop3A_214] {strides = array<i32>} : memref<128x64xf32, #tpu.memory_space<vmem>>, vector<16xf32>,
        tpu.vector_store %arg17[%parallel_loop3A_213, %parallel_loop3A_214], %parallel_loop3A_212 {strides = array<i32>} : memref<128x64xf32, #tpu.memory_space<vmem>>, vector<16xf32>,
      } {sc.loop_unroll_factor = 4 : i64, sc.parallel_access}
      %dma_start3A_147 = arith.constant 0 : i32
      %dma_start3A_148 = tpu.memref_slice %arg14[%add3A_135, %dma_start3A_147] : memref<81x128xi32, #tpu.memory_space<vmem>> -> memref<1x128xi32, #tpu.memory_space<vmem>>
      %dma_start3A_149 = tpu.memref_squeeze %dma_start3A_148 : memref<1x128xi32, #tpu.memory_space<vmem>> -> memref<128xi32, #tpu.memory_space<vmem>>
      %dma_start3A_150 = arith.constant 0 : i32
      %dma_start3A_151 = arith.constant 0 : i32
      %dma_start3A_152 = tpu.memref_slice %arg19[%dma_start3A_150, %dma_start3A_151] : memref<10000x64xf32, #tpu.memory_space<vmem_shared>> -> memref<10000x64xf32, #tpu.memory_space<vmem_shared>>
      tpu.enqueue_indirect_dma source(%arg17 : memref<128x64xf32, #tpu.memory_space<vmem>>) target(%dma_start3A_152 : memref<10000x64xf32, #tpu.memory_space<vmem_shared>>) offsets(%dma_start3A_149 : memref<128xi32, #tpu.memory_space<vmem>>) semaphore(%arg24 : memref<!tpu.dma_semaphore, #tpu.memory_space<semaphore_mem>>) {add = true}
      %lt3A = arith.constant 26 : i32
      %lt3A_153 = arith.cmpi slt, %scan3A_97, %lt3A : i32
      %convert_element_type3A_154 = arith.extui %lt3A_153 : i1 to i32
      %cond3A_155 = arith.constant 0 : i32
      %cond3A_156 = arith.cmpi ne, %convert_element_type3A_154, %cond3A_155 : i32
      scf.if %cond3A_156 {
        %ge3A_184 = arith.constant 1 : i32
        %ge3A_185 = arith.cmpi sge, %scan3A_97, %ge3A_184 : i32
        %or3A_186 = arith.constant true
        %or3A_187 = arith.ori %or3A_186, %ge3A_185 : i1
        %convert_element_type3A_188 = arith.extui %or3A_187 : i1 to i32
        %cond3A_189 = arith.constant 0 : i32
        %cond3A_190 = arith.cmpi ne, %convert_element_type3A_188, %cond3A_189 : i32
        scf.if %cond3A_190 {
          %dma_wait3A_201 = arith.constant 0 : i32
          %dma_wait3A_202 = tpu.memref_slice %arg14[%add3A_135, %dma_wait3A_201] : memref<81x128xi32, #tpu.memory_space<vmem>> -> memref<1x128xi32, #tpu.memory_space<vmem>>
          %dma_wait3A_203 = tpu.memref_squeeze %dma_wait3A_202 : memref<1x128xi32, #tpu.memory_space<vmem>> -> memref<128xi32, #tpu.memory_space<vmem>>
          %dma_wait3A_204 = arith.constant 0 : i32
          %dma_wait3A_205 = arith.constant 0 : i32
          %dma_wait3A_206 = tpu.memref_slice %arg19[%dma_wait3A_204, %dma_wait3A_205] : memref<10000x64xf32, #tpu.memory_space<vmem_shared>> -> memref<10000x64xf32, #tpu.memory_space<vmem_shared>>
          tpu.wait_indirect_dma semaphore(%arg23 : memref<!tpu.dma_semaphore, #tpu.memory_space<semaphore_mem>>) src(%arg16 : memref<128x64xf32, #tpu.memory_space<vmem>>) dst(%dma_wait3A_206 : memref<10000x64xf32, #tpu.memory_space<vmem_shared>>)
        } else {
        }
        %add3A_191 = arith.constant 3 : i32
        %add3A_192 = arith.addi %add3A_135, %add3A_191 : i32
        %sub3A_193 = arith.constant 1 : i32
        %sub3A_194 = arith.subi %add3A_192, %sub3A_193 : i32
        %dma_start3A_195 = arith.constant 0 : i32
        %dma_start3A_196 = tpu.memref_slice %arg13[%sub3A_194, %dma_start3A_195] : memref<81x128xi32, #tpu.memory_space<vmem>> -> memref<1x128xi32, #tpu.memory_space<vmem>>
        %dma_start3A_197 = tpu.memref_squeeze %dma_start3A_196 : memref<1x128xi32, #tpu.memory_space<vmem>> -> memref<128xi32, #tpu.memory_space<vmem>>
        %dma_start3A_198 = arith.constant 0 : i32
        %dma_start3A_199 = arith.constant 0 : i32
        %dma_start3A_200 = tpu.memref_slice %arg6[%dma_start3A_198, %dma_start3A_199] : memref<10000x64xf32, #tpu.memory_space<hbm>> -> memref<10000x64xf32, #tpu.memory_space<hbm>>
        tpu.enqueue_indirect_dma source(%dma_start3A_200 : memref<10000x64xf32, #tpu.memory_space<hbm>>) target(%arg16 : memref<128x64xf32, #tpu.memory_space<vmem>>) offsets(%dma_start3A_197 : memref<128xi32, #tpu.memory_space<vmem>>) semaphore(%arg20 : memref<!tpu.dma_semaphore, #tpu.memory_space<semaphore_mem>>)
      } else {
      }
      %mul3A_157 = arith.constant 3 : i32
      %mul3A_158 = arith.muli %scan3A_97, %mul3A_157 : i32
      %add3A_159 = arith.constant 2 : i32
      %add3A_160 = arith.addi %mul3A_158, %add3A_159 : i32
      %dma_wait3A_161 = arith.constant 0 : i32
      %dma_wait3A_162 = tpu.memref_slice %arg13[%add3A_160, %dma_wait3A_161] : memref<81x128xi32, #tpu.memory_space<vmem>> -> memref<1x128xi32, #tpu.memory_space<vmem>>
      %dma_wait3A_163 = tpu.memref_squeeze %dma_wait3A_162 : memref<1x128xi32, #tpu.memory_space<vmem>> -> memref<128xi32, #tpu.memory_space<vmem>>
      %dma_wait3A_164 = arith.constant 0 : i32
      %dma_wait3A_165 = arith.constant 0 : i32
      %dma_wait3A_166 = tpu.memref_slice %arg6[%dma_wait3A_164, %dma_wait3A_165] : memref<10000x64xf32, #tpu.memory_space<hbm>> -> memref<10000x64xf32, #tpu.memory_space<hbm>>
      tpu.wait_indirect_dma semaphore(%arg22 : memref<!tpu.dma_semaphore, #tpu.memory_space<semaphore_mem>>) src(%dma_wait3A_166 : memref<10000x64xf32, #tpu.memory_space<hbm>>) dst(%arg18 : memref<128x64xf32, #tpu.memory_space<vmem>>)
      %mul3A_167 = arith.constant 128 : i32
      %mul3A_168 = arith.muli %add3A_160, %mul3A_167 : i32
      %parallel_loop3A_169 = arith.constant 0 : i32
      %parallel_loop3A_170 = arith.constant 128 : i32
      %parallel_loop3A_171 = arith.constant 1 : i32
      scf.for %parallel_loop3A_184 = %parallel_loop3A_169 to %parallel_loop3A_170 step %parallel_loop3A_171  : i32 {
        %parallel_loop3A_185 = arith.addi %mul3A_168, %parallel_loop3A_184 : i32
        %parallel_loop3A_186 = vector.broadcast %parallel_loop3A_185 : i32 to vector<16xi32>
        %parallel_loop3A_187 = tpu.vector_load_idx %arg15[%parallel_loop3A_186] : memref<10368xf32, #tpu.memory_space<vmem>>[vector<16xi32>], vector<16xf32>,
        %parallel_loop3A_188 = arith.index_cast %parallel_loop3A_184 : i32 to index
        %parallel_loop3A_189 = arith.constant 0 : index
        %parallel_loop3A_190 = tpu.vector_load %arg18[%parallel_loop3A_188, %parallel_loop3A_189] {strides = array<i32>} : memref<128x64xf32, #tpu.memory_space<vmem>>, vector<16xf32>,
        %parallel_loop3A_191 = arith.mulf %parallel_loop3A_190, %parallel_loop3A_187 : vector<16xf32>
        %parallel_loop3A_192 = arith.index_cast %parallel_loop3A_184 : i32 to index
        %parallel_loop3A_193 = arith.constant 0 : index
        %parallel_loop3A_194 = tpu.vector_load %arg18[%parallel_loop3A_192, %parallel_loop3A_193] {strides = array<i32>} : memref<128x64xf32, #tpu.memory_space<vmem>>, vector<16xf32>,
        tpu.vector_store %arg18[%parallel_loop3A_192, %parallel_loop3A_193], %parallel_loop3A_191 {strides = array<i32>} : memref<128x64xf32, #tpu.memory_space<vmem>>, vector<16xf32>,
        %parallel_loop3A_195 = arith.index_cast %parallel_loop3A_184 : i32 to index
        %parallel_loop3A_196 = arith.constant 16 : index
        %parallel_loop3A_197 = tpu.vector_load %arg18[%parallel_loop3A_195, %parallel_loop3A_196] {strides = array<i32>} : memref<128x64xf32, #tpu.memory_space<vmem>>, vector<16xf32>,
        %parallel_loop3A_198 = arith.mulf %parallel_loop3A_197, %parallel_loop3A_187 : vector<16xf32>
        %parallel_loop3A_199 = arith.index_cast %parallel_loop3A_184 : i32 to index
        %parallel_loop3A_200 = arith.constant 16 : index
        %parallel_loop3A_201 = tpu.vector_load %arg18[%parallel_loop3A_199, %parallel_loop3A_200] {strides = array<i32>} : memref<128x64xf32, #tpu.memory_space<vmem>>, vector<16xf32>,
        tpu.vector_store %arg18[%parallel_loop3A_199, %parallel_loop3A_200], %parallel_loop3A_198 {strides = array<i32>} : memref<128x64xf32, #tpu.memory_space<vmem>>, vector<16xf32>,
        %parallel_loop3A_202 = arith.index_cast %parallel_loop3A_184 : i32 to index
        %parallel_loop3A_203 = arith.constant 32 : index
        %parallel_loop3A_204 = tpu.vector_load %arg18[%parallel_loop3A_202, %parallel_loop3A_203] {strides = array<i32>} : memref<128x64xf32, #tpu.memory_space<vmem>>, vector<16xf32>,
        %parallel_loop3A_205 = arith.mulf %parallel_loop3A_204, %parallel_loop3A_187 : vector<16xf32>
        %parallel_loop3A_206 = arith.index_cast %parallel_loop3A_184 : i32 to index
        %parallel_loop3A_207 = arith.constant 32 : index
        %parallel_loop3A_208 = tpu.vector_load %arg18[%parallel_loop3A_206, %parallel_loop3A_207] {strides = array<i32>} : memref<128x64xf32, #tpu.memory_space<vmem>>, vector<16xf32>,
        tpu.vector_store %arg18[%parallel_loop3A_206, %parallel_loop3A_207], %parallel_loop3A_205 {strides = array<i32>} : memref<128x64xf32, #tpu.memory_space<vmem>>, vector<16xf32>,
        %parallel_loop3A_209 = arith.index_cast %parallel_loop3A_184 : i32 to index
        %parallel_loop3A_210 = arith.constant 48 : index
        %parallel_loop3A_211 = tpu.vector_load %arg18[%parallel_loop3A_209, %parallel_loop3A_210] {strides = array<i32>} : memref<128x64xf32, #tpu.memory_space<vmem>>, vector<16xf32>,
        %parallel_loop3A_212 = arith.mulf %parallel_loop3A_211, %parallel_loop3A_187 : vector<16xf32>
        %parallel_loop3A_213 = arith.index_cast %parallel_loop3A_184 : i32 to index
        %parallel_loop3A_214 = arith.constant 48 : index
        %parallel_loop3A_215 = tpu.vector_load %arg18[%parallel_loop3A_213, %parallel_loop3A_214] {strides = array<i32>} : memref<128x64xf32, #tpu.memory_space<vmem>>, vector<16xf32>,
        tpu.vector_store %arg18[%parallel_loop3A_213, %parallel_loop3A_214], %parallel_loop3A_212 {strides = array<i32>} : memref<128x64xf32, #tpu.memory_space<vmem>>, vector<16xf32>,
      } {sc.loop_unroll_factor = 4 : i64, sc.parallel_access}
      %dma_start3A_172 = arith.constant 0 : i32
      %dma_start3A_173 = tpu.memref_slice %arg14[%add3A_160, %dma_start3A_172] : memref<81x128xi32, #tpu.memory_space<vmem>> -> memref<1x128xi32, #tpu.memory_space<vmem>>
      %dma_start3A_174 = tpu.memref_squeeze %dma_start3A_173 : memref<1x128xi32, #tpu.memory_space<vmem>> -> memref<128xi32, #tpu.memory_space<vmem>>
      %dma_start3A_175 = arith.constant 0 : i32
      %dma_start3A_176 = arith.constant 0 : i32
      %dma_start3A_177 = tpu.memref_slice %arg19[%dma_start3A_175, %dma_start3A_176] : memref<10000x64xf32, #tpu.memory_space<vmem_shared>> -> memref<10000x64xf32, #tpu.memory_space<vmem_shared>>
      tpu.enqueue_indirect_dma source(%arg18 : memref<128x64xf32, #tpu.memory_space<vmem>>) target(%dma_start3A_177 : memref<10000x64xf32, #tpu.memory_space<vmem_shared>>) offsets(%dma_start3A_174 : memref<128xi32, #tpu.memory_space<vmem>>) semaphore(%arg25 : memref<!tpu.dma_semaphore, #tpu.memory_space<semaphore_mem>>) {add = true}
      %lt3A_178 = arith.constant 26 : i32
      %lt3A_179 = arith.cmpi slt, %scan3A_97, %lt3A_178 : i32
      %convert_element_type3A_180 = arith.extui %lt3A_179 : i1 to i32
      %cond3A_181 = arith.constant 0 : i32
      %cond3A_182 = arith.cmpi ne, %convert_element_type3A_180, %cond3A_181 : i32
      scf.if %cond3A_182 {
        %ge3A_184 = arith.constant 1 : i32
        %ge3A_185 = arith.cmpi sge, %scan3A_97, %ge3A_184 : i32
        %or3A_186 = arith.constant true
        %or3A_187 = arith.ori %or3A_186, %ge3A_185 : i1
        %convert_element_type3A_188 = arith.extui %or3A_187 : i1 to i32
        %cond3A_189 = arith.constant 0 : i32
        %cond3A_190 = arith.cmpi ne, %convert_element_type3A_188, %cond3A_189 : i32
        scf.if %cond3A_190 {
          %dma_wait3A_201 = arith.constant 0 : i32
          %dma_wait3A_202 = tpu.memref_slice %arg14[%add3A_160, %dma_wait3A_201] : memref<81x128xi32, #tpu.memory_space<vmem>> -> memref<1x128xi32, #tpu.memory_space<vmem>>
          %dma_wait3A_203 = tpu.memref_squeeze %dma_wait3A_202 : memref<1x128xi32, #tpu.memory_space<vmem>> -> memref<128xi32, #tpu.memory_space<vmem>>
          %dma_wait3A_204 = arith.constant 0 : i32
          %dma_wait3A_205 = arith.constant 0 : i32
          %dma_wait3A_206 = tpu.memref_slice %arg19[%dma_wait3A_204, %dma_wait3A_205] : memref<10000x64xf32, #tpu.memory_space<vmem_shared>> -> memref<10000x64xf32, #tpu.memory_space<vmem_shared>>
          tpu.wait_indirect_dma semaphore(%arg24 : memref<!tpu.dma_semaphore, #tpu.memory_space<semaphore_mem>>) src(%arg17 : memref<128x64xf32, #tpu.memory_space<vmem>>) dst(%dma_wait3A_206 : memref<10000x64xf32, #tpu.memory_space<vmem_shared>>)
        } else {
        }
        %add3A_191 = arith.constant 3 : i32
        %add3A_192 = arith.addi %add3A_160, %add3A_191 : i32
        %sub3A_193 = arith.constant 1 : i32
        %sub3A_194 = arith.subi %add3A_192, %sub3A_193 : i32
        %dma_start3A_195 = arith.constant 0 : i32
        %dma_start3A_196 = tpu.memref_slice %arg13[%sub3A_194, %dma_start3A_195] : memref<81x128xi32, #tpu.memory_space<vmem>> -> memref<1x128xi32, #tpu.memory_space<vmem>>
        %dma_start3A_197 = tpu.memref_squeeze %dma_start3A_196 : memref<1x128xi32, #tpu.memory_space<vmem>> -> memref<128xi32, #tpu.memory_space<vmem>>
        %dma_start3A_198 = arith.constant 0 : i32
        %dma_start3A_199 = arith.constant 0 : i32
        %dma_start3A_200 = tpu.memref_slice %arg6[%dma_start3A_198, %dma_start3A_199] : memref<10000x64xf32, #tpu.memory_space<hbm>> -> memref<10000x64xf32, #tpu.memory_space<hbm>>
        tpu.enqueue_indirect_dma source(%dma_start3A_200 : memref<10000x64xf32, #tpu.memory_space<hbm>>) target(%arg17 : memref<128x64xf32, #tpu.memory_space<vmem>>) offsets(%dma_start3A_197 : memref<128xi32, #tpu.memory_space<vmem>>) semaphore(%arg21 : memref<!tpu.dma_semaphore, #tpu.memory_space<semaphore_mem>>)
      } else {
      }
      %scan3A_183 = arith.constant 0 : i32
      scf.yield %scan3A_183 : i32
    }
    %scan3A_63 = arith.constant 27 : i32
    %dma_wait3A_64 = arith.constant 0 : i32
    %dma_wait3A_65 = arith.constant 0 : i32
    %dma_wait3A_66 = tpu.memref_slice %arg14[%dma_wait3A_64, %dma_wait3A_65] : memref<81x128xi32, #tpu.memory_space<vmem>> -> memref<1x128xi32, #tpu.memory_space<vmem>>
    %dma_wait3A_67 = tpu.memref_squeeze %dma_wait3A_66 : memref<1x128xi32, #tpu.memory_space<vmem>> -> memref<128xi32, #tpu.memory_space<vmem>>
    %dma_wait3A_68 = arith.constant 0 : i32
    %dma_wait3A_69 = arith.constant 0 : i32
    %dma_wait3A_70 = tpu.memref_slice %arg19[%dma_wait3A_68, %dma_wait3A_69] : memref<10000x64xf32, #tpu.memory_space<vmem_shared>> -> memref<10000x64xf32, #tpu.memory_space<vmem_shared>>
    tpu.wait_indirect_dma semaphore(%arg23 : memref<!tpu.dma_semaphore, #tpu.memory_space<semaphore_mem>>) src(%arg16 : memref<128x64xf32, #tpu.memory_space<vmem>>) dst(%dma_wait3A_70 : memref<10000x64xf32, #tpu.memory_space<vmem_shared>>)
    %dma_wait3A_71 = arith.constant 0 : i32
    %dma_wait3A_72 = arith.constant 0 : i32
    %dma_wait3A_73 = tpu.memref_slice %arg14[%dma_wait3A_71, %dma_wait3A_72] : memref<81x128xi32, #tpu.memory_space<vmem>> -> memref<1x128xi32, #tpu.memory_space<vmem>>
    %dma_wait3A_74 = tpu.memref_squeeze %dma_wait3A_73 : memref<1x128xi32, #tpu.memory_space<vmem>> -> memref<128xi32, #tpu.memory_space<vmem>>
    %dma_wait3A_75 = arith.constant 0 : i32
    %dma_wait3A_76 = arith.constant 0 : i32
    %dma_wait3A_77 = tpu.memref_slice %arg19[%dma_wait3A_75, %dma_wait3A_76] : memref<10000x64xf32, #tpu.memory_space<vmem_shared>> -> memref<10000x64xf32, #tpu.memory_space<vmem_shared>>
    tpu.wait_indirect_dma semaphore(%arg24 : memref<!tpu.dma_semaphore, #tpu.memory_space<semaphore_mem>>) src(%arg17 : memref<128x64xf32, #tpu.memory_space<vmem>>) dst(%dma_wait3A_77 : memref<10000x64xf32, #tpu.memory_space<vmem_shared>>)
    %dma_wait3A_78 = arith.constant 0 : i32
    %dma_wait3A_79 = arith.constant 0 : i32
    %dma_wait3A_80 = tpu.memref_slice %arg14[%dma_wait3A_78, %dma_wait3A_79] : memref<81x128xi32, #tpu.memory_space<vmem>> -> memref<1x128xi32, #tpu.memory_space<vmem>>
    %dma_wait3A_81 = tpu.memref_squeeze %dma_wait3A_80 : memref<1x128xi32, #tpu.memory_space<vmem>> -> memref<128xi32, #tpu.memory_space<vmem>>
    %dma_wait3A_82 = arith.constant 0 : i32
    %dma_wait3A_83 = arith.constant 0 : i32
    %dma_wait3A_84 = tpu.memref_slice %arg19[%dma_wait3A_82, %dma_wait3A_83] : memref<10000x64xf32, #tpu.memory_space<vmem_shared>> -> memref<10000x64xf32, #tpu.memory_space<vmem_shared>>
    tpu.wait_indirect_dma semaphore(%arg25 : memref<!tpu.dma_semaphore, #tpu.memory_space<semaphore_mem>>) src(%arg18 : memref<128x64xf32, #tpu.memory_space<vmem>>) dst(%dma_wait3A_84 : memref<10000x64xf32, #tpu.memory_space<vmem_shared>>)
    %multiple_of3A_85 = tpu.assume_multiple %mul3A_2, 8 : i32
    %dma_start3A_86 = tpu.memref_slice %arg7[%multiple_of3A_85] : memref<331776xf32, #tpu.memory_space<hbm>> -> memref<10368xf32, #tpu.memory_space<hbm>>
    %dma_start3A_87 = tpu.memref_slice %arg7[%multiple_of3A_85] : memref<331776xf32, #tpu.memory_space<hbm>> -> memref<10368xf32, #tpu.memory_space<hbm>>
    tpu.enqueue_dma source(%arg15 : memref<10368xf32, #tpu.memory_space<vmem>>) target(%dma_start3A_87 : memref<10368xf32, #tpu.memory_space<hbm>>) target_semaphore(%arg20 : memref<!tpu.dma_semaphore, #tpu.memory_space<semaphore_mem>>)
    %mul3A_88 = arith.constant 10000 : i32
    %mul3A_89 = arith.muli %add3A, %mul3A_88 : i32
    %multiple_of3A_90 = tpu.assume_multiple %mul3A_89, 8 : i32
    "tpu.region"() ({
      %run_scoped3A = tpu.sem_alloc : memref<!tpu.dma_semaphore, #tpu.memory_space<semaphore_mem>>
      %dma_start3A_97 = tpu.memref_slice %arg8[%multiple_of3A_90] : memref<320000xf32, #tpu.memory_space<hbm>> -> memref<10000xf32, #tpu.memory_space<hbm>>
      %dma_start3A_98 = tpu.memref_slice %arg8[%multiple_of3A_90] : memref<320000xf32, #tpu.memory_space<hbm>> -> memref<10000xf32, #tpu.memory_space<hbm>>
      tpu.enqueue_dma source(%arg12 : memref<10000xf32, #tpu.memory_space<vmem>>) target(%dma_start3A_98 : memref<10000xf32, #tpu.memory_space<hbm>>) target_semaphore(%run_scoped3A : memref<!tpu.dma_semaphore, #tpu.memory_space<semaphore_mem>>)
      %dma_wait3A_99 = tpu.memref_slice %arg8[%multiple_of3A_90] : memref<320000xf32, #tpu.memory_space<hbm>> -> memref<10000xf32, #tpu.memory_space<hbm>>
      %dma_wait3A_100 = tpu.memref_slice %arg8[%multiple_of3A_90] : memref<320000xf32, #tpu.memory_space<hbm>> -> memref<10000xf32, #tpu.memory_space<hbm>>
      tpu.wait_dma2 semaphore(%run_scoped3A : memref<!tpu.dma_semaphore, #tpu.memory_space<semaphore_mem>>) src(%arg12 : memref<10000xf32, #tpu.memory_space<vmem>>) dst(%dma_wait3A_100 : memref<10000xf32, #tpu.memory_space<hbm>>)
      tpu.yield
    }) : () -> ()
    %barrier3A_91 = arith.constant 0 : index
    tpu.barrier barrier_id(%barrier3A_91)
    %mul3A_92 = arith.constant 624 : i32
    %mul3A_93 = arith.muli %arg1, %mul3A_92 : i32
    %multiple_of3A_94 = tpu.assume_multiple %mul3A_93, 8 : i32
    "tpu.region"() ({
      %run_scoped3A = tpu.sem_alloc : memref<!tpu.dma_semaphore, #tpu.memory_space<semaphore_mem>>
      %dma_start3A_97 = arith.constant 0 : i32
      %dma_start3A_98 = arith.constant 0 : i32
      %dma_start3A_99 = tpu.memref_slice %arg9[%arg0, %dma_start3A_97, %dma_start3A_98] : memref<2x10000x64xf32, #tpu.memory_space<hbm>> -> memref<1x10000x64xf32, #tpu.memory_space<hbm>>
      %dma_start3A_100 = tpu.memref_squeeze %dma_start3A_99 : memref<1x10000x64xf32, #tpu.memory_space<hbm>> -> memref<10000x64xf32, #tpu.memory_space<hbm>>
      %dma_start3A_101 = arith.constant 0 : i32
      %dma_start3A_102 = tpu.memref_slice %dma_start3A_100[%multiple_of3A_94, %dma_start3A_101] : memref<10000x64xf32, #tpu.memory_space<hbm>> -> memref<640x64xf32, #tpu.memory_space<hbm>>
      %dma_start3A_103 = arith.constant 0 : i32
      %dma_start3A_104 = tpu.memref_slice %arg19[%multiple_of3A_94, %dma_start3A_103] : memref<10000x64xf32, #tpu.memory_space<vmem_shared>> -> memref<640x64xf32, #tpu.memory_space<vmem_shared>>
      tpu.enqueue_dma source(%dma_start3A_104 : memref<640x64xf32, #tpu.memory_space<vmem_shared>>) target(%dma_start3A_102 : memref<640x64xf32, #tpu.memory_space<hbm>>) target_semaphore(%run_scoped3A : memref<!tpu.dma_semaphore, #tpu.memory_space<semaphore_mem>>)
      %dma_wait3A_105 = arith.constant 0 : i32
      %dma_wait3A_106 = arith.constant 0 : i32
      %dma_wait3A_107 = tpu.memref_slice %arg9[%arg0, %dma_wait3A_105, %dma_wait3A_106] : memref<2x10000x64xf32, #tpu.memory_space<hbm>> -> memref<1x10000x64xf32, #tpu.memory_space<hbm>>
      %dma_wait3A_108 = tpu.memref_squeeze %dma_wait3A_107 : memref<1x10000x64xf32, #tpu.memory_space<hbm>> -> memref<10000x64xf32, #tpu.memory_space<hbm>>
      %dma_wait3A_109 = arith.constant 0 : i32
      %dma_wait3A_110 = tpu.memref_slice %dma_wait3A_108[%multiple_of3A_94, %dma_wait3A_109] : memref<10000x64xf32, #tpu.memory_space<hbm>> -> memref<640x64xf32, #tpu.memory_space<hbm>>
      %dma_wait3A_111 = arith.constant 0 : i32
      %dma_wait3A_112 = tpu.memref_slice %arg19[%multiple_of3A_94, %dma_wait3A_111] : memref<10000x64xf32, #tpu.memory_space<vmem_shared>> -> memref<640x64xf32, #tpu.memory_space<vmem_shared>>
      tpu.wait_dma2 semaphore(%run_scoped3A : memref<!tpu.dma_semaphore, #tpu.memory_space<semaphore_mem>>) src(%dma_wait3A_112 : memref<640x64xf32, #tpu.memory_space<vmem_shared>>) dst(%dma_wait3A_110 : memref<640x64xf32, #tpu.memory_space<hbm>>)
      tpu.yield
    }) : () -> ()
    %dma_wait3A_95 = tpu.memref_slice %arg7[%multiple_of3A_85] : memref<331776xf32, #tpu.memory_space<hbm>> -> memref<10368xf32, #tpu.memory_space<hbm>>
    %dma_wait3A_96 = tpu.memref_slice %arg7[%multiple_of3A_85] : memref<331776xf32, #tpu.memory_space<hbm>> -> memref<10368xf32, #tpu.memory_space<hbm>>
    tpu.wait_dma2 semaphore(%arg20 : memref<!tpu.dma_semaphore, #tpu.memory_space<semaphore_mem>>) src(%arg15 : memref<10368xf32, #tpu.memory_space<vmem>>) dst(%dma_wait3A_96 : memref<10368xf32, #tpu.memory_space<hbm>>)
    return
  }
}

#map = affine_map<(d0, d1) -> (0, 0)>
#map1 = affine_map<(d0, d1) -> (0)>
#map2 = affine_map<(d0, d1) -> (0, 0, 0)>
module attributes {stable_mosaic.version = 14 : i64} {
  func.func @_sc_pass2(%arg0: i32, %arg1: i32, %arg2: memref<2592x128xi32, #tpu.memory_space<hbm>>, %arg3: memref<2592x128xi32, #tpu.memory_space<hbm>>, %arg4: memref<331776xf32, #tpu.memory_space<hbm>>, %arg5: memref<10000x32xf32, #tpu.memory_space<hbm>>, %arg6: memref<2x10000x32xf32, #tpu.memory_space<hbm>>, %arg7: memref<81x128xi32, #tpu.memory_space<vmem>>, %arg8: memref<81x128xi32, #tpu.memory_space<vmem>>, %arg9: memref<10368xf32, #tpu.memory_space<vmem>>, %arg10: memref<128x32xf32, #tpu.memory_space<vmem>>, %arg11: memref<128x32xf32, #tpu.memory_space<vmem>>, %arg12: memref<128x32xf32, #tpu.memory_space<vmem>>, %arg13: memref<10000x32xf32, #tpu.memory_space<vmem_shared>>, %arg14: memref<!tpu.dma_semaphore, #tpu.memory_space<semaphore_mem>>, %arg15: memref<!tpu.dma_semaphore, #tpu.memory_space<semaphore_mem>>, %arg16: memref<!tpu.dma_semaphore, #tpu.memory_space<semaphore_mem>>, %arg17: memref<!tpu.dma_semaphore, #tpu.memory_space<semaphore_mem>>, %arg18: memref<!tpu.dma_semaphore, #tpu.memory_space<semaphore_mem>>, %arg19: memref<!tpu.dma_semaphore, #tpu.memory_space<semaphore_mem>>) attributes {dimension_semantics = [#tpu.dimension_semantics<core_parallel>, #tpu.dimension_semantics<subcore_parallel>], iteration_bounds = array<i64: 2, 16>, scalar_prefetch = 0 : i64, scratch_operands = 13 : i64, tpu.core_type = #tpu.core_type<sc_vector_subcore>, window_params = [{transform_indices = #map}, {transform_indices = #map}, {transform_indices = #map1}, {transform_indices = #map}, {transform_indices = #map2}]} {
    %mul3A = arith.constant 2 : i32
    %mul3A_0 = arith.muli %arg1, %mul3A : i32
    %add3A = arith.addi %mul3A_0, %arg0 : i32
    %mul3A_1 = arith.constant 10368 : i32
    %mul3A_2 = arith.muli %add3A, %mul3A_1 : i32
    %mul3A_3 = arith.constant 81 : i32
    %mul3A_4 = arith.muli %add3A, %mul3A_3 : i32
    %multiple_of3A = tpu.assume_multiple %mul3A_4, 8 : i32
    %dma_start3A = arith.constant 0 : i32
    %dma_start3A_5 = tpu.memref_slice %arg2[%multiple_of3A, %dma_start3A] : memref<2592x128xi32, #tpu.memory_space<hbm>> -> memref<81x128xi32, #tpu.memory_space<hbm>>
    %dma_start3A_6 = arith.constant 0 : i32
    %dma_start3A_7 = tpu.memref_slice %arg2[%multiple_of3A, %dma_start3A_6] : memref<2592x128xi32, #tpu.memory_space<hbm>> -> memref<81x128xi32, #tpu.memory_space<hbm>>
    tpu.enqueue_dma source(%dma_start3A_7 : memref<81x128xi32, #tpu.memory_space<hbm>>) target(%arg7 : memref<81x128xi32, #tpu.memory_space<vmem>>) target_semaphore(%arg14 : memref<!tpu.dma_semaphore, #tpu.memory_space<semaphore_mem>>)
    %dma_start3A_8 = arith.constant 0 : i32
    %dma_start3A_9 = tpu.memref_slice %arg3[%multiple_of3A, %dma_start3A_8] : memref<2592x128xi32, #tpu.memory_space<hbm>> -> memref<81x128xi32, #tpu.memory_space<hbm>>
    %dma_start3A_10 = arith.constant 0 : i32
    %dma_start3A_11 = tpu.memref_slice %arg3[%multiple_of3A, %dma_start3A_10] : memref<2592x128xi32, #tpu.memory_space<hbm>> -> memref<81x128xi32, #tpu.memory_space<hbm>>
    tpu.enqueue_dma source(%dma_start3A_11 : memref<81x128xi32, #tpu.memory_space<hbm>>) target(%arg8 : memref<81x128xi32, #tpu.memory_space<vmem>>) target_semaphore(%arg15 : memref<!tpu.dma_semaphore, #tpu.memory_space<semaphore_mem>>)
    %multiple_of3A_12 = tpu.assume_multiple %mul3A_2, 8 : i32
    %dma_start3A_13 = tpu.memref_slice %arg4[%multiple_of3A_12] : memref<331776xf32, #tpu.memory_space<hbm>> -> memref<10368xf32, #tpu.memory_space<hbm>>
    %dma_start3A_14 = tpu.memref_slice %arg4[%multiple_of3A_12] : memref<331776xf32, #tpu.memory_space<hbm>> -> memref<10368xf32, #tpu.memory_space<hbm>>
    tpu.enqueue_dma source(%dma_start3A_14 : memref<10368xf32, #tpu.memory_space<hbm>>) target(%arg9 : memref<10368xf32, #tpu.memory_space<vmem>>) target_semaphore(%arg17 : memref<!tpu.dma_semaphore, #tpu.memory_space<semaphore_mem>>)
    %dma_wait3A = arith.constant 0 : i32
    %dma_wait3A_15 = tpu.memref_slice %arg2[%multiple_of3A, %dma_wait3A] : memref<2592x128xi32, #tpu.memory_space<hbm>> -> memref<81x128xi32, #tpu.memory_space<hbm>>
    %dma_wait3A_16 = arith.constant 0 : i32
    %dma_wait3A_17 = tpu.memref_slice %arg2[%multiple_of3A, %dma_wait3A_16] : memref<2592x128xi32, #tpu.memory_space<hbm>> -> memref<81x128xi32, #tpu.memory_space<hbm>>
    tpu.wait_dma2 semaphore(%arg14 : memref<!tpu.dma_semaphore, #tpu.memory_space<semaphore_mem>>) src(%dma_wait3A_17 : memref<81x128xi32, #tpu.memory_space<hbm>>) dst(%arg7 : memref<81x128xi32, #tpu.memory_space<vmem>>)
    %dma_wait3A_18 = arith.constant 0 : i32
    %dma_wait3A_19 = tpu.memref_slice %arg3[%multiple_of3A, %dma_wait3A_18] : memref<2592x128xi32, #tpu.memory_space<hbm>> -> memref<81x128xi32, #tpu.memory_space<hbm>>
    %dma_wait3A_20 = arith.constant 0 : i32
    %dma_wait3A_21 = tpu.memref_slice %arg3[%multiple_of3A, %dma_wait3A_20] : memref<2592x128xi32, #tpu.memory_space<hbm>> -> memref<81x128xi32, #tpu.memory_space<hbm>>
    tpu.wait_dma2 semaphore(%arg15 : memref<!tpu.dma_semaphore, #tpu.memory_space<semaphore_mem>>) src(%dma_wait3A_21 : memref<81x128xi32, #tpu.memory_space<hbm>>) dst(%arg8 : memref<81x128xi32, #tpu.memory_space<vmem>>)
    %dma_wait3A_22 = tpu.memref_slice %arg4[%multiple_of3A_12] : memref<331776xf32, #tpu.memory_space<hbm>> -> memref<10368xf32, #tpu.memory_space<hbm>>
    %dma_wait3A_23 = tpu.memref_slice %arg4[%multiple_of3A_12] : memref<331776xf32, #tpu.memory_space<hbm>> -> memref<10368xf32, #tpu.memory_space<hbm>>
    tpu.wait_dma2 semaphore(%arg17 : memref<!tpu.dma_semaphore, #tpu.memory_space<semaphore_mem>>) src(%dma_wait3A_23 : memref<10368xf32, #tpu.memory_space<hbm>>) dst(%arg9 : memref<10368xf32, #tpu.memory_space<vmem>>)
    %scan3A = arith.constant 0 : i32
    %scan3A_24 = arith.constant 0 : i32
    %scan3A_25 = arith.constant 128 : i32
    %scan3A_26 = arith.addi %scan3A_24, %scan3A_25 : i32
    %scan3A_27 = arith.constant 1 : i32
    %scan3A_28 = scf.for %scan3A_89 = %scan3A_24 to %scan3A_26 step %scan3A_27 iter_args(%scan3A_90 = %scan3A) -> (i32)  : i32 {
      %broadcast_in_dim3A = arith.constant 0.000000e+00 : f32
      %broadcast_in_dim3A_91 = vector.broadcast %broadcast_in_dim3A : f32 to vector<16xf32>
      %swap3A = arith.index_cast %scan3A_89 : i32 to index
      %swap3A_92 = arith.constant 0 : index
      %swap3A_93 = tpu.vector_load %arg10[%swap3A, %swap3A_92] {strides = array<i32>} : memref<128x32xf32, #tpu.memory_space<vmem>>, vector<16xf32>,
      tpu.vector_store %arg10[%swap3A, %swap3A_92], %broadcast_in_dim3A_91 {strides = array<i32>} : memref<128x32xf32, #tpu.memory_space<vmem>>, vector<16xf32>,
      %broadcast_in_dim3A_94 = arith.constant 0.000000e+00 : f32
      %broadcast_in_dim3A_95 = vector.broadcast %broadcast_in_dim3A_94 : f32 to vector<16xf32>
      %swap3A_96 = arith.index_cast %scan3A_89 : i32 to index
      %swap3A_97 = arith.constant 16 : index
      %swap3A_98 = tpu.vector_load %arg10[%swap3A_96, %swap3A_97] {strides = array<i32>} : memref<128x32xf32, #tpu.memory_space<vmem>>, vector<16xf32>,
      tpu.vector_store %arg10[%swap3A_96, %swap3A_97], %broadcast_in_dim3A_95 {strides = array<i32>} : memref<128x32xf32, #tpu.memory_space<vmem>>, vector<16xf32>,
      %scan3A_99 = arith.constant 0 : i32
      scf.yield %scan3A_99 : i32
    }
    %scan3A_29 = arith.constant 128 : i32
    %mul3A_30 = arith.constant 624 : i32
    %mul3A_31 = arith.muli %arg1, %mul3A_30 : i32
    %multiple_of3A_32 = tpu.assume_multiple %mul3A_31, 8 : i32
    %add3A_33 = arith.constant 0 : i32
    %add3A_34 = arith.addi %multiple_of3A_32, %add3A_33 : i32
    "tpu.region"() ({
      %run_scoped3A = tpu.sem_alloc : memref<!tpu.dma_semaphore, #tpu.memory_space<semaphore_mem>>
      %dma_start3A_89 = arith.constant 0 : i32
      %dma_start3A_90 = tpu.memref_slice %arg13[%add3A_34, %dma_start3A_89] : memref<10000x32xf32, #tpu.memory_space<vmem_shared>> -> memref<128x32xf32, #tpu.memory_space<vmem_shared>>
      %dma_start3A_91 = arith.constant 0 : i32
      %dma_start3A_92 = tpu.memref_slice %arg13[%add3A_34, %dma_start3A_91] : memref<10000x32xf32, #tpu.memory_space<vmem_shared>> -> memref<128x32xf32, #tpu.memory_space<vmem_shared>>
      tpu.enqueue_dma source(%arg10 : memref<128x32xf32, #tpu.memory_space<vmem>>) target(%dma_start3A_92 : memref<128x32xf32, #tpu.memory_space<vmem_shared>>) target_semaphore(%run_scoped3A : memref<!tpu.dma_semaphore, #tpu.memory_space<semaphore_mem>>)
      %dma_wait3A_93 = arith.constant 0 : i32
      %dma_wait3A_94 = tpu.memref_slice %arg13[%add3A_34, %dma_wait3A_93] : memref<10000x32xf32, #tpu.memory_space<vmem_shared>> -> memref<128x32xf32, #tpu.memory_space<vmem_shared>>
      %dma_wait3A_95 = arith.constant 0 : i32
      %dma_wait3A_96 = tpu.memref_slice %arg13[%add3A_34, %dma_wait3A_95] : memref<10000x32xf32, #tpu.memory_space<vmem_shared>> -> memref<128x32xf32, #tpu.memory_space<vmem_shared>>
      tpu.wait_dma2 semaphore(%run_scoped3A : memref<!tpu.dma_semaphore, #tpu.memory_space<semaphore_mem>>) src(%arg10 : memref<128x32xf32, #tpu.memory_space<vmem>>) dst(%dma_wait3A_96 : memref<128x32xf32, #tpu.memory_space<vmem_shared>>)
      tpu.yield
    }) : () -> ()
    %add3A_35 = arith.constant 128 : i32
    %add3A_36 = arith.addi %multiple_of3A_32, %add3A_35 : i32
    "tpu.region"() ({
      %run_scoped3A = tpu.sem_alloc : memref<!tpu.dma_semaphore, #tpu.memory_space<semaphore_mem>>
      %dma_start3A_89 = arith.constant 0 : i32
      %dma_start3A_90 = tpu.memref_slice %arg13[%add3A_36, %dma_start3A_89] : memref<10000x32xf32, #tpu.memory_space<vmem_shared>> -> memref<128x32xf32, #tpu.memory_space<vmem_shared>>
      %dma_start3A_91 = arith.constant 0 : i32
      %dma_start3A_92 = tpu.memref_slice %arg13[%add3A_36, %dma_start3A_91] : memref<10000x32xf32, #tpu.memory_space<vmem_shared>> -> memref<128x32xf32, #tpu.memory_space<vmem_shared>>
      tpu.enqueue_dma source(%arg10 : memref<128x32xf32, #tpu.memory_space<vmem>>) target(%dma_start3A_92 : memref<128x32xf32, #tpu.memory_space<vmem_shared>>) target_semaphore(%run_scoped3A : memref<!tpu.dma_semaphore, #tpu.memory_space<semaphore_mem>>)
      %dma_wait3A_93 = arith.constant 0 : i32
      %dma_wait3A_94 = tpu.memref_slice %arg13[%add3A_36, %dma_wait3A_93] : memref<10000x32xf32, #tpu.memory_space<vmem_shared>> -> memref<128x32xf32, #tpu.memory_space<vmem_shared>>
      %dma_wait3A_95 = arith.constant 0 : i32
      %dma_wait3A_96 = tpu.memref_slice %arg13[%add3A_36, %dma_wait3A_95] : memref<10000x32xf32, #tpu.memory_space<vmem_shared>> -> memref<128x32xf32, #tpu.memory_space<vmem_shared>>
      tpu.wait_dma2 semaphore(%run_scoped3A : memref<!tpu.dma_semaphore, #tpu.memory_space<semaphore_mem>>) src(%arg10 : memref<128x32xf32, #tpu.memory_space<vmem>>) dst(%dma_wait3A_96 : memref<128x32xf32, #tpu.memory_space<vmem_shared>>)
      tpu.yield
    }) : () -> ()
    %add3A_37 = arith.constant 256 : i32
    %add3A_38 = arith.addi %multiple_of3A_32, %add3A_37 : i32
    "tpu.region"() ({
      %run_scoped3A = tpu.sem_alloc : memref<!tpu.dma_semaphore, #tpu.memory_space<semaphore_mem>>
      %dma_start3A_89 = arith.constant 0 : i32
      %dma_start3A_90 = tpu.memref_slice %arg13[%add3A_38, %dma_start3A_89] : memref<10000x32xf32, #tpu.memory_space<vmem_shared>> -> memref<128x32xf32, #tpu.memory_space<vmem_shared>>
      %dma_start3A_91 = arith.constant 0 : i32
      %dma_start3A_92 = tpu.memref_slice %arg13[%add3A_38, %dma_start3A_91] : memref<10000x32xf32, #tpu.memory_space<vmem_shared>> -> memref<128x32xf32, #tpu.memory_space<vmem_shared>>
      tpu.enqueue_dma source(%arg10 : memref<128x32xf32, #tpu.memory_space<vmem>>) target(%dma_start3A_92 : memref<128x32xf32, #tpu.memory_space<vmem_shared>>) target_semaphore(%run_scoped3A : memref<!tpu.dma_semaphore, #tpu.memory_space<semaphore_mem>>)
      %dma_wait3A_93 = arith.constant 0 : i32
      %dma_wait3A_94 = tpu.memref_slice %arg13[%add3A_38, %dma_wait3A_93] : memref<10000x32xf32, #tpu.memory_space<vmem_shared>> -> memref<128x32xf32, #tpu.memory_space<vmem_shared>>
      %dma_wait3A_95 = arith.constant 0 : i32
      %dma_wait3A_96 = tpu.memref_slice %arg13[%add3A_38, %dma_wait3A_95] : memref<10000x32xf32, #tpu.memory_space<vmem_shared>> -> memref<128x32xf32, #tpu.memory_space<vmem_shared>>
      tpu.wait_dma2 semaphore(%run_scoped3A : memref<!tpu.dma_semaphore, #tpu.memory_space<semaphore_mem>>) src(%arg10 : memref<128x32xf32, #tpu.memory_space<vmem>>) dst(%dma_wait3A_96 : memref<128x32xf32, #tpu.memory_space<vmem_shared>>)
      tpu.yield
    }) : () -> ()
    %add3A_39 = arith.constant 384 : i32
    %add3A_40 = arith.addi %multiple_of3A_32, %add3A_39 : i32
    "tpu.region"() ({
      %run_scoped3A = tpu.sem_alloc : memref<!tpu.dma_semaphore, #tpu.memory_space<semaphore_mem>>
      %dma_start3A_89 = arith.constant 0 : i32
      %dma_start3A_90 = tpu.memref_slice %arg13[%add3A_40, %dma_start3A_89] : memref<10000x32xf32, #tpu.memory_space<vmem_shared>> -> memref<128x32xf32, #tpu.memory_space<vmem_shared>>
      %dma_start3A_91 = arith.constant 0 : i32
      %dma_start3A_92 = tpu.memref_slice %arg13[%add3A_40, %dma_start3A_91] : memref<10000x32xf32, #tpu.memory_space<vmem_shared>> -> memref<128x32xf32, #tpu.memory_space<vmem_shared>>
      tpu.enqueue_dma source(%arg10 : memref<128x32xf32, #tpu.memory_space<vmem>>) target(%dma_start3A_92 : memref<128x32xf32, #tpu.memory_space<vmem_shared>>) target_semaphore(%run_scoped3A : memref<!tpu.dma_semaphore, #tpu.memory_space<semaphore_mem>>)
      %dma_wait3A_93 = arith.constant 0 : i32
      %dma_wait3A_94 = tpu.memref_slice %arg13[%add3A_40, %dma_wait3A_93] : memref<10000x32xf32, #tpu.memory_space<vmem_shared>> -> memref<128x32xf32, #tpu.memory_space<vmem_shared>>
      %dma_wait3A_95 = arith.constant 0 : i32
      %dma_wait3A_96 = tpu.memref_slice %arg13[%add3A_40, %dma_wait3A_95] : memref<10000x32xf32, #tpu.memory_space<vmem_shared>> -> memref<128x32xf32, #tpu.memory_space<vmem_shared>>
      tpu.wait_dma2 semaphore(%run_scoped3A : memref<!tpu.dma_semaphore, #tpu.memory_space<semaphore_mem>>) src(%arg10 : memref<128x32xf32, #tpu.memory_space<vmem>>) dst(%dma_wait3A_96 : memref<128x32xf32, #tpu.memory_space<vmem_shared>>)
      tpu.yield
    }) : () -> ()
    %add3A_41 = arith.constant 512 : i32
    %add3A_42 = arith.addi %multiple_of3A_32, %add3A_41 : i32
    "tpu.region"() ({
      %run_scoped3A = tpu.sem_alloc : memref<!tpu.dma_semaphore, #tpu.memory_space<semaphore_mem>>
      %dma_start3A_89 = arith.constant 0 : i32
      %dma_start3A_90 = tpu.memref_slice %arg13[%add3A_42, %dma_start3A_89] : memref<10000x32xf32, #tpu.memory_space<vmem_shared>> -> memref<128x32xf32, #tpu.memory_space<vmem_shared>>
      %dma_start3A_91 = arith.constant 0 : i32
      %dma_start3A_92 = tpu.memref_slice %arg13[%add3A_42, %dma_start3A_91] : memref<10000x32xf32, #tpu.memory_space<vmem_shared>> -> memref<128x32xf32, #tpu.memory_space<vmem_shared>>
      tpu.enqueue_dma source(%arg10 : memref<128x32xf32, #tpu.memory_space<vmem>>) target(%dma_start3A_92 : memref<128x32xf32, #tpu.memory_space<vmem_shared>>) target_semaphore(%run_scoped3A : memref<!tpu.dma_semaphore, #tpu.memory_space<semaphore_mem>>)
      %dma_wait3A_93 = arith.constant 0 : i32
      %dma_wait3A_94 = tpu.memref_slice %arg13[%add3A_42, %dma_wait3A_93] : memref<10000x32xf32, #tpu.memory_space<vmem_shared>> -> memref<128x32xf32, #tpu.memory_space<vmem_shared>>
      %dma_wait3A_95 = arith.constant 0 : i32
      %dma_wait3A_96 = tpu.memref_slice %arg13[%add3A_42, %dma_wait3A_95] : memref<10000x32xf32, #tpu.memory_space<vmem_shared>> -> memref<128x32xf32, #tpu.memory_space<vmem_shared>>
      tpu.wait_dma2 semaphore(%run_scoped3A : memref<!tpu.dma_semaphore, #tpu.memory_space<semaphore_mem>>) src(%arg10 : memref<128x32xf32, #tpu.memory_space<vmem>>) dst(%dma_wait3A_96 : memref<128x32xf32, #tpu.memory_space<vmem_shared>>)
      tpu.yield
    }) : () -> ()
    %barrier3A = arith.constant 0 : index
    tpu.barrier barrier_id(%barrier3A)
    %dma_start3A_43 = arith.constant 0 : i32
    %dma_start3A_44 = arith.constant 0 : i32
    %dma_start3A_45 = tpu.memref_slice %arg7[%dma_start3A_43, %dma_start3A_44] : memref<81x128xi32, #tpu.memory_space<vmem>> -> memref<1x128xi32, #tpu.memory_space<vmem>>
    %dma_start3A_46 = tpu.memref_squeeze %dma_start3A_45 : memref<1x128xi32, #tpu.memory_space<vmem>> -> memref<128xi32, #tpu.memory_space<vmem>>
    %dma_start3A_47 = arith.constant 0 : i32
    %dma_start3A_48 = arith.constant 0 : i32
    %dma_start3A_49 = tpu.memref_slice %arg5[%dma_start3A_47, %dma_start3A_48] : memref<10000x32xf32, #tpu.memory_space<hbm>> -> memref<10000x32xf32, #tpu.memory_space<hbm>>
    tpu.enqueue_indirect_dma source(%dma_start3A_49 : memref<10000x32xf32, #tpu.memory_space<hbm>>) target(%arg10 : memref<128x32xf32, #tpu.memory_space<vmem>>) offsets(%dma_start3A_46 : memref<128xi32, #tpu.memory_space<vmem>>) semaphore(%arg14 : memref<!tpu.dma_semaphore, #tpu.memory_space<semaphore_mem>>)
    %dma_start3A_50 = arith.constant 1 : i32
    %dma_start3A_51 = arith.constant 0 : i32
    %dma_start3A_52 = tpu.memref_slice %arg7[%dma_start3A_50, %dma_start3A_51] : memref<81x128xi32, #tpu.memory_space<vmem>> -> memref<1x128xi32, #tpu.memory_space<vmem>>
    %dma_start3A_53 = tpu.memref_squeeze %dma_start3A_52 : memref<1x128xi32, #tpu.memory_space<vmem>> -> memref<128xi32, #tpu.memory_space<vmem>>
    %dma_start3A_54 = arith.constant 0 : i32
    %dma_start3A_55 = arith.constant 0 : i32
    %dma_start3A_56 = tpu.memref_slice %arg5[%dma_start3A_54, %dma_start3A_55] : memref<10000x32xf32, #tpu.memory_space<hbm>> -> memref<10000x32xf32, #tpu.memory_space<hbm>>
    tpu.enqueue_indirect_dma source(%dma_start3A_56 : memref<10000x32xf32, #tpu.memory_space<hbm>>) target(%arg11 : memref<128x32xf32, #tpu.memory_space<vmem>>) offsets(%dma_start3A_53 : memref<128xi32, #tpu.memory_space<vmem>>) semaphore(%arg15 : memref<!tpu.dma_semaphore, #tpu.memory_space<semaphore_mem>>)
    %scan3A_57 = arith.constant 0 : i32
    %scan3A_58 = arith.constant 0 : i32
    %scan3A_59 = arith.constant 27 : i32
    %scan3A_60 = arith.addi %scan3A_58, %scan3A_59 : i32
    %scan3A_61 = arith.constant 1 : i32
    %scan3A_62 = scf.for %scan3A_89 = %scan3A_58 to %scan3A_60 step %scan3A_61 iter_args(%scan3A_90 = %scan3A_57) -> (i32)  : i32 {
      %mul3A_91 = arith.constant 3 : i32
      %mul3A_92 = arith.muli %scan3A_89, %mul3A_91 : i32
      %add3A_93 = arith.constant 0 : i32
      %add3A_94 = arith.addi %mul3A_92, %add3A_93 : i32
      %dma_wait3A_95 = arith.constant 0 : i32
      %dma_wait3A_96 = tpu.memref_slice %arg7[%add3A_94, %dma_wait3A_95] : memref<81x128xi32, #tpu.memory_space<vmem>> -> memref<1x128xi32, #tpu.memory_space<vmem>>
      %dma_wait3A_97 = tpu.memref_squeeze %dma_wait3A_96 : memref<1x128xi32, #tpu.memory_space<vmem>> -> memref<128xi32, #tpu.memory_space<vmem>>
      %dma_wait3A_98 = arith.constant 0 : i32
      %dma_wait3A_99 = arith.constant 0 : i32
      %dma_wait3A_100 = tpu.memref_slice %arg5[%dma_wait3A_98, %dma_wait3A_99] : memref<10000x32xf32, #tpu.memory_space<hbm>> -> memref<10000x32xf32, #tpu.memory_space<hbm>>
      tpu.wait_indirect_dma semaphore(%arg14 : memref<!tpu.dma_semaphore, #tpu.memory_space<semaphore_mem>>) src(%dma_wait3A_100 : memref<10000x32xf32, #tpu.memory_space<hbm>>) dst(%arg10 : memref<128x32xf32, #tpu.memory_space<vmem>>)
      %mul3A_101 = arith.constant 128 : i32
      %mul3A_102 = arith.muli %add3A_94, %mul3A_101 : i32
      %parallel_loop3A = arith.constant 0 : i32
      %parallel_loop3A_103 = arith.constant 128 : i32
      %parallel_loop3A_104 = arith.constant 1 : i32
      scf.for %parallel_loop3A_175 = %parallel_loop3A to %parallel_loop3A_103 step %parallel_loop3A_104  : i32 {
        %parallel_loop3A_176 = arith.addi %mul3A_102, %parallel_loop3A_175 : i32
        %parallel_loop3A_177 = vector.broadcast %parallel_loop3A_176 : i32 to vector<16xi32>
        %parallel_loop3A_178 = tpu.vector_load_idx %arg9[%parallel_loop3A_177] : memref<10368xf32, #tpu.memory_space<vmem>>[vector<16xi32>], vector<16xf32>,
        %parallel_loop3A_179 = arith.index_cast %parallel_loop3A_175 : i32 to index
        %parallel_loop3A_180 = arith.constant 0 : index
        %parallel_loop3A_181 = tpu.vector_load %arg10[%parallel_loop3A_179, %parallel_loop3A_180] {strides = array<i32>} : memref<128x32xf32, #tpu.memory_space<vmem>>, vector<16xf32>,
        %parallel_loop3A_182 = arith.mulf %parallel_loop3A_181, %parallel_loop3A_178 : vector<16xf32>
        %parallel_loop3A_183 = arith.index_cast %parallel_loop3A_175 : i32 to index
        %parallel_loop3A_184 = arith.constant 0 : index
        %parallel_loop3A_185 = tpu.vector_load %arg10[%parallel_loop3A_183, %parallel_loop3A_184] {strides = array<i32>} : memref<128x32xf32, #tpu.memory_space<vmem>>, vector<16xf32>,
        tpu.vector_store %arg10[%parallel_loop3A_183, %parallel_loop3A_184], %parallel_loop3A_182 {strides = array<i32>} : memref<128x32xf32, #tpu.memory_space<vmem>>, vector<16xf32>,
        %parallel_loop3A_186 = arith.index_cast %parallel_loop3A_175 : i32 to index
        %parallel_loop3A_187 = arith.constant 16 : index
        %parallel_loop3A_188 = tpu.vector_load %arg10[%parallel_loop3A_186, %parallel_loop3A_187] {strides = array<i32>} : memref<128x32xf32, #tpu.memory_space<vmem>>, vector<16xf32>,
        %parallel_loop3A_189 = arith.mulf %parallel_loop3A_188, %parallel_loop3A_178 : vector<16xf32>
        %parallel_loop3A_190 = arith.index_cast %parallel_loop3A_175 : i32 to index
        %parallel_loop3A_191 = arith.constant 16 : index
        %parallel_loop3A_192 = tpu.vector_load %arg10[%parallel_loop3A_190, %parallel_loop3A_191] {strides = array<i32>} : memref<128x32xf32, #tpu.memory_space<vmem>>, vector<16xf32>,
        tpu.vector_store %arg10[%parallel_loop3A_190, %parallel_loop3A_191], %parallel_loop3A_189 {strides = array<i32>} : memref<128x32xf32, #tpu.memory_space<vmem>>, vector<16xf32>,
      } {sc.loop_unroll_factor = 4 : i64, sc.parallel_access}
      %dma_start3A_105 = arith.constant 0 : i32
      %dma_start3A_106 = tpu.memref_slice %arg8[%add3A_94, %dma_start3A_105] : memref<81x128xi32, #tpu.memory_space<vmem>> -> memref<1x128xi32, #tpu.memory_space<vmem>>
      %dma_start3A_107 = tpu.memref_squeeze %dma_start3A_106 : memref<1x128xi32, #tpu.memory_space<vmem>> -> memref<128xi32, #tpu.memory_space<vmem>>
      %dma_start3A_108 = arith.constant 0 : i32
      %dma_start3A_109 = arith.constant 0 : i32
      %dma_start3A_110 = tpu.memref_slice %arg13[%dma_start3A_108, %dma_start3A_109] : memref<10000x32xf32, #tpu.memory_space<vmem_shared>> -> memref<10000x32xf32, #tpu.memory_space<vmem_shared>>
      tpu.enqueue_indirect_dma source(%arg10 : memref<128x32xf32, #tpu.memory_space<vmem>>) target(%dma_start3A_110 : memref<10000x32xf32, #tpu.memory_space<vmem_shared>>) offsets(%dma_start3A_107 : memref<128xi32, #tpu.memory_space<vmem>>) semaphore(%arg17 : memref<!tpu.dma_semaphore, #tpu.memory_space<semaphore_mem>>) {add = true}
      %ge3A = arith.constant 1 : i32
      %ge3A_111 = arith.cmpi sge, %scan3A_89, %ge3A : i32
      %or3A = arith.constant false
      %or3A_112 = arith.ori %or3A, %ge3A_111 : i1
      %convert_element_type3A = arith.extui %or3A_112 : i1 to i32
      %cond3A = arith.constant 0 : i32
      %cond3A_113 = arith.cmpi ne, %convert_element_type3A, %cond3A : i32
      scf.if %cond3A_113 {
        %dma_wait3A_175 = arith.constant 0 : i32
        %dma_wait3A_176 = tpu.memref_slice %arg8[%add3A_94, %dma_wait3A_175] : memref<81x128xi32, #tpu.memory_space<vmem>> -> memref<1x128xi32, #tpu.memory_space<vmem>>
        %dma_wait3A_177 = tpu.memref_squeeze %dma_wait3A_176 : memref<1x128xi32, #tpu.memory_space<vmem>> -> memref<128xi32, #tpu.memory_space<vmem>>
        %dma_wait3A_178 = arith.constant 0 : i32
        %dma_wait3A_179 = arith.constant 0 : i32
        %dma_wait3A_180 = tpu.memref_slice %arg13[%dma_wait3A_178, %dma_wait3A_179] : memref<10000x32xf32, #tpu.memory_space<vmem_shared>> -> memref<10000x32xf32, #tpu.memory_space<vmem_shared>>
        tpu.wait_indirect_dma semaphore(%arg19 : memref<!tpu.dma_semaphore, #tpu.memory_space<semaphore_mem>>) src(%arg12 : memref<128x32xf32, #tpu.memory_space<vmem>>) dst(%dma_wait3A_180 : memref<10000x32xf32, #tpu.memory_space<vmem_shared>>)
      } else {
      }
      %add3A_114 = arith.constant 3 : i32
      %add3A_115 = arith.addi %add3A_94, %add3A_114 : i32
      %sub3A = arith.constant 1 : i32
      %sub3A_116 = arith.subi %add3A_115, %sub3A : i32
      %dma_start3A_117 = arith.constant 0 : i32
      %dma_start3A_118 = tpu.memref_slice %arg7[%sub3A_116, %dma_start3A_117] : memref<81x128xi32, #tpu.memory_space<vmem>> -> memref<1x128xi32, #tpu.memory_space<vmem>>
      %dma_start3A_119 = tpu.memref_squeeze %dma_start3A_118 : memref<1x128xi32, #tpu.memory_space<vmem>> -> memref<128xi32, #tpu.memory_space<vmem>>
      %dma_start3A_120 = arith.constant 0 : i32
      %dma_start3A_121 = arith.constant 0 : i32
      %dma_start3A_122 = tpu.memref_slice %arg5[%dma_start3A_120, %dma_start3A_121] : memref<10000x32xf32, #tpu.memory_space<hbm>> -> memref<10000x32xf32, #tpu.memory_space<hbm>>
      tpu.enqueue_indirect_dma source(%dma_start3A_122 : memref<10000x32xf32, #tpu.memory_space<hbm>>) target(%arg12 : memref<128x32xf32, #tpu.memory_space<vmem>>) offsets(%dma_start3A_119 : memref<128xi32, #tpu.memory_space<vmem>>) semaphore(%arg16 : memref<!tpu.dma_semaphore, #tpu.memory_space<semaphore_mem>>)
      %mul3A_123 = arith.constant 3 : i32
      %mul3A_124 = arith.muli %scan3A_89, %mul3A_123 : i32
      %add3A_125 = arith.constant 1 : i32
      %add3A_126 = arith.addi %mul3A_124, %add3A_125 : i32
      %dma_wait3A_127 = arith.constant 0 : i32
      %dma_wait3A_128 = tpu.memref_slice %arg7[%add3A_126, %dma_wait3A_127] : memref<81x128xi32, #tpu.memory_space<vmem>> -> memref<1x128xi32, #tpu.memory_space<vmem>>
      %dma_wait3A_129 = tpu.memref_squeeze %dma_wait3A_128 : memref<1x128xi32, #tpu.memory_space<vmem>> -> memref<128xi32, #tpu.memory_space<vmem>>
      %dma_wait3A_130 = arith.constant 0 : i32
      %dma_wait3A_131 = arith.constant 0 : i32
      %dma_wait3A_132 = tpu.memref_slice %arg5[%dma_wait3A_130, %dma_wait3A_131] : memref<10000x32xf32, #tpu.memory_space<hbm>> -> memref<10000x32xf32, #tpu.memory_space<hbm>>
      tpu.wait_indirect_dma semaphore(%arg15 : memref<!tpu.dma_semaphore, #tpu.memory_space<semaphore_mem>>) src(%dma_wait3A_132 : memref<10000x32xf32, #tpu.memory_space<hbm>>) dst(%arg11 : memref<128x32xf32, #tpu.memory_space<vmem>>)
      %mul3A_133 = arith.constant 128 : i32
      %mul3A_134 = arith.muli %add3A_126, %mul3A_133 : i32
      %parallel_loop3A_135 = arith.constant 0 : i32
      %parallel_loop3A_136 = arith.constant 128 : i32
      %parallel_loop3A_137 = arith.constant 1 : i32
      scf.for %parallel_loop3A_175 = %parallel_loop3A_135 to %parallel_loop3A_136 step %parallel_loop3A_137  : i32 {
        %parallel_loop3A_176 = arith.addi %mul3A_134, %parallel_loop3A_175 : i32
        %parallel_loop3A_177 = vector.broadcast %parallel_loop3A_176 : i32 to vector<16xi32>
        %parallel_loop3A_178 = tpu.vector_load_idx %arg9[%parallel_loop3A_177] : memref<10368xf32, #tpu.memory_space<vmem>>[vector<16xi32>], vector<16xf32>,
        %parallel_loop3A_179 = arith.index_cast %parallel_loop3A_175 : i32 to index
        %parallel_loop3A_180 = arith.constant 0 : index
        %parallel_loop3A_181 = tpu.vector_load %arg11[%parallel_loop3A_179, %parallel_loop3A_180] {strides = array<i32>} : memref<128x32xf32, #tpu.memory_space<vmem>>, vector<16xf32>,
        %parallel_loop3A_182 = arith.mulf %parallel_loop3A_181, %parallel_loop3A_178 : vector<16xf32>
        %parallel_loop3A_183 = arith.index_cast %parallel_loop3A_175 : i32 to index
        %parallel_loop3A_184 = arith.constant 0 : index
        %parallel_loop3A_185 = tpu.vector_load %arg11[%parallel_loop3A_183, %parallel_loop3A_184] {strides = array<i32>} : memref<128x32xf32, #tpu.memory_space<vmem>>, vector<16xf32>,
        tpu.vector_store %arg11[%parallel_loop3A_183, %parallel_loop3A_184], %parallel_loop3A_182 {strides = array<i32>} : memref<128x32xf32, #tpu.memory_space<vmem>>, vector<16xf32>,
        %parallel_loop3A_186 = arith.index_cast %parallel_loop3A_175 : i32 to index
        %parallel_loop3A_187 = arith.constant 16 : index
        %parallel_loop3A_188 = tpu.vector_load %arg11[%parallel_loop3A_186, %parallel_loop3A_187] {strides = array<i32>} : memref<128x32xf32, #tpu.memory_space<vmem>>, vector<16xf32>,
        %parallel_loop3A_189 = arith.mulf %parallel_loop3A_188, %parallel_loop3A_178 : vector<16xf32>
        %parallel_loop3A_190 = arith.index_cast %parallel_loop3A_175 : i32 to index
        %parallel_loop3A_191 = arith.constant 16 : index
        %parallel_loop3A_192 = tpu.vector_load %arg11[%parallel_loop3A_190, %parallel_loop3A_191] {strides = array<i32>} : memref<128x32xf32, #tpu.memory_space<vmem>>, vector<16xf32>,
        tpu.vector_store %arg11[%parallel_loop3A_190, %parallel_loop3A_191], %parallel_loop3A_189 {strides = array<i32>} : memref<128x32xf32, #tpu.memory_space<vmem>>, vector<16xf32>,
      } {sc.loop_unroll_factor = 4 : i64, sc.parallel_access}
      %dma_start3A_138 = arith.constant 0 : i32
      %dma_start3A_139 = tpu.memref_slice %arg8[%add3A_126, %dma_start3A_138] : memref<81x128xi32, #tpu.memory_space<vmem>> -> memref<1x128xi32, #tpu.memory_space<vmem>>
      %dma_start3A_140 = tpu.memref_squeeze %dma_start3A_139 : memref<1x128xi32, #tpu.memory_space<vmem>> -> memref<128xi32, #tpu.memory_space<vmem>>
      %dma_start3A_141 = arith.constant 0 : i32
      %dma_start3A_142 = arith.constant 0 : i32
      %dma_start3A_143 = tpu.memref_slice %arg13[%dma_start3A_141, %dma_start3A_142] : memref<10000x32xf32, #tpu.memory_space<vmem_shared>> -> memref<10000x32xf32, #tpu.memory_space<vmem_shared>>
      tpu.enqueue_indirect_dma source(%arg11 : memref<128x32xf32, #tpu.memory_space<vmem>>) target(%dma_start3A_143 : memref<10000x32xf32, #tpu.memory_space<vmem_shared>>) offsets(%dma_start3A_140 : memref<128xi32, #tpu.memory_space<vmem>>) semaphore(%arg18 : memref<!tpu.dma_semaphore, #tpu.memory_space<semaphore_mem>>) {add = true}
      %lt3A = arith.constant 26 : i32
      %lt3A_144 = arith.cmpi slt, %scan3A_89, %lt3A : i32
      %convert_element_type3A_145 = arith.extui %lt3A_144 : i1 to i32
      %cond3A_146 = arith.constant 0 : i32
      %cond3A_147 = arith.cmpi ne, %convert_element_type3A_145, %cond3A_146 : i32
      scf.if %cond3A_147 {
        %ge3A_175 = arith.constant 1 : i32
        %ge3A_176 = arith.cmpi sge, %scan3A_89, %ge3A_175 : i32
        %or3A_177 = arith.constant true
        %or3A_178 = arith.ori %or3A_177, %ge3A_176 : i1
        %convert_element_type3A_179 = arith.extui %or3A_178 : i1 to i32
        %cond3A_180 = arith.constant 0 : i32
        %cond3A_181 = arith.cmpi ne, %convert_element_type3A_179, %cond3A_180 : i32
        scf.if %cond3A_181 {
          %dma_wait3A_192 = arith.constant 0 : i32
          %dma_wait3A_193 = tpu.memref_slice %arg8[%add3A_126, %dma_wait3A_192] : memref<81x128xi32, #tpu.memory_space<vmem>> -> memref<1x128xi32, #tpu.memory_space<vmem>>
          %dma_wait3A_194 = tpu.memref_squeeze %dma_wait3A_193 : memref<1x128xi32, #tpu.memory_space<vmem>> -> memref<128xi32, #tpu.memory_space<vmem>>
          %dma_wait3A_195 = arith.constant 0 : i32
          %dma_wait3A_196 = arith.constant 0 : i32
          %dma_wait3A_197 = tpu.memref_slice %arg13[%dma_wait3A_195, %dma_wait3A_196] : memref<10000x32xf32, #tpu.memory_space<vmem_shared>> -> memref<10000x32xf32, #tpu.memory_space<vmem_shared>>
          tpu.wait_indirect_dma semaphore(%arg17 : memref<!tpu.dma_semaphore, #tpu.memory_space<semaphore_mem>>) src(%arg10 : memref<128x32xf32, #tpu.memory_space<vmem>>) dst(%dma_wait3A_197 : memref<10000x32xf32, #tpu.memory_space<vmem_shared>>)
        } else {
        }
        %add3A_182 = arith.constant 3 : i32
        %add3A_183 = arith.addi %add3A_126, %add3A_182 : i32
        %sub3A_184 = arith.constant 1 : i32
        %sub3A_185 = arith.subi %add3A_183, %sub3A_184 : i32
        %dma_start3A_186 = arith.constant 0 : i32
        %dma_start3A_187 = tpu.memref_slice %arg7[%sub3A_185, %dma_start3A_186] : memref<81x128xi32, #tpu.memory_space<vmem>> -> memref<1x128xi32, #tpu.memory_space<vmem>>
        %dma_start3A_188 = tpu.memref_squeeze %dma_start3A_187 : memref<1x128xi32, #tpu.memory_space<vmem>> -> memref<128xi32, #tpu.memory_space<vmem>>
        %dma_start3A_189 = arith.constant 0 : i32
        %dma_start3A_190 = arith.constant 0 : i32
        %dma_start3A_191 = tpu.memref_slice %arg5[%dma_start3A_189, %dma_start3A_190] : memref<10000x32xf32, #tpu.memory_space<hbm>> -> memref<10000x32xf32, #tpu.memory_space<hbm>>
        tpu.enqueue_indirect_dma source(%dma_start3A_191 : memref<10000x32xf32, #tpu.memory_space<hbm>>) target(%arg10 : memref<128x32xf32, #tpu.memory_space<vmem>>) offsets(%dma_start3A_188 : memref<128xi32, #tpu.memory_space<vmem>>) semaphore(%arg14 : memref<!tpu.dma_semaphore, #tpu.memory_space<semaphore_mem>>)
      } else {
      }
      %mul3A_148 = arith.constant 3 : i32
      %mul3A_149 = arith.muli %scan3A_89, %mul3A_148 : i32
      %add3A_150 = arith.constant 2 : i32
      %add3A_151 = arith.addi %mul3A_149, %add3A_150 : i32
      %dma_wait3A_152 = arith.constant 0 : i32
      %dma_wait3A_153 = tpu.memref_slice %arg7[%add3A_151, %dma_wait3A_152] : memref<81x128xi32, #tpu.memory_space<vmem>> -> memref<1x128xi32, #tpu.memory_space<vmem>>
      %dma_wait3A_154 = tpu.memref_squeeze %dma_wait3A_153 : memref<1x128xi32, #tpu.memory_space<vmem>> -> memref<128xi32, #tpu.memory_space<vmem>>
      %dma_wait3A_155 = arith.constant 0 : i32
      %dma_wait3A_156 = arith.constant 0 : i32
      %dma_wait3A_157 = tpu.memref_slice %arg5[%dma_wait3A_155, %dma_wait3A_156] : memref<10000x32xf32, #tpu.memory_space<hbm>> -> memref<10000x32xf32, #tpu.memory_space<hbm>>
      tpu.wait_indirect_dma semaphore(%arg16 : memref<!tpu.dma_semaphore, #tpu.memory_space<semaphore_mem>>) src(%dma_wait3A_157 : memref<10000x32xf32, #tpu.memory_space<hbm>>) dst(%arg12 : memref<128x32xf32, #tpu.memory_space<vmem>>)
      %mul3A_158 = arith.constant 128 : i32
      %mul3A_159 = arith.muli %add3A_151, %mul3A_158 : i32
      %parallel_loop3A_160 = arith.constant 0 : i32
      %parallel_loop3A_161 = arith.constant 128 : i32
      %parallel_loop3A_162 = arith.constant 1 : i32
      scf.for %parallel_loop3A_175 = %parallel_loop3A_160 to %parallel_loop3A_161 step %parallel_loop3A_162  : i32 {
        %parallel_loop3A_176 = arith.addi %mul3A_159, %parallel_loop3A_175 : i32
        %parallel_loop3A_177 = vector.broadcast %parallel_loop3A_176 : i32 to vector<16xi32>
        %parallel_loop3A_178 = tpu.vector_load_idx %arg9[%parallel_loop3A_177] : memref<10368xf32, #tpu.memory_space<vmem>>[vector<16xi32>], vector<16xf32>,
        %parallel_loop3A_179 = arith.index_cast %parallel_loop3A_175 : i32 to index
        %parallel_loop3A_180 = arith.constant 0 : index
        %parallel_loop3A_181 = tpu.vector_load %arg12[%parallel_loop3A_179, %parallel_loop3A_180] {strides = array<i32>} : memref<128x32xf32, #tpu.memory_space<vmem>>, vector<16xf32>,
        %parallel_loop3A_182 = arith.mulf %parallel_loop3A_181, %parallel_loop3A_178 : vector<16xf32>
        %parallel_loop3A_183 = arith.index_cast %parallel_loop3A_175 : i32 to index
        %parallel_loop3A_184 = arith.constant 0 : index
        %parallel_loop3A_185 = tpu.vector_load %arg12[%parallel_loop3A_183, %parallel_loop3A_184] {strides = array<i32>} : memref<128x32xf32, #tpu.memory_space<vmem>>, vector<16xf32>,
        tpu.vector_store %arg12[%parallel_loop3A_183, %parallel_loop3A_184], %parallel_loop3A_182 {strides = array<i32>} : memref<128x32xf32, #tpu.memory_space<vmem>>, vector<16xf32>,
        %parallel_loop3A_186 = arith.index_cast %parallel_loop3A_175 : i32 to index
        %parallel_loop3A_187 = arith.constant 16 : index
        %parallel_loop3A_188 = tpu.vector_load %arg12[%parallel_loop3A_186, %parallel_loop3A_187] {strides = array<i32>} : memref<128x32xf32, #tpu.memory_space<vmem>>, vector<16xf32>,
        %parallel_loop3A_189 = arith.mulf %parallel_loop3A_188, %parallel_loop3A_178 : vector<16xf32>
        %parallel_loop3A_190 = arith.index_cast %parallel_loop3A_175 : i32 to index
        %parallel_loop3A_191 = arith.constant 16 : index
        %parallel_loop3A_192 = tpu.vector_load %arg12[%parallel_loop3A_190, %parallel_loop3A_191] {strides = array<i32>} : memref<128x32xf32, #tpu.memory_space<vmem>>, vector<16xf32>,
        tpu.vector_store %arg12[%parallel_loop3A_190, %parallel_loop3A_191], %parallel_loop3A_189 {strides = array<i32>} : memref<128x32xf32, #tpu.memory_space<vmem>>, vector<16xf32>,
      } {sc.loop_unroll_factor = 4 : i64, sc.parallel_access}
      %dma_start3A_163 = arith.constant 0 : i32
      %dma_start3A_164 = tpu.memref_slice %arg8[%add3A_151, %dma_start3A_163] : memref<81x128xi32, #tpu.memory_space<vmem>> -> memref<1x128xi32, #tpu.memory_space<vmem>>
      %dma_start3A_165 = tpu.memref_squeeze %dma_start3A_164 : memref<1x128xi32, #tpu.memory_space<vmem>> -> memref<128xi32, #tpu.memory_space<vmem>>
      %dma_start3A_166 = arith.constant 0 : i32
      %dma_start3A_167 = arith.constant 0 : i32
      %dma_start3A_168 = tpu.memref_slice %arg13[%dma_start3A_166, %dma_start3A_167] : memref<10000x32xf32, #tpu.memory_space<vmem_shared>> -> memref<10000x32xf32, #tpu.memory_space<vmem_shared>>
      tpu.enqueue_indirect_dma source(%arg12 : memref<128x32xf32, #tpu.memory_space<vmem>>) target(%dma_start3A_168 : memref<10000x32xf32, #tpu.memory_space<vmem_shared>>) offsets(%dma_start3A_165 : memref<128xi32, #tpu.memory_space<vmem>>) semaphore(%arg19 : memref<!tpu.dma_semaphore, #tpu.memory_space<semaphore_mem>>) {add = true}
      %lt3A_169 = arith.constant 26 : i32
      %lt3A_170 = arith.cmpi slt, %scan3A_89, %lt3A_169 : i32
      %convert_element_type3A_171 = arith.extui %lt3A_170 : i1 to i32
      %cond3A_172 = arith.constant 0 : i32
      %cond3A_173 = arith.cmpi ne, %convert_element_type3A_171, %cond3A_172 : i32
      scf.if %cond3A_173 {
        %ge3A_175 = arith.constant 1 : i32
        %ge3A_176 = arith.cmpi sge, %scan3A_89, %ge3A_175 : i32
        %or3A_177 = arith.constant true
        %or3A_178 = arith.ori %or3A_177, %ge3A_176 : i1
        %convert_element_type3A_179 = arith.extui %or3A_178 : i1 to i32
        %cond3A_180 = arith.constant 0 : i32
        %cond3A_181 = arith.cmpi ne, %convert_element_type3A_179, %cond3A_180 : i32
        scf.if %cond3A_181 {
          %dma_wait3A_192 = arith.constant 0 : i32
          %dma_wait3A_193 = tpu.memref_slice %arg8[%add3A_151, %dma_wait3A_192] : memref<81x128xi32, #tpu.memory_space<vmem>> -> memref<1x128xi32, #tpu.memory_space<vmem>>
          %dma_wait3A_194 = tpu.memref_squeeze %dma_wait3A_193 : memref<1x128xi32, #tpu.memory_space<vmem>> -> memref<128xi32, #tpu.memory_space<vmem>>
          %dma_wait3A_195 = arith.constant 0 : i32
          %dma_wait3A_196 = arith.constant 0 : i32
          %dma_wait3A_197 = tpu.memref_slice %arg13[%dma_wait3A_195, %dma_wait3A_196] : memref<10000x32xf32, #tpu.memory_space<vmem_shared>> -> memref<10000x32xf32, #tpu.memory_space<vmem_shared>>
          tpu.wait_indirect_dma semaphore(%arg18 : memref<!tpu.dma_semaphore, #tpu.memory_space<semaphore_mem>>) src(%arg11 : memref<128x32xf32, #tpu.memory_space<vmem>>) dst(%dma_wait3A_197 : memref<10000x32xf32, #tpu.memory_space<vmem_shared>>)
        } else {
        }
        %add3A_182 = arith.constant 3 : i32
        %add3A_183 = arith.addi %add3A_151, %add3A_182 : i32
        %sub3A_184 = arith.constant 1 : i32
        %sub3A_185 = arith.subi %add3A_183, %sub3A_184 : i32
        %dma_start3A_186 = arith.constant 0 : i32
        %dma_start3A_187 = tpu.memref_slice %arg7[%sub3A_185, %dma_start3A_186] : memref<81x128xi32, #tpu.memory_space<vmem>> -> memref<1x128xi32, #tpu.memory_space<vmem>>
        %dma_start3A_188 = tpu.memref_squeeze %dma_start3A_187 : memref<1x128xi32, #tpu.memory_space<vmem>> -> memref<128xi32, #tpu.memory_space<vmem>>
        %dma_start3A_189 = arith.constant 0 : i32
        %dma_start3A_190 = arith.constant 0 : i32
        %dma_start3A_191 = tpu.memref_slice %arg5[%dma_start3A_189, %dma_start3A_190] : memref<10000x32xf32, #tpu.memory_space<hbm>> -> memref<10000x32xf32, #tpu.memory_space<hbm>>
        tpu.enqueue_indirect_dma source(%dma_start3A_191 : memref<10000x32xf32, #tpu.memory_space<hbm>>) target(%arg11 : memref<128x32xf32, #tpu.memory_space<vmem>>) offsets(%dma_start3A_188 : memref<128xi32, #tpu.memory_space<vmem>>) semaphore(%arg15 : memref<!tpu.dma_semaphore, #tpu.memory_space<semaphore_mem>>)
      } else {
      }
      %scan3A_174 = arith.constant 0 : i32
      scf.yield %scan3A_174 : i32
    }
    %scan3A_63 = arith.constant 27 : i32
    %dma_wait3A_64 = arith.constant 0 : i32
    %dma_wait3A_65 = arith.constant 0 : i32
    %dma_wait3A_66 = tpu.memref_slice %arg8[%dma_wait3A_64, %dma_wait3A_65] : memref<81x128xi32, #tpu.memory_space<vmem>> -> memref<1x128xi32, #tpu.memory_space<vmem>>
    %dma_wait3A_67 = tpu.memref_squeeze %dma_wait3A_66 : memref<1x128xi32, #tpu.memory_space<vmem>> -> memref<128xi32, #tpu.memory_space<vmem>>
    %dma_wait3A_68 = arith.constant 0 : i32
    %dma_wait3A_69 = arith.constant 0 : i32
    %dma_wait3A_70 = tpu.memref_slice %arg13[%dma_wait3A_68, %dma_wait3A_69] : memref<10000x32xf32, #tpu.memory_space<vmem_shared>> -> memref<10000x32xf32, #tpu.memory_space<vmem_shared>>
    tpu.wait_indirect_dma semaphore(%arg17 : memref<!tpu.dma_semaphore, #tpu.memory_space<semaphore_mem>>) src(%arg10 : memref<128x32xf32, #tpu.memory_space<vmem>>) dst(%dma_wait3A_70 : memref<10000x32xf32, #tpu.memory_space<vmem_shared>>)
    %dma_wait3A_71 = arith.constant 0 : i32
    %dma_wait3A_72 = arith.constant 0 : i32
    %dma_wait3A_73 = tpu.memref_slice %arg8[%dma_wait3A_71, %dma_wait3A_72] : memref<81x128xi32, #tpu.memory_space<vmem>> -> memref<1x128xi32, #tpu.memory_space<vmem>>
    %dma_wait3A_74 = tpu.memref_squeeze %dma_wait3A_73 : memref<1x128xi32, #tpu.memory_space<vmem>> -> memref<128xi32, #tpu.memory_space<vmem>>
    %dma_wait3A_75 = arith.constant 0 : i32
    %dma_wait3A_76 = arith.constant 0 : i32
    %dma_wait3A_77 = tpu.memref_slice %arg13[%dma_wait3A_75, %dma_wait3A_76] : memref<10000x32xf32, #tpu.memory_space<vmem_shared>> -> memref<10000x32xf32, #tpu.memory_space<vmem_shared>>
    tpu.wait_indirect_dma semaphore(%arg18 : memref<!tpu.dma_semaphore, #tpu.memory_space<semaphore_mem>>) src(%arg11 : memref<128x32xf32, #tpu.memory_space<vmem>>) dst(%dma_wait3A_77 : memref<10000x32xf32, #tpu.memory_space<vmem_shared>>)
    %dma_wait3A_78 = arith.constant 0 : i32
    %dma_wait3A_79 = arith.constant 0 : i32
    %dma_wait3A_80 = tpu.memref_slice %arg8[%dma_wait3A_78, %dma_wait3A_79] : memref<81x128xi32, #tpu.memory_space<vmem>> -> memref<1x128xi32, #tpu.memory_space<vmem>>
    %dma_wait3A_81 = tpu.memref_squeeze %dma_wait3A_80 : memref<1x128xi32, #tpu.memory_space<vmem>> -> memref<128xi32, #tpu.memory_space<vmem>>
    %dma_wait3A_82 = arith.constant 0 : i32
    %dma_wait3A_83 = arith.constant 0 : i32
    %dma_wait3A_84 = tpu.memref_slice %arg13[%dma_wait3A_82, %dma_wait3A_83] : memref<10000x32xf32, #tpu.memory_space<vmem_shared>> -> memref<10000x32xf32, #tpu.memory_space<vmem_shared>>
    tpu.wait_indirect_dma semaphore(%arg19 : memref<!tpu.dma_semaphore, #tpu.memory_space<semaphore_mem>>) src(%arg12 : memref<128x32xf32, #tpu.memory_space<vmem>>) dst(%dma_wait3A_84 : memref<10000x32xf32, #tpu.memory_space<vmem_shared>>)
    %barrier3A_85 = arith.constant 0 : index
    tpu.barrier barrier_id(%barrier3A_85)
    %mul3A_86 = arith.constant 624 : i32
    %mul3A_87 = arith.muli %arg1, %mul3A_86 : i32
    %multiple_of3A_88 = tpu.assume_multiple %mul3A_87, 8 : i32
    "tpu.region"() ({
      %run_scoped3A = tpu.sem_alloc : memref<!tpu.dma_semaphore, #tpu.memory_space<semaphore_mem>>
      %dma_start3A_89 = arith.constant 0 : i32
      %dma_start3A_90 = arith.constant 0 : i32
      %dma_start3A_91 = tpu.memref_slice %arg6[%arg0, %dma_start3A_89, %dma_start3A_90] : memref<2x10000x32xf32, #tpu.memory_space<hbm>> -> memref<1x10000x32xf32, #tpu.memory_space<hbm>>
      %dma_start3A_92 = tpu.memref_squeeze %dma_start3A_91 : memref<1x10000x32xf32, #tpu.memory_space<hbm>> -> memref<10000x32xf32, #tpu.memory_space<hbm>>
      %dma_start3A_93 = arith.constant 0 : i32
      %dma_start3A_94 = tpu.memref_slice %dma_start3A_92[%multiple_of3A_88, %dma_start3A_93] : memref<10000x32xf32, #tpu.memory_space<hbm>> -> memref<640x32xf32, #tpu.memory_space<hbm>>
      %dma_start3A_95 = arith.constant 0 : i32
      %dma_start3A_96 = tpu.memref_slice %arg13[%multiple_of3A_88, %dma_start3A_95] : memref<10000x32xf32, #tpu.memory_space<vmem_shared>> -> memref<640x32xf32, #tpu.memory_space<vmem_shared>>
      tpu.enqueue_dma source(%dma_start3A_96 : memref<640x32xf32, #tpu.memory_space<vmem_shared>>) target(%dma_start3A_94 : memref<640x32xf32, #tpu.memory_space<hbm>>) target_semaphore(%run_scoped3A : memref<!tpu.dma_semaphore, #tpu.memory_space<semaphore_mem>>)
      %dma_wait3A_97 = arith.constant 0 : i32
      %dma_wait3A_98 = arith.constant 0 : i32
      %dma_wait3A_99 = tpu.memref_slice %arg6[%arg0, %dma_wait3A_97, %dma_wait3A_98] : memref<2x10000x32xf32, #tpu.memory_space<hbm>> -> memref<1x10000x32xf32, #tpu.memory_space<hbm>>
      %dma_wait3A_100 = tpu.memref_squeeze %dma_wait3A_99 : memref<1x10000x32xf32, #tpu.memory_space<hbm>> -> memref<10000x32xf32, #tpu.memory_space<hbm>>
      %dma_wait3A_101 = arith.constant 0 : i32
      %dma_wait3A_102 = tpu.memref_slice %dma_wait3A_100[%multiple_of3A_88, %dma_wait3A_101] : memref<10000x32xf32, #tpu.memory_space<hbm>> -> memref<640x32xf32, #tpu.memory_space<hbm>>
      %dma_wait3A_103 = arith.constant 0 : i32
      %dma_wait3A_104 = tpu.memref_slice %arg13[%multiple_of3A_88, %dma_wait3A_103] : memref<10000x32xf32, #tpu.memory_space<vmem_shared>> -> memref<640x32xf32, #tpu.memory_space<vmem_shared>>
      tpu.wait_dma2 semaphore(%run_scoped3A : memref<!tpu.dma_semaphore, #tpu.memory_space<semaphore_mem>>) src(%dma_wait3A_104 : memref<640x32xf32, #tpu.memory_space<vmem_shared>>) dst(%dma_wait3A_102 : memref<640x32xf32, #tpu.memory_space<hbm>>)
      tpu.yield
    }) : () -> ()
    return
  }
}

module attributes {stable_mosaic.version = 14 : i64} {
  func.func @_tc_a_body(%arg0: memref<10000x128xf32, #tpu.memory_space<vmem>>, %arg1: memref<128x64xf32, #tpu.memory_space<vmem>>, %arg2: memref<128x64xf32, #tpu.memory_space<vmem>>, %arg3: memref<1x64xf32, #tpu.memory_space<vmem>>, %arg4: memref<1x64xf32, #tpu.memory_space<vmem>>, %arg5: memref<2x320000xi32, #tpu.memory_space<vmem>>, %arg6: memref<64x32xf32, #tpu.memory_space<vmem>>, %arg7: memref<10000x64xf32, #tpu.memory_space<vmem>>, %arg8: memref<10000x1xf32, #tpu.memory_space<vmem>>, %arg9: memref<10000x1xf32, #tpu.memory_space<vmem>>, %arg10: memref<2592x128xi32, #tpu.memory_space<vmem>>, %arg11: memref<2592x128xi32, #tpu.memory_space<vmem>>, %arg12: memref<32x64xf32, #tpu.memory_space<vmem>>, %arg13: memref<64x128xf32, #tpu.memory_space<vmem>>) attributes {dimension_semantics = [], scalar_prefetch = 0 : i64, scratch_operands = 0 : i64, tpu.core_type = #tpu.core_type<tc>} {
    %get3A = arith.constant 0 : index
    %get3A_0 = arith.constant 0 : index
    %get3A_1 = vector.load %arg0[%get3A, %get3A_0] : memref<10000x128xf32, #tpu.memory_space<vmem>>, vector<10000x128xf32>
    %get3A_2 = arith.constant 0 : index
    %get3A_3 = arith.constant 0 : index
    %get3A_4 = vector.load %arg1[%get3A_2, %get3A_3] : memref<128x64xf32, #tpu.memory_space<vmem>>, vector<128x64xf32>
    %dot_general3A = arith.constant dense<0.000000e+00> : vector<10000x64xf32>
    %dot_general3A_5 = tpu.matmul %get3A_1, %get3A_4, %dot_general3A {dimension_numbers = #tpu.dot_dimension_numbers<[1], [0], [0], [1], [0, 0, 1, 1], [], []>, transpose_lhs_hint = false} : vector<10000x128xf32>, vector<128x64xf32>, vector<10000x64xf32> -> vector<10000x64xf32>
    %swap3A = arith.constant 0 : index
    %swap3A_6 = arith.constant 0 : index
    %swap3A_7 = vector.load %arg7[%swap3A, %swap3A_6] : memref<10000x64xf32, #tpu.memory_space<vmem>>, vector<10000x64xf32>
    tpu.vector_store %arg7[%swap3A, %swap3A_6], %dot_general3A_5 {strides = array<i32>} : memref<10000x64xf32, #tpu.memory_space<vmem>>, vector<10000x64xf32>,
    %get3A_8 = arith.constant 0 : index
    %get3A_9 = arith.constant 0 : index
    %get3A_10 = vector.load %arg3[%get3A_8, %get3A_9] : memref<1x64xf32, #tpu.memory_space<vmem>>, vector<1x64xf32>
    %mul3A = vector.broadcast %get3A_10 : vector<1x64xf32> to vector<10000x64xf32>
    %mul3A_11 = arith.mulf %dot_general3A_5, %mul3A : vector<10000x64xf32>
    %reduce_sum3A = arith.constant dense<0.000000e+00> : vector<10000xf32>
    %reduce_sum3A_12 = vector.multi_reduction <add>, %mul3A_11, %reduce_sum3A [1] : vector<10000x64xf32> to vector<10000xf32>
    %broadcast_in_dim3A = vector.shape_cast %reduce_sum3A_12 : vector<10000xf32> to vector<10000x1xf32>
    %swap3A_13 = arith.constant 0 : index
    %swap3A_14 = arith.constant 0 : index
    %swap3A_15 = vector.load %arg8[%swap3A_13, %swap3A_14] : memref<10000x1xf32, #tpu.memory_space<vmem>>, vector<10000x1xf32>
    tpu.vector_store %arg8[%swap3A_13, %swap3A_14], %broadcast_in_dim3A {strides = array<i32>} : memref<10000x1xf32, #tpu.memory_space<vmem>>, vector<10000x1xf32>,
    %get3A_16 = arith.constant 0 : index
    %get3A_17 = arith.constant 0 : index
    %get3A_18 = vector.load %arg2[%get3A_16, %get3A_17] : memref<128x64xf32, #tpu.memory_space<vmem>>, vector<128x64xf32>
    %dot_general3A_19 = arith.constant dense<0.000000e+00> : vector<10000x64xf32>
    %dot_general3A_20 = tpu.matmul %get3A_1, %get3A_18, %dot_general3A_19 {dimension_numbers = #tpu.dot_dimension_numbers<[1], [0], [0], [1], [0, 0, 1, 1], [], []>, transpose_lhs_hint = false} : vector<10000x128xf32>, vector<128x64xf32>, vector<10000x64xf32> -> vector<10000x64xf32>
    %get3A_21 = arith.constant 0 : index
    %get3A_22 = arith.constant 0 : index
    %get3A_23 = vector.load %arg4[%get3A_21, %get3A_22] : memref<1x64xf32, #tpu.memory_space<vmem>>, vector<1x64xf32>
    %mul3A_24 = vector.broadcast %get3A_23 : vector<1x64xf32> to vector<10000x64xf32>
    %mul3A_25 = arith.mulf %dot_general3A_20, %mul3A_24 : vector<10000x64xf32>
    %reduce_sum3A_26 = arith.constant dense<0.000000e+00> : vector<10000xf32>
    %reduce_sum3A_27 = vector.multi_reduction <add>, %mul3A_25, %reduce_sum3A_26 [1] : vector<10000x64xf32> to vector<10000xf32>
    %broadcast_in_dim3A_28 = vector.shape_cast %reduce_sum3A_27 : vector<10000xf32> to vector<10000x1xf32>
    %swap3A_29 = arith.constant 0 : index
    %swap3A_30 = arith.constant 0 : index
    %swap3A_31 = vector.load %arg9[%swap3A_29, %swap3A_30] : memref<10000x1xf32, #tpu.memory_space<vmem>>, vector<10000x1xf32>
    tpu.vector_store %arg9[%swap3A_29, %swap3A_30], %broadcast_in_dim3A_28 {strides = array<i32>} : memref<10000x1xf32, #tpu.memory_space<vmem>>, vector<10000x1xf32>,
    %iota3A = tpu.iota {dimensions = array<i32: 1>} : vector<1x11776xi32>
    %iota3A_32 = vector.shape_cast %iota3A : vector<1x11776xi32> to vector<11776xi32>
    %jit3A = arith.constant 10000 : i32
    %eq3A = arith.constant 0 : i32
    %eq3A_33 = arith.cmpi eq, %jit3A, %eq3A : i32
    %jit3A_34 = arith.constant 1 : i32
    %select_n3A = arith.select %eq3A_33, %jit3A_34, %jit3A : i32
    %rem3A = vector.broadcast %select_n3A : i32 to vector<11776xi32>
    %rem3A_35 = arith.remsi %iota3A_32, %rem3A : vector<11776xi32>
    %ne3A = arith.constant 0 : i32
    %ne3A_36 = vector.broadcast %ne3A : i32 to vector<11776xi32>
    %ne3A_37 = arith.cmpi ne, %rem3A_35, %ne3A_36 : vector<11776xi32>
    %lt3A = arith.constant 0 : i32
    %lt3A_38 = vector.broadcast %lt3A : i32 to vector<11776xi32>
    %lt3A_39 = arith.cmpi slt, %rem3A_35, %lt3A_38 : vector<11776xi32>
    %lt3A_40 = arith.constant 0 : i32
    %lt3A_41 = arith.cmpi slt, %select_n3A, %lt3A_40 : i32
    %ne3A_42 = vector.broadcast %lt3A_41 : i1 to vector<11776xi1>
    %ne3A_43 = vector.broadcast %ne3A_42 : vector<11776xi1> to vector<11776xi1>
    %ne3A_44 = arith.xori %lt3A_39, %ne3A_43 : vector<11776xi1>
    %and3A = arith.andi %ne3A_44, %ne3A_37 : vector<11776xi1>
    %add3A = vector.broadcast %select_n3A : i32 to vector<11776xi32>
    %add3A_45 = arith.addi %rem3A_35, %add3A : vector<11776xi32>
    %select_n3A_46 = arith.select %and3A, %add3A_45, %rem3A_35 : vector<11776xi1>, vector<11776xi32>
    %get3A_47 = arith.constant 0 : index
    %get3A_48 = arith.constant 0 : index
    %get3A_49 = vector.load %arg5[%get3A_47, %get3A_48] : memref<2x320000xi32, #tpu.memory_space<vmem>>, vector<2x320000xi32>
    %slice3A = vector.extract_strided_slice %get3A_49 {offsets = [0, 0], sizes = [1, 320000], strides = [1, 1]} : vector<2x320000xi32> to vector<1x320000xi32>
    %squeeze3A = vector.shape_cast %slice3A : vector<1x320000xi32> to vector<320000xi32>
    %concatenate3A = tpu.concatenate %squeeze3A, %select_n3A_46 in 0 : vector<320000xi32>, vector<11776xi32> -> vector<331776xi32>
    %reshape3A = vector.shape_cast %concatenate3A : vector<331776xi32> to vector<2592x128xi32>
    %swap3A_50 = arith.constant 0 : index
    %swap3A_51 = arith.constant 0 : index
    %swap3A_52 = vector.load %arg10[%swap3A_50, %swap3A_51] : memref<2592x128xi32, #tpu.memory_space<vmem>>, vector<2592x128xi32>
    tpu.vector_store %arg10[%swap3A_50, %swap3A_51], %reshape3A {strides = array<i32>} : memref<2592x128xi32, #tpu.memory_space<vmem>>, vector<2592x128xi32>,
    %slice3A_53 = vector.extract_strided_slice %get3A_49 {offsets = [1, 0], sizes = [1, 320000], strides = [1, 1]} : vector<2x320000xi32> to vector<1x320000xi32>
    %squeeze3A_54 = vector.shape_cast %slice3A_53 : vector<1x320000xi32> to vector<320000xi32>
    %concatenate3A_55 = tpu.concatenate %squeeze3A_54, %select_n3A_46 in 0 : vector<320000xi32>, vector<11776xi32> -> vector<331776xi32>
    %reshape3A_56 = vector.shape_cast %concatenate3A_55 : vector<331776xi32> to vector<2592x128xi32>
    %swap3A_57 = arith.constant 0 : index
    %swap3A_58 = arith.constant 0 : index
    %swap3A_59 = vector.load %arg11[%swap3A_57, %swap3A_58] : memref<2592x128xi32, #tpu.memory_space<vmem>>, vector<2592x128xi32>
    tpu.vector_store %arg11[%swap3A_57, %swap3A_58], %reshape3A_56 {strides = array<i32>} : memref<2592x128xi32, #tpu.memory_space<vmem>>, vector<2592x128xi32>,
    %get3A_60 = arith.constant 0 : index
    %get3A_61 = arith.constant 0 : index
    %get3A_62 = vector.load %arg6[%get3A_60, %get3A_61] : memref<64x32xf32, #tpu.memory_space<vmem>>, vector<64x32xf32>
    %transpose3A = tpu.transpose %get3A_62, [1, 0] : vector<64x32xf32> -> vector<32x64xf32>
    %swap3A_63 = arith.constant 0 : index
    %swap3A_64 = arith.constant 0 : index
    %swap3A_65 = vector.load %arg12[%swap3A_63, %swap3A_64] : memref<32x64xf32, #tpu.memory_space<vmem>>, vector<32x64xf32>
    tpu.vector_store %arg12[%swap3A_63, %swap3A_64], %transpose3A {strides = array<i32>} : memref<32x64xf32, #tpu.memory_space<vmem>>, vector<32x64xf32>,
    %get3A_66 = arith.constant 0 : index
    %get3A_67 = arith.constant 0 : index
    %get3A_68 = vector.load %arg1[%get3A_66, %get3A_67] : memref<128x64xf32, #tpu.memory_space<vmem>>, vector<128x64xf32>
    %transpose3A_69 = tpu.transpose %get3A_68, [1, 0] : vector<128x64xf32> -> vector<64x128xf32>
    %swap3A_70 = arith.constant 0 : index
    %swap3A_71 = arith.constant 0 : index
    %swap3A_72 = vector.load %arg13[%swap3A_70, %swap3A_71] : memref<64x128xf32, #tpu.memory_space<vmem>>, vector<64x128xf32>
    tpu.vector_store %arg13[%swap3A_70, %swap3A_71], %transpose3A_69 {strides = array<i32>} : memref<64x128xf32, #tpu.memory_space<vmem>>, vector<64x128xf32>,
    return
  }
}

module attributes {stable_mosaic.version = 14 : i64} {
  func.func @_tc_b_body(%arg0: memref<2x10000x64xf32, #tpu.memory_space<vmem>>, %arg1: memref<32x10000xf32, #tpu.memory_space<vmem>>, %arg2: memref<64x32xf32, #tpu.memory_space<vmem>>, %arg3: memref<10000x32xf32, #tpu.memory_space<vmem>>, %arg4: memref<10000x1xf32, #tpu.memory_space<vmem>>) attributes {dimension_semantics = [], scalar_prefetch = 0 : i64, scratch_operands = 0 : i64, tpu.core_type = #tpu.core_type<tc>} {
    %get3A = arith.constant 0 : index
    %get3A_0 = arith.constant 0 : index
    %get3A_1 = arith.constant 0 : index
    %get3A_2 = vector.load %arg0[%get3A, %get3A_0, %get3A_1] : memref<2x10000x64xf32, #tpu.memory_space<vmem>>, vector<2x10000x64xf32>
    %slice3A = vector.extract_strided_slice %get3A_2 {offsets = [0, 0, 0], sizes = [1, 10000, 64], strides = [1, 1, 1]} : vector<2x10000x64xf32> to vector<1x10000x64xf32>
    %squeeze3A = vector.shape_cast %slice3A : vector<1x10000x64xf32> to vector<10000x64xf32>
    %slice3A_3 = vector.extract_strided_slice %get3A_2 {offsets = [1, 0, 0], sizes = [1, 10000, 64], strides = [1, 1, 1]} : vector<2x10000x64xf32> to vector<1x10000x64xf32>
    %squeeze3A_4 = vector.shape_cast %slice3A_3 : vector<1x10000x64xf32> to vector<10000x64xf32>
    %add3A = arith.addf %squeeze3A, %squeeze3A_4 : vector<10000x64xf32>
    %get3A_5 = arith.constant 0 : index
    %get3A_6 = arith.constant 0 : index
    %get3A_7 = vector.load %arg1[%get3A_5, %get3A_6] : memref<32x10000xf32, #tpu.memory_space<vmem>>, vector<32x10000xf32>
    %reduce_sum3A = arith.constant dense<0.000000e+00> : vector<10000xf32>
    %reduce_sum3A_8 = vector.multi_reduction <add>, %get3A_7, %reduce_sum3A [0] : vector<32x10000xf32> to vector<10000xf32>
    %add3A_9 = arith.constant 1.000000e-16 : f32
    %add3A_10 = vector.broadcast %add3A_9 : f32 to vector<10000xf32>
    %add3A_11 = arith.addf %reduce_sum3A_8, %add3A_10 : vector<10000xf32>
    %div3A = arith.constant 1.000000e+00 : f32
    %div3A_12 = vector.broadcast %div3A : f32 to vector<10000xf32>
    %div3A_13 = arith.divf %div3A_12, %add3A_11 : vector<10000xf32>
    %broadcast_in_dim3A = vector.shape_cast %div3A_13 : vector<10000xf32> to vector<10000x1xf32>
    %mul3A = vector.broadcast %broadcast_in_dim3A : vector<10000x1xf32> to vector<10000x64xf32>
    %mul3A_14 = arith.mulf %add3A, %mul3A : vector<10000x64xf32>
    %gt3A = arith.constant 0.000000e+00 : f32
    %gt3A_15 = vector.broadcast %gt3A : f32 to vector<10000x64xf32>
    %gt3A_16 = arith.cmpf ogt, %mul3A_14, %gt3A_15 : vector<10000x64xf32>
    %exp3A = math.exp %mul3A_14 : vector<10000x64xf32>
    %sub3A = arith.constant 1.000000e+00 : f32
    %sub3A_17 = vector.broadcast %sub3A : f32 to vector<10000x64xf32>
    %sub3A_18 = arith.subf %exp3A, %sub3A_17 : vector<10000x64xf32>
    %select_n3A = arith.select %gt3A_16, %mul3A_14, %sub3A_18 : vector<10000x64xi1>, vector<10000x64xf32>
    %get3A_19 = arith.constant 0 : index
    %get3A_20 = arith.constant 0 : index
    %get3A_21 = vector.load %arg2[%get3A_19, %get3A_20] : memref<64x32xf32, #tpu.memory_space<vmem>>, vector<64x32xf32>
    %dot_general3A = arith.constant dense<0.000000e+00> : vector<10000x32xf32>
    %dot_general3A_22 = tpu.matmul %select_n3A, %get3A_21, %dot_general3A {dimension_numbers = #tpu.dot_dimension_numbers<[1], [0], [0], [1], [0, 0, 1, 1], [], []>, transpose_lhs_hint = false} : vector<10000x64xf32>, vector<64x32xf32>, vector<10000x32xf32> -> vector<10000x32xf32>
    %swap3A = arith.constant 0 : index
    %swap3A_23 = arith.constant 0 : index
    %swap3A_24 = vector.load %arg3[%swap3A, %swap3A_23] : memref<10000x32xf32, #tpu.memory_space<vmem>>, vector<10000x32xf32>
    tpu.vector_store %arg3[%swap3A, %swap3A_23], %dot_general3A_22 {strides = array<i32>} : memref<10000x32xf32, #tpu.memory_space<vmem>>, vector<10000x32xf32>,
    %broadcast_in_dim3A_25 = vector.shape_cast %div3A_13 : vector<10000xf32> to vector<10000x1xf32>
    %swap3A_26 = arith.constant 0 : index
    %swap3A_27 = arith.constant 0 : index
    %swap3A_28 = vector.load %arg4[%swap3A_26, %swap3A_27] : memref<10000x1xf32, #tpu.memory_space<vmem>>, vector<10000x1xf32>
    tpu.vector_store %arg4[%swap3A_26, %swap3A_27], %broadcast_in_dim3A_25 {strides = array<i32>} : memref<10000x1xf32, #tpu.memory_space<vmem>>, vector<10000x1xf32>,
    return
  }
}

module attributes {stable_mosaic.version = 14 : i64} {
  func.func @_tc_c_body(%arg0: memref<2x10000x32xf32, #tpu.memory_space<vmem>>, %arg1: memref<10000x1xf32, #tpu.memory_space<vmem>>, %arg2: memref<32x64xf32, #tpu.memory_space<vmem>>, %arg3: memref<64x128xf32, #tpu.memory_space<vmem>>, %arg4: memref<10000x128xf32, #tpu.memory_space<vmem>>) attributes {dimension_semantics = [], scalar_prefetch = 0 : i64, scratch_operands = 0 : i64, tpu.core_type = #tpu.core_type<tc>} {
    %get3A = arith.constant 0 : index
    %get3A_0 = arith.constant 0 : index
    %get3A_1 = arith.constant 0 : index
    %get3A_2 = vector.load %arg0[%get3A, %get3A_0, %get3A_1] : memref<2x10000x32xf32, #tpu.memory_space<vmem>>, vector<2x10000x32xf32>
    %slice3A = vector.extract_strided_slice %get3A_2 {offsets = [0, 0, 0], sizes = [1, 10000, 32], strides = [1, 1, 1]} : vector<2x10000x32xf32> to vector<1x10000x32xf32>
    %squeeze3A = vector.shape_cast %slice3A : vector<1x10000x32xf32> to vector<10000x32xf32>
    %slice3A_3 = vector.extract_strided_slice %get3A_2 {offsets = [1, 0, 0], sizes = [1, 10000, 32], strides = [1, 1, 1]} : vector<2x10000x32xf32> to vector<1x10000x32xf32>
    %squeeze3A_4 = vector.shape_cast %slice3A_3 : vector<1x10000x32xf32> to vector<10000x32xf32>
    %add3A = arith.addf %squeeze3A, %squeeze3A_4 : vector<10000x32xf32>
    %get3A_5 = arith.constant 0 : index
    %get3A_6 = arith.constant 0 : index
    %get3A_7 = vector.load %arg2[%get3A_5, %get3A_6] : memref<32x64xf32, #tpu.memory_space<vmem>>, vector<32x64xf32>
    %dot_general3A = arith.constant dense<0.000000e+00> : vector<10000x64xf32>
    %dot_general3A_8 = tpu.matmul %add3A, %get3A_7, %dot_general3A {dimension_numbers = #tpu.dot_dimension_numbers<[1], [0], [0], [1], [0, 0, 1, 1], [], []>, transpose_lhs_hint = false} : vector<10000x32xf32>, vector<32x64xf32>, vector<10000x64xf32> -> vector<10000x64xf32>
    %get3A_9 = arith.constant 0 : index
    %get3A_10 = arith.constant 0 : index
    %get3A_11 = vector.load %arg1[%get3A_9, %get3A_10] : memref<10000x1xf32, #tpu.memory_space<vmem>>, vector<10000x1xf32>
    %mul3A = vector.broadcast %get3A_11 : vector<10000x1xf32> to vector<10000x64xf32>
    %mul3A_12 = arith.mulf %dot_general3A_8, %mul3A : vector<10000x64xf32>
    %gt3A = arith.constant 0.000000e+00 : f32
    %gt3A_13 = vector.broadcast %gt3A : f32 to vector<10000x64xf32>
    %gt3A_14 = arith.cmpf ogt, %mul3A_12, %gt3A_13 : vector<10000x64xf32>
    %exp3A = math.exp %mul3A_12 : vector<10000x64xf32>
    %sub3A = arith.constant 1.000000e+00 : f32
    %sub3A_15 = vector.broadcast %sub3A : f32 to vector<10000x64xf32>
    %sub3A_16 = arith.subf %exp3A, %sub3A_15 : vector<10000x64xf32>
    %select_n3A = arith.select %gt3A_14, %mul3A_12, %sub3A_16 : vector<10000x64xi1>, vector<10000x64xf32>
    %get3A_17 = arith.constant 0 : index
    %get3A_18 = arith.constant 0 : index
    %get3A_19 = vector.load %arg3[%get3A_17, %get3A_18] : memref<64x128xf32, #tpu.memory_space<vmem>>, vector<64x128xf32>
    %dot_general3A_20 = arith.constant dense<0.000000e+00> : vector<10000x128xf32>
    %dot_general3A_21 = tpu.matmul %select_n3A, %get3A_19, %dot_general3A_20 {dimension_numbers = #tpu.dot_dimension_numbers<[1], [0], [0], [1], [0, 0, 1, 1], [], []>, transpose_lhs_hint = false} : vector<10000x64xf32>, vector<64x128xf32>, vector<10000x128xf32> -> vector<10000x128xf32>
    %swap3A = arith.constant 0 : index
    %swap3A_22 = arith.constant 0 : index
    %swap3A_23 = vector.load %arg4[%swap3A, %swap3A_22] : memref<10000x128xf32, #tpu.memory_space<vmem>>, vector<10000x128xf32>
    tpu.vector_store %arg4[%swap3A, %swap3A_22], %dot_general3A_21 {strides = array<i32>} : memref<10000x128xf32, #tpu.memory_space<vmem>>, vector<10000x128xf32>,
    return
  }
}

</mosaic_0001>

<sc_bundles>
// kernel: kernel.10.cloned.1.call-start
scs
__scs_entry_jumppad:
0x0: {  	(pc) =	sbr.rel $0x88, $3  }
0x1: {  	(tag) =	ssettag $0x0;
	lr =	simm.s32 $0x1  }
0x2: {  	[smem:$0x3F9A] =	sst lr;
	_ =	strace $0xD0000000  }
0x3: {  	_ = 	snop  }
0x4: {  	_ = 	snop  }
0x5: {  	_ = 	snop  }
0x6: {  	_ = 	snop  }
0x7: {  	_ = 	snop  }
__scs_overlays_trampoline_lowered:
0x8: {  	[smem:$0x3FA9] =	sst s0  }
0x9: {  	[smem:$0x3FAA] =	sst s1  }
0xa: {  	[smem:$0x3FAB] =	sst s2  }
0xb: {  	[smem:$0x3FAC] =	sst s3  }
0xc: {  	[smem:$0x3FAD] =	sst s4  }
0xd: {  	[smem:$0x3FAE] =	sst s5  }
0xe: {  	[smem:$0x3FAF] =	sst s6  }
0xf: {  	[smem:$0x3FB0] =	sst s7  }
0x10: {  	[smem:$0x3FB1] =	sst s8  }
0x11: {  	[smem:$0x3FB2] =	sst s9;
	s0 =	simm.s32 @!p0 $0x0  }
0x12: {  	s1 =	sld [smem:$0x3F98];
	s0 =	simm.s32 @p0 $0x1  }
0x13: {  	[smem:$0x3FB3] =	sst s0;
	s0 =	simm.s32 @!p1 $0x0  }
0x14: {  	s2 =	sld [smem:$0x3F97];
	s0 =	simm.s32 @p1 $0x1  }
0x15: {  	[smem:$0x3FB4] =	sst s0;
	s0 =	simm.s32 @!p2 $0x0  }
0x16: {  	s3 =	sld [smem:$0x3FDB];
	s0 =	simm.s32 @p2 $0x1  }
0x17: {  	s4 =	simm.s32 $0x1BF5;
	[smem:$0x3FB6] =	sst s0  }
0x18: {  	s0 =	sld [smem:$0x3F99];
	_ =	swait.ge [sflag:s4], $0x0  }
0x19: {  	s7 =	sld [smem:$0x3F9A]  }
0x1a: {  	s8 =	sadd.s32 $0xFFFFE003, lr  }
0x1b: {  	s9 =	sadd.s32 $0xFFFFFEF7, lr;
	s5 =	simm.s32 $0xFFFFFFFF;
	p2 =	slt.u32 s8, $0xFFFFF086  }
0x1c: {  	p1 =	slt.u32 s9, $0xF7A;
	s5 =	simm.s32 @!p2 $0x0  }
0x1d: {  	s5 =	simm.s32 @p1 $0x1;
	p0 =	seq.s32 s7, s2  }
0x1e: {  	s7 =	smul.u32 @!p0 $0xF7A, s2;
	p2 =	seq.s32 @!p0 s5, $0x0  }
0x1f: {  	s9 =	smul.u32 $0xF7A, s1;
	s8 =	simm.s32 @!p0 $0x1BF5;
	p2 =	por !p2, p0  }
0x20: {  	[sflag:s8] =	ssyncset.s32 @!p0 $0xFFFFF086;
	s6 =	sadd.s32 @!p0 s3, s7;
	s7 =	simm.s32 @!p0 $0x108  }
0x21: {  	s3 =	sadd.s32 s3, s9;
	s6 =	sadd.s32 @!p0 $0x88, s6;
	s7 =	simm.s32 @p2 $0x1082  }
0x22: {  	[simem:s7], [sflag:s8] =	dma.local @!p0 [hbm:s6], $0xF7A  }
0x23: {  	s9 =	sor.u32 $0xD0000000, s2;
	s6 =	simm.s32 $0x108;
	_ =	swait.ge @!p0 [sflag:s8], $0x0  }
0x24: {  	s3 =	sadd.s32 $0x88, s3;
	s6 =	simm.s32 @!p1 $0x1082;
	[sflag:s4] =	ssyncset.s32 $0xFFFFF086  }
0x25: {  	[simem:s6], [sflag:s4] =	dma.local [hbm:s3], $0xF7A  }
0x26: {  	[smem:$0x3F9A] =	sst s1;
	(tag) =	ssettag s2;
	_ =	strace s9  }
0x27: {  	s1 =	sld [smem:$0x3FAA]  }
0x28: {  	s2 =	sld [smem:$0x3FAB]  }
0x29: {  	s4 =	sld [smem:$0x3FAD]  }
0x2a: {  	p0 =	seq.s32 s5, $0x0;
	s5 =	sld [smem:$0x3FAE]  }
0x2b: {  	s6 =	sld [smem:$0x3FAF]  }
0x2c: {  	s7 =	sld [smem:$0x3FB0]  }
0x2d: {  	s3 =	simm.s32 $0x108;
	s8 =	sld [smem:$0x3FB1]  }
0x2e: {  	s3 =	simm.s32 @!p0 $0x1082;
	s9 =	sld [smem:$0x3FB2]  }
0x2f: {  	lr =	sadd.s32 s0, s3;
	s0 =	sld [smem:$0x3FA9]  }
0x30: {  	s3 =	sld [smem:$0x3FAC]  }
0x31: {  	[smem:$0x3FB5] =	sst s10  }
0x32: {  	s10 =	sld [smem:$0x3FB3];
	_ =	sdelay $0x3  }
0x33: {  	p0 =	seq.s32 s10, $0x1;
	s10 =	sld [smem:$0x3FB5];
	_ =	sdelay $0x3  }
0x34: {  	[smem:$0x3FB5] =	sst s10  }
0x35: {  	s10 =	sld [smem:$0x3FB4];
	_ =	sdelay $0x3  }
0x36: {  	p1 =	seq.s32 s10, $0x1;
	s10 =	sld [smem:$0x3FB5];
	_ =	sdelay $0x3  }
0x37: {  	[smem:$0x3FB5] =	sst s10  }
0x38: {  	s10 =	sld [smem:$0x3FB6]  }
0x39: {  	_ = 	snop;
	(pc) =	sbr.ind lr, $3  }
0x3a: {  	_ = 	snop  }
0x3b: {  	_ = 	snop  }
0x3c: {  	p2 =	seq.s32 s10, $0x1;
	s10 =	sld [smem:$0x3FB5]  }
0x3d: {  	_ =	shalt  }
0x3e: {  	_ =	shalt  }
0x3f: {  	_ =	shalt  }
0x40: {  	_ =	shalt  }
0x41: {  	_ =	shalt  }
0x42: {  	_ =	shalt  }
0x43: {  	_ =	shalt  }
0x44: {  	_ =	shalt  }
0x45: {  	_ =	shalt  }
0x46: {  	_ =	shalt  }
0x47: {  	_ =	shalt  }
0x48: {  	_ =	shalt  }
0x49: {  	_ =	shalt  }
0x4a: {  	_ =	shalt  }
0x4b: {  	_ =	shalt  }
0x4c: {  	_ =	shalt  }
0x4d: {  	_ =	shalt  }
0x4e: {  	_ =	shalt  }
0x4f: {  	_ =	shalt  }
0x50: {  	_ =	shalt  }
0x51: {  	_ =	shalt  }
0x52: {  	_ =	shalt  }
0x53: {  	_ =	shalt  }
0x54: {  	_ =	shalt  }
0x55: {  	_ =	shalt  }
0x56: {  	_ =	shalt  }
0x57: {  	_ =	shalt  }
0x58: {  	_ =	shalt  }
0x59: {  	_ =	shalt  }
0x5a: {  	_ =	shalt  }
0x5b: {  	_ =	shalt  }
0x5c: {  	_ =	shalt  }
0x5d: {  	_ =	shalt  }
0x5e: {  	_ =	shalt  }
0x5f: {  	_ =	shalt  }
0x60: {  	_ =	shalt  }
0x61: {  	_ =	shalt  }
0x62: {  	_ =	shalt  }
0x63: {  	_ =	shalt  }
0x64: {  	_ =	shalt  }
0x65: {  	_ =	shalt  }
0x66: {  	_ =	shalt  }
0x67: {  	_ =	shalt  }
0x68: {  	_ =	shalt  }
0x69: {  	_ =	shalt  }
0x6a: {  	_ =	shalt  }
0x6b: {  	_ =	shalt  }
0x6c: {  	_ =	shalt  }
0x6d: {  	_ =	shalt  }
0x6e: {  	_ =	shalt  }
0x6f: {  	_ =	shalt  }
0x70: {  	_ =	shalt  }
0x71: {  	_ =	shalt  }
0x72: {  	_ =	shalt  }
0x73: {  	_ =	shalt  }
0x74: {  	_ =	shalt  }
0x75: {  	_ =	shalt  }
0x76: {  	_ =	shalt  }
0x77: {  	_ =	shalt  }
0x78: {  	_ =	shalt  }
0x79: {  	_ =	shalt  }
0x7a: {  	_ =	shalt  }
0x7b: {  	_ =	shalt  }
0x7c: {  	_ =	shalt  }
0x7d: {  	_ =	shalt  }
0x7e: {  	_ =	shalt  }
0x7f: {  	_ =	shalt  }
0x80: {  	_ =	shalt  }
0x81: {  	_ =	shalt  }
0x82: {  	_ =	shalt  }
0x83: {  	_ =	shalt  }
0x84: {  	_ =	shalt  }
0x85: {  	_ =	shalt  }
0x86: {  	_ =	shalt  }
0x87: {  	_ =	shalt  }
.Lfunc_end0:
.L_simem_size_0:
called_computation.1_lowered:
.L_overlay_start_0:
0x88: {  	s2 =	sld [smem:$0x3FD9]  }
0x89: {  	s3 =	sld [smem:$0x3FFE];
	_ =	sdelay $0x1  }
0x8a: {  	s1 =	srdreg.scid  }
0x8b: {  	s0 =	sand.u32 $0x1, s1  }
0x8c: {  	s14 =	sshll.u32 s0, $0xA;
	s2 =	sadd.s32 s3, s2  }
0x8d: {  	s2 =	sadd.s32 s2, s14  }
0x8e: {  	[smem:$0x3FC1] =	sst s2  }
0x8f: {  	_ = 	snop  }
0x90: {  	s2 =	sld [smem:$0x3FD0];
	_ =	sdelay $0x2  }
0x91: {  	s15 =	simm.s32 $0xA;
	s4 =	simm.s32 $0x10  }
0x92: {  	[smem:s4], [sflag:s15] =	dma.local [hbm:s2], $0x1  }
0x93: {  	_ =	swait.eq [sflag:s15], $0x1  }
0x94: {  	[sflag:s15] =	ssyncset.done $0x0  }
0x95: {  	[sflag:s15] =	ssyncadd.s32 $0xFFFFFFFF  }
0x96: {  	s16 =	sld [smem:$0x11];
	(tm) =	ssettm $0x1  }
0x97: {  	s17 =	sld [smem:$0x3FFB];
	_ =	sdelay $0x3  }
0x98: {  	_ =	strace s17  }
0x99: {  	s3 =	sld [smem:$0x3FFC];
	_ =	sdelay $0x3  }
0x9a: {  	_ =	strace s3  }
0x9b: {  	s3 =	sld [smem:$0x3FFD];
	_ =	sdelay $0x3  }
0x9c: {  	_ =	strace s3  }
0x9d: {  	_ =	strace $0x8FFFFFFF  }
0x9e: {  	s18 =	sld [smem:$0x3FDB];
	_ =	sdelay $0x1  }
0x9f: {  	s19 =	simm.s32 $_scs_section_size  }
0xa0: {  	s5 =	simm.s32 $_size__tile_overlayer_lowered;
	s6 =	simm.s32 $_tile_overlayer_lowered  }
0xa1: {  	s22 =	simm.s32 $0x1BFF;
	s21 =	sshll.u32 s6, $0x1;
	s3 =	sadd.s32 s19, s18  }
0xa2: {  	s7 =	simm.s32 $0x0;
	s20 =	sshll.u32 s5, $0x1;
	s5 =	sadd.s32 s21, s3  }
0xa3: {  	[timem:s7], [sflag:s22] =	dma.local [hbm:s5], s20  }
0xa4: {  	_ =	swait.ge [sflag:s22], s20  }
0xa5: {  	s4 =	ssub.s32 $0x0, s20;
	[sflag:s22] =	ssyncset.done $0x0  }
0xa6: {  	[sflag:s22] =	ssyncadd.s32 s4;
	_ =	sdelay $0x1  }
0xa7: {  	s23 =	simm.s32 $0x1B8B  }
0xa8: {  	_ =	swait.ge [sflag:s23], $0x1  }
0xa9: {  	[sflag:s23] =	ssyncset.done $0x0  }
0xaa: {  	s25 =	simm.s32 $0x1B8E;
	s24 =	sld [smem:$0x3FFE];
	[sflag:s23] =	ssyncadd.s32 $0xFFFFFFFF  }
0xab: {  	s26 =	simm.s32 $execute0_lowered;
	[smem:$0x3FD2] =	sst s25  }
0xac: {  	s5 =	sshll.u32 s26, $0x1;
	_ =	strace $0x80000049;
	[dreg:$0x1] =	wrdreg $0xFFFFFFFF  }
0xad: {  	s28 =	simm.s32 $_size_execute0_lowered;
	s3 =	sadd.s32 s3, s5;
	[dreg:$0x0] =	wrdreg $0x0  }
0xae: {  	s5 =	sshll.u32 s28, $0x1;
	[dreg:$0x2] =	wrdreg s3  }
0xaf: {  	[dreg:$0x3] =	wrdreg s5  }
0xb0: {  	[dreg:$0x4] =	wrdreg $0xC0  }
0xb1: {  	_ =	task [dreg:s7], $0x5FFFF  }
0xb2: {  	[dreg:$0x1] =	wrdreg $0xFFFFFFFF  }
0xb3: {  	[dreg:$0x0] =	wrdreg $0x60  }
0xb4: {  	[dreg:$0x2] =	wrdreg s24  }
0xb5: {  	[dreg:$0x3] =	wrdreg s16  }
0xb6: {  	[dreg:$0x4] =	wrdreg $0xA9800  }
0xb7: {  	[dreg:$0x5] =	wrdreg $0x9  }
0xb8: {  	_ =	task.clear_ibuf [dreg:s7], $0x6FFFF;
	_ =	strace $0x90000049  }
0xb9: {  	s29 =	simm.s32 $0x9;
	_ =	strace $0x8000004B  }
0xba: {  	_ =	swait.ge [sflag:s29], $0x1  }
0xbb: {  	[sflag:s29] =	ssyncadd.s32 $0xFFFFFFFF  }
0xbc: {  	_ =	strace $0x9000004B  }
0xbd: {  	_ =	sfence  }
0xbe: {  	s30 =	sld [smem:$0x0];
	_ =	sdelay $0x2  }
0xbf: {  	s31 =	sshll.u32 s1, $0xD;
	s1 =	sshrl.u32 s1, $0x2  }
0xc0: {  	s3 =	sand.u32 $0x4000, s31;
	s1 =	sadd.s32 s1, s30  }
0xc1: {  	s0 =	sor.u32 s3, s0;
	s1 =	sshll.u32 s1, $0x11  }
0xc2: {  	s0 =	sor.u32 s1, s0  }
0xc3: {  	s0 =	sadd.s32 $0x8F2B, s0  }
0xc4: {  	[sflag:s0] =	ssyncadd.remote.s32 $0x1  }
0xc5: {  	_ =	sfence.sel $0xFFFF  }
0xc6: {  	[dreg:$0x0] =	wrdreg $0xFFFFFFFF;
	(pc) =	sbr.abs _section_cstart, $3  }
0xc7: {  	[dreg:$0x1] =	wrdreg $0xFFFFFFFF  }
0xc8: {  	_ =	task.clear_ibuf [dreg:s7], $0x2FFFF;
	_ =	strace $0x9FFFFFFF  }
0xc9: {  	(tm) =	ssettm $0x7FFFFFFF  }
tec
execute0_lowered:
.L_overlay_start_1:
0x0: {  	(tag) =	ssettag $0x1  }
0x1: {  	s0 =	rddreg [dreg:$0x0]  }
0x2: {  	s1 =	rddreg [dreg:$0x1]  }
0x3: {  	s3 =	srdreg.scid;
	s10 =	stileid.u32  }
0x4: {  	s2 =	rddreg [dreg:$0x2];
	s15 =	simm.s32 $0x5100;
	s16 =	simm.s32 $0x1  }
0x5: {  	s17 =	simm.s32 $0x2;
	s18 =	simm.s32 $0x4;
	s28 =	simm.s32 $0x6  }
0x6: {  	s5 =	sand.u32 $0x1, s3;
	s4 =	sshll.u32 s10, $0x1;
	s8 =	smul.u32 $0x13800, s10  }
0x7: {  	s3 =	simm.s32 $0x0;
	s21 =	smul.u32 $0x4E00, s10;
	s4 =	sor.u32 s5, s4  }
0x8: {  	[smem:$0x7FF] =	sst s3;
	s6 =	ssub.s32 $0x2, s5;
	s5 =	smul.u32 $0x9C40, s5  }
0x9: {  	s29 =	simm.s32 $0x0;
	s4 =	smul.u32 $0x510, s4;
	_ =	strace $0x8000004A  }
0xa: {  	s7 =	sshrl.u32 s6, $0x1;
	s22 =	sshrl.u32 s8, $0x2;
	s8 =	sadd.s32 s21, s2  }
0xb: {  	s31 =	sshrl.u32 s21, $0x3;
	s19 =	ssub.s32 s6, s7;
	s7 =	sadd.s32 s22, s2  }
0xc: {  	s21 =	simm.s32 $0x80;
	s1 =	sadd.s32 s1, s5;
	s25 =	sadd.s32 $0x1000, s7  }
0xd: {  	s22 =	simm.s32 $0x8980;
	s26 =	sadd.s32 $0x2000, s7;
	[dreg:$0x7] =	wrdreg s25  }
0xe: {  	s9 =	sadd.s32 s4, s0;
	s30 =	sadd.s32 $0x3000, s7;
	[dreg:$0x8] =	wrdreg s26  }
0xf: {  	s4 =	sadd.s32 $0x15400, s0;
	s7 =	sadd.s32 $0x4000, s7;
	[dreg:$0x9] =	wrdreg s30  }
.Ltmp0:
0x10: {  	s20 =	sadd.s32 $0x1000, s9;
	[dreg:$0xa] =	wrdreg s7;
	(pc) =	sbr.rel .LBB2_1-.Ltmp0, $4  }
0x11: {  	s13 =	smax.u32 s19, $0x1;
	s23 =	sadd.s32 $0xB200, s9;
	[dreg:$0x4] =	wrdreg s20  }
0x12: {  	s19 =	simm.s32 $0x7980;
	s24 =	sadd.s32 $0x29A00, s9;
	[dreg:$0x5] =	wrdreg s23  }
0x13: {  	s25 =	simm.s32 $0x3;
	s26 =	simm.s32 $0x5;
	[dreg:$0x6] =	wrdreg s24  }
0x14: {  	v0 =	vimm.f32 $0.0e+00;
	s20 =	simm.s32 $0x7;
	s23 =	simm.s32 $0x9980;
	s24 =	sadd.s32 s31, s1  }
.LBB2_12:
0x15: {  	_ =	swait.ge [sflag:s18], $0x1000  }
0x16: {  	[sflag:s18] =	ssyncset.done $0x0  }
0x17: {  	[sflag:s18] =	ssyncadd.s32 $0xFFFFF000  }
0x18: {  	_ =	swait.ge [sflag:s26], $0x1000  }
0x19: {  	[sflag:s26] =	ssyncset.done $0x0  }
0x1a: {  	[sflag:s26] =	ssyncadd.s32 $0xFFFFF000  }
0x1b: {  	s0 =	stileid.u32;
	_ =	swait.ge [sflag:s28], $0x1000  }
0x1c: {  	s1 =	sshrl.u32 s8, $0x3;
	s29 =	sadd.s32 $0x1, s29;
	[sflag:s28] =	ssyncset.done $0x0  }
0x1d: {  	s0 =	sshll.u32 s0, $0x6;
	p0 =	sne.s32 s29, s13;
	[sflag:s28] =	ssyncadd.s32 $0xFFFFF000  }
.Ltmp1:
0x1e: {  	s0 =	sor.u32 $0x1C07, s0;
	[bflag:$0x0] =	sbarrier.arrive $0xFFFF;
	(pc) =	sbr.rel @!p0 .LBB2_13-.Ltmp1, $4  }
0x1f: {  	[hbm:s24], [sflag:s0] =	dma.local [spmem:s1], $0xA00  }
0x20: {  	_ =	swait.ge [sflag:s20], $0xA00  }
0x21: {  	[sflag:s20] =	ssyncset.done $0x0  }
0x22: {  	[sflag:s20] =	ssyncadd.s32 $0xFFFFF600  }
.LBB2_1:
0x23: {  	s0 =	rddreg [dreg:$0x4]  }
0x24: {  	[tilespmem:s3], [sflag:$0x1] =	stream.linear.gather [hbm4b:s0+s3], $0x2880, $0x38;
	[tilespmem:$0xF7A0] =	vst v63  }
0x25: {  	s30 =	rddreg [dreg:$0x5];
	s1 =	simm.s32 $0x2880  }
0x26: {  	[tilespmem:s1], [sflag:$0x2] =	stream.linear.gather [hbm4b:s30+s3], $0x2880, $0x38;
	[tilespmem:$0xF7A0] =	vst v63  }
0x27: {  	s31 =	rddreg [dreg:$0x6]  }
0x28: {  	[tilespmem:s15], [sflag:$0x4] =	stream.linear.gather [hbm4b:s31+s3], $0x2880, $0x38;
	[tilespmem:$0xF7A0] =	vst v63  }
0x29: {  	_ =	swait.ge [sflag:s16], $0x2880  }
0x2a: {  	[sflag:s16] =	ssyncset.done $0x0  }
0x2b: {  	[sflag:s16] =	ssyncadd.s32 $0xFFFFD780  }
0x2c: {  	_ =	swait.ge [sflag:s17], $0x2880  }
0x2d: {  	[sflag:s17] =	ssyncset.done $0x0  }
0x2e: {  	[sflag:s17] =	ssyncadd.s32 $0xFFFFD780  }
0x2f: {  	_ =	swait.ge [sflag:s18], $0x2880  }
0x30: {  	[sflag:s18] =	ssyncset.done $0x0  }
0x31: {  	s0 =	simm.s32 $0x80;
	s1 =	simm.s32 $0x0;
	[sflag:s18] =	ssyncadd.s32 $0xFFFFD780  }
.LBB2_2:
0x32: {  	p0 =	sne.s32 s0, $0x3F80;
	[tilespmem:s1+$0x7980] =	vst v0;
	s5 =	smov.u32 s0;
	s0 =	sadd.s32 $0x80, s0  }
.Ltmp2:
0x33: {  	[tilespmem:s1+$0x7990] =	vst v0;
	(pc) =	sbr.rel @p0 .LBB2_2-.Ltmp2, $2  }
0x34: {  	_ =	sdelay $0x2  }
0x35: {  	s1 =	sshra.s32 s5, $0x2  }
0x36: {  	[tilespmem:s1+$0x7980] =	vst v0  }
0x37: {  	[tilespmem:s1+$0x7990] =	vst v0  }
0x38: {  	[spmem:s8] =	stream.linear.scatter [tilespmem:s19], [sflag:$0x7], $0x1000, $0x38;
	[tilespmem:$0xF7A0] =	vst v63  }
0x39: {  	_ =	swait.ge [sflag:s20], $0x1000  }
0x3a: {  	[sflag:s20] =	ssyncset.done $0x0  }
0x3b: {  	s0 =	rddreg [dreg:$0x7];
	[sflag:s20] =	ssyncadd.s32 $0xFFFFF000  }
0x3c: {  	[spmem:s0] =	stream.linear.scatter [tilespmem:s19], [sflag:$0x7], $0x1000, $0x38;
	[tilespmem:$0xF7A0] =	vst v63  }
0x3d: {  	_ =	swait.ge [sflag:s20], $0x1000  }
0x3e: {  	[sflag:s20] =	ssyncset.done $0x0  }
0x3f: {  	s11 =	rddreg [dreg:$0x8];
	[sflag:s20] =	ssyncadd.s32 $0xFFFFF000  }
0x40: {  	[spmem:s11] =	stream.linear.scatter [tilespmem:s19], [sflag:$0x7], $0x1000, $0x38;
	[tilespmem:$0xF7A0] =	vst v63  }
0x41: {  	_ =	swait.ge [sflag:s20], $0x1000  }
0x42: {  	[sflag:s20] =	ssyncset.done $0x0  }
0x43: {  	s12 =	rddreg [dreg:$0x9];
	[sflag:s20] =	ssyncadd.s32 $0xFFFFF000  }
0x44: {  	[spmem:s12] =	stream.linear.scatter [tilespmem:s19], [sflag:$0x7], $0x1000, $0x38;
	[tilespmem:$0xF7A0] =	vst v63  }
0x45: {  	_ =	swait.ge [sflag:s20], $0x1000  }
0x46: {  	[sflag:s20] =	ssyncset.done $0x0  }
0x47: {  	s14 =	rddreg [dreg:$0xa];
	[sflag:s20] =	ssyncadd.s32 $0xFFFFF000  }
0x48: {  	[spmem:s14] =	stream.linear.scatter [tilespmem:s19], [sflag:$0x7], $0x1000, $0x38;
	[tilespmem:$0xF7A0] =	vst v63  }
0x49: {  	_ =	swait.ge [sflag:s20], $0x1000  }
0x4a: {  	[sflag:s20] =	ssyncset.done $0x0  }
0x4b: {  	[sflag:s20] =	ssyncadd.s32 $0xFFFFF000  }
0x4c: {  	s30 =	simm.s32 $0x0;
	[bflag:$0x0] =	sbarrier.arrive $0xFFFF  }
0x4d: {  	[tilespmem:s19], [sflag:$0x1] =	stream.indirect.gather [hbm4b:s4+s21], $0x20, s30, s21, $0xb8;
	[tilespmem:$0xF7A0] =	vst v63  }
0x4e: {  	s31 =	simm.s32 $0x0  }
0x4f: {  	[tilespmem:s22], [sflag:$0x2] =	stream.indirect.gather [hbm4b:s4+s21], $0x20, s21, s21, $0xb8;
	[tilespmem:$0xF7A0] =	vst v63  }
.LBB2_4:
0x50: {  	s0 =	sadd.s32 $0xFFFFFFFC, s30  }
0x51: {  	s1 =	sadd.s32 $0x6, s0  }
0x52: {  	s10 =	sadd.s32 $0x4, s0;
	v1 =	vmov s1  }
0x53: {  	s11 =	sadd.s32 $0x5, s0;
	v2 =	vmov s10;
	v1 =	vand.u32 $0xFFFFFFFE, v1  }
0x54: {  	v3 =	vmov s11;
	v2 =	vand.u32 $0xFFFFFFFC, v2;
	v1 =	vbroadcast v1, $0x0  }
0x55: {  	v3 =	vand.u32 $0xFFFFFFFD, v3;
	v4 =	vbroadcast v2, $0x0  }
0x56: {  	_ =	swait.ge [sflag:s16], $0x1000;
	v3 =	vbroadcast v3, $0x0  }
0x57: {  	[sflag:s16] =	ssyncset.done $0x0;
	s0 =	sadd.s32 $0x7, s0  }
0x58: {  	[sflag:s16] =	ssyncadd.s32 $0xFFFFF000;
	v5 =	vmov s0;
	s0 =	simm.s32 $0x79C0  }
0x59: {  	v6 =	vld [tilespmem:s0+$0x10]  }
0x5a: {  	v2 =	vld.idx.msk [tilespmem:v1+s15+$0x0], $0xffff  }
0x5b: {  	v4 =	vld.idx.msk [tilespmem:v4+s15+$0x0], $0xffff  }
0x5c: {  	s12 =	sadd.s32 $0x0, s30;
	v11 =	vld.idx.msk [tilespmem:v3+s15+$0x0], $0xffff  }
0x5d: {  	s5 =	sadd.s32 $0x6, s12;
	v1 =	vld.idx.msk [tilespmem:v5+s15+$0x0], $0xffff  }
0x5e: {  	s14 =	sadd.s32 $0x4, s12;
	s6 =	sadd.s32 $0x5, s12;
	v3 =	vmov s5;
	v5 =	vld [tilespmem:s0+$0xFFFFFFC0]  }
0x5f: {  	v8 =	vmov s14;
	v10 =	vmov s6;
	v7 =	vld [tilespmem:s0+$0xFFFFFFD0];
	v3 =	vand.u32 $0xFFFFFFFE, v3  }
0x60: {  	v9 =	vld [tilespmem:s0+$0xFFFFFFE0];
	v8 =	vand.u32 $0xFFFFFFFC, v8;
	v3 =	vbroadcast v3, $0x0;
	v6 =	vmul.f32 v6, v2  }
0x61: {  	v13 =	vld [tilespmem:s0+$0xFFFFFFF0];
	v14 =	vand.u32 $0xFFFFFFFD, v10;
	v10 =	vbroadcast v8, $0x0  }
0x62: {  	v8 =	vbroadcast v14, $0x0;
	[tilespmem:s0+$0x10] =	vst v6;
	v6 =	vld [tilespmem:s0+$0x0]  }
0x63: {  	s7 =	sadd.s32 $0x7, s12;
	v12 =	vmul.f32 v5, v4;
	v5 =	vld [tilespmem:s0+$0x20]  }
0x64: {  	s6 =	simm.s32 $0x7A40;
	v15 =	vmul.f32 v7, v4;
	v4 =	vld [tilespmem:s0+$0x30];
	v7 =	vmov s7  }
0x65: {  	[tilespmem:s0+$0xFFFFFFC0] =	vst v12;
	v12 =	vmul.f32 v9, v11;
	v9 =	vld [tilespmem:s6+$0x10]  }
0x66: {  	s1 =	simm.s32 $0x4;
	s5 =	smul.u32 $0x180, s31;
	[tilespmem:s0+$0xFFFFFFD0] =	vst v15;
	v11 =	vmul.f32 v13, v11;
	v3 =	vld.idx.msk [tilespmem:v3+s15+$0x0], $0xffff  }
.LBB2_5:
0x67: {  	s7 =	sadd.s32 s1, s30;
	s1 =	sadd.s32 $0x4, s1;
	v13 =	vld.idx.msk [tilespmem:v10+s15+$0x0], $0xffff;
	[tilespmem:s0+$0xFFFFFFE0] =	vst v12;
	v2 =	vmul.f32 v6, v2  }
0x68: {  	s9 =	sadd.s32 $0x4, s7;
	s14 =	sadd.s32 $0x6, s7;
	p0 =	slt.u32 s1, $0x7C;
	v14 =	vld.idx.msk [tilespmem:v8+s15+$0x0], $0xffff;
	[tilespmem:s0+$0xFFFFFFF0] =	vst v11;
	v5 =	vmul.f32 v5, v1  }
0x69: {  	v6 =	vmov s9;
	s9 =	sadd.s32 $0x5, s7;
	v8 =	vmov s14;
	s7 =	sadd.s32 $0x7, s7;
	[tilespmem:s0+$0x0] =	vst v2;
	v10 =	vmul.f32 v4, v1;
	v1 =	vld.idx.msk [tilespmem:v7+s15+$0x0], $0xffff  }
0x6a: {  	v4 =	vand.u32 $0xFFFFFFFC, v6;
	v6 =	vmov s9;
	v7 =	vand.u32 $0xFFFFFFFE, v8;
	v11 =	vld [tilespmem:s6+$0xFFFFFFC0];
	[tilespmem:s0+$0x20] =	vst v5  }
0x6b: {  	v5 =	vand.u32 $0xFFFFFFFD, v6;
	v12 =	vbroadcast v7, $0x0;
	v15 =	vld [tilespmem:s6+$0xFFFFFFD0];
	v6 =	vmul.f32 v9, v3;
	[tilespmem:s0+$0x30] =	vst v10;
	v2 =	vmovc v3;
	s0 =	smov.u32 s6  }
0x6c: {  	v10 =	vbroadcast v4, $0x0;
	v7 =	vmov s7;
	v8 =	vbroadcast v5, $0x0;
	v9 =	vld [tilespmem:s6+$0xFFFFFFE0]  }
0x6d: {  	v16 =	vld [tilespmem:s6+$0xFFFFFFF0];
	[tilespmem:s6+$0x10] =	vst v6  }
.Ltmp3:
0x6e: {  	v6 =	vld [tilespmem:s6+$0x0];
	(pc) =	sbr.rel @p0 .LBB2_5-.Ltmp3, $4  }
0x6f: {  	v11 =	vmul.f32 v11, v13;
	v5 =	vld [tilespmem:s6+$0x20]  }
0x70: {  	v13 =	vmul.f32 v15, v13;
	v4 =	vld [tilespmem:s6+$0x30]  }
0x71: {  	s6 =	sadd.s32 $0x80, s6;
	v3 =	vld.idx.msk [tilespmem:v12+s15+$0x0], $0xffff;
	[tilespmem:s0+$0xFFFFFFC0] =	vst v11;
	v12 =	vmul.f32 v9, v14  }
0x72: {  	v9 =	vld [tilespmem:s6+$0x10];
	[tilespmem:s0+$0xFFFFFFD0] =	vst v13;
	v11 =	vmul.f32 v16, v14  }
0x73: {  	_ =	sdelay $0x3  }
0x74: {  	v10 =	vld.idx.msk [tilespmem:v10+s15+$0x0], $0xffff  }
0x75: {  	v8 =	vld.idx.msk [tilespmem:v8+s15+$0x0], $0xffff  }
0x76: {  	v7 =	vld.idx.msk [tilespmem:v7+s15+$0x0], $0xffff  }
0x77: {  	v13 =	vld [tilespmem:s6+$0xFFFFFFC0]  }
0x78: {  	[tilespmem:s0+$0xFFFFFFE0] =	vst v12;
	v12 =	vld [tilespmem:s6+$0xFFFFFFD0];
	v2 =	vmul.f32 v6, v2  }
0x79: {  	v6 =	vld [tilespmem:s6+$0xFFFFFFE0];
	[tilespmem:s0+$0xFFFFFFF0] =	vst v11;
	v5 =	vmul.f32 v5, v1  }
0x7a: {  	v11 =	vld [tilespmem:s6+$0xFFFFFFF0];
	[tilespmem:s0+$0x0] =	vst v2;
	v1 =	vmul.f32 v4, v1  }
0x7b: {  	v2 =	vld [tilespmem:s6+$0x0];
	[tilespmem:s0+$0x20] =	vst v5;
	v9 =	vmul.f32 v9, v3  }
0x7c: {  	v5 =	vld [tilespmem:s6+$0x20];
	[tilespmem:s0+$0x30] =	vst v1;
	v4 =	vmul.f32 v13, v10  }
0x7d: {  	v1 =	vmul.f32 v12, v10;
	[tilespmem:s6+$0x10] =	vst v9;
	v9 =	vld [tilespmem:s6+$0x30]  }
0x7e: {  	[tilespmem:s6+$0xFFFFFFC0] =	vst v4;
	v4 =	vmul.f32 v6, v8  }
0x7f: {  	[tilespmem:s6+$0xFFFFFFD0] =	vst v1;
	v1 =	vmul.f32 v11, v8  }
0x80: {  	v2 =	vmul.f32 v2, v3;
	[tilespmem:s6+$0xFFFFFFE0] =	vst v4  }
0x81: {  	s0 =	smul.u32 $0x600, s31;
	[tilespmem:s6+$0xFFFFFFF0] =	vst v1;
	v1 =	vmul.f32 v5, v7  }
0x82: {  	[tilespmem:s6+$0x0] =	vst v2;
	v2 =	vmul.f32 v9, v7  }
0x83: {  	s12 =	sadd.s32 $0xFFFFFFFC, s30;
	p0 =	seq.s32 s31, $0x0;
	s1 =	sshra.s32 s0, $0x2;
	[tilespmem:s6+$0x20] =	vst v1  }
0x84: {  	s7 =	sadd.s32 $0x86, s12;
	s9 =	simm.s32 @!p0 $0x6;
	s11 =	sadd.s32 $0x2880, s1;
	[tilespmem:s6+$0x30] =	vst v2  }
0x85: {  	v1 =	vmov s7;
	[spmem:s2] =	stream.indirect.scatter.add.f32 [tilespmem:s19], [sflag:$0x4], $0x20, s11, s21, $0xb8;
	[tilespmem:$0xF7A0] =	vst v63  }
0x86: {  	s10 =	sadd.s32 $0x84, s12;
	v1 =	vand.u32 $0xFFFFFFFE, v1;
	_ =	swait.ge @!p0 [sflag:s9], $0x1000  }
0x87: {  	v2 =	vmov s10;
	v1 =	vbroadcast v1, $0x0;
	[sflag:s9] =	ssyncset.done @!p0 $0x0  }
0x88: {  	s14 =	sadd.s32 $0x100, s5;
	s11 =	sadd.s32 $0x85, s12;
	v2 =	vand.u32 $0xFFFFFFFC, v2;
	[sflag:s9] =	ssyncadd.s32 @!p0 $0xFFFFF000  }
0x89: {  	v4 =	vbroadcast v2, $0x0;
	[tilespmem:s23], [sflag:$0x3] =	stream.indirect.gather [hbm4b:s4+s21], $0x20, s14, s21, $0xb8;
	[tilespmem:$0xF7A0] =	vst v63  }
0x8a: {  	s6 =	sadd.s32 $0x87, s12;
	v3 =	vmov s11;
	_ =	swait.ge [sflag:s17], $0x1000  }
0x8b: {  	v5 =	vmov s6;
	v3 =	vand.u32 $0xFFFFFFFD, v3;
	[sflag:s17] =	ssyncset.done $0x0  }
0x8c: {  	v3 =	vbroadcast v3, $0x0;
	[sflag:s17] =	ssyncadd.s32 $0xFFFFF000  }
0x8d: {  	s6 =	simm.s32 $0x89C0;
	v2 =	vld.idx.msk [tilespmem:v1+s15+$0x0], $0xffff  }
0x8e: {  	v6 =	vld [tilespmem:s6+$0x10]  }
0x8f: {  	v4 =	vld.idx.msk [tilespmem:v4+s15+$0x0], $0xffff  }
0x90: {  	s12 =	sadd.s32 $0x0, s30;
	v1 =	vld.idx.msk [tilespmem:v5+s15+$0x0], $0xffff  }
0x91: {  	s10 =	sadd.s32 $0x86, s12;
	s11 =	sadd.s32 $0x84, s12;
	v5 =	vld [tilespmem:s6+$0xFFFFFFC0]  }
0x92: {  	v8 =	vmov s11;
	v11 =	vld.idx.msk [tilespmem:v3+s15+$0x0], $0xffff;
	v3 =	vmov s10  }
0x93: {  	v8 =	vand.u32 $0xFFFFFFFC, v8;
	v7 =	vld [tilespmem:s6+$0xFFFFFFD0];
	s10 =	sadd.s32 $0x85, s12;
	v3 =	vand.u32 $0xFFFFFFFE, v3  }
0x94: {  	v9 =	vld [tilespmem:s6+$0xFFFFFFE0];
	v10 =	vmov s10;
	v3 =	vbroadcast v3, $0x0;
	v6 =	vmul.f32 v6, v2  }
0x95: {  	v13 =	vld [tilespmem:s6+$0xFFFFFFF0];
	v14 =	vand.u32 $0xFFFFFFFD, v10;
	v10 =	vbroadcast v8, $0x0  }
0x96: {  	v8 =	vbroadcast v14, $0x0;
	[tilespmem:s6+$0x10] =	vst v6;
	v6 =	vld [tilespmem:s6+$0x0]  }
0x97: {  	s12 =	sadd.s32 $0x87, s12;
	v12 =	vmul.f32 v5, v4;
	v5 =	vld [tilespmem:s6+$0x20]  }
0x98: {  	s7 =	simm.s32 $0x8A40;
	v15 =	vmul.f32 v7, v4;
	v4 =	vld [tilespmem:s6+$0x30];
	v7 =	vmov s12  }
0x99: {  	[tilespmem:s6+$0xFFFFFFC0] =	vst v12;
	v12 =	vmul.f32 v9, v11;
	v9 =	vld [tilespmem:s7+$0x10]  }
0x9a: {  	s5 =	sadd.s32 $0x80, s5;
	s9 =	simm.s32 $0x4;
	[tilespmem:s6+$0xFFFFFFD0] =	vst v15;
	v11 =	vmul.f32 v13, v11;
	v3 =	vld.idx.msk [tilespmem:v3+s15+$0x0], $0xffff  }
.LBB2_7:
0x9b: {  	s10 =	sadd.s32 s9, s30;
	s9 =	sadd.s32 $0x4, s9;
	v13 =	vld.idx.msk [tilespmem:v10+s15+$0x0], $0xffff;
	[tilespmem:s6+$0xFFFFFFE0] =	vst v12;
	v2 =	vmul.f32 v6, v2  }
0x9c: {  	s11 =	sadd.s32 $0x84, s10;
	s12 =	sadd.s32 $0x86, s10;
	p0 =	slt.u32 s9, $0x7C;
	v14 =	vld.idx.msk [tilespmem:v8+s15+$0x0], $0xffff;
	[tilespmem:s6+$0xFFFFFFF0] =	vst v11;
	v5 =	vmul.f32 v5, v1  }
0x9d: {  	v6 =	vmov s11;
	s11 =	sadd.s32 $0x85, s10;
	v8 =	vmov s12;
	s10 =	sadd.s32 $0x87, s10;
	[tilespmem:s6+$0x0] =	vst v2;
	v10 =	vmul.f32 v4, v1;
	v1 =	vld.idx.msk [tilespmem:v7+s15+$0x0], $0xffff  }
0x9e: {  	v4 =	vand.u32 $0xFFFFFFFC, v6;
	v6 =	vmov s11;
	v7 =	vand.u32 $0xFFFFFFFE, v8;
	v11 =	vld [tilespmem:s7+$0xFFFFFFC0];
	[tilespmem:s6+$0x20] =	vst v5  }
0x9f: {  	v5 =	vand.u32 $0xFFFFFFFD, v6;
	v12 =	vbroadcast v7, $0x0;
	v15 =	vld [tilespmem:s7+$0xFFFFFFD0];
	v6 =	vmul.f32 v9, v3;
	[tilespmem:s6+$0x30] =	vst v10;
	v2 =	vmovc v3;
	s6 =	smov.u32 s7  }
0xa0: {  	v10 =	vbroadcast v4, $0x0;
	v7 =	vmov s10;
	v8 =	vbroadcast v5, $0x0;
	v9 =	vld [tilespmem:s7+$0xFFFFFFE0]  }
0xa1: {  	v16 =	vld [tilespmem:s7+$0xFFFFFFF0];
	[tilespmem:s7+$0x10] =	vst v6  }
.Ltmp4:
0xa2: {  	v6 =	vld [tilespmem:s7+$0x0];
	(pc) =	sbr.rel @p0 .LBB2_7-.Ltmp4, $4  }
0xa3: {  	v11 =	vmul.f32 v11, v13;
	v5 =	vld [tilespmem:s7+$0x20]  }
0xa4: {  	v13 =	vmul.f32 v15, v13;
	v4 =	vld [tilespmem:s7+$0x30]  }
0xa5: {  	s7 =	sadd.s32 $0x80, s7;
	v3 =	vld.idx.msk [tilespmem:v12+s15+$0x0], $0xffff;
	[tilespmem:s6+$0xFFFFFFC0] =	vst v11;
	v12 =	vmul.f32 v9, v14  }
0xa6: {  	v9 =	vld [tilespmem:s7+$0x10];
	[tilespmem:s6+$0xFFFFFFD0] =	vst v13;
	v11 =	vmul.f32 v16, v14  }
0xa7: {  	_ =	sdelay $0x3  }
0xa8: {  	v10 =	vld.idx.msk [tilespmem:v10+s15+$0x0], $0xffff  }
0xa9: {  	v8 =	vld.idx.msk [tilespmem:v8+s15+$0x0], $0xffff  }
0xaa: {  	v7 =	vld.idx.msk [tilespmem:v7+s15+$0x0], $0xffff  }
0xab: {  	v13 =	vld [tilespmem:s7+$0xFFFFFFC0]  }
0xac: {  	[tilespmem:s6+$0xFFFFFFE0] =	vst v12;
	v12 =	vld [tilespmem:s7+$0xFFFFFFD0];
	v2 =	vmul.f32 v6, v2  }
0xad: {  	v6 =	vld [tilespmem:s7+$0xFFFFFFE0];
	[tilespmem:s6+$0xFFFFFFF0] =	vst v11;
	v5 =	vmul.f32 v5, v1  }
0xae: {  	v11 =	vld [tilespmem:s7+$0xFFFFFFF0];
	[tilespmem:s6+$0x0] =	vst v2;
	v1 =	vmul.f32 v4, v1  }
0xaf: {  	v2 =	vld [tilespmem:s7+$0x0];
	[tilespmem:s6+$0x20] =	vst v5;
	v9 =	vmul.f32 v9, v3  }
0xb0: {  	v5 =	vld [tilespmem:s7+$0x20];
	[tilespmem:s6+$0x30] =	vst v1;
	v4 =	vmul.f32 v13, v10  }
0xb1: {  	v1 =	vmul.f32 v12, v10;
	[tilespmem:s7+$0x10] =	vst v9;
	v9 =	vld [tilespmem:s7+$0x30]  }
0xb2: {  	[tilespmem:s7+$0xFFFFFFC0] =	vst v4;
	v4 =	vmul.f32 v6, v8  }
0xb3: {  	[tilespmem:s7+$0xFFFFFFD0] =	vst v1;
	v1 =	vmul.f32 v11, v8  }
0xb4: {  	v2 =	vmul.f32 v2, v3;
	[tilespmem:s7+$0xFFFFFFE0] =	vst v4  }
0xb5: {  	[tilespmem:s7+$0xFFFFFFF0] =	vst v1;
	v1 =	vmul.f32 v5, v7  }
0xb6: {  	[tilespmem:s7+$0x0] =	vst v2;
	v2 =	vmul.f32 v9, v7  }
0xb7: {  	p0 =	seq.s32 s31, $0x1A;
	s11 =	sadd.s32 $0xFFFFFFFC, s30;
	[tilespmem:s7+$0x20] =	vst v1  }
0xb8: {  	s5 =	sadd.s32 $0x2880, s5;
	s12 =	sadd.s32 $0x106, s11;
	s6 =	simm.s32 @!p0 $0x4;
	[tilespmem:s7+$0x30] =	vst v2  }
0xb9: {  	v1 =	vmov s12;
	[spmem:s2] =	stream.indirect.scatter.add.f32 [tilespmem:s22], [sflag:$0x5], $0x20, s5, s21, $0xb8;
	[tilespmem:$0xF7A0] =	vst v63  }
0xba: {  	s9 =	sadd.s32 $0x104, s11;
	s0 =	sshra.s32 @!p0 s0, $0x2;
	v1 =	vand.u32 $0xFFFFFFFE, v1;
	_ =	swait.ge @!p0 [sflag:s6], $0x1000  }
0xbb: {  	s10 =	sadd.s32 $0x105, s11;
	s0 =	sadd.s32 @!p0 $0x180, s0;
	v2 =	vmov s9;
	v1 =	vbroadcast v1, $0x0;
	[sflag:s6] =	ssyncset.done @!p0 $0x0  }
0xbc: {  	v3 =	vmov s10;
	s7 =	simm.s32 @!p0 $0x80;
	s9 =	simm.s32 @!p0 $0x7980;
	v2 =	vand.u32 $0xFFFFFFFC, v2;
	[sflag:s6] =	ssyncadd.s32 @!p0 $0xFFFFF000  }
0xbd: {  	v3 =	vand.u32 $0xFFFFFFFD, v3;
	v4 =	vbroadcast v2, $0x0;
	[tilespmem:s9], [sflag:$0x1] =	stream.indirect.gather @!p0 [hbm4b:s4+s7], $0x20, s0, s7, $0xb8;
	[tilespmem:$0xF7A0] =	vst v63  }
0xbe: {  	v3 =	vbroadcast v3, $0x0;
	_ =	swait.ge [sflag:s25], $0x1000  }
0xbf: {  	s11 =	sadd.s32 $0x107, s11;
	[sflag:s25] =	ssyncset.done $0x0  }
0xc0: {  	v5 =	vmov s11;
	[sflag:s25] =	ssyncadd.s32 $0xFFFFF000  }
0xc1: {  	s0 =	simm.s32 $0x99C0;
	v2 =	vld.idx.msk [tilespmem:v1+s15+$0x0], $0xffff  }
0xc2: {  	v6 =	vld [tilespmem:s0+$0x10]  }
0xc3: {  	v4 =	vld.idx.msk [tilespmem:v4+s15+$0x0], $0xffff  }
0xc4: {  	s12 =	sadd.s32 $0x0, s30;
	v11 =	vld.idx.msk [tilespmem:v3+s15+$0x0], $0xffff  }
0xc5: {  	s9 =	sadd.s32 $0x106, s12;
	v1 =	vld.idx.msk [tilespmem:v5+s15+$0x0], $0xffff  }
0xc6: {  	s10 =	sadd.s32 $0x104, s12;
	s11 =	sadd.s32 $0x105, s12;
	v3 =	vmov s9;
	v5 =	vld [tilespmem:s0+$0xFFFFFFC0]  }
0xc7: {  	v8 =	vmov s10;
	v10 =	vmov s11;
	v7 =	vld [tilespmem:s0+$0xFFFFFFD0];
	v3 =	vand.u32 $0xFFFFFFFE, v3  }
0xc8: {  	v8 =	vand.u32 $0xFFFFFFFC, v8;
	v9 =	vld [tilespmem:s0+$0xFFFFFFE0];
	v3 =	vbroadcast v3, $0x0;
	v6 =	vmul.f32 v6, v2  }
0xc9: {  	v14 =	vand.u32 $0xFFFFFFFD, v10;
	v10 =	vbroadcast v8, $0x0;
	v13 =	vld [tilespmem:s0+$0xFFFFFFF0]  }
0xca: {  	v8 =	vbroadcast v14, $0x0;
	[tilespmem:s0+$0x10] =	vst v6;
	v6 =	vld [tilespmem:s0+$0x0]  }
0xcb: {  	s12 =	sadd.s32 $0x107, s12;
	v12 =	vmul.f32 v5, v4;
	v5 =	vld [tilespmem:s0+$0x20]  }
0xcc: {  	s5 =	simm.s32 $0x9A40;
	v15 =	vmul.f32 v7, v4;
	v4 =	vld [tilespmem:s0+$0x30];
	v7 =	vmov s12  }
0xcd: {  	[tilespmem:s0+$0xFFFFFFC0] =	vst v12;
	v12 =	vmul.f32 v9, v11;
	v9 =	vld [tilespmem:s5+$0x10]  }
0xce: {  	s6 =	simm.s32 $0x4;
	[tilespmem:s0+$0xFFFFFFD0] =	vst v15;
	v11 =	vmul.f32 v13, v11;
	v3 =	vld.idx.msk [tilespmem:v3+s15+$0x0], $0xffff  }
.LBB2_9:
0xcf: {  	s7 =	sadd.s32 s6, s30;
	s6 =	sadd.s32 $0x4, s6;
	v13 =	vld.idx.msk [tilespmem:v10+s15+$0x0], $0xffff;
	[tilespmem:s0+$0xFFFFFFE0] =	vst v12;
	v2 =	vmul.f32 v6, v2  }
0xd0: {  	s9 =	sadd.s32 $0x104, s7;
	s10 =	sadd.s32 $0x106, s7;
	p1 =	slt.u32 s6, $0x7C;
	v14 =	vld.idx.msk [tilespmem:v8+s15+$0x0], $0xffff;
	[tilespmem:s0+$0xFFFFFFF0] =	vst v11;
	v5 =	vmul.f32 v5, v1  }
0xd1: {  	v6 =	vmov s9;
	s9 =	sadd.s32 $0x105, s7;
	v8 =	vmov s10;
	s7 =	sadd.s32 $0x107, s7;
	[tilespmem:s0+$0x0] =	vst v2;
	v10 =	vmul.f32 v4, v1;
	v1 =	vld.idx.msk [tilespmem:v7+s15+$0x0], $0xffff  }
0xd2: {  	v4 =	vand.u32 $0xFFFFFFFC, v6;
	v6 =	vmov s9;
	v7 =	vand.u32 $0xFFFFFFFE, v8;
	v11 =	vld [tilespmem:s5+$0xFFFFFFC0];
	[tilespmem:s0+$0x20] =	vst v5  }
0xd3: {  	v5 =	vand.u32 $0xFFFFFFFD, v6;
	v12 =	vbroadcast v7, $0x0;
	v15 =	vld [tilespmem:s5+$0xFFFFFFD0];
	v6 =	vmul.f32 v9, v3;
	[tilespmem:s0+$0x30] =	vst v10;
	v2 =	vmovc v3;
	s0 =	smov.u32 s5  }
0xd4: {  	v10 =	vbroadcast v4, $0x0;
	v7 =	vmov s7;
	v8 =	vbroadcast v5, $0x0;
	v9 =	vld [tilespmem:s5+$0xFFFFFFE0]  }
0xd5: {  	v16 =	vld [tilespmem:s5+$0xFFFFFFF0];
	[tilespmem:s5+$0x10] =	vst v6  }
.Ltmp5:
0xd6: {  	v6 =	vld [tilespmem:s5+$0x0];
	(pc) =	sbr.rel @p1 .LBB2_9-.Ltmp5, $4  }
0xd7: {  	v11 =	vmul.f32 v11, v13;
	v5 =	vld [tilespmem:s5+$0x20]  }
0xd8: {  	v13 =	vmul.f32 v15, v13;
	v4 =	vld [tilespmem:s5+$0x30]  }
0xd9: {  	s5 =	sadd.s32 $0x80, s5;
	v3 =	vld.idx.msk [tilespmem:v12+s15+$0x0], $0xffff;
	[tilespmem:s0+$0xFFFFFFC0] =	vst v11;
	v12 =	vmul.f32 v9, v14  }
0xda: {  	v9 =	vld [tilespmem:s5+$0x10];
	[tilespmem:s0+$0xFFFFFFD0] =	vst v13;
	v11 =	vmul.f32 v16, v14  }
0xdb: {  	_ =	sdelay $0x3  }
0xdc: {  	v10 =	vld.idx.msk [tilespmem:v10+s15+$0x0], $0xffff  }
0xdd: {  	v8 =	vld.idx.msk [tilespmem:v8+s15+$0x0], $0xffff  }
0xde: {  	v7 =	vld.idx.msk [tilespmem:v7+s15+$0x0], $0xffff  }
0xdf: {  	v13 =	vld [tilespmem:s5+$0xFFFFFFC0]  }
0xe0: {  	[tilespmem:s0+$0xFFFFFFE0] =	vst v12;
	v57 =	vld [tilespmem:s5+$0xFFFFFFD0];
	v2 =	vmul.f32 v6, v2  }
0xe1: {  	v58 =	vld [tilespmem:s5+$0xFFFFFFE0];
	[tilespmem:s0+$0xFFFFFFF0] =	vst v11;
	v5 =	vmul.f32 v5, v1  }
0xe2: {  	v59 =	vld [tilespmem:s5+$0xFFFFFFF0];
	[tilespmem:s0+$0x0] =	vst v2;
	v1 =	vmul.f32 v4, v1  }
0xe3: {  	v2 =	vld [tilespmem:s5+$0x0];
	[tilespmem:s0+$0x20] =	vst v5;
	v9 =	vmul.f32 v9, v3  }
0xe4: {  	v61 =	vld [tilespmem:s5+$0x20];
	[tilespmem:s0+$0x30] =	vst v1;
	v60 =	vmul.f32 v13, v10  }
0xe5: {  	v62 =	vld [tilespmem:s5+$0x30];
	v1 =	vmul.f32 v57, v10;
	[tilespmem:s5+$0x10] =	vst v9  }
0xe6: {  	v63 =	vmul.f32 v58, v8;
	[tilespmem:s5+$0xFFFFFFC0] =	vst v60  }
0xe7: {  	[tilespmem:s5+$0xFFFFFFD0] =	vst v1;
	v1 =	vmul.f32 v59, v8  }
0xe8: {  	[tilespmem:s5+$0xFFFFFFE0] =	vst v63;
	v2 =	vmul.f32 v2, v3  }
.Ltmp6:
0xe9: {  	[tilespmem:s5+$0xFFFFFFF0] =	vst v1;
	v1 =	vmul.f32 v61, v7;
	(pc) =	sbr.rel @p0 .LBB2_12-.Ltmp6, $4  }
0xea: {  	[tilespmem:s5+$0x0] =	vst v2;
	v2 =	vmul.f32 v62, v7  }
0xeb: {  	[tilespmem:s5+$0x20] =	vst v1  }
0xec: {  	s14 =	sadd.s32 $0x2880, s14;
	[tilespmem:s5+$0x30] =	vst v2  }
0xed: {  	[spmem:s2] =	stream.indirect.scatter.add.f32 [tilespmem:s23], [sflag:$0x6], $0x20, s14, s21, $0xb8;
	[tilespmem:$0xF7A0] =	vst v63  }
.Ltmp7:
0xee: {  	(pc) =	sbr.rel .LBB2_4-.Ltmp7, $4  }
0xef: {  	_ =	swait.ge [sflag:s26], $0x1000  }
0xf0: {  	s0 =	sadd.s32 $0x200, s1;
	[sflag:s26] =	ssyncset.done $0x0  }
0xf1: {  	s31 =	sadd.s32 $0x1, s31;
	s30 =	sadd.s32 $0x180, s30;
	[sflag:s26] =	ssyncadd.s32 $0xFFFFF000  }
0xf2: {  	[tilespmem:s22], [sflag:$0x2] =	stream.indirect.gather [hbm4b:s4+s21], $0x20, s0, s21, $0xb8;
	[tilespmem:$0xF7A0] =	vst v63  }
.LBB2_13:
0xf3: {  	_ =	sfence.sel $0x180000  }
0xf4: {  	[bflag:$0x0] =	sbarrier.arrive $0xFFFF  }
0xf5: {  	_ =	strace $0x9000004A  }
0xf6: {  	s0 =	stileid.u32;
	[bflag:$0x2] =	sbarrier.arrive $0xFFFF  }
0xf7: {  	p0 =	sne.s32 s0, $0x0;
	s0 =	rddreg [dreg:$0x3]  }
0xf8: {  	s0 =	sadd.s32 @!p0 $0x100000, s0  }
0xf9: {  	[sflag:s0] =	ssyncadd.tile.s32 @!p0 $0x1;
	_ =	shalt  }
.Lfunc_end2:
_tile_overlayer_lowered:
.L_overlay_start_2:
0xfa: {  	(tag) =	ssettag $0x2  }
0xfb: {  	s0 =	rddreg [dreg:$0x0];
	s2 =	stileid.u32  }
0xfc: {  	s1 =	rddreg [dreg:$0x1];
	p0 =	sne.s32 s2, $0x0  }
0xfd: {  	s3 =	rddreg [dreg:$0x2];
	[bflag:$0x3] =	sbarrier.arrive $0xFFFF;
	s2 =	simm.s32 @!p0 $0x1C07  }
0xfe: {  	[timem:s3], [sflag:s2] =	dma.local @!p0 [hbm:s0], s1  }
0xff: {  	s0 =	simm.s32 @!p0 $0x7  }
0x100: {  	_ =	swait.ge @!p0 [sflag:s0], s1  }
0x101: {  	s1 =	ssub.s32 @!p0 $0x0, s1;
	[sflag:s0] =	ssyncset.done @!p0 $0x0  }
0x102: {  	[sflag:s0] =	ssyncadd.s32 @!p0 s1  }
0x103: {  	[bflag:$0x3] =	sbarrier.arrive $0xFFFF  }
0x104: {  	_ =	shalt  }

// kernel: kernel.7.cloned.1.call-start
scs
__scs_entry_jumppad:
0x0: {  	(pc) =	sbr.rel $0x88, $3  }
0x1: {  	(tag) =	ssettag $0x0;
	lr =	simm.s32 $0x1  }
0x2: {  	[smem:$0x3F9A] =	sst lr;
	_ =	strace $0xD0000000  }
0x3: {  	_ = 	snop  }
0x4: {  	_ = 	snop  }
0x5: {  	_ = 	snop  }
0x6: {  	_ = 	snop  }
0x7: {  	_ = 	snop  }
__scs_overlays_trampoline_lowered:
0x8: {  	[smem:$0x3FA9] =	sst s0  }
0x9: {  	[smem:$0x3FAA] =	sst s1  }
0xa: {  	[smem:$0x3FAB] =	sst s2  }
0xb: {  	[smem:$0x3FAC] =	sst s3  }
0xc: {  	[smem:$0x3FAD] =	sst s4  }
0xd: {  	[smem:$0x3FAE] =	sst s5  }
0xe: {  	[smem:$0x3FAF] =	sst s6  }
0xf: {  	[smem:$0x3FB0] =	sst s7  }
0x10: {  	[smem:$0x3FB1] =	sst s8  }
0x11: {  	[smem:$0x3FB2] =	sst s9;
	s0 =	simm.s32 @!p0 $0x0  }
0x12: {  	s1 =	sld [smem:$0x3F98];
	s0 =	simm.s32 @p0 $0x1  }
0x13: {  	[smem:$0x3FB3] =	sst s0;
	s0 =	simm.s32 @!p1 $0x0  }
0x14: {  	s2 =	sld [smem:$0x3F97];
	s0 =	simm.s32 @p1 $0x1  }
0x15: {  	[smem:$0x3FB4] =	sst s0;
	s0 =	simm.s32 @!p2 $0x0  }
0x16: {  	s3 =	sld [smem:$0x3FDB];
	s0 =	simm.s32 @p2 $0x1  }
0x17: {  	s4 =	simm.s32 $0x1BF5;
	[smem:$0x3FB6] =	sst s0  }
0x18: {  	s0 =	sld [smem:$0x3F99];
	_ =	swait.ge [sflag:s4], $0x0  }
0x19: {  	s7 =	sld [smem:$0x3F9A]  }
0x1a: {  	s8 =	sadd.s32 $0xFFFFE003, lr  }
0x1b: {  	s9 =	sadd.s32 $0xFFFFFEF7, lr;
	s5 =	simm.s32 $0xFFFFFFFF;
	p2 =	slt.u32 s8, $0xFFFFF086  }
0x1c: {  	p1 =	slt.u32 s9, $0xF7A;
	s5 =	simm.s32 @!p2 $0x0  }
0x1d: {  	s5 =	simm.s32 @p1 $0x1;
	p0 =	seq.s32 s7, s2  }
0x1e: {  	s7 =	smul.u32 @!p0 $0xF7A, s2;
	p2 =	seq.s32 @!p0 s5, $0x0  }
0x1f: {  	s9 =	smul.u32 $0xF7A, s1;
	s8 =	simm.s32 @!p0 $0x1BF5;
	p2 =	por !p2, p0  }
0x20: {  	[sflag:s8] =	ssyncset.s32 @!p0 $0xFFFFF086;
	s6 =	sadd.s32 @!p0 s3, s7;
	s7 =	simm.s32 @!p0 $0x108  }
0x21: {  	s3 =	sadd.s32 s3, s9;
	s6 =	sadd.s32 @!p0 $0x88, s6;
	s7 =	simm.s32 @p2 $0x1082  }
0x22: {  	[simem:s7], [sflag:s8] =	dma.local @!p0 [hbm:s6], $0xF7A  }
0x23: {  	s9 =	sor.u32 $0xD0000000, s2;
	s6 =	simm.s32 $0x108;
	_ =	swait.ge @!p0 [sflag:s8], $0x0  }
0x24: {  	s3 =	sadd.s32 $0x88, s3;
	s6 =	simm.s32 @!p1 $0x1082;
	[sflag:s4] =	ssyncset.s32 $0xFFFFF086  }
0x25: {  	[simem:s6], [sflag:s4] =	dma.local [hbm:s3], $0xF7A  }
0x26: {  	[smem:$0x3F9A] =	sst s1;
	(tag) =	ssettag s2;
	_ =	strace s9  }
0x27: {  	s1 =	sld [smem:$0x3FAA]  }
0x28: {  	s2 =	sld [smem:$0x3FAB]  }
0x29: {  	s4 =	sld [smem:$0x3FAD]  }
0x2a: {  	p0 =	seq.s32 s5, $0x0;
	s5 =	sld [smem:$0x3FAE]  }
0x2b: {  	s6 =	sld [smem:$0x3FAF]  }
0x2c: {  	s7 =	sld [smem:$0x3FB0]  }
0x2d: {  	s3 =	simm.s32 $0x108;
	s8 =	sld [smem:$0x3FB1]  }
0x2e: {  	s3 =	simm.s32 @!p0 $0x1082;
	s9 =	sld [smem:$0x3FB2]  }
0x2f: {  	lr =	sadd.s32 s0, s3;
	s0 =	sld [smem:$0x3FA9]  }
0x30: {  	s3 =	sld [smem:$0x3FAC]  }
0x31: {  	[smem:$0x3FB5] =	sst s10  }
0x32: {  	s10 =	sld [smem:$0x3FB3];
	_ =	sdelay $0x3  }
0x33: {  	p0 =	seq.s32 s10, $0x1;
	s10 =	sld [smem:$0x3FB5];
	_ =	sdelay $0x3  }
0x34: {  	[smem:$0x3FB5] =	sst s10  }
0x35: {  	s10 =	sld [smem:$0x3FB4];
	_ =	sdelay $0x3  }
0x36: {  	p1 =	seq.s32 s10, $0x1;
	s10 =	sld [smem:$0x3FB5];
	_ =	sdelay $0x3  }
0x37: {  	[smem:$0x3FB5] =	sst s10  }
0x38: {  	s10 =	sld [smem:$0x3FB6]  }
0x39: {  	_ = 	snop;
	(pc) =	sbr.ind lr, $3  }
0x3a: {  	_ = 	snop  }
0x3b: {  	_ = 	snop  }
0x3c: {  	p2 =	seq.s32 s10, $0x1;
	s10 =	sld [smem:$0x3FB5]  }
0x3d: {  	_ =	shalt  }
0x3e: {  	_ =	shalt  }
0x3f: {  	_ =	shalt  }
0x40: {  	_ =	shalt  }
0x41: {  	_ =	shalt  }
0x42: {  	_ =	shalt  }
0x43: {  	_ =	shalt  }
0x44: {  	_ =	shalt  }
0x45: {  	_ =	shalt  }
0x46: {  	_ =	shalt  }
0x47: {  	_ =	shalt  }
0x48: {  	_ =	shalt  }
0x49: {  	_ =	shalt  }
0x4a: {  	_ =	shalt  }
0x4b: {  	_ =	shalt  }
0x4c: {  	_ =	shalt  }
0x4d: {  	_ =	shalt  }
0x4e: {  	_ =	shalt  }
0x4f: {  	_ =	shalt  }
0x50: {  	_ =	shalt  }
0x51: {  	_ =	shalt  }
0x52: {  	_ =	shalt  }
0x53: {  	_ =	shalt  }
0x54: {  	_ =	shalt  }
0x55: {  	_ =	shalt  }
0x56: {  	_ =	shalt  }
0x57: {  	_ =	shalt  }
0x58: {  	_ =	shalt  }
0x59: {  	_ =	shalt  }
0x5a: {  	_ =	shalt  }
0x5b: {  	_ =	shalt  }
0x5c: {  	_ =	shalt  }
0x5d: {  	_ =	shalt  }
0x5e: {  	_ =	shalt  }
0x5f: {  	_ =	shalt  }
0x60: {  	_ =	shalt  }
0x61: {  	_ =	shalt  }
0x62: {  	_ =	shalt  }
0x63: {  	_ =	shalt  }
0x64: {  	_ =	shalt  }
0x65: {  	_ =	shalt  }
0x66: {  	_ =	shalt  }
0x67: {  	_ =	shalt  }
0x68: {  	_ =	shalt  }
0x69: {  	_ =	shalt  }
0x6a: {  	_ =	shalt  }
0x6b: {  	_ =	shalt  }
0x6c: {  	_ =	shalt  }
0x6d: {  	_ =	shalt  }
0x6e: {  	_ =	shalt  }
0x6f: {  	_ =	shalt  }
0x70: {  	_ =	shalt  }
0x71: {  	_ =	shalt  }
0x72: {  	_ =	shalt  }
0x73: {  	_ =	shalt  }
0x74: {  	_ =	shalt  }
0x75: {  	_ =	shalt  }
0x76: {  	_ =	shalt  }
0x77: {  	_ =	shalt  }
0x78: {  	_ =	shalt  }
0x79: {  	_ =	shalt  }
0x7a: {  	_ =	shalt  }
0x7b: {  	_ =	shalt  }
0x7c: {  	_ =	shalt  }
0x7d: {  	_ =	shalt  }
0x7e: {  	_ =	shalt  }
0x7f: {  	_ =	shalt  }
0x80: {  	_ =	shalt  }
0x81: {  	_ =	shalt  }
0x82: {  	_ =	shalt  }
0x83: {  	_ =	shalt  }
0x84: {  	_ =	shalt  }
0x85: {  	_ =	shalt  }
0x86: {  	_ =	shalt  }
0x87: {  	_ =	shalt  }
.Lfunc_end0:
.L_simem_size_0:
called_computation_lowered:
.L_overlay_start_0:
0x88: {  	s2 =	sld [smem:$0x3FD9]  }
0x89: {  	s3 =	sld [smem:$0x3FFE];
	_ =	sdelay $0x1  }
0x8a: {  	s1 =	srdreg.scid  }
0x8b: {  	s0 =	sand.u32 $0x1, s1  }
0x8c: {  	s14 =	sshll.u32 s0, $0xA;
	s2 =	sadd.s32 s3, s2  }
0x8d: {  	s2 =	sadd.s32 s2, s14  }
0x8e: {  	[smem:$0x3FC1] =	sst s2  }
0x8f: {  	_ = 	snop  }
0x90: {  	s2 =	sld [smem:$0x3FD0];
	_ =	sdelay $0x2  }
0x91: {  	s15 =	simm.s32 $0xA;
	s4 =	simm.s32 $0x10  }
0x92: {  	[smem:s4], [sflag:s15] =	dma.local [hbm:s2], $0x1  }
0x93: {  	_ =	swait.eq [sflag:s15], $0x1  }
0x94: {  	[sflag:s15] =	ssyncset.done $0x0  }
0x95: {  	s16 =	sld [smem:$0x10];
	[sflag:s15] =	ssyncadd.s32 $0xFFFFFFFF  }
0x96: {  	s17 =	sld [smem:$0x11];
	(tm) =	ssettm $0x1  }
0x97: {  	s18 =	sld [smem:$0x3FFB];
	_ =	sdelay $0x3  }
0x98: {  	_ =	strace s18  }
0x99: {  	s4 =	sld [smem:$0x3FFC];
	_ =	sdelay $0x3  }
0x9a: {  	_ =	strace s4  }
0x9b: {  	s4 =	sld [smem:$0x3FFD];
	_ =	sdelay $0x3  }
0x9c: {  	_ =	strace s4  }
0x9d: {  	_ =	strace $0x8FFFFFFF  }
0x9e: {  	s19 =	sld [smem:$0x3FDB];
	_ =	sdelay $0x1  }
0x9f: {  	s5 =	simm.s32 $_scs_section_size  }
0xa0: {  	s6 =	simm.s32 $_size__tile_overlayer_lowered;
	s7 =	simm.s32 $_tile_overlayer_lowered  }
0xa1: {  	s22 =	simm.s32 $0x1BFF;
	s21 =	sshll.u32 s7, $0x1;
	s4 =	sadd.s32 s5, s19  }
0xa2: {  	s8 =	simm.s32 $0x0;
	s20 =	sshll.u32 s6, $0x1;
	s6 =	sadd.s32 s21, s4  }
0xa3: {  	[timem:s8], [sflag:s22] =	dma.local [hbm:s6], s20  }
0xa4: {  	_ =	swait.ge [sflag:s22], s20  }
0xa5: {  	s5 =	ssub.s32 $0x0, s20;
	[sflag:s22] =	ssyncset.done $0x0  }
0xa6: {  	[sflag:s22] =	ssyncadd.s32 s5;
	_ =	sdelay $0x1  }
0xa7: {  	s23 =	simm.s32 $0x1B8B  }
0xa8: {  	_ =	swait.ge [sflag:s23], $0x1  }
0xa9: {  	[sflag:s23] =	ssyncset.done $0x0  }
0xaa: {  	s25 =	simm.s32 $0x1B8E;
	s24 =	sld [smem:$0x3FFE];
	[sflag:s23] =	ssyncadd.s32 $0xFFFFFFFF  }
0xab: {  	s26 =	simm.s32 $execute0_lowered;
	[smem:$0x3FD2] =	sst s25  }
0xac: {  	s6 =	sshll.u32 s26, $0x1;
	_ =	strace $0x80000046;
	[dreg:$0x1] =	wrdreg $0xFFFFFFFF  }
0xad: {  	s28 =	simm.s32 $_size_execute0_lowered;
	s4 =	sadd.s32 s4, s6;
	[dreg:$0x0] =	wrdreg $0x0  }
0xae: {  	s6 =	sshll.u32 s28, $0x1;
	[dreg:$0x2] =	wrdreg s4  }
0xaf: {  	[dreg:$0x3] =	wrdreg s6  }
0xb0: {  	[dreg:$0x4] =	wrdreg $0xC0  }
0xb1: {  	_ =	task [dreg:s8], $0x5FFFF  }
0xb2: {  	[dreg:$0x1] =	wrdreg $0xFFFFFFFF  }
0xb3: {  	[dreg:$0x0] =	wrdreg $0x60  }
0xb4: {  	[dreg:$0x2] =	wrdreg s24  }
0xb5: {  	[dreg:$0x3] =	wrdreg s16  }
0xb6: {  	[dreg:$0x4] =	wrdreg s17  }
0xb7: {  	[dreg:$0x5] =	wrdreg $0x14EB00  }
0xb8: {  	[dreg:$0x6] =	wrdreg $0x9  }
0xb9: {  	_ =	task.clear_ibuf [dreg:s8], $0x7FFFF;
	_ =	strace $0x90000046  }
0xba: {  	s29 =	simm.s32 $0x9;
	_ =	strace $0x80000048  }
0xbb: {  	_ =	swait.ge [sflag:s29], $0x1  }
0xbc: {  	[sflag:s29] =	ssyncadd.s32 $0xFFFFFFFF  }
0xbd: {  	_ =	strace $0x90000048  }
0xbe: {  	_ =	sfence  }
0xbf: {  	s30 =	sld [smem:$0x0];
	_ =	sdelay $0x2  }
0xc0: {  	s31 =	sshll.u32 s1, $0xD;
	s1 =	sshrl.u32 s1, $0x2  }
0xc1: {  	s3 =	sand.u32 $0x4000, s31;
	s1 =	sadd.s32 s1, s30  }
0xc2: {  	s0 =	sor.u32 s3, s0;
	s1 =	sshll.u32 s1, $0x11  }
0xc3: {  	s0 =	sor.u32 s1, s0  }
0xc4: {  	s0 =	sadd.s32 $0x8F2B, s0  }
0xc5: {  	[sflag:s0] =	ssyncadd.remote.s32 $0x1  }
0xc6: {  	_ =	sfence.sel $0xFFFF  }
0xc7: {  	[dreg:$0x0] =	wrdreg $0xFFFFFFFF;
	(pc) =	sbr.abs _section_cstart, $3  }
0xc8: {  	[dreg:$0x1] =	wrdreg $0xFFFFFFFF  }
0xc9: {  	_ =	task.clear_ibuf [dreg:s8], $0x2FFFF;
	_ =	strace $0x9FFFFFFF  }
0xca: {  	(tm) =	ssettm $0x7FFFFFFF  }
0xcb: {  	_ =	shalt  }
tec
execute0_lowered:
.L_overlay_start_1:
0x0: {  	(tag) =	ssettag $0x1  }
0x1: {  	s0 =	rddreg [dreg:$0x0]  }
0x2: {  	s1 =	rddreg [dreg:$0x1]  }
0x3: {  	s2 =	srdreg.scid;
	s3 =	rddreg [dreg:$0x2]  }
0x4: {  	s10 =	stileid.u32;
	s11 =	rddreg [dreg:$0x3]  }
0x5: {  	s15 =	simm.s32 $0x0;
	s28 =	simm.s32 $0x2710;
	s16 =	simm.s32 $0x7530  }
0x6: {  	s2 =	sand.u32 $0x1, s2;
	s4 =	sshll.u32 s10, $0x1;
	[smem:$0x7FF] =	sst s15  }
0x7: {  	s6 =	sadd.s32 $0x15400, s0;
	s17 =	sadd.s32 $0x15A00, s0;
	s9 =	smul.u32 $0x27000, s10  }
0x8: {  	s20 =	smul.u32 $0x9C00, s10;
	s4 =	sor.u32 s2, s4;
	_ =	strace $0x80000047  }
0x9: {  	[dreg:$0x19] =	wrdreg s6;
	s18 =	ssub.s32 $0x2, s2;
	s2 =	smul.u32 $0x13880, s2  }
0xa: {  	s14 =	sadd.s32 $0x16000, s0;
	[dreg:$0x1a] =	wrdreg s17;
	s5 =	smul.u32 $0x510, s4  }
0xb: {  	s17 =	simm.s32 $0x1;
	[dreg:$0x1b] =	wrdreg s14;
	s13 =	smul.u32 $0x2880, s4  }
0xc: {  	s8 =	sshrl.u32 s18, $0x1;
	s21 =	sshrl.u32 s9, $0x2;
	s4 =	smul.u32 $0x4E2, s4  }
0xd: {  	s30 =	sshrl.u32 s20, $0x3;
	s6 =	ssub.s32 s18, s8;
	s8 =	sadd.s32 s20, s11  }
0xe: {  	s22 =	sadd.s32 s21, s11;
	s29 =	sadd.s32 s3, s2;
	[dreg:$0x1e] =	wrdreg s8  }
0xf: {  	s18 =	simm.s32 $0x2;
	s23 =	sadd.s32 $0x2000, s22;
	[dreg:$0xe] =	wrdreg s13  }
0x10: {  	s2 =	simm.s32 $0x4;
	s24 =	sadd.s32 $0x4000, s22;
	[dreg:$0x1f] =	wrdreg s23  }
0x11: {  	s21 =	simm.s32 $0xEEB0;
	s25 =	sadd.s32 $0x6000, s22;
	[smem:$0x7F7] =	sst s24  }
0x12: {  	s20 =	simm.s32 $0xC630;
	s26 =	sadd.s32 s1, s4;
	[smem:$0x7F8] =	sst s25  }
0x13: {  	s5 =	sadd.s32 s5, s0;
	s31 =	smax.u32 s6, $0x1;
	[smem:$0x7FB] =	sst s26  }
0x14: {  	s7 =	sshrl.u32 s13, $0x3;
	s19 =	sadd.s32 $0x1000, s5;
	[smem:$0x7FC] =	sst s31  }
.Ltmp0:
0x15: {  	s5 =	sadd.s32 $0xB200, s5;
	[dreg:$0x1c] =	wrdreg s19;
	(pc) =	sbr.rel .LBB2_1-.Ltmp0, $4  }
0x16: {  	s0 =	sadd.s32 s7, s0;
	[dreg:$0x1d] =	wrdreg s5;
	s5 =	sadd.s32 $0x8000, s22  }
0x17: {  	s4 =	simm.s32 $0x7;
	s0 =	sadd.s32 $0x29A00, s0;
	[smem:$0x7F9] =	sst s5  }
0x18: {  	s1 =	simm.s32 $0x0;
	[smem:$0x7FA] =	sst s0;
	s0 =	sadd.s32 s30, s29  }
0x19: {  	v0 =	vimm.f32 $0.0e+00;
	s24 =	simm.s32 $0x4E20;
	s19 =	simm.s32 $0x5;
	[smem:$0x7FD] =	sst s0  }
.LBB2_16:
0x1a: {  	s2 =	simm.s32 $0x4  }
0x1b: {  	_ =	swait.ge [sflag:s2], $0x2000  }
0x1c: {  	[sflag:s2] =	ssyncset.done $0x0  }
0x1d: {  	[sflag:s2] =	ssyncadd.s32 $0xFFFFE000  }
0x1e: {  	_ =	swait.ge [sflag:s19], $0x2000  }
0x1f: {  	[sflag:s19] =	ssyncset.done $0x0  }
0x20: {  	s0 =	simm.s32 $0x6;
	[sflag:s19] =	ssyncadd.s32 $0xFFFFE000  }
0x21: {  	_ =	swait.ge [sflag:s0], $0x2000  }
0x22: {  	s25 =	sld [smem:$0x7FA]  }
0x23: {  	[sflag:s0] =	ssyncset.done $0x0  }
0x24: {  	s26 =	sld [smem:$0x7FB];
	[sflag:s0] =	ssyncadd.s32 $0xFFFFE000  }
0x25: {  	[hbm4b:s25+s15] =	stream.linear.scatter [tilespmem:s20], [sflag:$0x1], $0x2880, $0x38;
	[tilespmem:$0x1EAF0] =	vst v63  }
0x26: {  	s4 =	simm.s32 $0x7  }
0x27: {  	[hbm4b:s26+s15] =	stream.linear.scatter [tilespmem:s24], [sflag:$0x7], $0x2710, $0x38;
	[tilespmem:$0x1EAF0] =	vst v63  }
0x28: {  	_ =	swait.ge [sflag:s4], $0x2710  }
0x29: {  	[sflag:s4] =	ssyncset.done $0x0  }
0x2a: {  	[sflag:s4] =	ssyncadd.s32 $0xFFFFD8F0  }
0x2b: {  	[bflag:$0x0] =	sbarrier.arrive $0xFFFF  }
0x2c: {  	s29 =	stileid.u32;
	s3 =	sld [smem:$0x7FD]  }
0x2d: {  	s0 =	sshll.u32 s29, $0x6;
	s8 =	rddreg [dreg:$0x1e]  }
0x2e: {  	s0 =	sor.u32 $0x1C07, s0;
	s1 =	sshrl.u32 s8, $0x3  }
0x2f: {  	[hbm:s3], [sflag:s0] =	dma.local [spmem:s1], $0x1400  }
0x30: {  	_ =	swait.ge [sflag:s4], $0x1400  }
0x31: {  	[sflag:s4] =	ssyncset.done $0x0  }
0x32: {  	[sflag:s4] =	ssyncadd.s32 $0xFFFFEC00  }
0x33: {  	_ =	swait.ge [sflag:s17], $0x2880  }
0x34: {  	s30 =	sld [smem:$0x7F6]  }
0x35: {  	s31 =	sld [smem:$0x7FC];
	_ =	sdelay $0x1  }
0x36: {  	s1 =	sadd.s32 $0x1, s30  }
0x37: {  	p0 =	sne.s32 s1, s31  }
.Ltmp1:
0x38: {  	_ = 	snop;
	(pc) =	sbr.rel @!p0 .LBB2_17-.Ltmp1, $3  }
0x39: {  	_ =	sdelay $0x1  }
0x3a: {  	[sflag:s17] =	ssyncset.done $0x0  }
0x3b: {  	[sflag:s17] =	ssyncadd.s32 $0xFFFFD780  }
.LBB2_1:
0x3c: {  	[smem:$0x7F6] =	sst s1  }
0x3d: {  	s0 =	rddreg [dreg:$0x19]  }
0x3e: {  	[tilespmem:s15], [sflag:$0x1] =	stream.linear.gather [hbm4b:s0+s15], $0x2710, $0x38;
	[tilespmem:$0x1EAF0] =	vst v63  }
0x3f: {  	s26 =	rddreg [dreg:$0x1a]  }
0x40: {  	[tilespmem:s28], [sflag:$0x2] =	stream.linear.gather [hbm4b:s26+s15], $0x2710, $0x38;
	[tilespmem:$0x1EAF0] =	vst v63  }
0x41: {  	s29 =	rddreg [dreg:$0x1c]  }
0x42: {  	[tilespmem:s16], [sflag:$0x4] =	stream.linear.gather [hbm4b:s29+s15], $0x2880, $0x38;
	[tilespmem:$0x1EAF0] =	vst v63  }
0x43: {  	s30 =	rddreg [dreg:$0x1d];
	s31 =	simm.s32 $0x9DB0;
	s0 =	simm.s32 $0x4E40  }
0x44: {  	[tilespmem:s31], [sflag:$0x5] =	stream.linear.gather [hbm4b:s30+s15], $0x2880, $0x38;
	[tilespmem:$0x1EAF0] =	vst v63  }
0x45: {  	[tilespmem:s0+$0xFFFFFFE0] =	vst v0  }
0x46: {  	[tilespmem:s0+$0x10] =	vst v0  }
0x47: {  	s1 =	simm.s32 $0x0;
	[tilespmem:s0+$0x0] =	vst v0  }
.LBB2_2:
0x48: {  	s1 =	sadd.s32 $0x4, s1  }
0x49: {  	[tilespmem:s0+$0xFFFFFFF0] =	vst v0;
	s0 =	sadd.s32 $0x40, s0;
	p0 =	slt.u32 s1, $0x26C  }
.Ltmp2:
0x4a: {  	[tilespmem:s0+$0xFFFFFFE0] =	vst v0;
	(pc) =	sbr.rel @p0 .LBB2_2-.Ltmp2, $3  }
0x4b: {  	_ =	sdelay $0x1  }
0x4c: {  	[tilespmem:s0+$0x10] =	vst v0  }
0x4d: {  	[tilespmem:s0+$0x0] =	vst v0  }
0x4e: {  	[tilespmem:s0+$0xFFFFFFF0] =	vst v0  }
0x4f: {  	[tilespmem:$0x7520] =	vst v0  }
0x50: {  	_ =	swait.ge [sflag:s17], $0x2710  }
0x51: {  	[sflag:s17] =	ssyncset.done $0x0  }
0x52: {  	[sflag:s17] =	ssyncadd.s32 $0xFFFFD8F0  }
0x53: {  	_ =	swait.ge [sflag:s18], $0x2710  }
0x54: {  	[sflag:s18] =	ssyncset.done $0x0  }
0x55: {  	[sflag:s18] =	ssyncadd.s32 $0xFFFFD8F0  }
0x56: {  	_ =	swait.ge [sflag:s2], $0x2880  }
0x57: {  	[sflag:s2] =	ssyncset.done $0x0  }
0x58: {  	[sflag:s2] =	ssyncadd.s32 $0xFFFFD780  }
0x59: {  	_ =	swait.ge [sflag:s19], $0x2880  }
0x5a: {  	[sflag:s19] =	ssyncset.done $0x0  }
0x5b: {  	s1 =	simm.s32 $0x100;
	s0 =	simm.s32 $0x0;
	[sflag:s19] =	ssyncadd.s32 $0xFFFFD780  }
.LBB2_4:
0x5c: {  	p0 =	sne.s32 s1, $0x7F00;
	[tilespmem:s0+$0xEEE0] =	vst v0;
	s2 =	smov.u32 s1;
	s1 =	sadd.s32 $0x100, s1  }
.Ltmp3:
0x5d: {  	[tilespmem:s0+$0xEED0] =	vst v0;
	(pc) =	sbr.rel @p0 .LBB2_4-.Ltmp3, $3  }
0x5e: {  	[tilespmem:s0+$0xEEB0] =	vst v0  }
0x5f: {  	[tilespmem:s0+$0xEEC0] =	vst v0;
	_ =	sdelay $0x1  }
0x60: {  	s0 =	sshra.s32 s2, $0x2  }
0x61: {  	[tilespmem:s0+$0xEEE0] =	vst v0  }
0x62: {  	[tilespmem:s0+$0xEED0] =	vst v0  }
0x63: {  	[tilespmem:s0+$0xEEB0] =	vst v0  }
0x64: {  	[tilespmem:s0+$0xEEC0] =	vst v0  }
0x65: {  	[spmem:s8] =	stream.linear.scatter [tilespmem:s21], [sflag:$0x7], $0x2000, $0x38;
	[tilespmem:$0x1EAF0] =	vst v63  }
0x66: {  	_ =	swait.ge [sflag:s4], $0x2000  }
0x67: {  	[sflag:s4] =	ssyncset.done $0x0  }
0x68: {  	s10 =	rddreg [dreg:$0x1f];
	[sflag:s4] =	ssyncadd.s32 $0xFFFFE000  }
0x69: {  	[spmem:s10] =	stream.linear.scatter [tilespmem:s21], [sflag:$0x7], $0x2000, $0x38;
	[tilespmem:$0x1EAF0] =	vst v63  }
0x6a: {  	_ =	swait.ge [sflag:s4], $0x2000  }
0x6b: {  	s11 =	sld [smem:$0x7F7]  }
0x6c: {  	[sflag:s4] =	ssyncset.done $0x0  }
0x6d: {  	[sflag:s4] =	ssyncadd.s32 $0xFFFFE000  }
0x6e: {  	[spmem:s11] =	stream.linear.scatter [tilespmem:s21], [sflag:$0x7], $0x2000, $0x38;
	[tilespmem:$0x1EAF0] =	vst v63  }
0x6f: {  	_ =	swait.ge [sflag:s4], $0x2000  }
0x70: {  	s12 =	sld [smem:$0x7F8]  }
0x71: {  	[sflag:s4] =	ssyncset.done $0x0  }
0x72: {  	[sflag:s4] =	ssyncadd.s32 $0xFFFFE000  }
0x73: {  	[spmem:s12] =	stream.linear.scatter [tilespmem:s21], [sflag:$0x7], $0x2000, $0x38;
	[tilespmem:$0x1EAF0] =	vst v63  }
0x74: {  	_ =	swait.ge [sflag:s4], $0x2000  }
0x75: {  	s14 =	sld [smem:$0x7F9]  }
0x76: {  	[sflag:s4] =	ssyncset.done $0x0  }
0x77: {  	[sflag:s4] =	ssyncadd.s32 $0xFFFFE000  }
0x78: {  	[spmem:s14] =	stream.linear.scatter [tilespmem:s21], [sflag:$0x7], $0x2000, $0x38;
	[tilespmem:$0x1EAF0] =	vst v63  }
0x79: {  	_ =	swait.ge [sflag:s4], $0x2000  }
0x7a: {  	[sflag:s4] =	ssyncset.done $0x0  }
0x7b: {  	[sflag:s4] =	ssyncadd.s32 $0xFFFFE000  }
0x7c: {  	s1 =	simm.s32 $0x7570;
	[bflag:$0x0] =	sbarrier.arrive $0xFFFF  }
0x7d: {  	s16 =	simm.s32 $0x9DF0;
	v1 =	vld [tilespmem:s1+$0xFFFFFFC0]  }
0x7e: {  	v2 =	vld [tilespmem:s16+$0xFFFFFFC0];
	_ =	sdelay $0x6  }
0x7f: {  	v1 =	vld.idx.msk [tilespmem:v1+s15+$0x0], $0xffff  }
0x80: {  	v3 =	vld.idx.msk [tilespmem:v2+s28+$0x0], $0xffff;
	_ =	sdelay $0x4  }
0x81: {  	v1 =	vadd.f32 v3, v1;
	_ =	sdelay $0x1  }
0x82: {  	v1 =	vsub.f32 $0.0e+00, v1;
	_ =	sdelay $0x1  }
0x83: {  	v1 =	vmul.f32 $1.442695020e+00, v1;
	_ =	sdelay $0x1  }
0x84: {  	(erf) = vpow2.f32 v1;
	_ =	sdelay $0x8  }
0x85: {  	v1 =	vpop (erf)  }
0x86: {  	v1 =	vadd.f32 $1.000000000e+00, v1;
	_ =	sdelay $0x1  }
0x87: {  	(erf) = vrcp.f32 v1;
	_ =	sdelay $0x8  }
0x88: {  	s2 =	simm.s32 $0x75F0;
	v1 =	vpop (erf)  }
0x89: {  	s19 =	simm.s32 $0x9E70;
	v3 =	vld [tilespmem:s2+$0xFFFFFFC0];
	v1 =	vmul.f32 $1.442695020e+00, v1  }
0x8a: {  	v4 =	vld [tilespmem:s19+$0xFFFFFFC0]  }
0x8b: {  	(erf) = vpow2.f32 v1;
	_ =	sdelay $0x5  }
0x8c: {  	v1 =	vld.idx.msk [tilespmem:v3+s15+$0x0], $0xffff  }
0x8d: {  	v3 =	vld.idx.msk [tilespmem:v4+s28+$0x0], $0xffff  }
0x8e: {  	s22 =	sadd.s32 $0x0, s13  }
0x8f: {  	p0 =	slt.u32 s22, $0x4E200;
	v5 =	vpop (erf)  }
0x90: {  	s3 =	simm.s32 $0xC670;
	v5 =	vpsel !p0, $0x0, v5  }
0x91: {  	[tilespmem:s3+$0xFFFFFFC0] =	vst v5  }
0x92: {  	s17 =	simm.s32 $0x7570;
	v1 =	vadd.f32 v3, v1;
	[tilespmem:v2+s24+$0x0] =	vst.idx.add.f32.msk $0xffff, v5  }
0x93: {  	s18 =	simm.s32 $0x9DF0;
	v2 =	vld [tilespmem:s17+$0xFFFFFFD0]  }
0x94: {  	v1 =	vsub.f32 $0.0e+00, v1;
	v3 =	vld [tilespmem:s18+$0xFFFFFFD0];
	_ =	sdelay $0x1  }
0x95: {  	v1 =	vmul.f32 $1.442695020e+00, v1;
	_ =	sdelay $0x1  }
0x96: {  	(erf) = vpow2.f32 v1;
	_ =	sdelay $0x2  }
0x97: {  	v1 =	vld.idx.msk [tilespmem:v2+s15+$0x0], $0xffff  }
0x98: {  	v2 =	vld.idx.msk [tilespmem:v3+s28+$0x0], $0xffff;
	_ =	sdelay $0x4  }
0x99: {  	v1 =	vadd.f32 v2, v1;
	v2 =	vpop (erf)  }
0x9a: {  	v2 =	vadd.f32 $1.000000000e+00, v2  }
0x9b: {  	v1 =	vsub.f32 $0.0e+00, v1  }
0x9c: {  	(erf) = vrcp.f32 v2  }
0x9d: {  	v1 =	vmul.f32 $1.442695020e+00, v1;
	_ =	sdelay $0x1  }
0x9e: {  	(erf) = vpow2.f32 v1;
	_ =	sdelay $0x5  }
0x9f: {  	s18 =	simm.s32 $0x7670;
	v2 =	vpop (erf)  }
0xa0: {  	s23 =	simm.s32 $0x9EF0;
	v1 =	vld [tilespmem:s18+$0xFFFFFFC0];
	v2 =	vmul.f32 $1.442695020e+00, v2  }
0xa1: {  	v5 =	vld [tilespmem:s23+$0xFFFFFFC0]  }
0xa2: {  	v6 =	vpop (erf);
	(erf) = vpow2.f32 v2  }
0xa3: {  	v2 =	vadd.f32 $1.000000000e+00, v6;
	_ =	sdelay $0x1  }
0xa4: {  	(erf) = vrcp.f32 v2;
	_ =	sdelay $0x2  }
0xa5: {  	v1 =	vld.idx.msk [tilespmem:v1+s15+$0x0], $0xffff  }
0xa6: {  	v2 =	vld.idx.msk [tilespmem:v5+s28+$0x0], $0xffff  }
0xa7: {  	s9 =	sadd.s32 $0x80, s13  }
0xa8: {  	p4 =	slt.u32 s9, $0x4E200;
	v6 =	vpop (erf)  }
0xa9: {  	s6 =	simm.s32 $0xC6F0;
	v6 =	vpsel !p4, $0x0, v6  }
0xaa: {  	[tilespmem:s6+$0xFFFFFFC0] =	vst v6  }
0xab: {  	s5 =	simm.s32 $0x75F0;
	v1 =	vadd.f32 v2, v1;
	v2 =	vpop (erf);
	[tilespmem:v4+s24+$0x0] =	vst.idx.add.f32.msk $0xffff, v6  }
0xac: {  	s21 =	simm.s32 $0x9E70;
	v2 =	vmul.f32 $1.442695020e+00, v2;
	v4 =	vld [tilespmem:s5+$0xFFFFFFD0]  }
0xad: {  	v6 =	vld [tilespmem:s21+$0xFFFFFFD0]  }
0xae: {  	v1 =	vsub.f32 $0.0e+00, v1;
	(erf) = vpow2.f32 v2;
	_ =	sdelay $0x1  }
0xaf: {  	v1 =	vmul.f32 $1.442695020e+00, v1;
	_ =	sdelay $0x1  }
0xb0: {  	(erf) = vpow2.f32 v1;
	_ =	sdelay $0x1  }
0xb1: {  	v1 =	vld.idx.msk [tilespmem:v4+s15+$0x0], $0xffff  }
0xb2: {  	v2 =	vld.idx.msk [tilespmem:v6+s28+$0x0], $0xffff  }
0xb3: {  	s10 =	sadd.s32 $0x10, s22  }
0xb4: {  	p5 =	slt.u32 s10, $0x4E200;
	v4 =	vpop (erf)  }
0xb5: {  	v4 =	vpsel !p5, $0x0, v4  }
0xb6: {  	[tilespmem:s3+$0xFFFFFFD0] =	vst v4  }
0xb7: {  	s25 =	simm.s32 $0x7570;
	v1 =	vadd.f32 v2, v1;
	[tilespmem:v3+s24+$0x0] =	vst.idx.add.f32.msk $0xffff, v4  }
0xb8: {  	s26 =	simm.s32 $0x9DF0;
	v7 =	vpop (erf);
	v2 =	vld [tilespmem:s25+$0xFFFFFFE0]  }
0xb9: {  	v3 =	vadd.f32 $1.000000000e+00, v7;
	v4 =	vld [tilespmem:s26+$0xFFFFFFE0];
	v1 =	vsub.f32 $0.0e+00, v1;
	_ =	sdelay $0x1  }
0xba: {  	(erf) = vrcp.f32 v3;
	v1 =	vmul.f32 $1.442695020e+00, v1;
	_ =	sdelay $0x1  }
0xbb: {  	(erf) = vpow2.f32 v1  }
0xbc: {  	s21 =	simm.s32 $0x76F0  }
0xbd: {  	v3 =	vld [tilespmem:s21+$0xFFFFFFC0]  }
0xbe: {  	v1 =	vld.idx.msk [tilespmem:v2+s15+$0x0], $0xffff  }
0xbf: {  	s25 =	simm.s32 $0x9F70;
	v2 =	vld.idx.msk [tilespmem:v4+s28+$0x0], $0xffff  }
0xc0: {  	v8 =	vld [tilespmem:s25+$0xFFFFFFC0];
	_ =	sdelay $0x1  }
0xc1: {  	v7 =	vpop (erf)  }
0xc2: {  	v7 =	vmul.f32 $1.442695020e+00, v7  }
0xc3: {  	v1 =	vadd.f32 v2, v1;
	v2 =	vpop (erf)  }
0xc4: {  	(erf) = vpow2.f32 v7;
	v2 =	vadd.f32 $1.000000000e+00, v2;
	_ =	sdelay $0x1  }
0xc5: {  	(erf) = vrcp.f32 v2;
	v2 =	vld.idx.msk [tilespmem:v3+s15+$0x0], $0xffff  }
0xc6: {  	v1 =	vsub.f32 $0.0e+00, v1;
	v3 =	vld.idx.msk [tilespmem:v8+s28+$0x0], $0xffff;
	_ =	sdelay $0x1  }
0xc7: {  	v1 =	vmul.f32 $1.442695020e+00, v1;
	_ =	sdelay $0x1  }
0xc8: {  	(erf) = vpow2.f32 v1  }
0xc9: {  	s12 =	sadd.s32 $0x100, s13;
	v2 =	vadd.f32 v3, v2  }
0xca: {  	p6 =	slt.u32 s12, $0x4E200;
	v1 =	vpop (erf)  }
0xcb: {  	s19 =	simm.s32 $0xC770;
	v1 =	vpsel !p6, $0x0, v1  }
0xcc: {  	[tilespmem:s19+$0xFFFFFFC0] =	vst v1  }
0xcd: {  	[tilespmem:v5+s24+$0x0] =	vst.idx.add.f32.msk $0xffff, v1;
	v1 =	vsub.f32 $0.0e+00, v2;
	v2 =	vpop (erf)  }
0xce: {  	v3 =	vld [tilespmem:s18+$0xFFFFFFD0];
	v2 =	vmul.f32 $1.442695020e+00, v2  }
0xcf: {  	v5 =	vld [tilespmem:s23+$0xFFFFFFD0];
	v1 =	vmul.f32 $1.442695020e+00, v1  }
0xd0: {  	(erf) = vpow2.f32 v2  }
0xd1: {  	v7 =	vpop (erf);
	(erf) = vpow2.f32 v1  }
0xd2: {  	v2 =	vadd.f32 $1.000000000e+00, v7;
	_ =	sdelay $0x1  }
0xd3: {  	(erf) = vrcp.f32 v2;
	_ =	sdelay $0x1  }
0xd4: {  	v1 =	vld.idx.msk [tilespmem:v3+s15+$0x0], $0xffff  }
0xd5: {  	v2 =	vld.idx.msk [tilespmem:v5+s28+$0x0], $0xffff  }
0xd6: {  	s26 =	sadd.s32 $0x10, s9  }
0xd7: {  	p1 =	slt.u32 s26, $0x4E200;
	v3 =	vpop (erf)  }
0xd8: {  	s6 =	simm.s32 $0xC6F0;
	v7 =	vpop (erf);
	v3 =	vpsel !p1, $0x0, v3  }
0xd9: {  	[tilespmem:s6+$0xFFFFFFD0] =	vst v3;
	v7 =	vadd.f32 $1.000000000e+00, v7  }
0xda: {  	s7 =	simm.s32 $0x75F0;
	v1 =	vadd.f32 v2, v1;
	[tilespmem:v6+s24+$0x0] =	vst.idx.add.f32.msk $0xffff, v3  }
0xdb: {  	s8 =	simm.s32 $0x9E70;
	v2 =	vpop (erf);
	(erf) = vrcp.f32 v7;
	v3 =	vld [tilespmem:s7+$0xFFFFFFE0]  }
0xdc: {  	v2 =	vmul.f32 $1.442695020e+00, v2;
	v1 =	vsub.f32 $0.0e+00, v1;
	v6 =	vld [tilespmem:s8+$0xFFFFFFE0];
	_ =	sdelay $0x1  }
0xdd: {  	(erf) = vpow2.f32 v2;
	v1 =	vmul.f32 $1.442695020e+00, v1;
	_ =	sdelay $0x1  }
0xde: {  	s4 =	simm.s32 $0x7770;
	(erf) = vpow2.f32 v1  }
0xdf: {  	v1 =	vld [tilespmem:s4+$0xFFFFFFC0];
	_ =	sdelay $0x1  }
0xe0: {  	v2 =	vld.idx.msk [tilespmem:v3+s15+$0x0], $0xffff  }
0xe1: {  	s17 =	simm.s32 $0x9FF0;
	v7 =	vld.idx.msk [tilespmem:v6+s28+$0x0], $0xffff;
	v3 =	vpop (erf)  }
0xe2: {  	v9 =	vld [tilespmem:s17+$0xFFFFFFC0];
	v3 =	vmul.f32 $1.442695020e+00, v3  }
0xe3: {  	s7 =	sadd.s32 $0x20, s22  }
0xe4: {  	p2 =	slt.u32 s7, $0x4E200;
	v10 =	vpop (erf)  }
0xe5: {  	v10 =	vpsel !p2, $0x0, v10;
	(erf) = vpow2.f32 v3  }
0xe6: {  	v1 =	vld.idx.msk [tilespmem:v1+s15+$0x0], $0xffff;
	[tilespmem:s3+$0xFFFFFFE0] =	vst v10;
	v2 =	vadd.f32 v7, v2;
	v3 =	vpop (erf)  }
0xe7: {  	s11 =	simm.s32 $0x7570;
	[tilespmem:v4+s24+$0x0] =	vst.idx.add.f32.msk $0xffff, v10;
	v3 =	vadd.f32 $1.000000000e+00, v3  }
0xe8: {  	s16 =	simm.s32 $0x9DF0;
	v4 =	vld [tilespmem:s11+$0xFFFFFFF0];
	v2 =	vsub.f32 $0.0e+00, v2  }
0xe9: {  	v7 =	vld [tilespmem:s16+$0xFFFFFFF0];
	(erf) = vrcp.f32 v3  }
0xea: {  	v3 =	vld.idx.msk [tilespmem:v9+s28+$0x0], $0xffff;
	v2 =	vmul.f32 $1.442695020e+00, v2;
	_ =	sdelay $0x2  }
0xeb: {  	s26 =	sadd.s32 $0x180, s13  }
0xec: {  	p3 =	slt.u32 s26, $0x4E200;
	(erf) = vpow2.f32 v2;
	v2 =	vpop (erf)  }
0xed: {  	v2 =	vpsel !p3, $0x0, v2;
	v1 =	vadd.f32 v3, v1  }
0xee: {  	s8 =	simm.s32 $0xC7F0;
	v4 =	vld.idx.msk [tilespmem:v4+s15+$0x0], $0xffff  }
0xef: {  	[tilespmem:s8+$0xFFFFFFC0] =	vst v2;
	v3 =	vld.idx.msk [tilespmem:v7+s28+$0x0], $0xffff;
	v1 =	vsub.f32 $0.0e+00, v1  }
0xf0: {  	[tilespmem:v8+s24+$0x0] =	vst.idx.add.f32.msk $0xffff, v2;
	v2 =	vpop (erf)  }
0xf1: {  	v1 =	vmul.f32 $1.442695020e+00, v1;
	v2 =	vmul.f32 $1.442695020e+00, v2  }
0xf2: {  	v8 =	vld [tilespmem:s21+$0xFFFFFFD0]  }
0xf3: {  	v10 =	vld [tilespmem:s25+$0xFFFFFFD0];
	(erf) = vpow2.f32 v2  }
0xf4: {  	v2 =	vadd.f32 v3, v4;
	(erf) = vpow2.f32 v1  }
0xf5: {  	v1 =	vpop (erf)  }
0xf6: {  	v1 =	vadd.f32 $1.000000000e+00, v1;
	v2 =	vsub.f32 $0.0e+00, v2;
	_ =	sdelay $0x1  }
0xf7: {  	(erf) = vrcp.f32 v1;
	v1 =	vmul.f32 $1.442695020e+00, v2;
	_ =	sdelay $0x1  }
0xf8: {  	v2 =	vld.idx.msk [tilespmem:v8+s15+$0x0], $0xffff  }
0xf9: {  	v3 =	vld.idx.msk [tilespmem:v10+s28+$0x0], $0xffff;
	(erf) = vpow2.f32 v1  }
0xfa: {  	v1 =	vpop (erf)  }
0xfb: {  	v4 =	vpop (erf)  }
0xfc: {  	s11 =	sadd.s32 $0x10, s12;
	v4 =	vadd.f32 $1.000000000e+00, v4  }
0xfd: {  	p4 =	slt.u32 s11, $0x4E200  }
0xfe: {  	s14 =	simm.s32 $0xC770;
	v2 =	vadd.f32 v3, v2;
	v1 =	vpsel !p4, $0x0, v1;
	(erf) = vrcp.f32 v4  }
0xff: {  	[tilespmem:s14+$0xFFFFFFD0] =	vst v1  }
0x100: {  	v2 =	vsub.f32 $0.0e+00, v2;
	[tilespmem:v5+s24+$0x0] =	vst.idx.add.f32.msk $0xffff, v1;
	v3 =	vpop (erf)  }
0x101: {  	v5 =	vld [tilespmem:s23+$0xFFFFFFE0];
	v1 =	vmul.f32 $1.442695020e+00, v3  }
0x102: {  	v2 =	vmul.f32 $1.442695020e+00, v2;
	v3 =	vld [tilespmem:s18+$0xFFFFFFE0];
	v4 =	vpop (erf)  }
0x103: {  	(erf) = vpow2.f32 v1;
	v1 =	vadd.f32 $1.000000000e+00, v4  }
0x104: {  	(erf) = vpow2.f32 v2  }
0x105: {  	s14 =	simm.s32 $0x77F0;
	(erf) = vrcp.f32 v1  }
0x106: {  	v1 =	vld [tilespmem:s14+$0xFFFFFFC0]  }
0x107: {  	s19 =	simm.s32 $0xA070;
	v2 =	vpop (erf)  }
0x108: {  	v8 =	vld [tilespmem:s19+$0xFFFFFFC0];
	v2 =	vmul.f32 $1.442695020e+00, v2  }
0x109: {  	v4 =	vld.idx.msk [tilespmem:v5+s28+$0x0], $0xffff  }
0x10a: {  	v3 =	vld.idx.msk [tilespmem:v3+s15+$0x0], $0xffff  }
0x10b: {  	s8 =	sadd.s32 $0x20, s9  }
0x10c: {  	p5 =	slt.u32 s8, $0x4E200;
	(erf) = vpow2.f32 v2;
	v2 =	vpop (erf)  }
0x10d: {  	s6 =	simm.s32 $0xC6F0;
	v11 =	vpop (erf);
	v2 =	vpsel !p5, $0x0, v2  }
0x10e: {  	v1 =	vld.idx.msk [tilespmem:v1+s15+$0x0], $0xffff;
	v11 =	vadd.f32 $1.000000000e+00, v11;
	v12 =	vpop (erf);
	[tilespmem:s6+$0xFFFFFFE0] =	vst v2  }
0x10f: {  	v12 =	vmul.f32 $1.442695020e+00, v12;
	[tilespmem:v6+s24+$0x0] =	vst.idx.add.f32.msk $0xffff, v2;
	v2 =	vadd.f32 v4, v3  }
0x110: {  	s10 =	simm.s32 $0x75F0;
	v6 =	vld.idx.msk [tilespmem:v8+s28+$0x0], $0xffff;
	(erf) = vrcp.f32 v11  }
0x111: {  	s5 =	simm.s32 $0x9E70;
	v3 =	vld [tilespmem:s10+$0xFFFFFFF0];
	(erf) = vpow2.f32 v12;
	v2 =	vsub.f32 $0.0e+00, v2  }
0x112: {  	v4 =	vld [tilespmem:s5+$0xFFFFFFF0]  }
0x113: {  	v2 =	vmul.f32 $1.442695020e+00, v2  }
0x114: {  	s19 =	sadd.s32 $0x200, s13  }
0x115: {  	p6 =	slt.u32 s19, $0x4E200;
	v11 =	vpop (erf);
	(erf) = vpow2.f32 v2  }
0x116: {  	s31 =	simm.s32 $0xC870;
	v11 =	vpsel !p6, $0x0, v11;
	v1 =	vadd.f32 v6, v1  }
0x117: {  	[tilespmem:s31+$0xFFFFFFC0] =	vst v11  }
0x118: {  	[tilespmem:v9+s24+$0x0] =	vst.idx.add.f32.msk $0xffff, v11;
	v1 =	vsub.f32 $0.0e+00, v1  }
0x119: {  	s10 =	sadd.s32 $0x30, s22;
	v3 =	vld.idx.msk [tilespmem:v3+s15+$0x0], $0xffff;
	v2 =	vpop (erf)  }
0x11a: {  	s4 =	simm.s32 $0x7770;
	p1 =	slt.u32 s10, $0x4E200;
	v6 =	vld.idx.msk [tilespmem:v4+s28+$0x0], $0xffff;
	v1 =	vmul.f32 $1.442695020e+00, v1;
	v9 =	vpop (erf)  }
0x11b: {  	v11 =	vld [tilespmem:s4+$0xFFFFFFD0];
	v12 =	vmul.f32 $1.442695020e+00, v2;
	v9 =	vpsel !p1, $0x0, v9  }
0x11c: {  	v2 =	vld [tilespmem:s17+$0xFFFFFFD0];
	[tilespmem:s3+$0xFFFFFFF0] =	vst v9  }
0x11d: {  	s2 =	simm.s32 $0x7570;
	(erf) = vpow2.f32 v12;
	[tilespmem:v7+s24+$0x0] =	vst.idx.add.f32.msk $0xffff, v9  }
0x11e: {  	s1 =	simm.s32 $0x9DF0;
	(erf) = vpow2.f32 v1;
	v7 =	vld [tilespmem:s2+$0x0];
	v1 =	vpop (erf)  }
0x11f: {  	v3 =	vadd.f32 v6, v3;
	v12 =	vld [tilespmem:s1+$0x0];
	v1 =	vadd.f32 $1.000000000e+00, v1;
	_ =	sdelay $0x1  }
0x120: {  	v3 =	vsub.f32 $0.0e+00, v3;
	(erf) = vrcp.f32 v1;
	_ =	sdelay $0x1  }
0x121: {  	v1 =	vmul.f32 $1.442695020e+00, v3  }
0x122: {  	v3 =	vld.idx.msk [tilespmem:v11+s15+$0x0], $0xffff  }
0x123: {  	v6 =	vld.idx.msk [tilespmem:v2+s28+$0x0], $0xffff;
	(erf) = vpow2.f32 v1  }
0x124: {  	v1 =	vld.idx.msk [tilespmem:v7+s15+$0x0], $0xffff  }
0x125: {  	v7 =	vpop (erf);
	v9 =	vld.idx.msk [tilespmem:v12+s28+$0x0], $0xffff  }
0x126: {  	s11 =	sadd.s32 $0x10, s26;
	v11 =	vpop (erf)  }
0x127: {  	p2 =	slt.u32 s11, $0x4E200;
	v11 =	vadd.f32 $1.000000000e+00, v11  }
0x128: {  	v3 =	vadd.f32 v6, v3;
	v6 =	vpsel !p2, $0x0, v7;
	v7 =	vpop (erf)  }
0x129: {  	s7 =	simm.s32 $0xC7F0;
	(erf) = vrcp.f32 v11;
	v7 =	vmul.f32 $1.442695020e+00, v7  }
0x12a: {  	[tilespmem:s7+$0xFFFFFFD0] =	vst v6;
	v3 =	vsub.f32 $0.0e+00, v3;
	v1 =	vadd.f32 v9, v1  }
0x12b: {  	[tilespmem:v10+s24+$0x0] =	vst.idx.add.f32.msk $0xffff, v6;
	(erf) = vpow2.f32 v7  }
0x12c: {  	v6 =	vld [tilespmem:s21+$0xFFFFFFE0];
	v9 =	vpop (erf);
	v7 =	vmul.f32 $1.442695020e+00, v3;
	v1 =	vsub.f32 $0.0e+00, v1  }
0x12d: {  	v3 =	vld [tilespmem:s25+$0xFFFFFFE0];
	v9 =	vadd.f32 $1.000000000e+00, v9  }
0x12e: {  	(erf) = vpow2.f32 v7;
	v1 =	vmul.f32 $1.442695020e+00, v1  }
0x12f: {  	(erf) = vrcp.f32 v9  }
0x130: {  	s8 =	simm.s32 $0x7870;
	(erf) = vpow2.f32 v1  }
0x131: {  	v7 =	vld [tilespmem:s8+$0xFFFFFFC0]  }
0x132: {  	s11 =	simm.s32 $0xA0F0;
	v9 =	vpop (erf)  }
0x133: {  	s7 =	sadd.s32 $0x20, s12;
	v1 =	vld [tilespmem:s11+$0xFFFFFFC0];
	v9 =	vmul.f32 $1.442695020e+00, v9  }
0x134: {  	p3 =	slt.u32 s7, $0x4E200;
	v6 =	vld.idx.msk [tilespmem:v6+s15+$0x0], $0xffff;
	v11 =	vpop (erf)  }
0x135: {  	v10 =	vld.idx.msk [tilespmem:v3+s28+$0x0], $0xffff;
	(erf) = vpow2.f32 v9;
	v9 =	vpsel !p3, $0x0, v11  }
0x136: {  	s16 =	simm.s32 $0xC770  }
0x137: {  	[tilespmem:s16+$0xFFFFFFE0] =	vst v9;
	v11 =	vpop (erf)  }
0x138: {  	[tilespmem:v5+s24+$0x0] =	vst.idx.add.f32.msk $0xffff, v9;
	v5 =	vadd.f32 $1.000000000e+00, v11;
	v9 =	vpop (erf)  }
0x139: {  	v7 =	vld.idx.msk [tilespmem:v7+s15+$0x0], $0xffff;
	v9 =	vmul.f32 $1.442695020e+00, v9;
	v13 =	vpop (erf)  }
0x13a: {  	v11 =	vld [tilespmem:s18+$0xFFFFFFF0];
	(erf) = vrcp.f32 v5;
	v5 =	vadd.f32 v10, v6;
	v10 =	vadd.f32 $1.000000000e+00, v13  }
0x13b: {  	v6 =	vld [tilespmem:s23+$0xFFFFFFF0];
	(erf) = vpow2.f32 v9  }
0x13c: {  	v13 =	vld.idx.msk [tilespmem:v1+s28+$0x0], $0xffff;
	(erf) = vrcp.f32 v10  }
0x13d: {  	v5 =	vsub.f32 $0.0e+00, v5  }
0x13e: {  	s16 =	sadd.s32 $0x280, s13  }
0x13f: {  	p4 =	slt.u32 s16, $0x4E200;
	v5 =	vmul.f32 $1.442695020e+00, v5;
	v9 =	vpop (erf)  }
0x140: {  	s8 =	simm.s32 $0xC8F0;
	v9 =	vpsel !p4, $0x0, v9  }
0x141: {  	(erf) = vpow2.f32 v5;
	[tilespmem:s8+$0xFFFFFFC0] =	vst v9;
	v5 =	vadd.f32 v13, v7  }
0x142: {  	[tilespmem:v8+s24+$0x0] =	vst.idx.add.f32.msk $0xffff, v9  }
0x143: {  	v7 =	vld.idx.msk [tilespmem:v11+s15+$0x0], $0xffff;
	v5 =	vsub.f32 $0.0e+00, v5;
	v8 =	vpop (erf)  }
0x144: {  	v10 =	vld.idx.msk [tilespmem:v6+s28+$0x0], $0xffff;
	v8 =	vmul.f32 $1.442695020e+00, v8;
	v9 =	vpop (erf)  }
0x145: {  	v11 =	vmul.f32 $1.442695020e+00, v5;
	v14 =	vpop (erf)  }
0x146: {  	(erf) = vpow2.f32 v8;
	v8 =	vmul.f32 $1.442695020e+00, v14  }
0x147: {  	s7 =	sadd.s32 $0x30, s9  }
0x148: {  	s14 =	simm.s32 $0xA070;
	p5 =	slt.u32 s7, $0x4E200;
	(erf) = vpow2.f32 v11  }
0x149: {  	s29 =	simm.s32 $0x77F0;
	s30 =	simm.s32 $0xC6F0;
	v5 =	vld [tilespmem:s14+$0xFFFFFFD0];
	v9 =	vpsel !p5, $0x0, v9;
	v7 =	vadd.f32 v10, v7  }
0x14a: {  	v13 =	vld [tilespmem:s29+$0xFFFFFFD0];
	[tilespmem:s30+$0xFFFFFFF0] =	vst v9;
	(erf) = vpow2.f32 v8;
	v8 =	vpop (erf)  }
0x14b: {  	s6 =	simm.s32 $0x75F0;
	[tilespmem:v4+s24+$0x0] =	vst.idx.add.f32.msk $0xffff, v9;
	v7 =	vsub.f32 $0.0e+00, v7;
	v8 =	vadd.f32 $1.000000000e+00, v8  }
0x14c: {  	s5 =	simm.s32 $0x9E70;
	v4 =	vld [tilespmem:s6+$0x0]  }
0x14d: {  	v9 =	vld [tilespmem:s5+$0x0];
	v7 =	vmul.f32 $1.442695020e+00, v7;
	(erf) = vrcp.f32 v8;
	_ =	sdelay $0x2  }
0x14e: {  	v11 =	vpop (erf)  }
0x14f: {  	v10 =	vld.idx.msk [tilespmem:v5+s28+$0x0], $0xffff;
	(erf) = vpow2.f32 v7;
	v7 =	vpop (erf)  }
0x150: {  	s14 =	sadd.s32 $0x10, s19;
	v8 =	vld.idx.msk [tilespmem:v13+s15+$0x0], $0xffff;
	v7 =	vadd.f32 $1.000000000e+00, v7  }
0x151: {  	p1 =	slt.u32 s14, $0x4E200  }
0x152: {  	s8 =	sadd.s32 $0x40, s22;
	v11 =	vpsel !p1, $0x0, v11;
	v4 =	vld.idx.msk [tilespmem:v4+s15+$0x0], $0xffff  }
0x153: {  	p6 =	slt.u32 s8, $0x4E200;
	v13 =	vld.idx.msk [tilespmem:v9+s28+$0x0], $0xffff;
	[tilespmem:s31+$0xFFFFFFD0] =	vst v11;
	v14 =	vpop (erf)  }
0x154: {  	[tilespmem:v2+s24+$0x0] =	vst.idx.add.f32.msk $0xffff, v11;
	v14 =	vpsel !p6, $0x0, v14;
	(erf) = vrcp.f32 v7;
	v7 =	vpop (erf)  }
0x155: {  	v10 =	vadd.f32 v10, v8;
	[tilespmem:s3+$0x0] =	vst v14;
	v7 =	vmul.f32 $1.442695020e+00, v7  }
0x156: {  	s2 =	simm.s32 $0x7570;
	[tilespmem:v12+s24+$0x0] =	vst.idx.add.f32.msk $0xffff, v14  }
0x157: {  	s1 =	simm.s32 $0x9DF0;
	v10 =	vsub.f32 $0.0e+00, v10;
	v12 =	vld [tilespmem:s2+$0x10]  }
0x158: {  	s4 =	simm.s32 $0x7770;
	v8 =	vld [tilespmem:s1+$0x10];
	v4 =	vadd.f32 v13, v4  }
0x159: {  	v2 =	vmul.f32 $1.442695020e+00, v10;
	v10 =	vld [tilespmem:s4+$0xFFFFFFE0];
	(erf) = vpow2.f32 v7;
	v7 =	vpop (erf)  }
0x15a: {  	v4 =	vsub.f32 $0.0e+00, v4;
	v11 =	vadd.f32 $1.000000000e+00, v7  }
0x15b: {  	(erf) = vpow2.f32 v2;
	v7 =	vld [tilespmem:s17+$0xFFFFFFE0]  }
0x15c: {  	v2 =	vmul.f32 $1.442695020e+00, v4;
	(erf) = vrcp.f32 v11  }
0x15d: {  	s14 =	simm.s32 $0x78F0  }
0x15e: {  	v4 =	vld [tilespmem:s14+$0xFFFFFFC0];
	(erf) = vpow2.f32 v2  }
0x15f: {  	v11 =	vld.idx.msk [tilespmem:v12+s15+$0x0], $0xffff  }
0x160: {  	v13 =	vpop (erf);
	v12 =	vld.idx.msk [tilespmem:v8+s28+$0x0], $0xffff  }
0x161: {  	s0 =	sadd.s32 $0x20, s26;
	s1 =	simm.s32 $0xA170;
	v13 =	vmul.f32 $1.442695020e+00, v13;
	v10 =	vld.idx.msk [tilespmem:v10+s15+$0x0], $0xffff  }
0x162: {  	p2 =	slt.u32 s0, $0x4E200;
	v2 =	vld [tilespmem:s1+$0xFFFFFFC0];
	v14 =	vpop (erf)  }
0x163: {  	s10 =	simm.s32 $0xC7F0;
	(erf) = vpow2.f32 v13;
	v14 =	vpsel !p2, $0x0, v14;
	v13 =	vld.idx.msk [tilespmem:v7+s28+$0x0], $0xffff  }
0x164: {  	v15 =	vpop (erf);
	[tilespmem:s10+$0xFFFFFFE0] =	vst v14  }
0x165: {  	v11 =	vadd.f32 v12, v11;
	[tilespmem:v3+s24+$0x0] =	vst.idx.add.f32.msk $0xffff, v14;
	v3 =	vadd.f32 $1.000000000e+00, v15;
	v12 =	vpop (erf)  }
0x166: {  	v16 =	vld.idx.msk [tilespmem:v4+s15+$0x0], $0xffff;
	v12 =	vmul.f32 $1.442695020e+00, v12  }
0x167: {  	v11 =	vsub.f32 $0.0e+00, v11;
	v4 =	vld [tilespmem:s25+$0xFFFFFFF0];
	(erf) = vrcp.f32 v3;
	v15 =	vpop (erf)  }
0x168: {  	v3 =	vadd.f32 $1.000000000e+00, v15;
	v10 =	vadd.f32 v13, v10;
	(erf) = vpow2.f32 v12  }
0x169: {  	v14 =	vld [tilespmem:s21+$0xFFFFFFF0];
	v11 =	vmul.f32 $1.442695020e+00, v11  }
0x16a: {  	v13 =	vld.idx.msk [tilespmem:v2+s28+$0x0], $0xffff;
	(erf) = vrcp.f32 v3  }
0x16b: {  	s0 =	sadd.s32 $0x300, s13;
	v3 =	vsub.f32 $0.0e+00, v10;
	(erf) = vpow2.f32 v11  }
0x16c: {  	p3 =	slt.u32 s0, $0x4E200;
	v10 =	vpop (erf)  }
0x16d: {  	v3 =	vmul.f32 $1.442695020e+00, v3;
	v10 =	vpsel !p3, $0x0, v10  }
0x16e: {  	s10 =	simm.s32 $0xC970  }
0x16f: {  	v11 =	vld.idx.msk [tilespmem:v4+s28+$0x0], $0xffff;
	[tilespmem:s10+$0xFFFFFFC0] =	vst v10;
	(erf) = vpow2.f32 v3;
	v3 =	vadd.f32 v13, v16  }
0x170: {  	s2 =	sadd.s32 $0x30, s12;
	[tilespmem:v1+s24+$0x0] =	vst.idx.add.f32.msk $0xffff, v10;
	v10 =	vpop (erf)  }
0x171: {  	s3 =	simm.s32 $0x7870;
	p4 =	slt.u32 s2, $0x4E200;
	v1 =	vld.idx.msk [tilespmem:v14+s15+$0x0], $0xffff;
	v3 =	vsub.f32 $0.0e+00, v3;
	v12 =	vpop (erf)  }
0x172: {  	s11 =	simm.s32 $0xC770;
	v14 =	vld [tilespmem:s3+$0xFFFFFFD0];
	s3 =	simm.s32 $0xA0F0;
	v10 =	vmul.f32 $1.442695020e+00, v10;
	v12 =	vpsel !p4, $0x0, v12  }
0x173: {  	v13 =	vmul.f32 $1.442695020e+00, v3;
	v3 =	vld [tilespmem:s3+$0xFFFFFFD0];
	v15 =	vpop (erf);
	[tilespmem:s11+$0xFFFFFFF0] =	vst v12  }
0x174: {  	(erf) = vpow2.f32 v10;
	v10 =	vmul.f32 $1.442695020e+00, v15;
	v15 =	vpop (erf);
	[tilespmem:v6+s24+$0x0] =	vst.idx.add.f32.msk $0xffff, v12  }
0x175: {  	(erf) = vpow2.f32 v13;
	v12 =	vadd.f32 $1.000000000e+00, v15;
	v13 =	vld [tilespmem:s18+$0x0]  }
0x176: {  	v1 =	vadd.f32 v11, v1;
	(erf) = vpow2.f32 v10;
	v6 =	vld [tilespmem:s23+$0x0]  }
0x177: {  	(erf) = vrcp.f32 v12  }
0x178: {  	v1 =	vsub.f32 $0.0e+00, v1  }
0x179: {  	v10 =	vpop (erf)  }
0x17a: {  	v1 =	vmul.f32 $1.442695020e+00, v1;
	v10 =	vadd.f32 $1.000000000e+00, v10  }
0x17b: {  	v11 =	vld.idx.msk [tilespmem:v3+s28+$0x0], $0xffff  }
0x17c: {  	(erf) = vrcp.f32 v10;
	v10 =	vld.idx.msk [tilespmem:v14+s15+$0x0], $0xffff  }
0x17d: {  	v12 =	vpop (erf);
	v13 =	vld.idx.msk [tilespmem:v13+s15+$0x0], $0xffff  }
0x17e: {  	s2 =	sadd.s32 $0x40, s9;
	(erf) = vpow2.f32 v1;
	v1 =	vpop (erf);
	v14 =	vld.idx.msk [tilespmem:v6+s28+$0x0], $0xffff  }
0x17f: {  	p5 =	slt.u32 s2, $0x4E200;
	v15 =	vpop (erf)  }
0x180: {  	s30 =	simm.s32 $0xC6F0;
	v1 =	vadd.f32 $1.000000000e+00, v1;
	v15 =	vpsel !p5, $0x0, v15;
	v16 =	vpop (erf)  }
0x181: {  	[tilespmem:s30+$0x0] =	vst v15;
	v16 =	vmul.f32 $1.442695020e+00, v16  }
0x182: {  	s5 =	simm.s32 $0x9E70;
	(erf) = vrcp.f32 v1;
	[tilespmem:v9+s24+$0x0] =	vst.idx.add.f32.msk $0xffff, v15  }
0x183: {  	s6 =	simm.s32 $0x75F0;
	v9 =	vadd.f32 v11, v10;
	(erf) = vpow2.f32 v16;
	v1 =	vld [tilespmem:s5+$0x10];
	v13 =	vadd.f32 v14, v13;
	s5 =	sadd.s32 $0x10, s16  }
0x184: {  	v10 =	vld [tilespmem:s6+$0x10];
	p6 =	slt.u32 s5, $0x4E200  }
0x185: {  	s6 =	simm.s32 $0xC8F0;
	v11 =	vpop (erf);
	v9 =	vsub.f32 $0.0e+00, v9;
	v12 =	vpsel !p6, $0x0, v12;
	v13 =	vsub.f32 $0.0e+00, v13  }
0x186: {  	v11 =	vmul.f32 $1.442695020e+00, v11;
	[tilespmem:s6+$0xFFFFFFD0] =	vst v12  }
0x187: {  	v14 =	vpop (erf);
	v9 =	vmul.f32 $1.442695020e+00, v9;
	[tilespmem:v5+s24+$0x0] =	vst.idx.add.f32.msk $0xffff, v12;
	v5 =	vmul.f32 $1.442695020e+00, v13  }
0x188: {  	s6 =	simm.s32 $0x7970;
	(erf) = vpow2.f32 v11;
	v11 =	vadd.f32 $1.000000000e+00, v14  }
0x189: {  	s3 =	simm.s32 $0x77F0;
	v15 =	vld [tilespmem:s6+$0xFFFFFFC0];
	(erf) = vpow2.f32 v9  }
0x18a: {  	s29 =	simm.s32 $0xA070;
	v13 =	vld [tilespmem:s3+$0xFFFFFFE0];
	(erf) = vrcp.f32 v11  }
0x18b: {  	s5 =	sadd.s32 $0x50, s22;
	v11 =	vld [tilespmem:s29+$0xFFFFFFE0];
	(erf) = vpow2.f32 v5;
	v5 =	vpop (erf)  }
0x18c: {  	p1 =	slt.u32 s5, $0x4E200;
	v10 =	vld.idx.msk [tilespmem:v10+s15+$0x0], $0xffff;
	v9 =	vpop (erf)  }
0x18d: {  	s5 =	simm.s32 $0xA1F0;
	s3 =	simm.s32 $0xC670;
	v14 =	vld.idx.msk [tilespmem:v1+s28+$0x0], $0xffff;
	v12 =	vpsel !p1, $0x0, v9  }
0x18e: {  	v9 =	vld [tilespmem:s5+$0xFFFFFFC0];
	[tilespmem:s3+$0x10] =	vst v12  }
0x18f: {  	s7 =	simm.s32 $0x7570;
	[tilespmem:v8+s24+$0x0] =	vst.idx.add.f32.msk $0xffff, v12  }
0x190: {  	s8 =	simm.s32 $0x9DF0;
	s6 =	sadd.s32 $0x20, s19;
	v16 =	vld [tilespmem:s7+$0x20]  }
0x191: {  	p2 =	slt.u32 s6, $0x4E200;
	v5 =	vmul.f32 $1.442695020e+00, v5;
	v8 =	vpop (erf);
	v12 =	vld [tilespmem:s8+$0x20]  }
0x192: {  	v13 =	vld.idx.msk [tilespmem:v13+s15+$0x0], $0xffff;
	v8 =	vpsel !p2, $0x0, v8  }
0x193: {  	v10 =	vadd.f32 v14, v10;
	v17 =	vpop (erf);
	(erf) = vpow2.f32 v5;
	v5 =	vld.idx.msk [tilespmem:v11+s28+$0x0], $0xffff;
	[tilespmem:s31+$0xFFFFFFE0] =	vst v8  }
0x194: {  	v14 =	vadd.f32 $1.000000000e+00, v17;
	v17 =	vpop (erf);
	[tilespmem:v7+s24+$0x0] =	vst.idx.add.f32.msk $0xffff, v8  }
0x195: {  	v10 =	vsub.f32 $0.0e+00, v10;
	v17 =	vmul.f32 $1.442695020e+00, v17;
	v18 =	vpop (erf);
	v8 =	vld.idx.msk [tilespmem:v15+s15+$0x0], $0xffff  }
0x196: {  	(erf) = vrcp.f32 v14;
	v7 =	vadd.f32 $1.000000000e+00, v18;
	v14 =	vld.idx.msk [tilespmem:v9+s28+$0x0], $0xffff  }
0x197: {  	s4 =	simm.s32 $0x7770;
	v10 =	vmul.f32 $1.442695020e+00, v10;
	(erf) = vpow2.f32 v17  }
0x198: {  	(erf) = vrcp.f32 v7;
	v7 =	vld [tilespmem:s4+$0xFFFFFFF0]  }
0x199: {  	v5 =	vadd.f32 v5, v13;
	(erf) = vpow2.f32 v10;
	v10 =	vld [tilespmem:s17+$0xFFFFFFF0]  }
0x19a: {  	v15 =	vld.idx.msk [tilespmem:v16+s15+$0x0], $0xffff  }
0x19b: {  	v13 =	vld.idx.msk [tilespmem:v12+s28+$0x0], $0xffff;
	v5 =	vsub.f32 $0.0e+00, v5;
	v8 =	vadd.f32 v14, v8;
	_ =	sdelay $0x1  }
0x19c: {  	s4 =	sadd.s32 $0x380, s13;
	v5 =	vmul.f32 $1.442695020e+00, v5;
	v8 =	vsub.f32 $0.0e+00, v8  }
0x19d: {  	p3 =	slt.u32 s4, $0x4E200;
	v14 =	vpop (erf)  }
0x19e: {  	s7 =	simm.s32 $0xC9F0;
	v14 =	vpsel !p3, $0x0, v14;
	(erf) = vpow2.f32 v5;
	v16 =	vpop (erf)  }
0x19f: {  	[tilespmem:s7+$0xFFFFFFC0] =	vst v14;
	v13 =	vadd.f32 v13, v15;
	v16 =	vmul.f32 $1.442695020e+00, v16;
	v17 =	vpop (erf)  }
0x1a0: {  	[tilespmem:v2+s24+$0x0] =	vst.idx.add.f32.msk $0xffff, v14;
	v5 =	vmul.f32 $1.442695020e+00, v8;
	v8 =	vpop (erf)  }
0x1a1: {  	s8 =	sadd.s32 $0x30, s26;
	v7 =	vld.idx.msk [tilespmem:v7+s15+$0x0], $0xffff;
	v13 =	vsub.f32 $0.0e+00, v13;
	(erf) = vpow2.f32 v16;
	v2 =	vmul.f32 $1.442695020e+00, v8;
	v8 =	vpop (erf)  }
0x1a2: {  	p4 =	slt.u32 s8, $0x4E200;
	v14 =	vld.idx.msk [tilespmem:v10+s28+$0x0], $0xffff;
	(erf) = vpow2.f32 v5;
	v5 =	vadd.f32 $1.000000000e+00, v8  }
0x1a3: {  	s17 =	simm.s32 $0xC7F0;
	v15 =	vpsel !p4, $0x0, v17;
	v8 =	vld [tilespmem:s1+$0xFFFFFFD0];
	(erf) = vpow2.f32 v2;
	v2 =	vmul.f32 $1.442695020e+00, v13  }
0x1a4: {  	[tilespmem:s17+$0xFFFFFFF0] =	vst v15;
	v13 =	vld [tilespmem:s14+$0xFFFFFFD0];
	(erf) = vrcp.f32 v5  }
0x1a5: {  	[tilespmem:v4+s24+$0x0] =	vst.idx.add.f32.msk $0xffff, v15;
	(erf) = vpow2.f32 v2  }
0x1a6: {  	v2 =	vld [tilespmem:s21+$0x0]  }
0x1a7: {  	v5 =	vld [tilespmem:s25+$0x0];
	v4 =	vadd.f32 v14, v7;
	v7 =	vpop (erf)  }
0x1a8: {  	v7 =	vadd.f32 $1.000000000e+00, v7  }
0x1a9: {  	s14 =	smov.u32 s0;
	s0 =	sadd.s32 $0x10, s0;
	v4 =	vsub.f32 $0.0e+00, v4  }
0x1aa: {  	p5 =	slt.u32 s0, $0x4E200;
	v14 =	vpop (erf)  }
0x1ab: {  	v4 =	vmul.f32 $1.442695020e+00, v4;
	(erf) = vrcp.f32 v7;
	v15 =	vpop (erf);
	v17 =	vld.idx.msk [tilespmem:v8+s28+$0x0], $0xffff;
	v14 =	vpsel !p5, $0x0, v14  }
0x1ac: {  	v13 =	vld.idx.msk [tilespmem:v13+s15+$0x0], $0xffff;
	[tilespmem:s10+$0xFFFFFFD0] =	vst v14;
	v7 =	vpop (erf)  }
0x1ad: {  	s7 =	sadd.s32 $0x40, s12;
	(erf) = vpow2.f32 v4;
	v15 =	vadd.f32 $1.000000000e+00, v15;
	[tilespmem:v3+s24+$0x0] =	vst.idx.add.f32.msk $0xffff, v14;
	v16 =	vpop (erf)  }
0x1ae: {  	p6 =	slt.u32 s7, $0x4E200;
	v2 =	vld.idx.msk [tilespmem:v2+s15+$0x0], $0xffff;
	v4 =	vmul.f32 $1.442695020e+00, v16;
	v16 =	vpop (erf)  }
0x1af: {  	s11 =	simm.s32 $0xC770;
	(erf) = vrcp.f32 v15;
	v3 =	vpsel !p6, $0x0, v7;
	v15 =	vadd.f32 $1.000000000e+00, v16;
	v16 =	vld.idx.msk [tilespmem:v5+s28+$0x0], $0xffff  }
0x1b0: {  	[tilespmem:s11+$0x0] =	vst v3  }
0x1b1: {  	[tilespmem:v6+s24+$0x0] =	vst.idx.add.f32.msk $0xffff, v3;
	(erf) = vpow2.f32 v4  }
0x1b2: {  	s8 =	smov.u32 s12;
	s12 =	simm.s32 $0x7870;
	v7 =	vld [tilespmem:s18+$0x10];
	(erf) = vrcp.f32 v15  }
0x1b3: {  	v6 =	vld [tilespmem:s23+$0x10];
	[dreg:$0x11] =	wrdreg s12;
	s18 =	simm.s32 $0x7870  }
0x1b4: {  	v4 =	vadd.f32 v17, v13;
	v13 =	vld [tilespmem:s18+$0xFFFFFFE0];
	v3 =	vpop (erf);
	v2 =	vadd.f32 v16, v2  }
0x1b5: {  	v3 =	vmul.f32 $1.442695020e+00, v3  }
0x1b6: {  	v4 =	vsub.f32 $0.0e+00, v4;
	v14 =	vpop (erf);
	v15 =	vsub.f32 $0.0e+00, v2  }
0x1b7: {  	(erf) = vpow2.f32 v3;
	v3 =	vadd.f32 $1.000000000e+00, v14  }
0x1b8: {  	s23 =	simm.s32 $0xA0F0;
	v4 =	vmul.f32 $1.442695020e+00, v4  }
0x1b9: {  	v2 =	vld [tilespmem:s23+$0xFFFFFFE0];
	v14 =	vpop (erf)  }
0x1ba: {  	s12 =	simm.s32 $0x79F0;
	(erf) = vpow2.f32 v4;
	v4 =	vmul.f32 $1.442695020e+00, v15;
	v15 =	vpop (erf)  }
0x1bb: {  	s11 =	smov.u32 s9;
	s9 =	sadd.s32 $0x50, s9;
	v16 =	vld [tilespmem:s12+$0xFFFFFFC0];
	(erf) = vrcp.f32 v3;
	v14 =	vmul.f32 $1.442695020e+00, v14;
	v3 =	vpop (erf)  }
0x1bc: {  	p1 =	slt.u32 s9, $0x4E200;
	v13 =	vld.idx.msk [tilespmem:v13+s15+$0x0], $0xffff;
	(erf) = vpow2.f32 v4;
	v4 =	vmul.f32 $1.442695020e+00, v3  }
0x1bd: {  	s5 =	simm.s32 $0xA270;
	s25 =	simm.s32 $0xC6F0;
	(erf) = vpow2.f32 v14;
	v14 =	vld.idx.msk [tilespmem:v7+s15+$0x0], $0xffff;
	v7 =	vpsel !p1, $0x0, v15  }
0x1be: {  	v3 =	vld [tilespmem:s5+$0xFFFFFFC0];
	[tilespmem:s25+$0x10] =	vst v7;
	(erf) = vpow2.f32 v4  }
0x1bf: {  	s0 =	sadd.s32 $0x20, s16;
	[tilespmem:v1+s24+$0x0] =	vst.idx.add.f32.msk $0xffff, v7  }
0x1c0: {  	p2 =	slt.u32 s0, $0x4E200;
	s25 =	smov.u32 s16;
	s16 =	simm.s32 $0x75F0;
	v4 =	vld.idx.msk [tilespmem:v6+s28+$0x0], $0xffff;
	v17 =	vpop (erf)  }
0x1c1: {  	s9 =	simm.s32 $0x75F0;
	v15 =	vld.idx.msk [tilespmem:v2+s28+$0x0], $0xffff;
	[dreg:$0xf] =	wrdreg s16;
	s16 =	simm.s32 $0xC8F0;
	v1 =	vpsel !p2, $0x0, v17  }
0x1c2: {  	v17 =	vld [tilespmem:s9+$0x20];
	s9 =	simm.s32 $0x9E70;
	[tilespmem:s16+$0xFFFFFFE0] =	vst v1  }
0x1c3: {  	v18 =	vpop (erf);
	[dreg:$0x10] =	wrdreg s9  }
0x1c4: {  	s16 =	simm.s32 $0x9E70;
	v19 =	vpop (erf);
	s9 =	simm.s32 $0x77F0;
	[tilespmem:v11+s24+$0x0] =	vst.idx.add.f32.msk $0xffff, v1  }
0x1c5: {  	v7 =	vld [tilespmem:s16+$0x20];
	v1 =	vadd.f32 $1.000000000e+00, v18;
	s16 =	simm.s32 $0x77F0;
	v11 =	vpop (erf);
	[dreg:$0x6] =	wrdreg s9  }
0x1c6: {  	s0 =	sadd.s32 $0x60, s22;
	v19 =	vmul.f32 $1.442695020e+00, v19;
	v18 =	vld [tilespmem:s16+$0xFFFFFFF0];
	v20 =	vpop (erf);
	[dreg:$0x5] =	wrdreg s22  }
0x1c7: {  	p3 =	slt.u32 s0, $0x4E200;
	(erf) = vrcp.f32 v1;
	v1 =	vadd.f32 $1.000000000e+00, v11;
	s16 =	simm.s32 $0xA070;
	v16 =	vld.idx.msk [tilespmem:v16+s15+$0x0], $0xffff;
	v11 =	vpop (erf)  }
0x1c8: {  	s22 =	simm.s32 $0xA070;
	(erf) = vpow2.f32 v19;
	v19 =	vld.idx.msk [tilespmem:v3+s28+$0x0], $0xffff;
	[dreg:$0x7] =	wrdreg s16;
	v11 =	vpsel !p3, $0x0, v11  }
0x1c9: {  	v14 =	vadd.f32 v4, v14;
	v4 =	vld [tilespmem:s22+$0xFFFFFFF0];
	(erf) = vrcp.f32 v1;
	[tilespmem:s3+$0x20] =	vst v11  }
0x1ca: {  	v13 =	vadd.f32 v15, v13;
	s16 =	simm.s32 $0x7570;
	[tilespmem:v12+s24+$0x0] =	vst.idx.add.f32.msk $0xffff, v11  }
0x1cb: {  	s22 =	sadd.s32 $0x400, s13;
	v12 =	vsub.f32 $0.0e+00, v14;
	v11 =	vld [tilespmem:s16+$0x30];
	s16 =	simm.s32 $0x9DF0  }
0x1cc: {  	v13 =	vsub.f32 $0.0e+00, v13;
	p4 =	slt.u32 s22, $0x4E200;
	v1 =	vld [tilespmem:s16+$0x30];
	[dreg:$0xd] =	wrdreg s22  }
0x1cd: {  	v14 =	vpsel !p4, $0x0, v20;
	v16 =	vadd.f32 v19, v16;
	v12 =	vmul.f32 $1.442695020e+00, v12;
	s22 =	simm.s32 $0xCA70;
	v15 =	vld.idx.msk [tilespmem:v17+s15+$0x0], $0xffff  }
0x1ce: {  	[tilespmem:s22+$0xFFFFFFC0] =	vst v14;
	v17 =	vld.idx.msk [tilespmem:v7+s28+$0x0], $0xffff  }
0x1cf: {  	s13 =	sadd.s32 $0x30, s19;
	(erf) = vpow2.f32 v12;
	v12 =	vmul.f32 $1.442695020e+00, v13;
	[tilespmem:v9+s24+$0x0] =	vst.idx.add.f32.msk $0xffff, v14  }
0x1d0: {  	p5 =	slt.u32 s13, $0x4E200;
	v13 =	vld.idx.msk [tilespmem:v18+s15+$0x0], $0xffff;
	v9 =	vsub.f32 $0.0e+00, v16;
	v14 =	vpop (erf);
	[dreg:$0xb] =	wrdreg s19;
	s19 =	simm.s32 $0x7970  }
0x1d1: {  	s13 =	simm.s32 $0x7970;
	v16 =	vpop (erf);
	(erf) = vpow2.f32 v12;
	v12 =	vmul.f32 $1.442695020e+00, v14;
	v14 =	vld.idx.msk [tilespmem:v4+s28+$0x0], $0xffff;
	[dreg:$0x9] =	wrdreg s19;
	s19 =	simm.s32 $0xA1F0  }
0x1d2: {  	v18 =	vmul.f32 $1.442695020e+00, v9;
	v16 =	vpsel !p5, $0x0, v16;
	v20 =	vpop (erf);
	v19 =	vld [tilespmem:s13+$0xFFFFFFD0];
	[dreg:$0xa] =	wrdreg s19  }
0x1d3: {  	(erf) = vpow2.f32 v12;
	[tilespmem:s31+$0xFFFFFFF0] =	vst v16;
	v12 =	vmul.f32 $1.442695020e+00, v20  }
0x1d4: {  	s13 =	simm.s32 $0xA1F0;
	s19 =	simm.s32 $0x7770;
	(erf) = vpow2.f32 v18;
	[tilespmem:v10+s24+$0x0] =	vst.idx.add.f32.msk $0xffff, v16  }
0x1d5: {  	v9 =	vld [tilespmem:s13+$0xFFFFFFD0];
	s13 =	simm.s32 $0x7770;
	[dreg:$0xc] =	wrdreg s19;
	(erf) = vpow2.f32 v12;
	v12 =	vadd.f32 v17, v15  }
0x1d6: {  	v18 =	vld [tilespmem:s13+$0x0]  }
0x1d7: {  	s24 =	simm.s32 $0x9FF0;
	v12 =	vsub.f32 $0.0e+00, v12  }
0x1d8: {  	v10 =	vld [tilespmem:s24+$0x0];
	v15 =	vpop (erf)  }
0x1d9: {  	s2 =	simm.s32 $0x76F0;
	s30 =	simm.s32 $0x9F70;
	v13 =	vadd.f32 v14, v13;
	v17 =	vld.idx.msk [tilespmem:v11+s15+$0x0], $0xffff;
	v11 =	vadd.f32 $1.000000000e+00, v15;
	v12 =	vmul.f32 $1.442695020e+00, v12  }
0x1da: {  	s6 =	simm.s32 $0x78F0;
	s29 =	simm.s32 $0xA170;
	s7 =	simm.s32 $0x7670  }
0x1db: {  	s17 =	simm.s32 $0xC770;
	s1 =	simm.s32 $0xC7F0;
	s21 =	simm.s32 $0x9EF0;
	v20 =	vld.idx.msk [tilespmem:v1+s28+$0x0], $0xffff;
	v13 =	vsub.f32 $0.0e+00, v13;
	v14 =	vpop (erf);
	(erf) = vrcp.f32 v11  }
0x1dc: {  	s0 =	simm.s32 $0xC9F0;
	s19 =	sadd.s32 $0x10, s4;
	v14 =	vadd.f32 $1.000000000e+00, v14;
	v11 =	vld.idx.msk [tilespmem:v19+s15+$0x0], $0xffff;
	[dreg:$0x8] =	wrdreg s4;
	(erf) = vpow2.f32 v12  }
0x1dd: {  	s10 =	simm.s32 $0xC6F0;
	s9 =	simm.s32 $0x480;
	p6 =	slt.u32 s19, $0x4E200;
	v19 =	vmul.f32 $1.442695020e+00, v13;
	v13 =	vld.idx.msk [tilespmem:v9+s28+$0x0], $0xffff;
	v12 =	vpop (erf)  }
0x1de: {  	s18 =	simm.s32 $0xA0F0;
	s23 =	simm.s32 $0xC970;
	(erf) = vrcp.f32 v14;
	v16 =	vpsel !p6, $0x0, v12;
	v12 =	vld.idx.msk [tilespmem:v18+s15+$0x0], $0xffff;
	[dreg:$0x14] =	wrdreg s9  }
0x1df: {  	s16 =	simm.s32 $0xCA70;
	s22 =	simm.s32 $0xC8F0;
	s13 =	simm.s32 $0x79F0;
	[tilespmem:s0+$0xFFFFFFD0] =	vst v16  }
0x1e0: {  	s19 =	simm.s32 $0xA270;
	s4 =	sadd.s32 $0x40, s26;
	v15 =	vpop (erf);
	v14 =	vld.idx.msk [tilespmem:v10+s28+$0x0], $0xffff;
	[dreg:$0x12] =	wrdreg s13  }
0x1e1: {  	v17 =	vadd.f32 v20, v17;
	p1 =	slt.u32 s4, $0x4E200;
	(erf) = vpow2.f32 v19;
	v18 =	vpop (erf);
	s28 =	simm.s32 $0x500;
	[dreg:$0x13] =	wrdreg s19  }
.LBB2_6:
0x1e2: {  	_ = 	snop  }
0x1e3: {  	s13 =	simm.s32 $0x4E20  }
0x1e4: {  	v15 =	vadd.f32 $1.000000000e+00, v15;
	[tilespmem:v8+s13+$0x0] =	vst.idx.add.f32.msk $0xffff, v16;
	v16 =	vpsel !p1, $0x0, v18;
	v18 =	vpop (erf)  }
0x1e5: {  	v8 =	vmov v9;
	v17 =	vsub.f32 $0.0e+00, v17;
	[tilespmem:s1+$0x0] =	vst v16;
	v9 =	vmul.f32 $1.442695020e+00, v18;
	v18 =	vpop (erf)  }
0x1e6: {  	(erf) = vrcp.f32 v15;
	[tilespmem:v5+s13+$0x0] =	vst.idx.add.f32.msk $0xffff, v16;
	v15 =	vadd.f32 $1.000000000e+00, v18;
	v5 =	vmov v10  }
0x1e7: {  	v10 =	vadd.f32 v13, v11;
	v11 =	vpop (erf);
	(erf) = vpow2.f32 v9;
	v9 =	vmul.f32 $1.442695020e+00, v17  }
0x1e8: {  	v13 =	vld [tilespmem:s2+$0x10];
	v17 =	vmul.f32 $1.442695020e+00, v11;
	(erf) = vrcp.f32 v15  }
0x1e9: {  	v16 =	vld [tilespmem:s30+$0x10];
	(erf) = vpow2.f32 v9  }
0x1ea: {  	v12 =	vadd.f32 v14, v12;
	v10 =	vsub.f32 $0.0e+00, v10;
	v15 =	vld [tilespmem:s6+$0xFFFFFFE0];
	(erf) = vpow2.f32 v17  }
0x1eb: {  	v11 =	vpop (erf);
	v9 =	vld [tilespmem:s29+$0xFFFFFFE0]  }
0x1ec: {  	v12 =	vsub.f32 $0.0e+00, v12;
	v10 =	vmul.f32 $1.442695020e+00, v10;
	v17 =	vadd.f32 $1.000000000e+00, v11  }
0x1ed: {  	s12 =	sadd.s32 $0x80, s12  }
0x1ee: {  	[dreg:$0x18] =	wrdreg s3;
	s5 =	sadd.s32 $0x80, s5;
	v14 =	vld [tilespmem:s12+$0xFFFFFFC0];
	(erf) = vpow2.f32 v10;
	v10 =	vmul.f32 $1.442695020e+00, v12  }
0x1ef: {  	[dreg:$0x17] =	wrdreg s31;
	s4 =	smov.u32 s0;
	s3 =	smov.u32 s16;
	v12 =	vld [tilespmem:s5+$0xFFFFFFC0];
	(erf) = vrcp.f32 v17;
	v11 =	vpop (erf)  }
0x1f0: {  	s19 =	simm.s32 $0x2710;
	[dreg:$0x15] =	wrdreg s4;
	s4 =	sadd.s32 $0x50, s8;
	(erf) = vpow2.f32 v10;
	v10 =	vld.idx.msk [tilespmem:v13+s15+$0x0], $0xffff;
	v11 =	vmul.f32 $1.442695020e+00, v11;
	v17 =	vpop (erf)  }
0x1f1: {  	[dreg:$0x16] =	wrdreg s3;
	s3 =	simm.s32 $0x0;
	p5 =	slt.u32 s4, $0x4E200;
	v13 =	vld.idx.msk [tilespmem:v16+s19+$0x0], $0xffff;
	v18 =	vpop (erf)  }
0x1f2: {  	s31 =	smov.u32 s26;
	s26 =	smov.u32 s8;
	s8 =	sadd.s32 $0x20, s14;
	v15 =	vld.idx.msk [tilespmem:v15+s3+$0x0], $0xffff;
	v17 =	vpsel !p5, $0x0, v17;
	(erf) = vpow2.f32 v11;
	v19 =	vpop (erf)  }
0x1f3: {  	p6 =	slt.u32 s8, $0x4E200;
	v11 =	vld.idx.msk [tilespmem:v9+s19+$0x0], $0xffff;
	[tilespmem:s17+$0x10] =	vst v17;
	v18 =	vmul.f32 $1.442695020e+00, v18;
	v20 =	vpop (erf)  }
0x1f4: {  	[tilespmem:v6+s13+$0x0] =	vst.idx.add.f32.msk $0xffff, v17;
	v6 =	vmov v16;
	v16 =	vpsel !p6, $0x0, v20  }
0x1f5: {  	v21 =	vadd.f32 $1.000000000e+00, v19;
	v19 =	vld [tilespmem:s7+$0x20];
	(erf) = vpow2.f32 v18;
	[tilespmem:s23+$0xFFFFFFE0] =	vst v16  }
0x1f6: {  	v18 =	vld [tilespmem:s21+$0x20]  }
0x1f7: {  	s0 =	smov.u32 s23;
	v10 =	vadd.f32 v13, v10;
	v17 =	vpop (erf);
	s23 =	smov.u32 s21;
	(erf) = vrcp.f32 v21;
	[tilespmem:v2+s13+$0x0] =	vst.idx.add.f32.msk $0xffff, v16;
	s21 =	rddreg [dreg:$0x11]  }
0x1f8: {  	s9 =	rddreg [dreg:$0xe];
	v2 =	vmov v9;
	v9 =	vadd.f32 $1.000000000e+00, v17;
	v13 =	vld [tilespmem:s21+$0xFFFFFFF0];
	v16 =	vpop (erf)  }
0x1f9: {  	s15 =	rddreg [dreg:$0x14];
	v10 =	vsub.f32 $0.0e+00, v10;
	v20 =	vmul.f32 $1.442695020e+00, v16;
	v17 =	vpop (erf)  }
0x1fa: {  	s15 =	sadd.s32 s15, s9;
	v14 =	vld.idx.msk [tilespmem:v14+s3+$0x0], $0xffff;
	(erf) = vrcp.f32 v9;
	v9 =	vadd.f32 v11, v15;
	v11 =	vadd.f32 $1.000000000e+00, v17  }
0x1fb: {  	s9 =	smov.u32 s28;
	p2 =	slt.u32 s15, $0x4E200;
	v10 =	vmul.f32 $1.442695020e+00, v10;
	v15 =	vld.idx.msk [tilespmem:v12+s19+$0x0], $0xffff;
	(erf) = vpow2.f32 v20;
	v16 =	vpop (erf)  }
0x1fc: {  	[dreg:$0x14] =	wrdreg s9;
	s9 =	sadd.s32 $0x80, s16;
	v17 =	vld [tilespmem:s18+$0xFFFFFFF0];
	(erf) = vrcp.f32 v11;
	v11 =	vpsel !p2, $0x0, v16  }
0x1fd: {  	s8 =	smov.u32 s11;
	s11 =	sadd.s32 $0x60, s11;
	s4 =	sadd.s32 $0x30, s25;
	v9 =	vsub.f32 $0.0e+00, v9;
	(erf) = vpow2.f32 v10;
	v10 =	vld.idx.msk [tilespmem:v19+s3+$0x0], $0xffff;
	[tilespmem:s9+$0xFFFFFFC0] =	vst v11  }
0x1fe: {  	p3 =	slt.u32 s11, $0x4E200;
	p4 =	slt.u32 s4, $0x4E200;
	s4 =	rddreg [dreg:$0x12];
	v19 =	vpop (erf);
	v16 =	vld.idx.msk [tilespmem:v18+s19+$0x0], $0xffff  }
0x1ff: {  	s11 =	smov.u32 s7;
	s16 =	smov.u32 s9;
	v9 =	vmul.f32 $1.442695020e+00, v9;
	s9 =	rddreg [dreg:$0xf];
	[tilespmem:v3+s13+$0x0] =	vst.idx.add.f32.msk $0xffff, v11;
	v11 =	vpsel !p3, $0x0, v19  }
0x200: {  	[dreg:$0xf] =	wrdreg s11;
	v19 =	vpop (erf);
	v3 =	vmov v12;
	v12 =	vld.idx.msk [tilespmem:v13+s3+$0x0], $0xffff;
	[tilespmem:s10+$0x20] =	vst v11  }
0x201: {  	s11 =	rddreg [dreg:$0x10];
	v14 =	vadd.f32 v15, v14;
	(erf) = vpow2.f32 v9;
	v9 =	vmul.f32 $1.442695020e+00, v19;
	[tilespmem:v7+s13+$0x0] =	vst.idx.add.f32.msk $0xffff, v11  }
0x202: {  	v11 =	vld [tilespmem:s9+$0x30];
	s9 =	rddreg [dreg:$0xc]  }
0x203: {  	s7 =	smov.u32 s2;
	(erf) = vpow2.f32 v9;
	v9 =	vsub.f32 $0.0e+00, v14;
	v14 =	vld [tilespmem:s11+$0x30];
	s11 =	rddreg [dreg:$0x6];
	s2 =	smov.u32 s9  }
0x204: {  	s9 =	smov.u32 s11;
	s11 =	smov.u32 s21;
	s21 =	rddreg [dreg:$0x9]  }
0x205: {  	[dreg:$0x6] =	wrdreg s11  }
0x206: {  	s11 =	smov.u32 s6;
	[dreg:$0xc] =	wrdreg s9  }
0x207: {  	s6 =	smov.u32 s21;
	s21 =	smov.u32 s4;
	[dreg:$0x11] =	wrdreg s11  }
0x208: {  	[dreg:$0x9] =	wrdreg s21  }
0x209: {  	s11 =	smov.u32 s12;
	s21 =	smov.u32 s23;
	s23 =	rddreg [dreg:$0x7]  }
0x20a: {  	[dreg:$0x12] =	wrdreg s11  }
0x20b: {  	[dreg:$0x10] =	wrdreg s21  }
0x20c: {  	v13 =	vpop (erf);
	s11 =	rddreg [dreg:$0x13];
	s21 =	smov.u32 s30  }
0x20d: {  	v7 =	vmov v18;
	v15 =	vld.idx.msk [tilespmem:v17+s19+$0x0], $0xffff;
	v18 =	vpop (erf);
	s30 =	smov.u32 s24;
	s24 =	smov.u32 s23;
	s23 =	smov.u32 s18  }
0x20e: {  	v19 =	vld [tilespmem:s4+$0xFFFFFFD0];
	v18 =	vpsel !p4, $0x0, v18;
	[dreg:$0x7] =	wrdreg s23  }
0x20f: {  	v10 =	vadd.f32 v16, v10;
	v16 =	vmul.f32 $1.442695020e+00, v9;
	v9 =	vld [tilespmem:s11+$0xFFFFFFD0];
	[tilespmem:s22+$0xFFFFFFF0] =	vst v18;
	s23 =	rddreg [dreg:$0xa]  }
0x210: {  	v13 =	vmul.f32 $1.442695020e+00, v13;
	s18 =	smov.u32 s29;
	[tilespmem:v4+s13+$0x0] =	vst.idx.add.f32.msk $0xffff, v18;
	s29 =	smov.u32 s23;
	s23 =	smov.u32 s5  }
0x211: {  	v4 =	vmov v17;
	v17 =	vld [tilespmem:s9+$0x0];
	s9 =	smov.u32 s11;
	[dreg:$0x13] =	wrdreg s23  }
0x212: {  	p0 =	sne.s32 s28, $0x2800;
	v20 =	vpop (erf);
	(erf) = vpow2.f32 v13;
	[dreg:$0xa] =	wrdreg s9  }
0x213: {  	s28 =	sadd.s32 $0x80, s28;
	s11 =	smov.u32 s8;
	s9 =	rddreg [dreg:$0x5]  }
0x214: {  	v13 =	vmul.f32 $1.442695020e+00, v20;
	v20 =	vpop (erf);
	v10 =	vsub.f32 $0.0e+00, v10;
	(erf) = vpow2.f32 v16;
	s23 =	smov.u32 s10;
	s10 =	smov.u32 s25;
	[dreg:$0x5] =	wrdreg s11  }
0x215: {  	v16 =	vadd.f32 $1.000000000e+00, v20;
	s4 =	sadd.s32 $0x70, s9;
	s9 =	smov.u32 s0;
	s0 =	rddreg [dreg:$0xb]  }
0x216: {  	(erf) = vpow2.f32 v13;
	v13 =	vmul.f32 $1.442695020e+00, v10;
	v18 =	vpop (erf);
	v10 =	vld [tilespmem:s24+$0x0];
	s8 =	smov.u32 s31;
	s25 =	smov.u32 s14;
	[dreg:$0xb] =	wrdreg s10  }
0x217: {  	v12 =	vadd.f32 v15, v12;
	(erf) = vrcp.f32 v16;
	s31 =	smov.u32 s22;
	v20 =	vld.idx.msk [tilespmem:v11+s3+$0x0], $0xffff;
	v11 =	vpop (erf);
	s10 =	rddreg [dreg:$0x18];
	p5 =	slt.u32 s4, $0x4E200  }
0x218: {  	(erf) = vpow2.f32 v13;
	s11 =	smov.u32 s26;
	s26 =	smov.u32 s0;
	v13 =	vpsel !p5, $0x0, v11;
	v11 =	vld.idx.msk [tilespmem:v19+s3+$0x0], $0xffff;
	s3 =	rddreg [dreg:$0xd]  }
0x219: {  	v12 =	vsub.f32 $0.0e+00, v12;
	v63 =	vld.idx.msk [tilespmem:v14+s19+$0x0], $0xffff;
	s0 =	rddreg [dreg:$0x8];
	[tilespmem:s10+$0x30] =	vst v13;
	s4 =	smov.u32 s3;
	s10 =	smov.u32 s15  }
0x21a: {  	v16 =	vadd.f32 $1.000000000e+00, v18;
	s14 =	smov.u32 s0;
	[dreg:$0xd] =	wrdreg s10;
	s0 =	sadd.s32 $0x10, s4  }
.Ltmp4:
0x21b: {  	v12 =	vmul.f32 $1.442695020e+00, v12;
	[dreg:$0x8] =	wrdreg s4;
	[tilespmem:v1+s13+$0x0] =	vst.idx.add.f32.msk $0xffff, v13;
	v1 =	vmov v14;
	v14 =	vpop (erf);
	p6 =	slt.u32 s0, $0x4E200;
	(pc) =	sbr.rel @p0 .LBB2_6-.Ltmp4, $4  }
0x21c: {  	(erf) = vrcp.f32 v16;
	s22 =	smov.u32 s9;
	s15 =	simm.s32 $0x0;
	v13 =	vld.idx.msk [tilespmem:v9+s19+$0x0], $0xffff;
	s0 =	rddreg [dreg:$0x16];
	v16 =	vpsel !p6, $0x0, v14  }
0x21d: {  	s3 =	smov.u32 s23;
	s10 =	smov.u32 s17;
	s4 =	rddreg [dreg:$0x17];
	v15 =	vpop (erf);
	(erf) = vpow2.f32 v12;
	v12 =	vld.idx.msk [tilespmem:v17+s15+$0x0], $0xffff;
	[tilespmem:s0+$0xFFFFFFD0] =	vst v16  }
0x21e: {  	s17 =	smov.u32 s1;
	s13 =	sadd.s32 $0x40, s26;
	v14 =	vld.idx.msk [tilespmem:v10+s19+$0x0], $0xffff;
	s19 =	rddreg [dreg:$0x15]  }
0x21f: {  	s1 =	smov.u32 s4;
	p1 =	slt.u32 s13, $0x4E200;
	v18 =	vpop (erf);
	v17 =	vadd.f32 v63, v20;
	s23 =	smov.u32 s19  }
0x220: {  	_ =	sdelay $0x2  }
0x221: {  	s5 =	simm.s32 $0x4E20;
	v15 =	vadd.f32 $1.000000000e+00, v15;
	v60 =	vpop (erf)  }
0x222: {  	[tilespmem:v8+s5+$0x0] =	vst.idx.add.f32.msk $0xffff, v16;
	v16 =	vmul.f32 $1.442695020e+00, v60;
	v61 =	vpop (erf)  }
0x223: {  	v59 =	vpsel !p1, $0x0, v18;
	[smem:$0x7F5] =	sst s1;
	(erf) = vrcp.f32 v15;
	v62 =	vadd.f32 $1.000000000e+00, v61  }
0x224: {  	v63 =	vsub.f32 $0.0e+00, v17;
	[tilespmem:s1+$0x0] =	vst v59;
	(erf) = vpow2.f32 v16  }
0x225: {  	v11 =	vadd.f32 v13, v11;
	(erf) = vrcp.f32 v62;
	[tilespmem:v5+s5+$0x0] =	vst.idx.add.f32.msk $0xffff, v59  }
0x226: {  	v19 =	vmul.f32 $1.442695020e+00, v63;
	v18 =	vpop (erf);
	v8 =	vld [tilespmem:s2+$0x10];
	[smem:$0x7EB] =	sst s2  }
0x227: {  	v20 =	vsub.f32 $0.0e+00, v11;
	v5 =	vmul.f32 $1.442695020e+00, v18;
	v11 =	vld [tilespmem:s30+$0x10];
	[smem:$0x7EC] =	sst s30  }
0x228: {  	(erf) = vpow2.f32 v19;
	v23 =	vld [tilespmem:s6+$0xFFFFFFE0];
	[smem:$0x7EF] =	sst s29  }
0x229: {  	v12 =	vadd.f32 v14, v12;
	v22 =	vpop (erf);
	(erf) = vpow2.f32 v5;
	v5 =	vld [tilespmem:s29+$0xFFFFFFE0];
	_ =	sdelay $0x1  }
0x22a: {  	v21 =	vmul.f32 $1.442695020e+00, v20;
	v12 =	vsub.f32 $0.0e+00, v12  }
0x22b: {  	v14 =	vadd.f32 $1.000000000e+00, v22;
	v24 =	vpop (erf)  }
0x22c: {  	s4 =	sadd.s32 $0x50, s8;
	v12 =	vmul.f32 $1.442695020e+00, v12;
	(erf) = vpow2.f32 v21;
	v25 =	vpop (erf)  }
0x22d: {  	s13 =	smov.u32 s6;
	p0 =	slt.u32 s4, $0x4E200;
	s6 =	simm.s32 $0x2710;
	(erf) = vrcp.f32 v14;
	v26 =	vmul.f32 $1.442695020e+00, v24;
	v27 =	vpop (erf);
	v8 =	vld.idx.msk [tilespmem:v8+s15+$0x0], $0xffff  }
0x22e: {  	(erf) = vpow2.f32 v12;
	v13 =	vpsel !p0, $0x0, v25;
	v28 =	vmul.f32 $1.442695020e+00, v27;
	v29 =	vld.idx.msk [tilespmem:v11+s6+$0x0], $0xffff;
	[smem:$0x7F2] =	sst s8  }
0x22f: {  	(erf) = vpow2.f32 v26;
	v30 =	vld.idx.msk [tilespmem:v23+s15+$0x0], $0xffff;
	[tilespmem:s17+$0x10] =	vst v13  }
0x230: {  	(erf) = vpow2.f32 v28;
	v32 =	vld.idx.msk [tilespmem:v5+s6+$0x0], $0xffff;
	[smem:$0x7F4] =	sst s17  }
0x231: {  	[tilespmem:v6+s5+$0x0] =	vst.idx.add.f32.msk $0xffff, v13  }
0x232: {  	s19 =	sadd.s32 $0x20, s14;
	v31 =	vpop (erf);
	[smem:$0x7F0] =	sst s14  }
0x233: {  	p4 =	slt.u32 s19, $0x4E200;
	v33 =	vpop (erf);
	v35 =	vld [tilespmem:s7+$0x20]  }
0x234: {  	v17 =	vpsel !p4, $0x0, v33;
	v6 =	vld [tilespmem:s21+$0x20];
	[smem:$0x7E9] =	sst s23  }
0x235: {  	v34 =	vpop (erf);
	[tilespmem:s23+$0xFFFFFFE0] =	vst v17  }
0x236: {  	v15 =	vadd.f32 $1.000000000e+00, v31;
	v8 =	vadd.f32 v29, v8;
	v36 =	vpop (erf);
	[smem:$0x7F1] =	sst s11  }
0x237: {  	v13 =	vadd.f32 $1.000000000e+00, v34;
	v19 =	vpop (erf);
	[tilespmem:v2+s5+$0x0] =	vst.idx.add.f32.msk $0xffff, v17  }
0x238: {  	s29 =	sadd.s32 $0x60, s11;
	(erf) = vrcp.f32 v15;
	v12 =	vmul.f32 $1.442695020e+00, v36;
	v8 =	vsub.f32 $0.0e+00, v8;
	v37 =	vpop (erf);
	s1 =	rddreg [dreg:$0x11]  }
0x239: {  	p5 =	slt.u32 s29, $0x4E200;
	(erf) = vrcp.f32 v13;
	v38 =	vadd.f32 $1.000000000e+00, v19;
	v40 =	vld [tilespmem:s1+$0xFFFFFFF0];
	[smem:$0x7EA] =	sst s18;
	v39 =	vpop (erf)  }
0x23a: {  	(erf) = vpow2.f32 v12;
	v41 =	vmul.f32 $1.442695020e+00, v8;
	v8 =	vld [tilespmem:s18+$0xFFFFFFF0];
	[smem:$0x7F3] =	sst s10;
	v14 =	vpsel !p5, $0x0, v39  }
0x23b: {  	(erf) = vrcp.f32 v38;
	[tilespmem:s10+$0x20] =	vst v14  }
0x23c: {  	(erf) = vpow2.f32 v41  }
0x23d: {  	[tilespmem:v7+s5+$0x0] =	vst.idx.add.f32.msk $0xffff, v14  }
0x23e: {  	s19 =	smov.u32 s7;
	v2 =	vadd.f32 v32, v30;
	s7 =	rddreg [dreg:$0xe]  }
0x23f: {  	s9 =	smov.u32 s8;
	s8 =	rddreg [dreg:$0x14]  }
0x240: {  	v2 =	vsub.f32 $0.0e+00, v2;
	s18 =	sadd.s32 s8, s7  }
0x241: {  	v43 =	vld.idx.msk [tilespmem:v35+s15+$0x0], $0xffff;
	p6 =	slt.u32 s18, $0x4E200  }
0x242: {  	s11 =	sadd.s32 $0x80, s16;
	v44 =	vmul.f32 $1.442695020e+00, v2;
	v46 =	vld.idx.msk [tilespmem:v6+s6+$0x0], $0xffff;
	s1 =	rddreg [dreg:$0xf];
	v45 =	vpsel !p6, $0x0, v37  }
0x243: {  	s10 =	rddreg [dreg:$0x10];
	[tilespmem:s11+$0xFFFFFFC0] =	vst v45  }
0x244: {  	(erf) = vpow2.f32 v44;
	[tilespmem:v3+s5+$0x0] =	vst.idx.add.f32.msk $0xffff, v45;
	v3 =	vpop (erf)  }
0x245: {  	v47 =	vld.idx.msk [tilespmem:v40+s15+$0x0], $0xffff;
	v48 =	vpop (erf)  }
0x246: {  	s12 =	sadd.s32 $0x30, s25;
	v49 =	vld.idx.msk [tilespmem:v8+s6+$0x0], $0xffff;
	v3 =	vmul.f32 $1.442695020e+00, v3;
	v50 =	vpop (erf)  }
0x247: {  	p1 =	slt.u32 s12, $0x4E200;
	v42 =	vld [tilespmem:s1+$0x30];
	v15 =	vadd.f32 v46, v43;
	v12 =	vmul.f32 $1.442695020e+00, v48;
	v52 =	vpop (erf)  }
0x248: {  	s8 =	smov.u32 s16;
	v2 =	vld [tilespmem:s10+$0x30];
	s16 =	rddreg [dreg:$0x12];
	v17 =	vpsel !p1, $0x0, v50;
	(erf) = vpow2.f32 v3;
	v3 =	vmul.f32 $1.442695020e+00, v52  }
0x249: {  	s14 =	rddreg [dreg:$0x13];
	v54 =	vsub.f32 $0.0e+00, v15;
	v51 =	vld [tilespmem:s16+$0xFFFFFFD0];
	[tilespmem:s22+$0xFFFFFFF0] =	vst v17;
	v53 =	vpop (erf);
	(erf) = vpow2.f32 v12  }
0x24a: {  	[tilespmem:v4+s5+$0x0] =	vst.idx.add.f32.msk $0xffff, v17;
	v55 =	vadd.f32 $1.000000000e+00, v53;
	(erf) = vpow2.f32 v3  }
0x24b: {  	v7 =	vld [tilespmem:s14+$0xFFFFFFD0];
	v57 =	vadd.f32 v49, v47;
	s23 =	rddreg [dreg:$0x6];
	v3 =	vmul.f32 $1.442695020e+00, v54  }
0x24c: {  	v56 =	vld [tilespmem:s23+$0x0];
	s23 =	rddreg [dreg:$0x7];
	(erf) = vrcp.f32 v55  }
0x24d: {  	v58 =	vpop (erf);
	v12 =	vld [tilespmem:s23+$0x0];
	(erf) = vpow2.f32 v3;
	v3 =	vsub.f32 $0.0e+00, v57  }
0x24e: {  	v14 =	vadd.f32 $1.000000000e+00, v58  }
0x24f: {  	v59 =	vld.idx.msk [tilespmem:v42+s15+$0x0], $0xffff  }
0x250: {  	v60 =	vld.idx.msk [tilespmem:v2+s6+$0x0], $0xffff;
	(erf) = vrcp.f32 v14  }
0x251: {  	s29 =	rddreg [dreg:$0xb];
	v61 =	vmul.f32 $1.442695020e+00, v3;
	v3 =	vpop (erf)  }
0x252: {  	s1 =	smov.u32 s0;
	s0 =	sadd.s32 $0x40, s29;
	v62 =	vld.idx.msk [tilespmem:v51+s15+$0x0], $0xffff;
	v24 =	vpop (erf)  }
0x253: {  	p2 =	slt.u32 s0, $0x4E200;
	v63 =	vld.idx.msk [tilespmem:v7+s6+$0x0], $0xffff;
	v26 =	vpop (erf)  }
0x254: {  	(erf) = vpow2.f32 v61;
	v15 =	vld.idx.msk [tilespmem:v56+s15+$0x0], $0xffff;
	v27 =	vpsel !p2, $0x0, v26  }
0x255: {  	v4 =	vadd.f32 v60, v59;
	v25 =	vld.idx.msk [tilespmem:v12+s6+$0x0], $0xffff;
	v28 =	vpop (erf);
	[tilespmem:s31+$0x0] =	vst v27  }
0x256: {  	v19 =	vmul.f32 $1.442695020e+00, v28;
	v20 =	vpop (erf);
	[tilespmem:v10+s5+$0x0] =	vst.idx.add.f32.msk $0xffff, v27  }
0x257: {  	v4 =	vsub.f32 $0.0e+00, v4;
	v30 =	vadd.f32 $1.000000000e+00, v20;
	s12 =	rddreg [dreg:$0xd]  }
0x258: {  	(erf) = vpow2.f32 v19;
	s10 =	sadd.s32 $0x10, s12  }
0x259: {  	v4 =	vmul.f32 $1.442695020e+00, v4;
	v29 =	vadd.f32 v63, v62;
	v32 =	vpop (erf);
	(erf) = vrcp.f32 v30;
	p3 =	slt.u32 s10, $0x4E200  }
0x25a: {  	s7 =	rddreg [dreg:$0xc];
	v10 =	vld [tilespmem:s24+$0x10];
	v33 =	vmul.f32 $1.442695020e+00, v32;
	v14 =	vpsel !p3, $0x0, v24  }
0x25b: {  	v13 =	vsub.f32 $0.0e+00, v29;
	v31 =	vld [tilespmem:s7+$0x10];
	v15 =	vadd.f32 v25, v15;
	(erf) = vpow2.f32 v4;
	[tilespmem:s8+$0xFFFFFFD0] =	vst v14  }
0x25c: {  	(erf) = vpow2.f32 v33;
	[smem:$0x7ED] =	sst s8  }
0x25d: {  	v34 =	vmul.f32 $1.442695020e+00, v13;
	v35 =	vpop (erf);
	v15 =	vsub.f32 $0.0e+00, v15;
	[tilespmem:v9+s5+$0x0] =	vst.idx.add.f32.msk $0xffff, v14  }
0x25e: {  	s28 =	smov.u32 s8;
	v13 =	vadd.f32 $1.000000000e+00, v35;
	s8 =	rddreg [dreg:$0x9]  }
0x25f: {  	(erf) = vpow2.f32 v34;
	v36 =	vmul.f32 $1.442695020e+00, v15;
	s14 =	rddreg [dreg:$0xa]  }
0x260: {  	s0 =	sadd.s32 $0x50, s26;
	(erf) = vrcp.f32 v13;
	s10 =	sld [smem:$0x7F5];
	v14 =	vld [tilespmem:s8+$0xFFFFFFE0]  }
0x261: {  	p4 =	slt.u32 s0, $0x4E200;
	v13 =	vld [tilespmem:s14+$0xFFFFFFE0];
	(erf) = vpow2.f32 v36;
	v39 =	vpop (erf)  }
0x262: {  	v38 =	vld.idx.msk [tilespmem:v10+s6+$0x0], $0xffff;
	v9 =	vpsel !p4, $0x0, v39;
	v16 =	vpop (erf)  }
0x263: {  	v37 =	vld.idx.msk [tilespmem:v31+s15+$0x0], $0xffff;
	[tilespmem:s10+$0x10] =	vst v9;
	v41 =	vmul.f32 $1.442695020e+00, v16  }
0x264: {  	v40 =	vpop (erf);
	[tilespmem:v11+s5+$0x0] =	vst.idx.add.f32.msk $0xffff, v9  }
0x265: {  	v42 =	vpop (erf);
	s4 =	rddreg [dreg:$0x8];
	(erf) = vpow2.f32 v41  }
0x266: {  	s29 =	smov.u32 s7;
	v43 =	vld [tilespmem:s2+$0x20];
	s7 =	sadd.s32 $0x20, s4  }
0x267: {  	v9 =	vld [tilespmem:s30+$0x20];
	p5 =	slt.u32 s7, $0x4E200  }
0x268: {  	v17 =	vadd.f32 $1.000000000e+00, v40;
	v44 =	vpop (erf);
	v4 =	vadd.f32 v38, v37;
	v14 =	vld.idx.msk [tilespmem:v14+s15+$0x0], $0xffff;
	v45 =	vpsel !p5, $0x0, v42  }
0x269: {  	v46 =	vadd.f32 $1.000000000e+00, v44;
	v47 =	vpop (erf);
	v48 =	vld.idx.msk [tilespmem:v13+s6+$0x0], $0xffff;
	[tilespmem:s1+$0xFFFFFFE0] =	vst v45  }
0x26a: {  	(erf) = vrcp.f32 v17;
	v16 =	vmul.f32 $1.442695020e+00, v47;
	v4 =	vsub.f32 $0.0e+00, v4;
	v49 =	vpop (erf);
	[tilespmem:v5+s5+$0x0] =	vst.idx.add.f32.msk $0xffff, v45  }
0x26b: {  	(erf) = vrcp.f32 v46;
	v50 =	vadd.f32 $1.000000000e+00, v49;
	[smem:$0x7EE] =	sst s13  }
0x26c: {  	(erf) = vpow2.f32 v16;
	v4 =	vmul.f32 $1.442695020e+00, v4;
	s14 =	sld [smem:$0x7EF]  }
0x26d: {  	s9 =	sadd.s32 $0x60, s9;
	v5 =	vld [tilespmem:s13+$0xFFFFFFF0];
	(erf) = vrcp.f32 v50  }
0x26e: {  	p6 =	slt.u32 s9, $0x4E200;
	(erf) = vpow2.f32 v4;
	v52 =	vld.idx.msk [tilespmem:v43+s15+$0x0], $0xffff;
	v54 =	vpop (erf)  }
0x26f: {  	v51 =	vadd.f32 v48, v14;
	v11 =	vld [tilespmem:s14+$0xFFFFFFF0];
	v16 =	vpsel !p6, $0x0, v54  }
0x270: {  	v53 =	vld.idx.msk [tilespmem:v9+s6+$0x0], $0xffff;
	[tilespmem:s17+$0x20] =	vst v16  }
0x271: {  	v4 =	vsub.f32 $0.0e+00, v51;
	[tilespmem:v6+s5+$0x0] =	vst.idx.add.f32.msk $0xffff, v16  }
0x272: {  	s7 =	sld [smem:$0x7F0]  }
0x273: {  	v55 =	vpop (erf);
	v4 =	vmul.f32 $1.442695020e+00, v4  }
0x274: {  	v57 =	vmul.f32 $1.442695020e+00, v55;
	v56 =	vpop (erf)  }
0x275: {  	v58 =	vpop (erf);
	v14 =	vadd.f32 v53, v52;
	v63 =	vld [tilespmem:s19+$0x30];
	s9 =	sld [smem:$0x7E9];
	(erf) = vpow2.f32 v4;
	s30 =	sadd.s32 $0x30, s7  }
0x276: {  	v59 =	vmul.f32 $1.442695020e+00, v56;
	v5 =	vld.idx.msk [tilespmem:v5+s15+$0x0], $0xffff;
	(erf) = vpow2.f32 v57;
	v60 =	vpop (erf);
	p1 =	slt.u32 s30, $0x4E200  }
0x277: {  	v14 =	vsub.f32 $0.0e+00, v14;
	v61 =	vld.idx.msk [tilespmem:v11+s6+$0x0], $0xffff;
	v15 =	vmul.f32 $1.442695020e+00, v60;
	v62 =	vpop (erf);
	v17 =	vpsel !p1, $0x0, v58  }
0x278: {  	v4 =	vld [tilespmem:s21+$0x30];
	(erf) = vpow2.f32 v59;
	v20 =	vadd.f32 $1.000000000e+00, v62;
	[tilespmem:s9+$0xFFFFFFF0] =	vst v17  }
0x279: {  	v14 =	vmul.f32 $1.442695020e+00, v14;
	(erf) = vpow2.f32 v15;
	[tilespmem:v8+s5+$0x0] =	vst.idx.add.f32.msk $0xffff, v17  }
0x27a: {  	(erf) = vrcp.f32 v20;
	s1 =	sld [smem:$0x7EA]  }
0x27b: {  	s2 =	rddreg [dreg:$0x11];
	(erf) = vpow2.f32 v14  }
0x27c: {  	v21 =	vld [tilespmem:s2+$0x0];
	v5 =	vadd.f32 v61, v5  }
0x27d: {  	v8 =	vld [tilespmem:s1+$0x0]  }
0x27e: {  	v22 =	vpop (erf)  }
0x27f: {  	v23 =	vsub.f32 $0.0e+00, v5;
	v14 =	vadd.f32 $1.000000000e+00, v22  }
0x280: {  	v24 =	vld.idx.msk [tilespmem:v63+s15+$0x0], $0xffff;
	v5 =	vpop (erf)  }
0x281: {  	v25 =	vld.idx.msk [tilespmem:v4+s6+$0x0], $0xffff;
	v15 =	vmul.f32 $1.442695020e+00, v23;
	(erf) = vrcp.f32 v14;
	v26 =	vpop (erf)  }
0x282: {  	s0 =	sadd.s32 $0x10, s18;
	v27 =	vpop (erf)  }
0x283: {  	p2 =	slt.u32 s0, $0x4E200;
	(erf) = vpow2.f32 v15;
	v28 =	vpop (erf)  }
0x284: {  	s17 =	sadd.s32 $0x40, s25;
	v14 =	vpsel !p2, $0x0, v26;
	v6 =	vld.idx.msk [tilespmem:v21+s15+$0x0], $0xffff;
	v18 =	vmul.f32 $1.442695020e+00, v28;
	v30 =	vpop (erf)  }
0x285: {  	p3 =	slt.u32 s17, $0x4E200;
	[tilespmem:s11+$0xFFFFFFD0] =	vst v14;
	v32 =	vadd.f32 $1.000000000e+00, v30;
	v29 =	vld.idx.msk [tilespmem:v8+s6+$0x0], $0xffff  }
0x286: {  	v33 =	vadd.f32 v25, v24;
	v31 =	vpsel !p3, $0x0, v27;
	[tilespmem:v7+s5+$0x0] =	vst.idx.add.f32.msk $0xffff, v14;
	(erf) = vpow2.f32 v18  }
0x287: {  	[tilespmem:s22+$0x0] =	vst v31;
	(erf) = vrcp.f32 v32  }
0x288: {  	v34 =	vsub.f32 $0.0e+00, v33;
	[tilespmem:v12+s5+$0x0] =	vst.idx.add.f32.msk $0xffff, v31  }
0x289: {  	s21 =	rddreg [dreg:$0x6];
	v14 =	vld [tilespmem:s23+$0x10]  }
0x28a: {  	v7 =	vmul.f32 $1.442695020e+00, v34;
	v35 =	vld [tilespmem:s21+$0x10];
	v36 =	vpop (erf);
	v6 =	vadd.f32 v29, v6  }
0x28b: {  	v37 =	vld [tilespmem:s16+$0xFFFFFFE0];
	s30 =	rddreg [dreg:$0x13];
	v38 =	vmul.f32 $1.442695020e+00, v36  }
0x28c: {  	v12 =	vld [tilespmem:s30+$0xFFFFFFE0];
	(erf) = vpow2.f32 v7;
	v39 =	vpop (erf);
	v6 =	vsub.f32 $0.0e+00, v6  }
0x28d: {  	v40 =	vadd.f32 $1.000000000e+00, v39;
	(erf) = vpow2.f32 v38  }
0x28e: {  	v6 =	vmul.f32 $1.442695020e+00, v6  }
0x28f: {  	(erf) = vrcp.f32 v40;
	v41 =	vpop (erf)  }
0x290: {  	s0 =	smov.u32 s23;
	s23 =	rddreg [dreg:$0xb];
	v43 =	vpop (erf);
	(erf) = vpow2.f32 v6  }
0x291: {  	s19 =	smov.u32 s18;
	s18 =	sadd.s32 $0x50, s23;
	v44 =	vld.idx.msk [tilespmem:v14+s6+$0x0], $0xffff;
	v15 =	vmul.f32 $1.442695020e+00, v43  }
0x292: {  	p4 =	slt.u32 s18, $0x4E200;
	v42 =	vld.idx.msk [tilespmem:v35+s15+$0x0], $0xffff  }
0x293: {  	v16 =	vld.idx.msk [tilespmem:v37+s15+$0x0], $0xffff;
	v6 =	vpsel !p4, $0x0, v41;
	(erf) = vpow2.f32 v15  }
0x294: {  	v45 =	vld.idx.msk [tilespmem:v12+s6+$0x0], $0xffff;
	[tilespmem:s31+$0x10] =	vst v6  }
0x295: {  	s17 =	sadd.s32 $0x20, s12;
	v46 =	vpop (erf);
	[tilespmem:v10+s5+$0x0] =	vst.idx.add.f32.msk $0xffff, v6  }
0x296: {  	p5 =	slt.u32 s17, $0x4E200;
	v47 =	vld [tilespmem:s29+$0x20];
	v48 =	vpop (erf)  }
0x297: {  	v7 =	vadd.f32 v44, v42;
	v10 =	vpsel !p5, $0x0, v48  }
0x298: {  	v6 =	vadd.f32 $1.000000000e+00, v46;
	v15 =	vld [tilespmem:s24+$0x20];
	v49 =	vpop (erf);
	[tilespmem:s28+$0xFFFFFFE0] =	vst v10  }
0x299: {  	v7 =	vsub.f32 $0.0e+00, v7;
	v17 =	vmul.f32 $1.442695020e+00, v49;
	[tilespmem:v13+s5+$0x0] =	vst.idx.add.f32.msk $0xffff, v10;
	v50 =	vpop (erf)  }
0x29a: {  	(erf) = vrcp.f32 v6;
	v53 =	vld [tilespmem:s8+$0xFFFFFFF0];
	v52 =	vadd.f32 $1.000000000e+00, v50  }
0x29b: {  	s18 =	smov.u32 s29;
	v51 =	vadd.f32 v45, v16;
	s29 =	sadd.s32 $0x60, s26;
	v7 =	vmul.f32 $1.442695020e+00, v7;
	s28 =	rddreg [dreg:$0xa];
	(erf) = vpow2.f32 v17  }
0x29c: {  	p6 =	slt.u32 s29, $0x4E200;
	v10 =	vld [tilespmem:s28+$0xFFFFFFF0];
	v54 =	vpop (erf);
	(erf) = vrcp.f32 v52  }
0x29d: {  	v6 =	vsub.f32 $0.0e+00, v51;
	(erf) = vpow2.f32 v7;
	v7 =	vpsel !p6, $0x0, v54  }
0x29e: {  	v55 =	vld.idx.msk [tilespmem:v47+s15+$0x0], $0xffff;
	[tilespmem:s10+$0x20] =	vst v7  }
0x29f: {  	v6 =	vmul.f32 $1.442695020e+00, v6;
	[tilespmem:v9+s5+$0x0] =	vst.idx.add.f32.msk $0xffff, v7  }
0x2a0: {  	v56 =	vld.idx.msk [tilespmem:v15+s6+$0x0], $0xffff;
	s8 =	sld [smem:$0x7EB]  }
0x2a1: {  	(erf) = vpow2.f32 v6  }
0x2a2: {  	s10 =	sld [smem:$0x7EC];
	v16 =	vld.idx.msk [tilespmem:v53+s15+$0x0], $0xffff  }
0x2a3: {  	v7 =	vld [tilespmem:s8+$0x30];
	s8 =	rddreg [dreg:$0x8]  }
0x2a4: {  	v57 =	vpop (erf);
	v58 =	vld.idx.msk [tilespmem:v10+s6+$0x0], $0xffff;
	s12 =	sadd.s32 $0x30, s8  }
0x2a5: {  	v13 =	vadd.f32 v56, v55;
	v59 =	vpop (erf);
	v6 =	vld [tilespmem:s10+$0x30];
	p1 =	slt.u32 s12, $0x4E200  }
0x2a6: {  	v9 =	vmul.f32 $1.442695020e+00, v57;
	s10 =	rddreg [dreg:$0x16];
	v61 =	vpop (erf);
	v60 =	vpsel !p1, $0x0, v59  }
0x2a7: {  	v13 =	vsub.f32 $0.0e+00, v13;
	v19 =	vmul.f32 $1.442695020e+00, v61;
	v62 =	vpop (erf);
	[tilespmem:s10+$0xFFFFFFF0] =	vst v60  }
0x2a8: {  	(erf) = vpow2.f32 v9;
	v63 =	vadd.f32 $1.000000000e+00, v62;
	[tilespmem:v11+s5+$0x0] =	vst.idx.add.f32.msk $0xffff, v60  }
0x2a9: {  	v13 =	vmul.f32 $1.442695020e+00, v13;
	v22 =	vadd.f32 v58, v16;
	(erf) = vpow2.f32 v19;
	v17 =	vld [tilespmem:s13+$0x0]  }
0x2aa: {  	v21 =	vpop (erf);
	v11 =	vld [tilespmem:s14+$0x0];
	(erf) = vrcp.f32 v63  }
0x2ab: {  	v23 =	vadd.f32 $1.000000000e+00, v21;
	v25 =	vsub.f32 $0.0e+00, v22;
	(erf) = vpow2.f32 v13  }
0x2ac: {  	v24 =	vld.idx.msk [tilespmem:v7+s15+$0x0], $0xffff  }
0x2ad: {  	v26 =	vld.idx.msk [tilespmem:v6+s6+$0x0], $0xffff;
	(erf) = vrcp.f32 v23;
	v7 =	vmul.f32 $1.442695020e+00, v25;
	_ =	sdelay $0x2  }
0x2ae: {  	(erf) = vpow2.f32 v7  }
0x2af: {  	v7 =	vpop (erf);
	v27 =	vld.idx.msk [tilespmem:v17+s15+$0x0], $0xffff  }
0x2b0: {  	s14 =	sadd.s32 $0x40, s7;
	v9 =	vadd.f32 v26, v24;
	v28 =	vld.idx.msk [tilespmem:v11+s6+$0x0], $0xffff;
	v29 =	vpop (erf)  }
0x2b1: {  	p2 =	slt.u32 s14, $0x4E200;
	v31 =	vpop (erf)  }
0x2b2: {  	v30 =	vpsel !p2, $0x0, v29;
	v9 =	vsub.f32 $0.0e+00, v9;
	v18 =	vmul.f32 $1.442695020e+00, v31;
	v32 =	vpop (erf)  }
0x2b3: {  	[tilespmem:s9+$0x0] =	vst v30;
	v33 =	vadd.f32 $1.000000000e+00, v32  }
0x2b4: {  	[tilespmem:v8+s5+$0x0] =	vst.idx.add.f32.msk $0xffff, v30;
	v34 =	vpop (erf);
	v9 =	vmul.f32 $1.442695020e+00, v9;
	(erf) = vpow2.f32 v18  }
0x2b5: {  	v35 =	vld [tilespmem:s2+$0x10];
	v13 =	vmul.f32 $1.442695020e+00, v34;
	(erf) = vrcp.f32 v33;
	v36 =	vadd.f32 v28, v27  }
0x2b6: {  	v18 =	vld [tilespmem:s1+$0x10];
	(erf) = vpow2.f32 v9  }
0x2b7: {  	v37 =	vpop (erf);
	(erf) = vpow2.f32 v13;
	v8 =	vsub.f32 $0.0e+00, v36  }
0x2b8: {  	v9 =	vadd.f32 $1.000000000e+00, v37  }
0x2b9: {  	v8 =	vmul.f32 $1.442695020e+00, v8  }
0x2ba: {  	(erf) = vrcp.f32 v9  }
0x2bb: {  	(erf) = vpow2.f32 v8  }
0x2bc: {  	s17 =	sadd.s32 $0x50, s25  }
0x2bd: {  	p3 =	slt.u32 s17, $0x4E200;
	v38 =	vld.idx.msk [tilespmem:v35+s15+$0x0], $0xffff;
	v40 =	vpop (erf)  }
0x2be: {  	v39 =	vld.idx.msk [tilespmem:v18+s6+$0x0], $0xffff;
	v13 =	vpsel !p3, $0x0, v40;
	v41 =	vpop (erf)  }
0x2bf: {  	s12 =	smov.u32 s9;
	s9 =	smov.u32 s19;
	s19 =	sadd.s32 $0x20, s19;
	[tilespmem:s22+$0x10] =	vst v13;
	v42 =	vpop (erf)  }
0x2c0: {  	p4 =	slt.u32 s19, $0x4E200;
	v16 =	vmul.f32 $1.442695020e+00, v41;
	v43 =	vpop (erf);
	[tilespmem:v14+s5+$0x0] =	vst.idx.add.f32.msk $0xffff, v13  }
0x2c1: {  	v44 =	vpsel !p4, $0x0, v43;
	v14 =	vld [tilespmem:s21+$0x20]  }
0x2c2: {  	(erf) = vpow2.f32 v16;
	v45 =	vld [tilespmem:s0+$0x20];
	[tilespmem:s11+$0xFFFFFFE0] =	vst v44  }
0x2c3: {  	v46 =	vadd.f32 $1.000000000e+00, v42;
	v8 =	vadd.f32 v39, v38;
	v47 =	vpop (erf);
	[tilespmem:v12+s5+$0x0] =	vst.idx.add.f32.msk $0xffff, v44  }
0x2c4: {  	v12 =	vmul.f32 $1.442695020e+00, v47;
	v13 =	vld [tilespmem:s16+$0xFFFFFFF0];
	v48 =	vpop (erf)  }
0x2c5: {  	(erf) = vrcp.f32 v46;
	v8 =	vsub.f32 $0.0e+00, v8;
	v50 =	vld [tilespmem:s30+$0xFFFFFFF0];
	v49 =	vadd.f32 $1.000000000e+00, v48  }
0x2c6: {  	(erf) = vpow2.f32 v12  }
0x2c7: {  	v8 =	vmul.f32 $1.442695020e+00, v8;
	(erf) = vrcp.f32 v49;
	_ =	sdelay $0x1  }
0x2c8: {  	(erf) = vpow2.f32 v8  }
0x2c9: {  	s7 =	smov.u32 s1;
	s1 =	smov.u32 s25;
	s25 =	sadd.s32 $0x60, s23;
	v51 =	vld.idx.msk [tilespmem:v14+s15+$0x0], $0xffff  }
0x2ca: {  	p5 =	slt.u32 s25, $0x4E200;
	v52 =	vld.idx.msk [tilespmem:v45+s6+$0x0], $0xffff;
	v53 =	vpop (erf)  }
0x2cb: {  	v12 =	vpsel !p5, $0x0, v53;
	v13 =	vld.idx.msk [tilespmem:v13+s15+$0x0], $0xffff  }
0x2cc: {  	[tilespmem:s31+$0x20] =	vst v12;
	v54 =	vld.idx.msk [tilespmem:v50+s6+$0x0], $0xffff  }
0x2cd: {  	v55 =	vpop (erf);
	[tilespmem:v15+s5+$0x0] =	vst.idx.add.f32.msk $0xffff, v12  }
0x2ce: {  	s13 =	smov.u32 s11;
	s11 =	smov.u32 s16;
	v57 =	vpop (erf);
	s16 =	rddreg [dreg:$0xd]  }
0x2cf: {  	s17 =	smov.u32 s0;
	v56 =	vmul.f32 $1.442695020e+00, v55;
	v12 =	vld [tilespmem:s18+$0x30];
	v9 =	vadd.f32 v52, v51;
	s19 =	sld [smem:$0x7ED];
	s0 =	sadd.s32 $0x30, s16;
	v58 =	vpop (erf)  }
0x2d0: {  	v8 =	vld [tilespmem:s24+$0x30];
	p6 =	slt.u32 s0, $0x4E200;
	v59 =	vmul.f32 $1.442695020e+00, v58  }
0x2d1: {  	(erf) = vpow2.f32 v56;
	v9 =	vsub.f32 $0.0e+00, v9;
	v60 =	vpop (erf);
	v19 =	vpsel !p6, $0x0, v57  }
0x2d2: {  	v13 =	vadd.f32 v54, v13;
	v20 =	vadd.f32 $1.000000000e+00, v60;
	[tilespmem:s19+$0xFFFFFFF0] =	vst v19;
	(erf) = vpow2.f32 v59  }
0x2d3: {  	v9 =	vmul.f32 $1.442695020e+00, v9;
	[tilespmem:v10+s5+$0x0] =	vst.idx.add.f32.msk $0xffff, v19  }
0x2d4: {  	v61 =	vsub.f32 $0.0e+00, v13;
	(erf) = vrcp.f32 v20;
	s18 =	rddreg [dreg:$0x9];
	v63 =	vld [tilespmem:s28+$0x0]  }
0x2d5: {  	v62 =	vld [tilespmem:s18+$0x0];
	(erf) = vpow2.f32 v9  }
0x2d6: {  	v22 =	vmul.f32 $1.442695020e+00, v61  }
0x2d7: {  	v23 =	vld.idx.msk [tilespmem:v12+s15+$0x0], $0xffff  }
0x2d8: {  	v24 =	vld.idx.msk [tilespmem:v8+s6+$0x0], $0xffff;
	(erf) = vpow2.f32 v22;
	_ =	sdelay $0x1  }
0x2d9: {  	s4 =	sadd.s32 $0x40, s8;
	v9 =	vpop (erf)  }
0x2da: {  	p1 =	slt.u32 s4, $0x4E200;
	v15 =	vpop (erf)  }
0x2db: {  	v19 =	vld.idx.msk [tilespmem:v63+s6+$0x0], $0xffff;
	v15 =	vpsel !p1, $0x0, v15  }
0x2dc: {  	v10 =	vadd.f32 v24, v23;
	v13 =	vld.idx.msk [tilespmem:v62+s15+$0x0], $0xffff;
	v25 =	vpop (erf);
	[tilespmem:s10+$0x0] =	vst v15  }
0x2dd: {  	v12 =	vmul.f32 $1.442695020e+00, v25;
	v26 =	vpop (erf);
	[tilespmem:v11+s5+$0x0] =	vst.idx.add.f32.msk $0xffff, v15  }
0x2de: {  	v10 =	vsub.f32 $0.0e+00, v10;
	v20 =	vadd.f32 $1.000000000e+00, v26;
	s24 =	sld [smem:$0x7EE]  }
0x2df: {  	(erf) = vpow2.f32 v12;
	s25 =	sld [smem:$0x7EF]  }
0x2e0: {  	v10 =	vmul.f32 $1.442695020e+00, v10;
	v27 =	vpop (erf);
	(erf) = vrcp.f32 v20  }
0x2e1: {  	v11 =	vadd.f32 $1.000000000e+00, v27;
	v28 =	vld [tilespmem:s24+$0x10]  }
0x2e2: {  	v13 =	vadd.f32 v19, v13;
	(erf) = vpow2.f32 v10;
	v15 =	vld [tilespmem:s25+$0x10]  }
0x2e3: {  	(erf) = vrcp.f32 v11  }
0x2e4: {  	v29 =	vsub.f32 $0.0e+00, v13;
	_ =	sdelay $0x1  }
0x2e5: {  	s4 =	sld [smem:$0x7F0];
	v10 =	vmul.f32 $1.442695020e+00, v29;
	_ =	sdelay $0x1  }
0x2e6: {  	(erf) = vpow2.f32 v10;
	v30 =	vpop (erf)  }
0x2e7: {  	s14 =	smov.u32 s8;
	s8 =	sadd.s32 $0x50, s4;
	v32 =	vpop (erf);
	v31 =	vld.idx.msk [tilespmem:v28+s15+$0x0], $0xffff  }
0x2e8: {  	p2 =	slt.u32 s8, $0x4E200;
	v33 =	vld.idx.msk [tilespmem:v15+s6+$0x0], $0xffff;
	v12 =	vmul.f32 $1.442695020e+00, v32  }
0x2e9: {  	v10 =	vpsel !p2, $0x0, v30;
	v34 =	vpop (erf)  }
0x2ea: {  	[tilespmem:s12+$0x10] =	vst v10;
	v19 =	vadd.f32 $1.000000000e+00, v34;
	v35 =	vpop (erf);
	(erf) = vpow2.f32 v12  }
0x2eb: {  	s29 =	smov.u32 s2;
	[tilespmem:v18+s5+$0x0] =	vst.idx.add.f32.msk $0xffff, v10;
	v36 =	vmul.f32 $1.442695020e+00, v35  }
0x2ec: {  	v37 =	vld [tilespmem:s29+$0x20];
	(erf) = vrcp.f32 v19  }
0x2ed: {  	v18 =	vld [tilespmem:s7+$0x20];
	(erf) = vpow2.f32 v36;
	v11 =	vadd.f32 v33, v31;
	_ =	sdelay $0x1  }
0x2ee: {  	v38 =	vpop (erf);
	v11 =	vsub.f32 $0.0e+00, v11  }
0x2ef: {  	v10 =	vadd.f32 $1.000000000e+00, v38  }
0x2f0: {  	v11 =	vmul.f32 $1.442695020e+00, v11  }
0x2f1: {  	s0 =	smov.u32 s10;
	s10 =	sadd.s32 $0x60, s1;
	(erf) = vrcp.f32 v10  }
0x2f2: {  	p3 =	slt.u32 s10, $0x4E200;
	(erf) = vpow2.f32 v11;
	v39 =	vpop (erf)  }
0x2f3: {  	v40 =	vld.idx.msk [tilespmem:v37+s15+$0x0], $0xffff;
	v10 =	vpsel !p3, $0x0, v39  }
0x2f4: {  	s10 =	sadd.s32 $0x30, s9;
	v41 =	vld.idx.msk [tilespmem:v18+s6+$0x0], $0xffff;
	v42 =	vpop (erf);
	[tilespmem:s22+$0x20] =	vst v10  }
0x2f5: {  	p4 =	slt.u32 s10, $0x4E200;
	v43 =	vpop (erf);
	[tilespmem:v45+s5+$0x0] =	vst.idx.add.f32.msk $0xffff, v10  }
0x2f6: {  	v44 =	vpsel !p4, $0x0, v43;
	v16 =	vld [tilespmem:s21+$0x30]  }
0x2f7: {  	v10 =	vld [tilespmem:s17+$0x30];
	[tilespmem:s13+$0xFFFFFFF0] =	vst v44  }
0x2f8: {  	[tilespmem:v50+s5+$0x0] =	vst.idx.add.f32.msk $0xffff, v44  }
0x2f9: {  	v11 =	vadd.f32 v41, v40;
	v45 =	vld [tilespmem:s11+$0x0]  }
0x2fa: {  	v13 =	vmul.f32 $1.442695020e+00, v42;
	v19 =	vld [tilespmem:s30+$0x0];
	v46 =	vpop (erf)  }
0x2fb: {  	v11 =	vsub.f32 $0.0e+00, v11;
	v17 =	vmul.f32 $1.442695020e+00, v46;
	v47 =	vpop (erf)  }
0x2fc: {  	(erf) = vpow2.f32 v13;
	v48 =	vadd.f32 $1.000000000e+00, v47  }
0x2fd: {  	v11 =	vmul.f32 $1.442695020e+00, v11;
	(erf) = vpow2.f32 v17  }
0x2fe: {  	(erf) = vrcp.f32 v48  }
0x2ff: {  	v49 =	vld.idx.msk [tilespmem:v16+s15+$0x0], $0xffff;
	(erf) = vpow2.f32 v11  }
0x300: {  	v50 =	vld.idx.msk [tilespmem:v10+s6+$0x0], $0xffff  }
0x301: {  	v12 =	vld.idx.msk [tilespmem:v45+s15+$0x0], $0xffff  }
0x302: {  	v51 =	vld.idx.msk [tilespmem:v19+s6+$0x0], $0xffff;
	_ =	sdelay $0x2  }
0x303: {  	v11 =	vpop (erf)  }
0x304: {  	s17 =	sadd.s32 $0x40, s16;
	v13 =	vadd.f32 v50, v49;
	v52 =	vpop (erf)  }
0x305: {  	p5 =	slt.u32 s17, $0x4E200;
	v12 =	vadd.f32 v51, v12;
	v53 =	vpop (erf)  }
0x306: {  	v13 =	vsub.f32 $0.0e+00, v13;
	v54 =	vpsel !p5, $0x0, v52;
	v16 =	vmul.f32 $1.442695020e+00, v53;
	v55 =	vpop (erf)  }
0x307: {  	[tilespmem:s19+$0x0] =	vst v54;
	v12 =	vsub.f32 $0.0e+00, v12;
	v20 =	vadd.f32 $1.000000000e+00, v55  }
0x308: {  	v13 =	vmul.f32 $1.442695020e+00, v13;
	[tilespmem:v63+s5+$0x0] =	vst.idx.add.f32.msk $0xffff, v54;
	(erf) = vpow2.f32 v16  }
0x309: {  	v14 =	vld [tilespmem:s18+$0x10];
	v12 =	vmul.f32 $1.442695020e+00, v12;
	(erf) = vrcp.f32 v20  }
0x30a: {  	v56 =	vld [tilespmem:s28+$0x10];
	(erf) = vpow2.f32 v13  }
0x30b: {  	(erf) = vpow2.f32 v12;
	_ =	sdelay $0x5  }
0x30c: {  	s21 =	sadd.s32 $0x50, s14;
	v57 =	vld.idx.msk [tilespmem:v14+s15+$0x0], $0xffff;
	v58 =	vpop (erf)  }
0x30d: {  	p6 =	slt.u32 s21, $0x4E200;
	v59 =	vld.idx.msk [tilespmem:v56+s6+$0x0], $0xffff;
	v60 =	vpop (erf)  }
0x30e: {  	v13 =	vpsel !p6, $0x0, v58;
	v17 =	vmul.f32 $1.442695020e+00, v60;
	v61 =	vpop (erf)  }
0x30f: {  	[tilespmem:s0+$0x10] =	vst v13;
	v20 =	vadd.f32 $1.000000000e+00, v61;
	v21 =	vpop (erf)  }
0x310: {  	[tilespmem:v15+s5+$0x0] =	vst.idx.add.f32.msk $0xffff, v13;
	(erf) = vpow2.f32 v17;
	v62 =	vadd.f32 $1.000000000e+00, v21  }
0x311: {  	v15 =	vld [tilespmem:s24+$0x20];
	(erf) = vrcp.f32 v20  }
0x312: {  	v12 =	vadd.f32 v59, v57;
	v63 =	vld [tilespmem:s25+$0x20];
	(erf) = vrcp.f32 v62;
	_ =	sdelay $0x1  }
0x313: {  	v12 =	vsub.f32 $0.0e+00, v12;
	_ =	sdelay $0x1  }
0x314: {  	v12 =	vmul.f32 $1.442695020e+00, v12;
	_ =	sdelay $0x1  }
0x315: {  	(erf) = vpow2.f32 v12  }
0x316: {  	s8 =	smov.u32 s1;
	s1 =	sadd.s32 $0x60, s4;
	v24 =	vld.idx.msk [tilespmem:v15+s15+$0x0], $0xffff;
	v25 =	vpop (erf)  }
0x317: {  	p1 =	slt.u32 s1, $0x4E200;
	v26 =	vld.idx.msk [tilespmem:v63+s6+$0x0], $0xffff;
	v27 =	vpop (erf)  }
0x318: {  	v12 =	vpsel !p1, $0x0, v25;
	v15 =	vmul.f32 $1.442695020e+00, v27;
	v28 =	vpop (erf)  }
0x319: {  	[tilespmem:s12+$0x20] =	vst v12;
	v20 =	vmul.f32 $1.442695020e+00, v28  }
0x31a: {  	[tilespmem:v18+s5+$0x0] =	vst.idx.add.f32.msk $0xffff, v12;
	(erf) = vpow2.f32 v15  }
0x31b: {  	v29 =	vld [tilespmem:s29+$0x30];
	(erf) = vpow2.f32 v20  }
0x31c: {  	v12 =	vld [tilespmem:s7+$0x30];
	v13 =	vadd.f32 v26, v24;
	_ =	sdelay $0x1  }
0x31d: {  	v30 =	vpop (erf);
	v13 =	vsub.f32 $0.0e+00, v13  }
0x31e: {  	v14 =	vadd.f32 $1.000000000e+00, v30  }
0x31f: {  	v13 =	vmul.f32 $1.442695020e+00, v13  }
0x320: {  	(erf) = vrcp.f32 v14  }
0x321: {  	(erf) = vpow2.f32 v13  }
0x322: {  	s7 =	sadd.s32 $0x40, s9;
	v31 =	vld.idx.msk [tilespmem:v29+s15+$0x0], $0xffff;
	v32 =	vpop (erf)  }
0x323: {  	p2 =	slt.u32 s7, $0x4E200;
	v33 =	vld.idx.msk [tilespmem:v12+s6+$0x0], $0xffff;
	v34 =	vpop (erf)  }
0x324: {  	v18 =	vpsel !p2, $0x0, v34  }
0x325: {  	[tilespmem:s13+$0x0] =	vst v18  }
0x326: {  	[tilespmem:v19+s5+$0x0] =	vst.idx.add.f32.msk $0xffff, v18  }
0x327: {  	v18 =	vld [tilespmem:s11+$0x10]  }
0x328: {  	v14 =	vadd.f32 v33, v31;
	v35 =	vld [tilespmem:s30+$0x10]  }
0x329: {  	v36 =	vpop (erf)  }
0x32a: {  	v19 =	vmul.f32 $1.442695020e+00, v36;
	v37 =	vpop (erf);
	v14 =	vsub.f32 $0.0e+00, v14  }
0x32b: {  	v20 =	vadd.f32 $1.000000000e+00, v37  }
0x32c: {  	(erf) = vpow2.f32 v19;
	v14 =	vmul.f32 $1.442695020e+00, v14  }
0x32d: {  	(erf) = vrcp.f32 v20  }
0x32e: {  	(erf) = vpow2.f32 v14  }
0x32f: {  	v38 =	vld.idx.msk [tilespmem:v18+s15+$0x0], $0xffff  }
0x330: {  	v39 =	vld.idx.msk [tilespmem:v35+s6+$0x0], $0xffff;
	_ =	sdelay $0x3  }
0x331: {  	s10 =	smov.u32 s16  }
0x332: {  	s17 =	sadd.s32 $0x50, s10;
	v19 =	vpop (erf);
	v14 =	vadd.f32 v39, v38  }
0x333: {  	p3 =	slt.u32 s17, $0x4E200;
	v40 =	vpop (erf)  }
0x334: {  	v19 =	vpsel !p3, $0x0, v19;
	v18 =	vmul.f32 $1.442695020e+00, v40;
	v41 =	vpop (erf);
	v14 =	vsub.f32 $0.0e+00, v14  }
0x335: {  	[tilespmem:s19+$0x10] =	vst v19;
	v20 =	vadd.f32 $1.000000000e+00, v41  }
0x336: {  	s16 =	smov.u32 s18;
	[tilespmem:v56+s5+$0x0] =	vst.idx.add.f32.msk $0xffff, v19;
	(erf) = vpow2.f32 v18;
	v14 =	vmul.f32 $1.442695020e+00, v14  }
0x337: {  	v16 =	vld [tilespmem:s16+$0x20];
	(erf) = vrcp.f32 v20  }
0x338: {  	v42 =	vld [tilespmem:s28+$0x20];
	(erf) = vpow2.f32 v14;
	_ =	sdelay $0x6  }
0x339: {  	s21 =	sadd.s32 $0x60, s14;
	v16 =	vld.idx.msk [tilespmem:v16+s15+$0x0], $0xffff;
	v43 =	vpop (erf)  }
0x33a: {  	p4 =	slt.u32 s21, $0x4E200;
	v19 =	vld.idx.msk [tilespmem:v42+s6+$0x0], $0xffff;
	v20 =	vpop (erf)  }
0x33b: {  	v14 =	vpsel !p4, $0x0, v43;
	v20 =	vmul.f32 $1.442695020e+00, v20;
	v44 =	vpop (erf)  }
0x33c: {  	[tilespmem:s0+$0x20] =	vst v14;
	v21 =	vadd.f32 $1.000000000e+00, v44  }
0x33d: {  	[tilespmem:v63+s5+$0x0] =	vst.idx.add.f32.msk $0xffff, v14;
	(erf) = vpow2.f32 v20  }
0x33e: {  	v17 =	vld [tilespmem:s24+$0x30];
	(erf) = vrcp.f32 v21  }
0x33f: {  	v16 =	vadd.f32 v19, v16;
	v14 =	vld [tilespmem:s25+$0x30];
	_ =	sdelay $0x1  }
0x340: {  	v16 =	vsub.f32 $0.0e+00, v16;
	_ =	sdelay $0x1  }
0x341: {  	v16 =	vmul.f32 $1.442695020e+00, v16;
	_ =	sdelay $0x1  }
0x342: {  	(erf) = vpow2.f32 v16  }
0x343: {  	v45 =	vld.idx.msk [tilespmem:v17+s15+$0x0], $0xffff;
	v46 =	vpop (erf)  }
0x344: {  	v47 =	vld.idx.msk [tilespmem:v14+s6+$0x0], $0xffff;
	v48 =	vpop (erf)  }
0x345: {  	v20 =	vmul.f32 $1.442695020e+00, v48;
	_ =	sdelay $0x1  }
0x346: {  	(erf) = vpow2.f32 v20;
	_ =	sdelay $0x1  }
0x347: {  	v16 =	vadd.f32 v47, v45;
	_ =	sdelay $0x1  }
0x348: {  	v49 =	vpop (erf);
	v16 =	vsub.f32 $0.0e+00, v16  }
0x349: {  	v19 =	vadd.f32 $1.000000000e+00, v49  }
0x34a: {  	v16 =	vmul.f32 $1.442695020e+00, v16  }
0x34b: {  	(erf) = vrcp.f32 v19  }
0x34c: {  	s29 =	sadd.s32 $0x50, s9;
	(erf) = vpow2.f32 v16  }
0x34d: {  	p5 =	slt.u32 s29, $0x4E200;
	v50 =	vpop (erf)  }
0x34e: {  	v16 =	vpsel !p5, $0x0, v50  }
0x34f: {  	[tilespmem:s13+$0x10] =	vst v16  }
0x350: {  	[tilespmem:v35+s5+$0x0] =	vst.idx.add.f32.msk $0xffff, v16  }
0x351: {  	v15 =	vld [tilespmem:s11+$0x20]  }
0x352: {  	v16 =	vld [tilespmem:s30+$0x20];
	_ =	sdelay $0x1  }
0x353: {  	v19 =	vpop (erf)  }
0x354: {  	v19 =	vmul.f32 $1.442695020e+00, v19;
	v51 =	vpop (erf)  }
0x355: {  	v20 =	vadd.f32 $1.000000000e+00, v51  }
0x356: {  	(erf) = vpow2.f32 v19  }
0x357: {  	(erf) = vrcp.f32 v20  }
0x358: {  	v15 =	vld.idx.msk [tilespmem:v15+s15+$0x0], $0xffff  }
0x359: {  	v52 =	vld.idx.msk [tilespmem:v16+s6+$0x0], $0xffff;
	_ =	sdelay $0x4  }
0x35a: {  	v15 =	vadd.f32 v52, v15  }
0x35b: {  	v53 =	vpop (erf)  }
0x35c: {  	v20 =	vpop (erf);
	v15 =	vsub.f32 $0.0e+00, v15  }
0x35d: {  	v20 =	vmul.f32 $1.442695020e+00, v20  }
0x35e: {  	s1 =	sadd.s32 $0x60, s10;
	v15 =	vmul.f32 $1.442695020e+00, v15  }
0x35f: {  	p6 =	slt.u32 s1, $0x4E200;
	(erf) = vpow2.f32 v20  }
0x360: {  	v19 =	vpsel !p6, $0x0, v53;
	(erf) = vpow2.f32 v15  }
0x361: {  	[tilespmem:s19+$0x20] =	vst v19  }
0x362: {  	[tilespmem:v42+s5+$0x0] =	vst.idx.add.f32.msk $0xffff, v19  }
0x363: {  	v54 =	vld [tilespmem:s16+$0x30]  }
0x364: {  	v18 =	vld [tilespmem:s28+$0x30];
	_ =	sdelay $0x3  }
0x365: {  	v55 =	vpop (erf)  }
0x366: {  	v56 =	vpop (erf)  }
0x367: {  	v20 =	vadd.f32 $1.000000000e+00, v56  }
0x368: {  	v15 =	vld.idx.msk [tilespmem:v54+s15+$0x0], $0xffff  }
0x369: {  	v57 =	vld.idx.msk [tilespmem:v18+s6+$0x0], $0xffff;
	(erf) = vrcp.f32 v20;
	_ =	sdelay $0x4  }
0x36a: {  	v15 =	vadd.f32 v57, v15;
	_ =	sdelay $0x1  }
0x36b: {  	v15 =	vsub.f32 $0.0e+00, v15;
	_ =	sdelay $0x1  }
0x36c: {  	v15 =	vmul.f32 $1.442695020e+00, v15;
	v58 =	vpop (erf)  }
0x36d: {  	v20 =	vmul.f32 $1.442695020e+00, v58  }
0x36e: {  	(erf) = vpow2.f32 v15  }
0x36f: {  	(erf) = vpow2.f32 v20;
	_ =	sdelay $0x7  }
0x370: {  	s2 =	sadd.s32 $0x60, s9;
	v15 =	vpop (erf)  }
0x371: {  	p1 =	slt.u32 s2, $0x4E200;
	v20 =	vpop (erf)  }
0x372: {  	v20 =	vpsel !p1, $0x0, v20  }
0x373: {  	[tilespmem:s13+$0x20] =	vst v20  }
0x374: {  	[tilespmem:v16+s5+$0x0] =	vst.idx.add.f32.msk $0xffff, v20  }
0x375: {  	v16 =	vld [tilespmem:s11+$0x30]  }
0x376: {  	v20 =	vld [tilespmem:s30+$0x30];
	_ =	sdelay $0x3  }
0x377: {  	v15 =	vadd.f32 $1.000000000e+00, v15;
	_ =	sdelay $0x1  }
0x378: {  	(erf) = vrcp.f32 v15  }
0x379: {  	v59 =	vld.idx.msk [tilespmem:v16+s15+$0x0], $0xffff  }
0x37a: {  	v60 =	vld.idx.msk [tilespmem:v20+s6+$0x0], $0xffff;
	_ =	sdelay $0x4  }
0x37b: {  	v15 =	vadd.f32 v60, v59;
	_ =	sdelay $0x1  }
0x37c: {  	v61 =	vpop (erf);
	v15 =	vsub.f32 $0.0e+00, v15  }
0x37d: {  	v16 =	vmul.f32 $1.442695020e+00, v61  }
0x37e: {  	v15 =	vmul.f32 $1.442695020e+00, v15  }
0x37f: {  	(erf) = vpow2.f32 v16  }
0x380: {  	(erf) = vpow2.f32 v15;
	_ =	sdelay $0x6  }
0x381: {  	s7 =	rddreg [dreg:$0x5]  }
0x382: {  	s18 =	smov.u32 s0;
	s0 =	sadd.s32 $0x70, s7;
	v62 =	vpop (erf)  }
0x383: {  	s11 =	sld [smem:$0x7F1];
	p2 =	slt.u32 s0, $0x4E200;
	v63 =	vpop (erf)  }
0x384: {  	v3 =	vpsel !p2, $0x0, v3;
	v16 =	vadd.f32 $1.000000000e+00, v63  }
0x385: {  	s16 =	sld [smem:$0x7F2];
	[tilespmem:s3+$0x30] =	vst v3  }
0x386: {  	s0 =	sadd.s32 $0x70, s11;
	s21 =	sld [smem:$0x7F3];
	(erf) = vrcp.f32 v16  }
0x387: {  	p3 =	slt.u32 s0, $0x4E200  }
0x388: {  	v5 =	vpsel !p3, $0x0, v5  }
0x389: {  	[tilespmem:s21+$0x30] =	vst v5  }
0x38a: {  	s0 =	sadd.s32 $0x70, s16;
	s1 =	sld [smem:$0x7F4]  }
0x38b: {  	s23 =	sadd.s32 $0x70, s23;
	p4 =	slt.u32 s0, $0x4E200  }
0x38c: {  	s24 =	sadd.s32 $0x70, s8;
	p6 =	slt.u32 s23, $0x4E200;
	v7 =	vpsel !p4, $0x0, v7  }
0x38d: {  	s17 =	sadd.s32 $0x70, s26;
	s25 =	sadd.s32 $0x70, s4;
	v11 =	vpsel !p6, $0x0, v11;
	p2 =	slt.u32 s24, $0x4E200;
	[tilespmem:s1+$0x30] =	vst v7  }
0x38e: {  	s26 =	sadd.s32 $0x70, s14;
	v13 =	vpsel !p2, $0x0, v32;
	p3 =	slt.u32 s25, $0x4E200;
	s1 =	sld [smem:$0x7F5];
	[tilespmem:s31+$0x30] =	vst v11  }
0x38f: {  	p4 =	slt.u32 s26, $0x4E200;
	v17 =	vpsel !p3, $0x0, v46;
	[tilespmem:s22+$0x30] =	vst v13;
	v16 =	vpop (erf)  }
0x390: {  	v19 =	vpsel !p4, $0x0, v55;
	[tilespmem:s12+$0x30] =	vst v17;
	v16 =	vmul.f32 $1.442695020e+00, v16  }
0x391: {  	[tilespmem:s18+$0x30] =	vst v19  }
0x392: {  	[tilespmem:v1+s5+$0x0] =	vst.idx.add.f32.msk $0xffff, v3;
	(erf) = vpow2.f32 v16  }
0x393: {  	[tilespmem:v2+s5+$0x0] =	vst.idx.add.f32.msk $0xffff, v5  }
0x394: {  	[tilespmem:v4+s5+$0x0] =	vst.idx.add.f32.msk $0xffff, v7  }
0x395: {  	[tilespmem:v8+s5+$0x0] =	vst.idx.add.f32.msk $0xffff, v11  }
0x396: {  	[tilespmem:v10+s5+$0x0] =	vst.idx.add.f32.msk $0xffff, v13  }
0x397: {  	p5 =	slt.u32 s17, $0x4E200;
	[tilespmem:v12+s5+$0x0] =	vst.idx.add.f32.msk $0xffff, v17  }
0x398: {  	s29 =	sadd.s32 $0x70, s10;
	v9 =	vpsel !p5, $0x0, v9;
	[tilespmem:v14+s5+$0x0] =	vst.idx.add.f32.msk $0xffff, v19  }
0x399: {  	p5 =	slt.u32 s29, $0x4E200;
	[tilespmem:s1+$0x30] =	vst v9  }
0x39a: {  	s30 =	sadd.s32 $0x70, s9;
	[tilespmem:v6+s5+$0x0] =	vst.idx.add.f32.msk $0xffff, v9;
	v15 =	vpsel !p5, $0x0, v62  }
0x39b: {  	s17 =	simm.s32 $0x1;
	s23 =	simm.s32 $0x10EB0;
	p6 =	slt.u32 s30, $0x4E200;
	[tilespmem:s19+$0x30] =	vst v15;
	v1 =	vpop (erf)  }
0x39c: {  	s28 =	simm.s32 $0x2710;
	s24 =	simm.s32 $0x4E20;
	s16 =	simm.s32 $0x7530;
	[tilespmem:v18+s5+$0x0] =	vst.idx.add.f32.msk $0xffff, v15;
	v1 =	vpsel !p6, $0x0, v1  }
0x39d: {  	s0 =	simm.s32 $0x0;
	s25 =	simm.s32 $0x12EB0;
	s26 =	simm.s32 $0x3;
	[tilespmem:s13+$0x30] =	vst v1  }
0x39e: {  	s21 =	simm.s32 $0xEEB0;
	s22 =	simm.s32 $0x80;
	s12 =	rddreg [dreg:$0x3];
	[tilespmem:v20+s5+$0x0] =	vst.idx.add.f32.msk $0xffff, v1  }
0x39f: {  	s31 =	simm.s32 $0x75B0;
	s18 =	simm.s32 $0x2;
	s14 =	rddreg [dreg:$0x1b]  }
0x3a0: {  	[tilespmem:s21], [sflag:$0x1] =	stream.indirect.gather [hbm4b:s14+s22], $0x40, s16, s22, $0xb8;
	[tilespmem:$0x1EAF0] =	vst v63  }
0x3a1: {  	s1 =	simm.s32 $0x0;
	s19 =	simm.s32 $0x5;
	s13 =	rddreg [dreg:$0xe]  }
0x3a2: {  	[tilespmem:s23], [sflag:$0x2] =	stream.indirect.gather [hbm4b:s14+s22], $0x40, s31, s22, $0xb8;
	[tilespmem:$0x1EAF0] =	vst v63  }
.LBB2_8:
0x3a3: {  	s2 =	sadd.s32 $0xFFFFFFFC, s0  }
0x3a4: {  	s3 =	sadd.s32 $0x6, s2  }
0x3a5: {  	v1 =	vmov s3  }
0x3a6: {  	v1 =	vand.u32 $0xFFFFFFFE, v1  }
0x3a7: {  	s30 =	sadd.s32 $0x4, s2;
	v1 =	vbroadcast v1, $0x0  }
0x3a8: {  	_ =	swait.ge [sflag:s17], $0x2000;
	v2 =	vmov s30  }
0x3a9: {  	s31 =	sadd.s32 $0x5, s2;
	[sflag:s17] =	ssyncset.done $0x0;
	s2 =	sadd.s32 $0x7, s2;
	v2 =	vand.u32 $0xFFFFFFFC, v2  }
0x3aa: {  	[sflag:s17] =	ssyncadd.s32 $0xFFFFE000;
	v5 =	vmov s2;
	s2 =	simm.s32 $0xEF30;
	v4 =	vbroadcast v2, $0x0  }
0x3ab: {  	v3 =	vmov s31;
	v6 =	vld [tilespmem:s2+$0x30]  }
0x3ac: {  	v9 =	vld [tilespmem:s2+$0xFFFFFF80];
	v2 =	vand.u32 $0xFFFFFFFD, v3  }
0x3ad: {  	v3 =	vbroadcast v2, $0x0;
	v2 =	vld.idx.msk [tilespmem:v1+s20+$0x0], $0xffff  }
0x3ae: {  	v8 =	vld [tilespmem:s2+$0xFFFFFF90]  }
0x3af: {  	v7 =	vld [tilespmem:s2+$0xFFFFFFA0]  }
0x3b0: {  	v4 =	vld.idx.msk [tilespmem:v4+s20+$0x0], $0xffff  }
0x3b1: {  	v1 =	vld.idx.msk [tilespmem:v5+s20+$0x0], $0xffff  }
0x3b2: {  	v5 =	vld [tilespmem:s2+$0xFFFFFFB0];
	v6 =	vmul.f32 v6, v2  }
0x3b3: {  	v3 =	vld.idx.msk [tilespmem:v3+s20+$0x0], $0xffff  }
0x3b4: {  	s5 =	smul.u32 $0x180, s1;
	s4 =	simm.s32 $0x0;
	s3 =	simm.s32 $0xEF30;
	[tilespmem:s2+$0x30] =	vst v6;
	v6 =	vld [tilespmem:s2+$0xFFFFFFC0]  }
.LBB2_9:
0x3b5: {  	s6 =	sadd.s32 s4, s0;
	s4 =	sadd.s32 $0x4, s4;
	v9 =	vmul.f32 v9, v4;
	v10 =	vld [tilespmem:s2+$0xFFFFFFD0]  }
0x3b6: {  	s7 =	sadd.s32 $0x4, s6;
	s8 =	sadd.s32 $0x6, s6;
	p0 =	slt.u32 s4, $0x7C;
	v8 =	vmul.f32 v8, v4;
	v11 =	vld [tilespmem:s2+$0xFFFFFFE0]  }
0x3b7: {  	v12 =	vmov s7;
	s7 =	sadd.s32 $0x5, s6;
	v13 =	vmov s8;
	s6 =	sadd.s32 $0x7, s6;
	[tilespmem:s2+$0xFFFFFF80] =	vst v9;
	v7 =	vmul.f32 v7, v4;
	v9 =	vld [tilespmem:s2+$0xFFFFFFF0]  }
0x3b8: {  	v12 =	vand.u32 $0xFFFFFFFC, v12;
	v14 =	vmov s7;
	v13 =	vand.u32 $0xFFFFFFFE, v13;
	[tilespmem:s2+$0xFFFFFF90] =	vst v8;
	v8 =	vld [tilespmem:s2+$0x0]  }
0x3b9: {  	v12 =	vbroadcast v12, $0x0;
	v14 =	vand.u32 $0xFFFFFFFD, v14;
	v13 =	vbroadcast v13, $0x0;
	[tilespmem:s2+$0xFFFFFFA0] =	vst v7;
	v7 =	vld [tilespmem:s2+$0x10]  }
0x3ba: {  	v15 =	vmov s6;
	v4 =	vmul.f32 v5, v4;
	v14 =	vbroadcast v14, $0x0;
	v5 =	vld [tilespmem:s2+$0x20]  }
0x3bb: {  	v6 =	vmul.f32 v6, v3;
	v10 =	vmul.f32 v10, v3;
	v16 =	vld [tilespmem:s2+$0x40]  }
0x3bc: {  	[tilespmem:s2+$0xFFFFFFB0] =	vst v4;
	v4 =	vmul.f32 v11, v3;
	v3 =	vmul.f32 v9, v3;
	v9 =	vld [tilespmem:s2+$0x50]  }
0x3bd: {  	[tilespmem:s2+$0xFFFFFFC0] =	vst v6;
	v6 =	vmul.f32 v8, v2;
	v8 =	vld [tilespmem:s2+$0x60]  }
0x3be: {  	[tilespmem:s2+$0xFFFFFFD0] =	vst v10;
	v7 =	vmul.f32 v7, v2;
	v10 =	vld [tilespmem:s2+$0x70]  }
0x3bf: {  	s2 =	sadd.s32 $0x100, s2;
	[tilespmem:s3+$0xFFFFFFE0] =	vst v4;
	v5 =	vmul.f32 v5, v2;
	v2 =	vld.idx.msk [tilespmem:v13+s20+$0x0], $0xffff  }
0x3c0: {  	v11 =	vld [tilespmem:s2+$0x30];
	[tilespmem:s3+$0xFFFFFFF0] =	vst v3;
	v13 =	vmul.f32 v16, v1  }
0x3c1: {  	v4 =	vld.idx.msk [tilespmem:v12+s20+$0x0], $0xffff;
	[tilespmem:s3+$0x0] =	vst v6;
	v6 =	vmul.f32 v9, v1  }
0x3c2: {  	v3 =	vld.idx.msk [tilespmem:v14+s20+$0x0], $0xffff;
	[tilespmem:s3+$0x10] =	vst v7;
	v12 =	vmul.f32 v8, v1  }
0x3c3: {  	[tilespmem:s3+$0x20] =	vst v5;
	v10 =	vmul.f32 v10, v1;
	v1 =	vld.idx.msk [tilespmem:v15+s20+$0x0], $0xffff  }
.Ltmp5:
0x3c4: {  	v9 =	vld [tilespmem:s2+$0xFFFFFF80];
	[tilespmem:s3+$0x40] =	vst v13;
	(pc) =	sbr.rel @p0 .LBB2_9-.Ltmp5, $4  }
0x3c5: {  	v8 =	vld [tilespmem:s2+$0xFFFFFF90];
	v11 =	vmul.f32 v11, v2;
	[tilespmem:s3+$0x50] =	vst v6  }
0x3c6: {  	v7 =	vld [tilespmem:s2+$0xFFFFFFA0];
	[tilespmem:s3+$0x60] =	vst v12  }
0x3c7: {  	v5 =	vld [tilespmem:s2+$0xFFFFFFB0];
	[tilespmem:s2+$0x30] =	vst v11  }
0x3c8: {  	v6 =	vld [tilespmem:s2+$0xFFFFFFC0];
	[tilespmem:s3+$0x70] =	vst v10;
	s3 =	smov.u32 s2  }
0x3c9: {  	v9 =	vmul.f32 v9, v4;
	v10 =	vld [tilespmem:s2+$0xFFFFFFD0]  }
0x3ca: {  	v11 =	vld [tilespmem:s2+$0xFFFFFFE0];
	v8 =	vmul.f32 v8, v4  }
0x3cb: {  	[tilespmem:s2+$0xFFFFFF80] =	vst v9;
	v7 =	vmul.f32 v7, v4;
	v9 =	vld [tilespmem:s2+$0xFFFFFFF0]  }
0x3cc: {  	[tilespmem:s2+$0xFFFFFF90] =	vst v8;
	v8 =	vld [tilespmem:s2+$0x0];
	v4 =	vmul.f32 v5, v4  }
0x3cd: {  	v5 =	vld [tilespmem:s2+$0x10];
	[tilespmem:s2+$0xFFFFFFA0] =	vst v7;
	v6 =	vmul.f32 v6, v3  }
0x3ce: {  	v7 =	vld [tilespmem:s2+$0x20];
	v10 =	vmul.f32 v10, v3;
	[tilespmem:s2+$0xFFFFFFB0] =	vst v4  }
0x3cf: {  	v4 =	vld [tilespmem:s2+$0x40];
	v11 =	vmul.f32 v11, v3;
	[tilespmem:s2+$0xFFFFFFC0] =	vst v6  }
0x3d0: {  	v6 =	vld [tilespmem:s2+$0x50];
	v3 =	vmul.f32 v9, v3;
	[tilespmem:s2+$0xFFFFFFD0] =	vst v10  }
0x3d1: {  	v9 =	vld [tilespmem:s2+$0x60];
	v8 =	vmul.f32 v8, v2;
	[tilespmem:s3+$0xFFFFFFE0] =	vst v11  }
0x3d2: {  	v10 =	vld [tilespmem:s2+$0x70];
	v5 =	vmul.f32 v5, v2;
	[tilespmem:s3+$0xFFFFFFF0] =	vst v3  }
0x3d3: {  	v2 =	vmul.f32 v7, v2;
	[tilespmem:s3+$0x0] =	vst v8  }
0x3d4: {  	v3 =	vmul.f32 v4, v1;
	[tilespmem:s3+$0x10] =	vst v5  }
0x3d5: {  	v4 =	vmul.f32 v6, v1;
	[tilespmem:s3+$0x20] =	vst v2  }
0x3d6: {  	s4 =	smul.u32 $0x600, s1;
	v2 =	vmul.f32 v9, v1;
	[tilespmem:s3+$0x40] =	vst v3  }
0x3d7: {  	v1 =	vmul.f32 v10, v1;
	[tilespmem:s3+$0x50] =	vst v4  }
0x3d8: {  	s11 =	sadd.s32 $0xFFFFFFFC, s0;
	p0 =	seq.s32 s1, $0x0;
	s2 =	sshra.s32 s4, $0x2;
	[tilespmem:s3+$0x60] =	vst v2  }
0x3d9: {  	s6 =	sadd.s32 $0x86, s11;
	s7 =	simm.s32 @!p0 $0x6;
	s10 =	sadd.s32 $0x9DB0, s2;
	[tilespmem:s3+$0x70] =	vst v1  }
0x3da: {  	v1 =	vmov s6;
	[spmem:s12] =	stream.indirect.scatter.add.f32 [tilespmem:s21], [sflag:$0x4], $0x40, s10, s22, $0xb8;
	[tilespmem:$0x1EAF0] =	vst v63  }
0x3db: {  	s29 =	sadd.s32 $0x84, s11;
	v1 =	vand.u32 $0xFFFFFFFE, v1;
	_ =	swait.ge @!p0 [sflag:s7], $0x2000  }
0x3dc: {  	s30 =	sadd.s32 $0x85, s11;
	v2 =	vmov s29;
	v1 =	vbroadcast v1, $0x0;
	[sflag:s7] =	ssyncset.done @!p0 $0x0  }
0x3dd: {  	s31 =	sadd.s32 $0x7630, s5;
	v3 =	vmov s30;
	v2 =	vand.u32 $0xFFFFFFFC, v2;
	[sflag:s7] =	ssyncadd.s32 @!p0 $0xFFFFE000  }
0x3de: {  	v4 =	vbroadcast v2, $0x0;
	v2 =	vand.u32 $0xFFFFFFFD, v3;
	[tilespmem:s25], [sflag:$0x3] =	stream.indirect.gather [hbm4b:s14+s22], $0x40, s31, s22, $0xb8;
	[tilespmem:$0x1EAF0] =	vst v63  }
0x3df: {  	v3 =	vbroadcast v2, $0x0;
	_ =	swait.ge [sflag:s18], $0x2000  }
0x3e0: {  	s3 =	sadd.s32 $0x87, s11;
	[sflag:s18] =	ssyncset.done $0x0  }
0x3e1: {  	v5 =	vmov s3;
	[sflag:s18] =	ssyncadd.s32 $0xFFFFE000  }
0x3e2: {  	s6 =	simm.s32 $0x10F30;
	v2 =	vld.idx.msk [tilespmem:v1+s20+$0x0], $0xffff  }
0x3e3: {  	v6 =	vld [tilespmem:s6+$0x30]  }
0x3e4: {  	v4 =	vld.idx.msk [tilespmem:v4+s20+$0x0], $0xffff  }
0x3e5: {  	v3 =	vld.idx.msk [tilespmem:v3+s20+$0x0], $0xffff  }
0x3e6: {  	v1 =	vld.idx.msk [tilespmem:v5+s20+$0x0], $0xffff  }
0x3e7: {  	v9 =	vld [tilespmem:s6+$0xFFFFFF80]  }
0x3e8: {  	v8 =	vld [tilespmem:s6+$0xFFFFFF90]  }
0x3e9: {  	v7 =	vld [tilespmem:s6+$0xFFFFFFA0];
	v6 =	vmul.f32 v6, v2  }
0x3ea: {  	s8 =	simm.s32 $0x0;
	v5 =	vld [tilespmem:s6+$0xFFFFFFB0]  }
0x3eb: {  	s3 =	sadd.s32 $0x100, s5;
	s5 =	sadd.s32 $0x80, s5;
	s7 =	simm.s32 $0x10F30;
	[tilespmem:s6+$0x30] =	vst v6;
	v6 =	vld [tilespmem:s6+$0xFFFFFFC0]  }
.LBB2_11:
0x3ec: {  	s9 =	sadd.s32 s8, s0;
	s8 =	sadd.s32 $0x4, s8;
	v9 =	vmul.f32 v9, v4;
	v10 =	vld [tilespmem:s6+$0xFFFFFFD0]  }
0x3ed: {  	s10 =	sadd.s32 $0x84, s9;
	s11 =	sadd.s32 $0x86, s9;
	p0 =	slt.u32 s8, $0x7C;
	v8 =	vmul.f32 v8, v4;
	v11 =	vld [tilespmem:s6+$0xFFFFFFE0]  }
0x3ee: {  	v12 =	vmov s10;
	s10 =	sadd.s32 $0x85, s9;
	v13 =	vmov s11;
	s9 =	sadd.s32 $0x87, s9;
	[tilespmem:s6+$0xFFFFFF80] =	vst v9;
	v7 =	vmul.f32 v7, v4;
	v9 =	vld [tilespmem:s6+$0xFFFFFFF0]  }
0x3ef: {  	v12 =	vand.u32 $0xFFFFFFFC, v12;
	v14 =	vmov s10;
	v13 =	vand.u32 $0xFFFFFFFE, v13;
	[tilespmem:s6+$0xFFFFFF90] =	vst v8;
	v8 =	vld [tilespmem:s6+$0x0]  }
0x3f0: {  	v12 =	vbroadcast v12, $0x0;
	v14 =	vand.u32 $0xFFFFFFFD, v14;
	v13 =	vbroadcast v13, $0x0;
	[tilespmem:s6+$0xFFFFFFA0] =	vst v7;
	v7 =	vld [tilespmem:s6+$0x10]  }
0x3f1: {  	v15 =	vmov s9;
	v4 =	vmul.f32 v5, v4;
	v14 =	vbroadcast v14, $0x0;
	v5 =	vld [tilespmem:s6+$0x20]  }
0x3f2: {  	v6 =	vmul.f32 v6, v3;
	v10 =	vmul.f32 v10, v3;
	v16 =	vld [tilespmem:s6+$0x40]  }
0x3f3: {  	[tilespmem:s6+$0xFFFFFFB0] =	vst v4;
	v4 =	vmul.f32 v11, v3;
	v3 =	vmul.f32 v9, v3;
	v9 =	vld [tilespmem:s6+$0x50]  }
0x3f4: {  	[tilespmem:s6+$0xFFFFFFC0] =	vst v6;
	v6 =	vmul.f32 v8, v2;
	v8 =	vld [tilespmem:s6+$0x60]  }
0x3f5: {  	[tilespmem:s6+$0xFFFFFFD0] =	vst v10;
	v7 =	vmul.f32 v7, v2;
	v10 =	vld [tilespmem:s6+$0x70]  }
0x3f6: {  	s6 =	sadd.s32 $0x100, s6;
	[tilespmem:s7+$0xFFFFFFE0] =	vst v4;
	v5 =	vmul.f32 v5, v2;
	v2 =	vld.idx.msk [tilespmem:v13+s20+$0x0], $0xffff  }
0x3f7: {  	v11 =	vld [tilespmem:s6+$0x30];
	[tilespmem:s7+$0xFFFFFFF0] =	vst v3;
	v13 =	vmul.f32 v16, v1  }
0x3f8: {  	v4 =	vld.idx.msk [tilespmem:v12+s20+$0x0], $0xffff;
	[tilespmem:s7+$0x0] =	vst v6;
	v6 =	vmul.f32 v9, v1  }
0x3f9: {  	v3 =	vld.idx.msk [tilespmem:v14+s20+$0x0], $0xffff;
	[tilespmem:s7+$0x10] =	vst v7;
	v12 =	vmul.f32 v8, v1  }
0x3fa: {  	[tilespmem:s7+$0x20] =	vst v5;
	v10 =	vmul.f32 v10, v1;
	v1 =	vld.idx.msk [tilespmem:v15+s20+$0x0], $0xffff  }
.Ltmp6:
0x3fb: {  	v9 =	vld [tilespmem:s6+$0xFFFFFF80];
	[tilespmem:s7+$0x40] =	vst v13;
	(pc) =	sbr.rel @p0 .LBB2_11-.Ltmp6, $4  }
0x3fc: {  	v8 =	vld [tilespmem:s6+$0xFFFFFF90];
	v11 =	vmul.f32 v11, v2;
	[tilespmem:s7+$0x50] =	vst v6  }
0x3fd: {  	v7 =	vld [tilespmem:s6+$0xFFFFFFA0];
	[tilespmem:s7+$0x60] =	vst v12  }
0x3fe: {  	v5 =	vld [tilespmem:s6+$0xFFFFFFB0];
	[tilespmem:s6+$0x30] =	vst v11  }
0x3ff: {  	v6 =	vld [tilespmem:s6+$0xFFFFFFC0];
	[tilespmem:s7+$0x70] =	vst v10;
	s7 =	smov.u32 s6  }
0x400: {  	v9 =	vmul.f32 v9, v4;
	v10 =	vld [tilespmem:s6+$0xFFFFFFD0]  }
0x401: {  	v11 =	vld [tilespmem:s6+$0xFFFFFFE0];
	v8 =	vmul.f32 v8, v4  }
0x402: {  	[tilespmem:s6+$0xFFFFFF80] =	vst v9;
	v7 =	vmul.f32 v7, v4;
	v9 =	vld [tilespmem:s6+$0xFFFFFFF0]  }
0x403: {  	[tilespmem:s6+$0xFFFFFF90] =	vst v8;
	v8 =	vld [tilespmem:s6+$0x0];
	v4 =	vmul.f32 v5, v4  }
0x404: {  	v5 =	vld [tilespmem:s6+$0x10];
	[tilespmem:s6+$0xFFFFFFA0] =	vst v7;
	v6 =	vmul.f32 v6, v3  }
0x405: {  	v7 =	vld [tilespmem:s6+$0x20];
	v10 =	vmul.f32 v10, v3;
	[tilespmem:s6+$0xFFFFFFB0] =	vst v4  }
0x406: {  	v4 =	vld [tilespmem:s6+$0x40];
	v11 =	vmul.f32 v11, v3;
	[tilespmem:s6+$0xFFFFFFC0] =	vst v6  }
0x407: {  	v6 =	vld [tilespmem:s6+$0x50];
	v3 =	vmul.f32 v9, v3;
	[tilespmem:s6+$0xFFFFFFD0] =	vst v10  }
0x408: {  	v9 =	vld [tilespmem:s6+$0x60];
	v8 =	vmul.f32 v8, v2;
	[tilespmem:s7+$0xFFFFFFE0] =	vst v11  }
0x409: {  	v10 =	vld [tilespmem:s6+$0x70];
	v5 =	vmul.f32 v5, v2;
	[tilespmem:s7+$0xFFFFFFF0] =	vst v3  }
0x40a: {  	v2 =	vmul.f32 v7, v2;
	[tilespmem:s7+$0x0] =	vst v8  }
0x40b: {  	v3 =	vmul.f32 v4, v1;
	[tilespmem:s7+$0x10] =	vst v5  }
0x40c: {  	v4 =	vmul.f32 v6, v1;
	[tilespmem:s7+$0x20] =	vst v2  }
0x40d: {  	v2 =	vmul.f32 v9, v1;
	[tilespmem:s7+$0x40] =	vst v3  }
0x40e: {  	v1 =	vmul.f32 v10, v1;
	[tilespmem:s7+$0x50] =	vst v4  }
0x40f: {  	p0 =	seq.s32 s1, $0x1A;
	s10 =	sadd.s32 $0xFFFFFFFC, s0;
	[tilespmem:s7+$0x60] =	vst v2  }
0x410: {  	s5 =	sadd.s32 $0x9DB0, s5;
	s11 =	sadd.s32 $0x106, s10;
	s6 =	simm.s32 @!p0 $0x4;
	[tilespmem:s7+$0x70] =	vst v1  }
0x411: {  	v1 =	vmov s11;
	[spmem:s12] =	stream.indirect.scatter.add.f32 [tilespmem:s23], [sflag:$0x5], $0x40, s5, s22, $0xb8;
	[tilespmem:$0x1EAF0] =	vst v63  }
0x412: {  	s29 =	sadd.s32 $0x104, s10;
	s4 =	sshra.s32 @!p0 s4, $0x2;
	v1 =	vand.u32 $0xFFFFFFFE, v1;
	_ =	swait.ge @!p0 [sflag:s6], $0x2000  }
0x413: {  	s30 =	sadd.s32 $0x105, s10;
	s8 =	simm.s32 @!p0 $0xEEB0;
	v2 =	vmov s29;
	v1 =	vbroadcast v1, $0x0;
	[sflag:s6] =	ssyncset.done @!p0 $0x0  }
0x414: {  	s4 =	sadd.s32 @!p0 $0x76B0, s4;
	v3 =	vmov s30;
	s7 =	simm.s32 @!p0 $0x80;
	v2 =	vand.u32 $0xFFFFFFFC, v2;
	[sflag:s6] =	ssyncadd.s32 @!p0 $0xFFFFE000  }
0x415: {  	v4 =	vbroadcast v2, $0x0;
	v2 =	vand.u32 $0xFFFFFFFD, v3;
	[tilespmem:s8], [sflag:$0x1] =	stream.indirect.gather @!p0 [hbm4b:s14+s7], $0x40, s4, s7, $0xb8;
	[tilespmem:$0x1EAF0] =	vst v63  }
0x416: {  	v3 =	vbroadcast v2, $0x0;
	_ =	swait.ge [sflag:s26], $0x2000  }
0x417: {  	s31 =	sadd.s32 $0x107, s10;
	[sflag:s26] =	ssyncset.done $0x0  }
0x418: {  	v5 =	vmov s31;
	[sflag:s26] =	ssyncadd.s32 $0xFFFFE000  }
0x419: {  	s4 =	simm.s32 $0x12F30;
	v2 =	vld.idx.msk [tilespmem:v1+s20+$0x0], $0xffff  }
0x41a: {  	v6 =	vld [tilespmem:s4+$0x30]  }
0x41b: {  	v4 =	vld.idx.msk [tilespmem:v4+s20+$0x0], $0xffff  }
0x41c: {  	v3 =	vld.idx.msk [tilespmem:v3+s20+$0x0], $0xffff  }
0x41d: {  	v1 =	vld.idx.msk [tilespmem:v5+s20+$0x0], $0xffff  }
0x41e: {  	v9 =	vld [tilespmem:s4+$0xFFFFFF80]  }
0x41f: {  	v8 =	vld [tilespmem:s4+$0xFFFFFF90]  }
0x420: {  	v7 =	vld [tilespmem:s4+$0xFFFFFFA0];
	v6 =	vmul.f32 v6, v2  }
0x421: {  	v5 =	vld [tilespmem:s4+$0xFFFFFFB0]  }
0x422: {  	s5 =	simm.s32 $0x12F30;
	s6 =	simm.s32 $0x0;
	[tilespmem:s4+$0x30] =	vst v6;
	v6 =	vld [tilespmem:s4+$0xFFFFFFC0]  }
.LBB2_13:
0x423: {  	s7 =	sadd.s32 s6, s0;
	s6 =	sadd.s32 $0x4, s6;
	v9 =	vmul.f32 v9, v4;
	v10 =	vld [tilespmem:s4+$0xFFFFFFD0]  }
0x424: {  	s8 =	sadd.s32 $0x104, s7;
	s9 =	sadd.s32 $0x106, s7;
	p1 =	slt.u32 s6, $0x7C;
	v8 =	vmul.f32 v8, v4;
	v11 =	vld [tilespmem:s4+$0xFFFFFFE0]  }
0x425: {  	v12 =	vmov s8;
	s8 =	sadd.s32 $0x105, s7;
	v13 =	vmov s9;
	s7 =	sadd.s32 $0x107, s7;
	[tilespmem:s4+$0xFFFFFF80] =	vst v9;
	v7 =	vmul.f32 v7, v4;
	v9 =	vld [tilespmem:s4+$0xFFFFFFF0]  }
0x426: {  	v12 =	vand.u32 $0xFFFFFFFC, v12;
	v14 =	vmov s8;
	v13 =	vand.u32 $0xFFFFFFFE, v13;
	[tilespmem:s4+$0xFFFFFF90] =	vst v8;
	v8 =	vld [tilespmem:s4+$0x0]  }
0x427: {  	v12 =	vbroadcast v12, $0x0;
	v14 =	vand.u32 $0xFFFFFFFD, v14;
	v13 =	vbroadcast v13, $0x0;
	[tilespmem:s4+$0xFFFFFFA0] =	vst v7;
	v7 =	vld [tilespmem:s4+$0x10]  }
0x428: {  	v15 =	vmov s7;
	v4 =	vmul.f32 v5, v4;
	v14 =	vbroadcast v14, $0x0;
	v5 =	vld [tilespmem:s4+$0x20]  }
0x429: {  	v6 =	vmul.f32 v6, v3;
	v10 =	vmul.f32 v10, v3;
	v16 =	vld [tilespmem:s4+$0x40]  }
0x42a: {  	[tilespmem:s4+$0xFFFFFFB0] =	vst v4;
	v4 =	vmul.f32 v11, v3;
	v3 =	vmul.f32 v9, v3;
	v9 =	vld [tilespmem:s4+$0x50]  }
0x42b: {  	[tilespmem:s4+$0xFFFFFFC0] =	vst v6;
	v6 =	vmul.f32 v8, v2;
	v8 =	vld [tilespmem:s4+$0x60]  }
0x42c: {  	[tilespmem:s4+$0xFFFFFFD0] =	vst v10;
	v7 =	vmul.f32 v7, v2;
	v10 =	vld [tilespmem:s4+$0x70]  }
0x42d: {  	s4 =	sadd.s32 $0x100, s4;
	[tilespmem:s5+$0xFFFFFFE0] =	vst v4;
	v5 =	vmul.f32 v5, v2;
	v2 =	vld.idx.msk [tilespmem:v13+s20+$0x0], $0xffff  }
0x42e: {  	v11 =	vld [tilespmem:s4+$0x30];
	[tilespmem:s5+$0xFFFFFFF0] =	vst v3;
	v13 =	vmul.f32 v16, v1  }
0x42f: {  	v4 =	vld.idx.msk [tilespmem:v12+s20+$0x0], $0xffff;
	[tilespmem:s5+$0x0] =	vst v6;
	v6 =	vmul.f32 v9, v1  }
0x430: {  	v3 =	vld.idx.msk [tilespmem:v14+s20+$0x0], $0xffff;
	[tilespmem:s5+$0x10] =	vst v7;
	v12 =	vmul.f32 v8, v1  }
0x431: {  	[tilespmem:s5+$0x20] =	vst v5;
	v10 =	vmul.f32 v10, v1;
	v1 =	vld.idx.msk [tilespmem:v15+s20+$0x0], $0xffff  }
.Ltmp7:
0x432: {  	v9 =	vld [tilespmem:s4+$0xFFFFFF80];
	[tilespmem:s5+$0x40] =	vst v13;
	(pc) =	sbr.rel @p1 .LBB2_13-.Ltmp7, $4  }
0x433: {  	v8 =	vld [tilespmem:s4+$0xFFFFFF90];
	v11 =	vmul.f32 v11, v2;
	[tilespmem:s5+$0x50] =	vst v6  }
0x434: {  	v7 =	vld [tilespmem:s4+$0xFFFFFFA0];
	[tilespmem:s5+$0x60] =	vst v12  }
0x435: {  	v5 =	vld [tilespmem:s4+$0xFFFFFFB0];
	[tilespmem:s4+$0x30] =	vst v11  }
0x436: {  	v6 =	vld [tilespmem:s4+$0xFFFFFFC0];
	[tilespmem:s5+$0x70] =	vst v10;
	s5 =	smov.u32 s4  }
0x437: {  	v9 =	vmul.f32 v9, v4;
	v10 =	vld [tilespmem:s4+$0xFFFFFFD0]  }
0x438: {  	v55 =	vld [tilespmem:s4+$0x0];
	v8 =	vmul.f32 v8, v4  }
0x439: {  	v57 =	vld [tilespmem:s4+$0x10];
	[tilespmem:s4+$0xFFFFFF80] =	vst v9;
	v7 =	vmul.f32 v7, v4  }
0x43a: {  	v58 =	vld [tilespmem:s4+$0x20];
	[tilespmem:s4+$0xFFFFFF90] =	vst v8;
	v56 =	vmul.f32 v5, v4  }
0x43b: {  	v60 =	vld [tilespmem:s4+$0x50];
	[tilespmem:s4+$0xFFFFFFA0] =	vst v7;
	v6 =	vmul.f32 v6, v3  }
0x43c: {  	v11 =	vld [tilespmem:s4+$0xFFFFFFE0];
	v10 =	vmul.f32 v10, v3;
	[tilespmem:s4+$0xFFFFFFB0] =	vst v56  }
0x43d: {  	v54 =	vld [tilespmem:s4+$0xFFFFFFF0];
	v8 =	vmul.f32 v55, v2;
	[tilespmem:s4+$0xFFFFFFC0] =	vst v6  }
0x43e: {  	v61 =	vld [tilespmem:s4+$0x60];
	v5 =	vmul.f32 v57, v2;
	[tilespmem:s4+$0xFFFFFFD0] =	vst v10  }
0x43f: {  	v59 =	vld [tilespmem:s4+$0x40];
	v2 =	vmul.f32 v58, v2;
	[tilespmem:s5+$0x0] =	vst v8  }
0x440: {  	v62 =	vld [tilespmem:s4+$0x70];
	v63 =	vmul.f32 v60, v1;
	[tilespmem:s5+$0x10] =	vst v5  }
0x441: {  	v11 =	vmul.f32 v11, v3;
	[tilespmem:s5+$0x20] =	vst v2  }
0x442: {  	v3 =	vmul.f32 v54, v3;
	[tilespmem:s5+$0x50] =	vst v63  }
0x443: {  	v2 =	vmul.f32 v61, v1;
	[tilespmem:s5+$0xFFFFFFE0] =	vst v11  }
.Ltmp8:
0x444: {  	[tilespmem:s5+$0xFFFFFFF0] =	vst v3;
	v3 =	vmul.f32 v59, v1;
	(pc) =	sbr.rel @p0 .LBB2_16-.Ltmp8, $4  }
0x445: {  	v1 =	vmul.f32 v62, v1;
	[tilespmem:s5+$0x60] =	vst v2  }
0x446: {  	[tilespmem:s5+$0x40] =	vst v3  }
0x447: {  	s3 =	sadd.s32 $0x9DB0, s3;
	[tilespmem:s5+$0x70] =	vst v1  }
0x448: {  	[spmem:s12] =	stream.indirect.scatter.add.f32 [tilespmem:s25], [sflag:$0x6], $0x40, s3, s22, $0xb8;
	[tilespmem:$0x1EAF0] =	vst v63  }
.Ltmp9:
0x449: {  	(pc) =	sbr.rel .LBB2_8-.Ltmp9, $4  }
0x44a: {  	_ =	swait.ge [sflag:s19], $0x2000  }
0x44b: {  	s2 =	sadd.s32 $0x7730, s2;
	[sflag:s19] =	ssyncset.done $0x0  }
0x44c: {  	s1 =	sadd.s32 $0x1, s1;
	s0 =	sadd.s32 $0x180, s0;
	[sflag:s19] =	ssyncadd.s32 $0xFFFFE000  }
0x44d: {  	[tilespmem:s23], [sflag:$0x2] =	stream.indirect.gather [hbm4b:s14+s22], $0x40, s2, s22, $0xb8;
	[tilespmem:$0x1EAF0] =	vst v63  }
.LBB2_17:
0x44e: {  	_ =	sfence.sel $0x180000  }
0x44f: {  	[bflag:$0x0] =	sbarrier.arrive $0xFFFF  }
0x450: {  	_ =	strace $0x90000047  }
0x451: {  	s0 =	stileid.u32;
	[bflag:$0x2] =	sbarrier.arrive $0xFFFF  }
0x452: {  	p0 =	sne.s32 s0, $0x0;
	s0 =	rddreg [dreg:$0x4]  }
0x453: {  	s0 =	sadd.s32 @!p0 $0x100000, s0  }
0x454: {  	[sflag:s0] =	ssyncadd.tile.s32 @!p0 $0x1;
	_ =	shalt  }
.Lfunc_end2:
_tile_overlayer_lowered:
.L_overlay_start_2:
0x455: {  	(tag) =	ssettag $0x2  }
0x456: {  	s0 =	rddreg [dreg:$0x0];
	s2 =	stileid.u32  }
0x457: {  	s1 =	rddreg [dreg:$0x1];
	p0 =	sne.s32 s2, $0x0  }
0x458: {  	s3 =	rddreg [dreg:$0x2];
	[bflag:$0x3] =	sbarrier.arrive $0xFFFF;
	s2 =	simm.s32 @!p0 $0x1C07  }
0x459: {  	[timem:s3], [sflag:s2] =	dma.local @!p0 [hbm:s0], s1  }
0x45a: {  	s0 =	simm.s32 @!p0 $0x7  }
0x45b: {  	_ =	swait.ge @!p0 [sflag:s0], s1  }
0x45c: {  	s1 =	ssub.s32 @!p0 $0x0, s1;
	[sflag:s0] =	ssyncset.done @!p0 $0x0  }
0x45d: {  	[sflag:s0] =	ssyncadd.s32 @!p0 s1  }
0x45e: {  	[bflag:$0x3] =	sbarrier.arrive $0xFFFF  }
0x45f: {  	_ =	shalt  }

</sc_bundles>
